<compile_context>
chip_gen: v7x
topology: tpu7x:2x2x1
jax: 0.10.2.dev20260603
libtpu: 0.0.44.dev20260713+nightly
codegen_flags: <defaults>
</compile_context>

<pallas_src>
import functools

import jax
import jax.numpy as jnp
from jax import lax
from jax.experimental import pallas as pl
from jax.experimental.pallas import tpu as pltpu
from jax.experimental.pallas import tpu_sc as plsc

_N = 320000
_D = 128
_C = 10000

_NS = 16
_L = 16

_CHUNK = 80
_ROWS_PER_TILE = _N // _NS
_NCHUNKS = _ROWS_PER_TILE // _CHUNK
_CROWS_PER_TILE = _N // 2 // _NS
_CNCHUNKS = _CROWS_PER_TILE // _CHUNK

_CSTRIPE = 640
_ZROWS = 80
_NZ_FULL = _CSTRIPE // _ZROWS
_NZ_LAST = (_C - 15 * _CSTRIPE) // _ZROWS


def _over_stripe(tile, fn):
    @pl.when(tile < _NS - 1)
    def _():
        for z in range(_NZ_FULL):
            fn(tile * _CSTRIPE + z * _ZROWS)

    @pl.when(tile == _NS - 1)
    def _():
        for z in range(_NZ_LAST):
            fn((_NS - 1) * _CSTRIPE + z * _ZROWS)


def _zero_arith(ref, seed_ref):
    def zbody(r, _):
        for c in range(_D // _L):
            v = seed_ref[r, pl.ds(c * _L, _L)]
            ref[r, pl.ds(c * _L, _L)] = v * 0.0
        return 0
    lax.fori_loop(0, _CHUNK, zbody, 0)


def _sc_sums(embeddings, labels):
    mesh = plsc.VectorSubcoreMesh(core_axis_name="c", subcore_axis_name="s")

    @functools.partial(
        pl.kernel,
        mesh=mesh,
        out_type=jax.ShapeDtypeStruct((2 * _C, _D), jnp.float32),
        scratch_types=[
            pltpu.VMEM((_CHUNK, _D), jnp.float32),
            pltpu.VMEM((_CHUNK, _D), jnp.float32),
            pltpu.VMEM((_CHUNK, _D), jnp.float32),
            pltpu.VMEM((_CHUNK, _D), jnp.float32),
            pltpu.VMEM((_CHUNK,), jnp.int32),
            pltpu.VMEM((_CHUNK,), jnp.int32),
            pltpu.VMEM((_CHUNK,), jnp.int32),
            pltpu.VMEM((_CHUNK,), jnp.int32),
            pltpu.SemaphoreType.DMA,
            pltpu.SemaphoreType.DMA,
            pltpu.SemaphoreType.DMA,
            pltpu.SemaphoreType.DMA,
            pltpu.SemaphoreType.DMA,
            pltpu.SemaphoreType.DMA,
            pltpu.SemaphoreType.DMA,
            pltpu.SemaphoreType.DMA,
            pltpu.VMEM_SHARED((_C, _D), jnp.float32),
        ],
    )
    def sc_kernel(emb_hbm, lbl_hbm, acc_out,
                  row0, row1, row2, row3, lb0, lb1, lb2, lb3,
                  ls0, ls1, ls2, ls3, ss0, ss1, ss2, ss3, acc_sh):
        rows = [row0, row1, row2, row3]
        lbls = [lb0, lb1, lb2, lb3]
        lsem = [ls0, ls1, ls2, ls3]
        ssem = [ss0, ss1, ss2, ss3]

        core = lax.axis_index("c")
        tile = lax.axis_index("s")
        fcore = lax.convert_element_type(core, jnp.float32)
        base0 = tile * _ROWS_PER_TILE

        pltpu.sync_copy(emb_hbm.at[pl.ds(0, _CHUNK)], row0)
        _zero_arith(row0, row0)
        _over_stripe(tile, lambda r0: pltpu.async_copy(
            row0, acc_sh.at[pl.ds(r0, _ZROWS)], ls0))
        _over_stripe(tile, lambda r0: pltpu.make_async_copy(
            row0, acc_sh.at[pl.ds(r0, _ZROWS)], ls0).wait())

        plsc.subcore_barrier()

        def issue_loads(j, b):
            base = base0 + j * _CHUNK
            pltpu.async_copy(lbl_hbm.at[pl.ds(base, _CHUNK)], lbls[b],
                             lsem[b])
            pltpu.async_copy(emb_hbm.at[pl.ds(base, _CHUNK)], rows[b],
                             lsem[b])

        def wait_loads(b):
            pltpu.make_async_copy(lbl_hbm.at[pl.ds(0, _CHUNK)], lbls[b],
                                  lsem[b]).wait()
            pltpu.make_async_copy(emb_hbm.at[pl.ds(0, _CHUNK)], rows[b],
                                  lsem[b]).wait()

        def issue_scatter(b):
            pltpu.async_copy(rows[b], acc_sh.at[lbls[b]], ssem[b], add=True)

        def wait_scatter(b):
            pltpu.make_async_copy(rows[b], acc_sh.at[lbls[b]],
                                  ssem[b]).wait()

        def squares(b):
            def sq(r, _):
                for c in range(_D // _L):
                    v = rows[b][r, pl.ds(c * _L, _L)]
                    rows[b][r, pl.ds(c * _L, _L)] = v * (fcore * v +
                                                         (1.0 - fcore))
                return 0
            lax.fori_loop(0, _CHUNK, sq, 0)

        issue_loads(0, 0)
        issue_loads(1, 1)

        def chunk_body(j, b):
            wait_loads(b)
            squares(b)
            issue_scatter(b)
            b2 = (b + 2) % 4

            @pl.when(j >= 2)
            def _():
                wait_scatter(b2)
            issue_loads(j + 2, b2)

        def gbody(g, _):
            for i in range(4):
                chunk_body(4 * g + i, i)
            return 0
        lax.fori_loop(0, (_NCHUNKS - 2) // 4, gbody, 0)

        for (j, b) in ((_NCHUNKS - 2, 0), (_NCHUNKS - 1, 1)):
            wait_loads(b)
            squares(b)
            issue_scatter(b)

        for b in range(4):
            wait_scatter(b)

        plsc.subcore_barrier()

        _over_stripe(tile, lambda r0: pltpu.async_copy(
            acc_sh.at[pl.ds(r0, _ZROWS)],
            acc_out.at[pl.ds(core * _C + r0, _ZROWS)], ls0))
        _over_stripe(tile, lambda r0: pltpu.make_async_copy(
            acc_sh.at[pl.ds(r0, _ZROWS)],
            acc_out.at[pl.ds(core * _C + r0, _ZROWS)], ls0).wait())

    return sc_kernel(embeddings, labels)


def _sc_counts(embeddings, labels):
    mesh = plsc.VectorSubcoreMesh(core_axis_name="c", subcore_axis_name="s")

    @functools.partial(
        pl.kernel,
        mesh=mesh,
        out_type=jax.ShapeDtypeStruct((2 * _C, _D), jnp.float32),
        scratch_types=[
            pltpu.VMEM((_CHUNK, _D), jnp.float32),
            pltpu.VMEM((_CHUNK,), jnp.int32),
            pltpu.VMEM((_CHUNK,), jnp.int32),
            pltpu.VMEM((_CHUNK,), jnp.int32),
            pltpu.VMEM((_CHUNK,), jnp.int32),
            pltpu.SemaphoreType.DMA,
            pltpu.SemaphoreType.DMA,
            pltpu.SemaphoreType.DMA,
            pltpu.SemaphoreType.DMA,
            pltpu.SemaphoreType.DMA,
            pltpu.SemaphoreType.DMA,
            pltpu.SemaphoreType.DMA,
            pltpu.SemaphoreType.DMA,
            pltpu.VMEM_SHARED((_C, _D), jnp.float32),
        ],
    )
    def sc_kernel(emb_hbm, lbl_hbm, cnt_out, ones_v,
                  lb0, lb1, lb2, lb3, ls0, ls1, ls2, ls3,
                  ss0, ss1, ss2, ss3, cnt_sh):
        lbls = [lb0, lb1, lb2, lb3]
        lsem = [ls0, ls1, ls2, ls3]
        ssem = [ss0, ss1, ss2, ss3]

        core = lax.axis_index("c")
        tile = lax.axis_index("s")
        base0 = (core * _NS + tile) * _CROWS_PER_TILE

        pltpu.sync_copy(emb_hbm.at[pl.ds(0, _CHUNK)], ones_v)
        _zero_arith(ones_v, ones_v)
        _over_stripe(tile, lambda r0: pltpu.async_copy(
            ones_v, cnt_sh.at[pl.ds(r0, _ZROWS)], ls0))
        _over_stripe(tile, lambda r0: pltpu.make_async_copy(
            ones_v, cnt_sh.at[pl.ds(r0, _ZROWS)], ls0).wait())

        def obody(r, _):
            for c in range(_D // _L):
                z = ones_v[r, pl.ds(c * _L, _L)]
                ones_v[r, pl.ds(c * _L, _L)] = z + 1.0
            return 0
        lax.fori_loop(0, _CHUNK, obody, 0)

        plsc.subcore_barrier()

        def issue_load(j, b):
            base = base0 + j * _CHUNK
            pltpu.async_copy(lbl_hbm.at[pl.ds(base, _CHUNK)], lbls[b],
                             lsem[b])

        def wait_load(b):
            pltpu.make_async_copy(lbl_hbm.at[pl.ds(0, _CHUNK)], lbls[b],
                                  lsem[b]).wait()

        def issue_scatter(b):
            pltpu.async_copy(ones_v, cnt_sh.at[lbls[b]], ssem[b], add=True)

        def wait_scatter(b):
            pltpu.make_async_copy(ones_v, cnt_sh.at[lbls[b]],
                                  ssem[b]).wait()

        issue_load(0, 0)
        issue_load(1, 1)

        def chunk_body(j, b):
            wait_load(b)
            issue_scatter(b)
            b2 = (b + 2) % 4

            @pl.when(j >= 2)
            def _():
                wait_scatter(b2)

            @pl.when(j + 2 < _CNCHUNKS)
            def _():
                issue_load(j + 2, b2)

        def gbody(g, _):
            for i in range(4):
                chunk_body(4 * g + i, i)
            return 0
        lax.fori_loop(0, (_CNCHUNKS - 1) // 4, gbody, 0)

        wait_load(0)
        issue_scatter(0)

        for b in (2, 3, 0):
            wait_scatter(b)

        plsc.subcore_barrier()

        _over_stripe(tile, lambda r0: pltpu.async_copy(
            cnt_sh.at[pl.ds(r0, _ZROWS)],
            cnt_out.at[pl.ds(core * _C + r0, _ZROWS)], ls0))
        _over_stripe(tile, lambda r0: pltpu.make_async_copy(
            cnt_sh.at[pl.ds(r0, _ZROWS)],
            cnt_out.at[pl.ds(core * _C + r0, _ZROWS)], ls0).wait())

    return sc_kernel(embeddings, labels)


def _finalize_body(cnta_ref, cntb_ref, sum_ref, sq_ref, mean_ref, std_ref,
                   om_ref, os_ref):
    n = cnta_ref[:, 0:1] + cntb_ref[:, 0:1]
    safe_n = jnp.maximum(n, 1.0)
    mean = sum_ref[...] / safe_n
    denom = jnp.maximum(n - 1.0, 1.0)
    var = (sq_ref[...] - safe_n * mean * mean) / denom
    std = jnp.sqrt(jnp.maximum(var, 0.0))
    present = n > 0.0
    om_ref[...] = jnp.where(present, mean, mean_ref[...])
    os_ref[...] = jnp.where(present, std, std_ref[...])


def kernel(embeddings, labels, means, stds):
    acc = _sc_sums(embeddings, labels)
    cnt2 = _sc_counts(embeddings, labels)
    sums = acc[:_C]
    sumsq = acc[_C:]

    blk = 1000
    spec = pl.BlockSpec((blk, _D), lambda i: (i, 0))
    new_means, new_stds = pl.pallas_call(
        _finalize_body,
        grid=(_C // blk,),
        in_specs=[spec] * 6,
        out_specs=[spec, spec],
        out_shape=[jax.ShapeDtypeStruct((_C, _D), jnp.float32)] * 2,
    )(cnt2[:_C], cnt2[_C:], sums, sumsq, means, stds)
    return new_means, new_stds

# --- scband reference (transcript-rebuilt; emitter-appended) ---
"""Pipeline reference for scband-gaussian-flow-29798483100387 (READ-ONLY COPY).

The authoritative reference and input builder live on the scoring server;
editing this copy changes nothing except your own understanding.
"""

import jax, jax.numpy as jnp
import numpy as np

DIM = 128
N_CLASSES = 10000
N = 320000


def setup_inputs(seed: int = 0) -> dict:
    key = jax.random.key(seed)
    k1, k2 = jax.random.split(key)
    embeddings = jax.random.normal(k1, (N, DIM), dtype=jnp.float32)
    labels = jnp.sort(jax.random.randint(k2, (N,), 0, N_CLASSES, dtype=jnp.int32))
    # buffers from __init__ (registered buffers, sized per init_kwargs)
    means = jnp.zeros((N_CLASSES, DIM), dtype=jnp.float32)
    stds = jnp.ones((N_CLASSES, DIM), dtype=jnp.float32)
    return {"embeddings": embeddings, "labels": labels, "means": means, "stds": stds}


def reference(embeddings, labels, means, stds):
    # Faithful segment-reduce translation of GaussianFlow.update_params:
    # for each label present in `labels`, set means[label] = mean of its rows
    # and stds[label] = unbiased std of its rows; absent labels keep buffers.
    ones = jnp.ones((embeddings.shape[0],), dtype=embeddings.dtype)
    counts = jax.ops.segment_sum(ones, labels, num_segments=N_CLASSES)  # [C]
    sums = jax.ops.segment_sum(embeddings, labels, num_segments=N_CLASSES)  # [C, D]
    sumsq = jax.ops.segment_sum(embeddings * embeddings, labels, num_segments=N_CLASSES)  # [C, D]
    safe_n = jnp.maximum(counts, 1.0)[:, None]
    seg_mean = sums / safe_n
    # unbiased variance (torch.std default, ddof=1)
    denom = jnp.maximum(counts - 1.0, 1.0)[:, None]
    var = (sumsq - safe_n * seg_mean * seg_mean) / denom
    seg_std = jnp.sqrt(jnp.maximum(var, 0.0))
    present = (counts > 0)[:, None]
    new_means = jnp.where(present, seg_mean, means)
    new_stds = jnp.where(present, seg_std, stds)
    return new_means, new_stds

if __name__ == "__main__":
    import jax
    _d = setup_inputs()
    print(jax.jit(kernel)(*tuple(_d.values())))

</pallas_src>

<mosaic_0001>
#map = affine_map<(d0, d1) -> (0, 0)>
#map1 = affine_map<(d0, d1) -> (0)>
module attributes {stable_mosaic.version = 14 : i64} {
  func.func @sc_kernel(%arg0: i32, %arg1: i32, %arg2: memref<320000x128xf32, #tpu.memory_space<hbm>>, %arg3: memref<320000xi32, #tpu.memory_space<hbm>>, %arg4: memref<20000x128xf32, #tpu.memory_space<hbm>>, %arg5: memref<80x128xf32, #tpu.memory_space<vmem>>, %arg6: memref<80x128xf32, #tpu.memory_space<vmem>>, %arg7: memref<80x128xf32, #tpu.memory_space<vmem>>, %arg8: memref<80x128xf32, #tpu.memory_space<vmem>>, %arg9: memref<80xi32, #tpu.memory_space<vmem>>, %arg10: memref<80xi32, #tpu.memory_space<vmem>>, %arg11: memref<80xi32, #tpu.memory_space<vmem>>, %arg12: memref<80xi32, #tpu.memory_space<vmem>>, %arg13: memref<!tpu.dma_semaphore, #tpu.memory_space<semaphore_mem>>, %arg14: memref<!tpu.dma_semaphore, #tpu.memory_space<semaphore_mem>>, %arg15: memref<!tpu.dma_semaphore, #tpu.memory_space<semaphore_mem>>, %arg16: memref<!tpu.dma_semaphore, #tpu.memory_space<semaphore_mem>>, %arg17: memref<!tpu.dma_semaphore, #tpu.memory_space<semaphore_mem>>, %arg18: memref<!tpu.dma_semaphore, #tpu.memory_space<semaphore_mem>>, %arg19: memref<!tpu.dma_semaphore, #tpu.memory_space<semaphore_mem>>, %arg20: memref<!tpu.dma_semaphore, #tpu.memory_space<semaphore_mem>>, %arg21: memref<10000x128xf32, #tpu.memory_space<vmem_shared>>) attributes {dimension_semantics = [#tpu.dimension_semantics<core_parallel>, #tpu.dimension_semantics<subcore_parallel>], iteration_bounds = array<i64: 2, 16>, scalar_prefetch = 0 : i64, scratch_operands = 17 : i64, tpu.core_type = #tpu.core_type<sc_vector_subcore>, window_params = [{transform_indices = #map}, {transform_indices = #map1}, {transform_indices = #map}]} {
    %convert_element_type3A = arith.sitofp %arg0 : i32 to f32
    %mul3A = arith.constant 20000 : i32
    %mul3A_0 = arith.muli %arg1, %mul3A : i32
    "tpu.region"() ({
      %run_scoped3A = tpu.sem_alloc : memref<!tpu.dma_semaphore, #tpu.memory_space<semaphore_mem>>
      %dma_start3A_117 = arith.constant 0 : i32
      %dma_start3A_118 = arith.constant 0 : i32
      %dma_start3A_119 = tpu.memref_slice %arg2[%dma_start3A_117, %dma_start3A_118] : memref<320000x128xf32, #tpu.memory_space<hbm>> -> memref<80x128xf32, #tpu.memory_space<hbm>>
      %dma_start3A_120 = arith.constant 0 : i32
      %dma_start3A_121 = arith.constant 0 : i32
      %dma_start3A_122 = tpu.memref_slice %arg2[%dma_start3A_120, %dma_start3A_121] : memref<320000x128xf32, #tpu.memory_space<hbm>> -> memref<80x128xf32, #tpu.memory_space<hbm>>
      tpu.enqueue_dma source(%dma_start3A_122 : memref<80x128xf32, #tpu.memory_space<hbm>>) target(%arg5 : memref<80x128xf32, #tpu.memory_space<vmem>>) target_semaphore(%run_scoped3A : memref<!tpu.dma_semaphore, #tpu.memory_space<semaphore_mem>>)
      %dma_wait3A_123 = arith.constant 0 : i32
      %dma_wait3A_124 = arith.constant 0 : i32
      %dma_wait3A_125 = tpu.memref_slice %arg2[%dma_wait3A_123, %dma_wait3A_124] : memref<320000x128xf32, #tpu.memory_space<hbm>> -> memref<80x128xf32, #tpu.memory_space<hbm>>
      %dma_wait3A_126 = arith.constant 0 : i32
      %dma_wait3A_127 = arith.constant 0 : i32
      %dma_wait3A_128 = tpu.memref_slice %arg2[%dma_wait3A_126, %dma_wait3A_127] : memref<320000x128xf32, #tpu.memory_space<hbm>> -> memref<80x128xf32, #tpu.memory_space<hbm>>
      tpu.wait_dma2 semaphore(%run_scoped3A : memref<!tpu.dma_semaphore, #tpu.memory_space<semaphore_mem>>) src(%dma_wait3A_128 : memref<80x128xf32, #tpu.memory_space<hbm>>) dst(%arg5 : memref<80x128xf32, #tpu.memory_space<vmem>>)
      tpu.yield
    }) : () -> ()
    %scan3A = arith.constant 0 : i32
    %scan3A_1 = arith.constant 0 : i32
    %scan3A_2 = arith.constant 80 : i32
    %scan3A_3 = arith.addi %scan3A_1, %scan3A_2 : i32
    %scan3A_4 = arith.constant 1 : i32
    %scan3A_5 = scf.for %scan3A_117 = %scan3A_1 to %scan3A_3 step %scan3A_4 iter_args(%scan3A_118 = %scan3A) -> (i32)  : i32 {
      %get3A = arith.index_cast %scan3A_117 : i32 to index
      %get3A_119 = arith.constant 0 : index
      %get3A_120 = tpu.vector_load %arg5[%get3A, %get3A_119] {strides = array<i32>} : memref<80x128xf32, #tpu.memory_space<vmem>>, vector<1x16xf32>,
      %get3A_121 = vector.shape_cast %get3A_120 : vector<1x16xf32> to vector<16xf32>
      %mul3A_122 = arith.constant 0.000000e+00 : f32
      %mul3A_123 = vector.broadcast %mul3A_122 : f32 to vector<16xf32>
      %mul3A_124 = arith.mulf %get3A_121, %mul3A_123 : vector<16xf32>
      %swap3A = arith.index_cast %scan3A_117 : i32 to index
      %swap3A_125 = arith.constant 0 : index
      %swap3A_126 = tpu.vector_load %arg5[%swap3A, %swap3A_125] {strides = array<i32>} : memref<80x128xf32, #tpu.memory_space<vmem>>, vector<1x16xf32>,
      %swap3A_127 = vector.shape_cast %swap3A_126 : vector<1x16xf32> to vector<16xf32>
      %swap3A_128 = vector.shape_cast %mul3A_124 : vector<16xf32> to vector<1x16xf32>
      tpu.vector_store %arg5[%swap3A, %swap3A_125], %swap3A_128 {strides = array<i32>} : memref<80x128xf32, #tpu.memory_space<vmem>>, vector<1x16xf32>,
      %get3A_129 = arith.index_cast %scan3A_117 : i32 to index
      %get3A_130 = arith.constant 16 : index
      %get3A_131 = tpu.vector_load %arg5[%get3A_129, %get3A_130] {strides = array<i32>} : memref<80x128xf32, #tpu.memory_space<vmem>>, vector<1x16xf32>,
      %get3A_132 = vector.shape_cast %get3A_131 : vector<1x16xf32> to vector<16xf32>
      %mul3A_133 = arith.constant 0.000000e+00 : f32
      %mul3A_134 = vector.broadcast %mul3A_133 : f32 to vector<16xf32>
      %mul3A_135 = arith.mulf %get3A_132, %mul3A_134 : vector<16xf32>
      %swap3A_136 = arith.index_cast %scan3A_117 : i32 to index
      %swap3A_137 = arith.constant 16 : index
      %swap3A_138 = tpu.vector_load %arg5[%swap3A_136, %swap3A_137] {strides = array<i32>} : memref<80x128xf32, #tpu.memory_space<vmem>>, vector<1x16xf32>,
      %swap3A_139 = vector.shape_cast %swap3A_138 : vector<1x16xf32> to vector<16xf32>
      %swap3A_140 = vector.shape_cast %mul3A_135 : vector<16xf32> to vector<1x16xf32>
      tpu.vector_store %arg5[%swap3A_136, %swap3A_137], %swap3A_140 {strides = array<i32>} : memref<80x128xf32, #tpu.memory_space<vmem>>, vector<1x16xf32>,
      %get3A_141 = arith.index_cast %scan3A_117 : i32 to index
      %get3A_142 = arith.constant 32 : index
      %get3A_143 = tpu.vector_load %arg5[%get3A_141, %get3A_142] {strides = array<i32>} : memref<80x128xf32, #tpu.memory_space<vmem>>, vector<1x16xf32>,
      %get3A_144 = vector.shape_cast %get3A_143 : vector<1x16xf32> to vector<16xf32>
      %mul3A_145 = arith.constant 0.000000e+00 : f32
      %mul3A_146 = vector.broadcast %mul3A_145 : f32 to vector<16xf32>
      %mul3A_147 = arith.mulf %get3A_144, %mul3A_146 : vector<16xf32>
      %swap3A_148 = arith.index_cast %scan3A_117 : i32 to index
      %swap3A_149 = arith.constant 32 : index
      %swap3A_150 = tpu.vector_load %arg5[%swap3A_148, %swap3A_149] {strides = array<i32>} : memref<80x128xf32, #tpu.memory_space<vmem>>, vector<1x16xf32>,
      %swap3A_151 = vector.shape_cast %swap3A_150 : vector<1x16xf32> to vector<16xf32>
      %swap3A_152 = vector.shape_cast %mul3A_147 : vector<16xf32> to vector<1x16xf32>
      tpu.vector_store %arg5[%swap3A_148, %swap3A_149], %swap3A_152 {strides = array<i32>} : memref<80x128xf32, #tpu.memory_space<vmem>>, vector<1x16xf32>,
      %get3A_153 = arith.index_cast %scan3A_117 : i32 to index
      %get3A_154 = arith.constant 48 : index
      %get3A_155 = tpu.vector_load %arg5[%get3A_153, %get3A_154] {strides = array<i32>} : memref<80x128xf32, #tpu.memory_space<vmem>>, vector<1x16xf32>,
      %get3A_156 = vector.shape_cast %get3A_155 : vector<1x16xf32> to vector<16xf32>
      %mul3A_157 = arith.constant 0.000000e+00 : f32
      %mul3A_158 = vector.broadcast %mul3A_157 : f32 to vector<16xf32>
      %mul3A_159 = arith.mulf %get3A_156, %mul3A_158 : vector<16xf32>
      %swap3A_160 = arith.index_cast %scan3A_117 : i32 to index
      %swap3A_161 = arith.constant 48 : index
      %swap3A_162 = tpu.vector_load %arg5[%swap3A_160, %swap3A_161] {strides = array<i32>} : memref<80x128xf32, #tpu.memory_space<vmem>>, vector<1x16xf32>,
      %swap3A_163 = vector.shape_cast %swap3A_162 : vector<1x16xf32> to vector<16xf32>
      %swap3A_164 = vector.shape_cast %mul3A_159 : vector<16xf32> to vector<1x16xf32>
      tpu.vector_store %arg5[%swap3A_160, %swap3A_161], %swap3A_164 {strides = array<i32>} : memref<80x128xf32, #tpu.memory_space<vmem>>, vector<1x16xf32>,
      %get3A_165 = arith.index_cast %scan3A_117 : i32 to index
      %get3A_166 = arith.constant 64 : index
      %get3A_167 = tpu.vector_load %arg5[%get3A_165, %get3A_166] {strides = array<i32>} : memref<80x128xf32, #tpu.memory_space<vmem>>, vector<1x16xf32>,
      %get3A_168 = vector.shape_cast %get3A_167 : vector<1x16xf32> to vector<16xf32>
      %mul3A_169 = arith.constant 0.000000e+00 : f32
      %mul3A_170 = vector.broadcast %mul3A_169 : f32 to vector<16xf32>
      %mul3A_171 = arith.mulf %get3A_168, %mul3A_170 : vector<16xf32>
      %swap3A_172 = arith.index_cast %scan3A_117 : i32 to index
      %swap3A_173 = arith.constant 64 : index
      %swap3A_174 = tpu.vector_load %arg5[%swap3A_172, %swap3A_173] {strides = array<i32>} : memref<80x128xf32, #tpu.memory_space<vmem>>, vector<1x16xf32>,
      %swap3A_175 = vector.shape_cast %swap3A_174 : vector<1x16xf32> to vector<16xf32>
      %swap3A_176 = vector.shape_cast %mul3A_171 : vector<16xf32> to vector<1x16xf32>
      tpu.vector_store %arg5[%swap3A_172, %swap3A_173], %swap3A_176 {strides = array<i32>} : memref<80x128xf32, #tpu.memory_space<vmem>>, vector<1x16xf32>,
      %get3A_177 = arith.index_cast %scan3A_117 : i32 to index
      %get3A_178 = arith.constant 80 : index
      %get3A_179 = tpu.vector_load %arg5[%get3A_177, %get3A_178] {strides = array<i32>} : memref<80x128xf32, #tpu.memory_space<vmem>>, vector<1x16xf32>,
      %get3A_180 = vector.shape_cast %get3A_179 : vector<1x16xf32> to vector<16xf32>
      %mul3A_181 = arith.constant 0.000000e+00 : f32
      %mul3A_182 = vector.broadcast %mul3A_181 : f32 to vector<16xf32>
      %mul3A_183 = arith.mulf %get3A_180, %mul3A_182 : vector<16xf32>
      %swap3A_184 = arith.index_cast %scan3A_117 : i32 to index
      %swap3A_185 = arith.constant 80 : index
      %swap3A_186 = tpu.vector_load %arg5[%swap3A_184, %swap3A_185] {strides = array<i32>} : memref<80x128xf32, #tpu.memory_space<vmem>>, vector<1x16xf32>,
      %swap3A_187 = vector.shape_cast %swap3A_186 : vector<1x16xf32> to vector<16xf32>
      %swap3A_188 = vector.shape_cast %mul3A_183 : vector<16xf32> to vector<1x16xf32>
      tpu.vector_store %arg5[%swap3A_184, %swap3A_185], %swap3A_188 {strides = array<i32>} : memref<80x128xf32, #tpu.memory_space<vmem>>, vector<1x16xf32>,
      %get3A_189 = arith.index_cast %scan3A_117 : i32 to index
      %get3A_190 = arith.constant 96 : index
      %get3A_191 = tpu.vector_load %arg5[%get3A_189, %get3A_190] {strides = array<i32>} : memref<80x128xf32, #tpu.memory_space<vmem>>, vector<1x16xf32>,
      %get3A_192 = vector.shape_cast %get3A_191 : vector<1x16xf32> to vector<16xf32>
      %mul3A_193 = arith.constant 0.000000e+00 : f32
      %mul3A_194 = vector.broadcast %mul3A_193 : f32 to vector<16xf32>
      %mul3A_195 = arith.mulf %get3A_192, %mul3A_194 : vector<16xf32>
      %swap3A_196 = arith.index_cast %scan3A_117 : i32 to index
      %swap3A_197 = arith.constant 96 : index
      %swap3A_198 = tpu.vector_load %arg5[%swap3A_196, %swap3A_197] {strides = array<i32>} : memref<80x128xf32, #tpu.memory_space<vmem>>, vector<1x16xf32>,
      %swap3A_199 = vector.shape_cast %swap3A_198 : vector<1x16xf32> to vector<16xf32>
      %swap3A_200 = vector.shape_cast %mul3A_195 : vector<16xf32> to vector<1x16xf32>
      tpu.vector_store %arg5[%swap3A_196, %swap3A_197], %swap3A_200 {strides = array<i32>} : memref<80x128xf32, #tpu.memory_space<vmem>>, vector<1x16xf32>,
      %get3A_201 = arith.index_cast %scan3A_117 : i32 to index
      %get3A_202 = arith.constant 112 : index
      %get3A_203 = tpu.vector_load %arg5[%get3A_201, %get3A_202] {strides = array<i32>} : memref<80x128xf32, #tpu.memory_space<vmem>>, vector<1x16xf32>,
      %get3A_204 = vector.shape_cast %get3A_203 : vector<1x16xf32> to vector<16xf32>
      %mul3A_205 = arith.constant 0.000000e+00 : f32
      %mul3A_206 = vector.broadcast %mul3A_205 : f32 to vector<16xf32>
      %mul3A_207 = arith.mulf %get3A_204, %mul3A_206 : vector<16xf32>
      %swap3A_208 = arith.index_cast %scan3A_117 : i32 to index
      %swap3A_209 = arith.constant 112 : index
      %swap3A_210 = tpu.vector_load %arg5[%swap3A_208, %swap3A_209] {strides = array<i32>} : memref<80x128xf32, #tpu.memory_space<vmem>>, vector<1x16xf32>,
      %swap3A_211 = vector.shape_cast %swap3A_210 : vector<1x16xf32> to vector<16xf32>
      %swap3A_212 = vector.shape_cast %mul3A_207 : vector<16xf32> to vector<1x16xf32>
      tpu.vector_store %arg5[%swap3A_208, %swap3A_209], %swap3A_212 {strides = array<i32>} : memref<80x128xf32, #tpu.memory_space<vmem>>, vector<1x16xf32>,
      %scan3A_213 = arith.constant 0 : i32
      scf.yield %scan3A_213 : i32
    }
    %scan3A_6 = arith.constant 80 : i32
    %lt3A = arith.constant 15 : i32
    %lt3A_7 = arith.cmpi slt, %arg1, %lt3A : i32
    %convert_element_type3A_8 = arith.extui %lt3A_7 : i1 to i32
    %cond3A = arith.constant 0 : i32
    %cond3A_9 = arith.cmpi ne, %convert_element_type3A_8, %cond3A : i32
    scf.if %cond3A_9 {
      %mul3A_117 = arith.constant 640 : i32
      %mul3A_118 = arith.muli %arg1, %mul3A_117 : i32
      %add3A_119 = arith.constant 0 : i32
      %add3A_120 = arith.addi %mul3A_118, %add3A_119 : i32
      %dma_start3A_121 = arith.constant 0 : i32
      %dma_start3A_122 = tpu.memref_slice %arg21[%add3A_120, %dma_start3A_121] : memref<10000x128xf32, #tpu.memory_space<vmem_shared>> -> memref<80x128xf32, #tpu.memory_space<vmem_shared>>
      %dma_start3A_123 = arith.constant 0 : i32
      %dma_start3A_124 = tpu.memref_slice %arg21[%add3A_120, %dma_start3A_123] : memref<10000x128xf32, #tpu.memory_space<vmem_shared>> -> memref<80x128xf32, #tpu.memory_space<vmem_shared>>
      tpu.enqueue_dma source(%arg5 : memref<80x128xf32, #tpu.memory_space<vmem>>) target(%dma_start3A_124 : memref<80x128xf32, #tpu.memory_space<vmem_shared>>) target_semaphore(%arg13 : memref<!tpu.dma_semaphore, #tpu.memory_space<semaphore_mem>>)
      %mul3A_125 = arith.constant 640 : i32
      %mul3A_126 = arith.muli %arg1, %mul3A_125 : i32
      %add3A_127 = arith.constant 80 : i32
      %add3A_128 = arith.addi %mul3A_126, %add3A_127 : i32
      %dma_start3A_129 = arith.constant 0 : i32
      %dma_start3A_130 = tpu.memref_slice %arg21[%add3A_128, %dma_start3A_129] : memref<10000x128xf32, #tpu.memory_space<vmem_shared>> -> memref<80x128xf32, #tpu.memory_space<vmem_shared>>
      %dma_start3A_131 = arith.constant 0 : i32
      %dma_start3A_132 = tpu.memref_slice %arg21[%add3A_128, %dma_start3A_131] : memref<10000x128xf32, #tpu.memory_space<vmem_shared>> -> memref<80x128xf32, #tpu.memory_space<vmem_shared>>
      tpu.enqueue_dma source(%arg5 : memref<80x128xf32, #tpu.memory_space<vmem>>) target(%dma_start3A_132 : memref<80x128xf32, #tpu.memory_space<vmem_shared>>) target_semaphore(%arg13 : memref<!tpu.dma_semaphore, #tpu.memory_space<semaphore_mem>>)
      %mul3A_133 = arith.constant 640 : i32
      %mul3A_134 = arith.muli %arg1, %mul3A_133 : i32
      %add3A_135 = arith.constant 160 : i32
      %add3A_136 = arith.addi %mul3A_134, %add3A_135 : i32
      %dma_start3A_137 = arith.constant 0 : i32
      %dma_start3A_138 = tpu.memref_slice %arg21[%add3A_136, %dma_start3A_137] : memref<10000x128xf32, #tpu.memory_space<vmem_shared>> -> memref<80x128xf32, #tpu.memory_space<vmem_shared>>
      %dma_start3A_139 = arith.constant 0 : i32
      %dma_start3A_140 = tpu.memref_slice %arg21[%add3A_136, %dma_start3A_139] : memref<10000x128xf32, #tpu.memory_space<vmem_shared>> -> memref<80x128xf32, #tpu.memory_space<vmem_shared>>
      tpu.enqueue_dma source(%arg5 : memref<80x128xf32, #tpu.memory_space<vmem>>) target(%dma_start3A_140 : memref<80x128xf32, #tpu.memory_space<vmem_shared>>) target_semaphore(%arg13 : memref<!tpu.dma_semaphore, #tpu.memory_space<semaphore_mem>>)
      %mul3A_141 = arith.constant 640 : i32
      %mul3A_142 = arith.muli %arg1, %mul3A_141 : i32
      %add3A_143 = arith.constant 240 : i32
      %add3A_144 = arith.addi %mul3A_142, %add3A_143 : i32
      %dma_start3A_145 = arith.constant 0 : i32
      %dma_start3A_146 = tpu.memref_slice %arg21[%add3A_144, %dma_start3A_145] : memref<10000x128xf32, #tpu.memory_space<vmem_shared>> -> memref<80x128xf32, #tpu.memory_space<vmem_shared>>
      %dma_start3A_147 = arith.constant 0 : i32
      %dma_start3A_148 = tpu.memref_slice %arg21[%add3A_144, %dma_start3A_147] : memref<10000x128xf32, #tpu.memory_space<vmem_shared>> -> memref<80x128xf32, #tpu.memory_space<vmem_shared>>
      tpu.enqueue_dma source(%arg5 : memref<80x128xf32, #tpu.memory_space<vmem>>) target(%dma_start3A_148 : memref<80x128xf32, #tpu.memory_space<vmem_shared>>) target_semaphore(%arg13 : memref<!tpu.dma_semaphore, #tpu.memory_space<semaphore_mem>>)
      %mul3A_149 = arith.constant 640 : i32
      %mul3A_150 = arith.muli %arg1, %mul3A_149 : i32
      %add3A_151 = arith.constant 320 : i32
      %add3A_152 = arith.addi %mul3A_150, %add3A_151 : i32
      %dma_start3A_153 = arith.constant 0 : i32
      %dma_start3A_154 = tpu.memref_slice %arg21[%add3A_152, %dma_start3A_153] : memref<10000x128xf32, #tpu.memory_space<vmem_shared>> -> memref<80x128xf32, #tpu.memory_space<vmem_shared>>
      %dma_start3A_155 = arith.constant 0 : i32
      %dma_start3A_156 = tpu.memref_slice %arg21[%add3A_152, %dma_start3A_155] : memref<10000x128xf32, #tpu.memory_space<vmem_shared>> -> memref<80x128xf32, #tpu.memory_space<vmem_shared>>
      tpu.enqueue_dma source(%arg5 : memref<80x128xf32, #tpu.memory_space<vmem>>) target(%dma_start3A_156 : memref<80x128xf32, #tpu.memory_space<vmem_shared>>) target_semaphore(%arg13 : memref<!tpu.dma_semaphore, #tpu.memory_space<semaphore_mem>>)
      %mul3A_157 = arith.constant 640 : i32
      %mul3A_158 = arith.muli %arg1, %mul3A_157 : i32
      %add3A_159 = arith.constant 400 : i32
      %add3A_160 = arith.addi %mul3A_158, %add3A_159 : i32
      %dma_start3A_161 = arith.constant 0 : i32
      %dma_start3A_162 = tpu.memref_slice %arg21[%add3A_160, %dma_start3A_161] : memref<10000x128xf32, #tpu.memory_space<vmem_shared>> -> memref<80x128xf32, #tpu.memory_space<vmem_shared>>
      %dma_start3A_163 = arith.constant 0 : i32
      %dma_start3A_164 = tpu.memref_slice %arg21[%add3A_160, %dma_start3A_163] : memref<10000x128xf32, #tpu.memory_space<vmem_shared>> -> memref<80x128xf32, #tpu.memory_space<vmem_shared>>
      tpu.enqueue_dma source(%arg5 : memref<80x128xf32, #tpu.memory_space<vmem>>) target(%dma_start3A_164 : memref<80x128xf32, #tpu.memory_space<vmem_shared>>) target_semaphore(%arg13 : memref<!tpu.dma_semaphore, #tpu.memory_space<semaphore_mem>>)
      %mul3A_165 = arith.constant 640 : i32
      %mul3A_166 = arith.muli %arg1, %mul3A_165 : i32
      %add3A_167 = arith.constant 480 : i32
      %add3A_168 = arith.addi %mul3A_166, %add3A_167 : i32
      %dma_start3A_169 = arith.constant 0 : i32
      %dma_start3A_170 = tpu.memref_slice %arg21[%add3A_168, %dma_start3A_169] : memref<10000x128xf32, #tpu.memory_space<vmem_shared>> -> memref<80x128xf32, #tpu.memory_space<vmem_shared>>
      %dma_start3A_171 = arith.constant 0 : i32
      %dma_start3A_172 = tpu.memref_slice %arg21[%add3A_168, %dma_start3A_171] : memref<10000x128xf32, #tpu.memory_space<vmem_shared>> -> memref<80x128xf32, #tpu.memory_space<vmem_shared>>
      tpu.enqueue_dma source(%arg5 : memref<80x128xf32, #tpu.memory_space<vmem>>) target(%dma_start3A_172 : memref<80x128xf32, #tpu.memory_space<vmem_shared>>) target_semaphore(%arg13 : memref<!tpu.dma_semaphore, #tpu.memory_space<semaphore_mem>>)
      %mul3A_173 = arith.constant 640 : i32
      %mul3A_174 = arith.muli %arg1, %mul3A_173 : i32
      %add3A_175 = arith.constant 560 : i32
      %add3A_176 = arith.addi %mul3A_174, %add3A_175 : i32
      %dma_start3A_177 = arith.constant 0 : i32
      %dma_start3A_178 = tpu.memref_slice %arg21[%add3A_176, %dma_start3A_177] : memref<10000x128xf32, #tpu.memory_space<vmem_shared>> -> memref<80x128xf32, #tpu.memory_space<vmem_shared>>
      %dma_start3A_179 = arith.constant 0 : i32
      %dma_start3A_180 = tpu.memref_slice %arg21[%add3A_176, %dma_start3A_179] : memref<10000x128xf32, #tpu.memory_space<vmem_shared>> -> memref<80x128xf32, #tpu.memory_space<vmem_shared>>
      tpu.enqueue_dma source(%arg5 : memref<80x128xf32, #tpu.memory_space<vmem>>) target(%dma_start3A_180 : memref<80x128xf32, #tpu.memory_space<vmem_shared>>) target_semaphore(%arg13 : memref<!tpu.dma_semaphore, #tpu.memory_space<semaphore_mem>>)
    } else {
    }
    %eq3A = arith.constant 15 : i32
    %eq3A_10 = arith.cmpi eq, %arg1, %eq3A : i32
    %convert_element_type3A_11 = arith.extui %eq3A_10 : i1 to i32
    %cond3A_12 = arith.constant 0 : i32
    %cond3A_13 = arith.cmpi ne, %convert_element_type3A_11, %cond3A_12 : i32
    scf.if %cond3A_13 {
      %dma_start3A_117 = arith.constant 9600 : i32
      %dma_start3A_118 = arith.constant 0 : i32
      %dma_start3A_119 = tpu.memref_slice %arg21[%dma_start3A_117, %dma_start3A_118] : memref<10000x128xf32, #tpu.memory_space<vmem_shared>> -> memref<80x128xf32, #tpu.memory_space<vmem_shared>>
      %dma_start3A_120 = arith.constant 9600 : i32
      %dma_start3A_121 = arith.constant 0 : i32
      %dma_start3A_122 = tpu.memref_slice %arg21[%dma_start3A_120, %dma_start3A_121] : memref<10000x128xf32, #tpu.memory_space<vmem_shared>> -> memref<80x128xf32, #tpu.memory_space<vmem_shared>>
      tpu.enqueue_dma source(%arg5 : memref<80x128xf32, #tpu.memory_space<vmem>>) target(%dma_start3A_122 : memref<80x128xf32, #tpu.memory_space<vmem_shared>>) target_semaphore(%arg13 : memref<!tpu.dma_semaphore, #tpu.memory_space<semaphore_mem>>)
      %dma_start3A_123 = arith.constant 9680 : i32
      %dma_start3A_124 = arith.constant 0 : i32
      %dma_start3A_125 = tpu.memref_slice %arg21[%dma_start3A_123, %dma_start3A_124] : memref<10000x128xf32, #tpu.memory_space<vmem_shared>> -> memref<80x128xf32, #tpu.memory_space<vmem_shared>>
      %dma_start3A_126 = arith.constant 9680 : i32
      %dma_start3A_127 = arith.constant 0 : i32
      %dma_start3A_128 = tpu.memref_slice %arg21[%dma_start3A_126, %dma_start3A_127] : memref<10000x128xf32, #tpu.memory_space<vmem_shared>> -> memref<80x128xf32, #tpu.memory_space<vmem_shared>>
      tpu.enqueue_dma source(%arg5 : memref<80x128xf32, #tpu.memory_space<vmem>>) target(%dma_start3A_128 : memref<80x128xf32, #tpu.memory_space<vmem_shared>>) target_semaphore(%arg13 : memref<!tpu.dma_semaphore, #tpu.memory_space<semaphore_mem>>)
      %dma_start3A_129 = arith.constant 9760 : i32
      %dma_start3A_130 = arith.constant 0 : i32
      %dma_start3A_131 = tpu.memref_slice %arg21[%dma_start3A_129, %dma_start3A_130] : memref<10000x128xf32, #tpu.memory_space<vmem_shared>> -> memref<80x128xf32, #tpu.memory_space<vmem_shared>>
      %dma_start3A_132 = arith.constant 9760 : i32
      %dma_start3A_133 = arith.constant 0 : i32
      %dma_start3A_134 = tpu.memref_slice %arg21[%dma_start3A_132, %dma_start3A_133] : memref<10000x128xf32, #tpu.memory_space<vmem_shared>> -> memref<80x128xf32, #tpu.memory_space<vmem_shared>>
      tpu.enqueue_dma source(%arg5 : memref<80x128xf32, #tpu.memory_space<vmem>>) target(%dma_start3A_134 : memref<80x128xf32, #tpu.memory_space<vmem_shared>>) target_semaphore(%arg13 : memref<!tpu.dma_semaphore, #tpu.memory_space<semaphore_mem>>)
      %dma_start3A_135 = arith.constant 9840 : i32
      %dma_start3A_136 = arith.constant 0 : i32
      %dma_start3A_137 = tpu.memref_slice %arg21[%dma_start3A_135, %dma_start3A_136] : memref<10000x128xf32, #tpu.memory_space<vmem_shared>> -> memref<80x128xf32, #tpu.memory_space<vmem_shared>>
      %dma_start3A_138 = arith.constant 9840 : i32
      %dma_start3A_139 = arith.constant 0 : i32
      %dma_start3A_140 = tpu.memref_slice %arg21[%dma_start3A_138, %dma_start3A_139] : memref<10000x128xf32, #tpu.memory_space<vmem_shared>> -> memref<80x128xf32, #tpu.memory_space<vmem_shared>>
      tpu.enqueue_dma source(%arg5 : memref<80x128xf32, #tpu.memory_space<vmem>>) target(%dma_start3A_140 : memref<80x128xf32, #tpu.memory_space<vmem_shared>>) target_semaphore(%arg13 : memref<!tpu.dma_semaphore, #tpu.memory_space<semaphore_mem>>)
      %dma_start3A_141 = arith.constant 9920 : i32
      %dma_start3A_142 = arith.constant 0 : i32
      %dma_start3A_143 = tpu.memref_slice %arg21[%dma_start3A_141, %dma_start3A_142] : memref<10000x128xf32, #tpu.memory_space<vmem_shared>> -> memref<80x128xf32, #tpu.memory_space<vmem_shared>>
      %dma_start3A_144 = arith.constant 9920 : i32
      %dma_start3A_145 = arith.constant 0 : i32
      %dma_start3A_146 = tpu.memref_slice %arg21[%dma_start3A_144, %dma_start3A_145] : memref<10000x128xf32, #tpu.memory_space<vmem_shared>> -> memref<80x128xf32, #tpu.memory_space<vmem_shared>>
      tpu.enqueue_dma source(%arg5 : memref<80x128xf32, #tpu.memory_space<vmem>>) target(%dma_start3A_146 : memref<80x128xf32, #tpu.memory_space<vmem_shared>>) target_semaphore(%arg13 : memref<!tpu.dma_semaphore, #tpu.memory_space<semaphore_mem>>)
    } else {
    }
    %lt3A_14 = arith.constant 15 : i32
    %lt3A_15 = arith.cmpi slt, %arg1, %lt3A_14 : i32
    %convert_element_type3A_16 = arith.extui %lt3A_15 : i1 to i32
    %cond3A_17 = arith.constant 0 : i32
    %cond3A_18 = arith.cmpi ne, %convert_element_type3A_16, %cond3A_17 : i32
    scf.if %cond3A_18 {
      %mul3A_117 = arith.constant 640 : i32
      %mul3A_118 = arith.muli %arg1, %mul3A_117 : i32
      %add3A_119 = arith.constant 0 : i32
      %add3A_120 = arith.addi %mul3A_118, %add3A_119 : i32
      %dma_wait3A_121 = arith.constant 0 : i32
      %dma_wait3A_122 = tpu.memref_slice %arg21[%add3A_120, %dma_wait3A_121] : memref<10000x128xf32, #tpu.memory_space<vmem_shared>> -> memref<80x128xf32, #tpu.memory_space<vmem_shared>>
      %dma_wait3A_123 = arith.constant 0 : i32
      %dma_wait3A_124 = tpu.memref_slice %arg21[%add3A_120, %dma_wait3A_123] : memref<10000x128xf32, #tpu.memory_space<vmem_shared>> -> memref<80x128xf32, #tpu.memory_space<vmem_shared>>
      tpu.wait_dma2 semaphore(%arg13 : memref<!tpu.dma_semaphore, #tpu.memory_space<semaphore_mem>>) src(%arg5 : memref<80x128xf32, #tpu.memory_space<vmem>>) dst(%dma_wait3A_124 : memref<80x128xf32, #tpu.memory_space<vmem_shared>>)
      %mul3A_125 = arith.constant 640 : i32
      %mul3A_126 = arith.muli %arg1, %mul3A_125 : i32
      %add3A_127 = arith.constant 80 : i32
      %add3A_128 = arith.addi %mul3A_126, %add3A_127 : i32
      %dma_wait3A_129 = arith.constant 0 : i32
      %dma_wait3A_130 = tpu.memref_slice %arg21[%add3A_128, %dma_wait3A_129] : memref<10000x128xf32, #tpu.memory_space<vmem_shared>> -> memref<80x128xf32, #tpu.memory_space<vmem_shared>>
      %dma_wait3A_131 = arith.constant 0 : i32
      %dma_wait3A_132 = tpu.memref_slice %arg21[%add3A_128, %dma_wait3A_131] : memref<10000x128xf32, #tpu.memory_space<vmem_shared>> -> memref<80x128xf32, #tpu.memory_space<vmem_shared>>
      tpu.wait_dma2 semaphore(%arg13 : memref<!tpu.dma_semaphore, #tpu.memory_space<semaphore_mem>>) src(%arg5 : memref<80x128xf32, #tpu.memory_space<vmem>>) dst(%dma_wait3A_132 : memref<80x128xf32, #tpu.memory_space<vmem_shared>>)
      %mul3A_133 = arith.constant 640 : i32
      %mul3A_134 = arith.muli %arg1, %mul3A_133 : i32
      %add3A_135 = arith.constant 160 : i32
      %add3A_136 = arith.addi %mul3A_134, %add3A_135 : i32
      %dma_wait3A_137 = arith.constant 0 : i32
      %dma_wait3A_138 = tpu.memref_slice %arg21[%add3A_136, %dma_wait3A_137] : memref<10000x128xf32, #tpu.memory_space<vmem_shared>> -> memref<80x128xf32, #tpu.memory_space<vmem_shared>>
      %dma_wait3A_139 = arith.constant 0 : i32
      %dma_wait3A_140 = tpu.memref_slice %arg21[%add3A_136, %dma_wait3A_139] : memref<10000x128xf32, #tpu.memory_space<vmem_shared>> -> memref<80x128xf32, #tpu.memory_space<vmem_shared>>
      tpu.wait_dma2 semaphore(%arg13 : memref<!tpu.dma_semaphore, #tpu.memory_space<semaphore_mem>>) src(%arg5 : memref<80x128xf32, #tpu.memory_space<vmem>>) dst(%dma_wait3A_140 : memref<80x128xf32, #tpu.memory_space<vmem_shared>>)
      %mul3A_141 = arith.constant 640 : i32
      %mul3A_142 = arith.muli %arg1, %mul3A_141 : i32
      %add3A_143 = arith.constant 240 : i32
      %add3A_144 = arith.addi %mul3A_142, %add3A_143 : i32
      %dma_wait3A_145 = arith.constant 0 : i32
      %dma_wait3A_146 = tpu.memref_slice %arg21[%add3A_144, %dma_wait3A_145] : memref<10000x128xf32, #tpu.memory_space<vmem_shared>> -> memref<80x128xf32, #tpu.memory_space<vmem_shared>>
      %dma_wait3A_147 = arith.constant 0 : i32
      %dma_wait3A_148 = tpu.memref_slice %arg21[%add3A_144, %dma_wait3A_147] : memref<10000x128xf32, #tpu.memory_space<vmem_shared>> -> memref<80x128xf32, #tpu.memory_space<vmem_shared>>
      tpu.wait_dma2 semaphore(%arg13 : memref<!tpu.dma_semaphore, #tpu.memory_space<semaphore_mem>>) src(%arg5 : memref<80x128xf32, #tpu.memory_space<vmem>>) dst(%dma_wait3A_148 : memref<80x128xf32, #tpu.memory_space<vmem_shared>>)
      %mul3A_149 = arith.constant 640 : i32
      %mul3A_150 = arith.muli %arg1, %mul3A_149 : i32
      %add3A_151 = arith.constant 320 : i32
      %add3A_152 = arith.addi %mul3A_150, %add3A_151 : i32
      %dma_wait3A_153 = arith.constant 0 : i32
      %dma_wait3A_154 = tpu.memref_slice %arg21[%add3A_152, %dma_wait3A_153] : memref<10000x128xf32, #tpu.memory_space<vmem_shared>> -> memref<80x128xf32, #tpu.memory_space<vmem_shared>>
      %dma_wait3A_155 = arith.constant 0 : i32
      %dma_wait3A_156 = tpu.memref_slice %arg21[%add3A_152, %dma_wait3A_155] : memref<10000x128xf32, #tpu.memory_space<vmem_shared>> -> memref<80x128xf32, #tpu.memory_space<vmem_shared>>
      tpu.wait_dma2 semaphore(%arg13 : memref<!tpu.dma_semaphore, #tpu.memory_space<semaphore_mem>>) src(%arg5 : memref<80x128xf32, #tpu.memory_space<vmem>>) dst(%dma_wait3A_156 : memref<80x128xf32, #tpu.memory_space<vmem_shared>>)
      %mul3A_157 = arith.constant 640 : i32
      %mul3A_158 = arith.muli %arg1, %mul3A_157 : i32
      %add3A_159 = arith.constant 400 : i32
      %add3A_160 = arith.addi %mul3A_158, %add3A_159 : i32
      %dma_wait3A_161 = arith.constant 0 : i32
      %dma_wait3A_162 = tpu.memref_slice %arg21[%add3A_160, %dma_wait3A_161] : memref<10000x128xf32, #tpu.memory_space<vmem_shared>> -> memref<80x128xf32, #tpu.memory_space<vmem_shared>>
      %dma_wait3A_163 = arith.constant 0 : i32
      %dma_wait3A_164 = tpu.memref_slice %arg21[%add3A_160, %dma_wait3A_163] : memref<10000x128xf32, #tpu.memory_space<vmem_shared>> -> memref<80x128xf32, #tpu.memory_space<vmem_shared>>
      tpu.wait_dma2 semaphore(%arg13 : memref<!tpu.dma_semaphore, #tpu.memory_space<semaphore_mem>>) src(%arg5 : memref<80x128xf32, #tpu.memory_space<vmem>>) dst(%dma_wait3A_164 : memref<80x128xf32, #tpu.memory_space<vmem_shared>>)
      %mul3A_165 = arith.constant 640 : i32
      %mul3A_166 = arith.muli %arg1, %mul3A_165 : i32
      %add3A_167 = arith.constant 480 : i32
      %add3A_168 = arith.addi %mul3A_166, %add3A_167 : i32
      %dma_wait3A_169 = arith.constant 0 : i32
      %dma_wait3A_170 = tpu.memref_slice %arg21[%add3A_168, %dma_wait3A_169] : memref<10000x128xf32, #tpu.memory_space<vmem_shared>> -> memref<80x128xf32, #tpu.memory_space<vmem_shared>>
      %dma_wait3A_171 = arith.constant 0 : i32
      %dma_wait3A_172 = tpu.memref_slice %arg21[%add3A_168, %dma_wait3A_171] : memref<10000x128xf32, #tpu.memory_space<vmem_shared>> -> memref<80x128xf32, #tpu.memory_space<vmem_shared>>
      tpu.wait_dma2 semaphore(%arg13 : memref<!tpu.dma_semaphore, #tpu.memory_space<semaphore_mem>>) src(%arg5 : memref<80x128xf32, #tpu.memory_space<vmem>>) dst(%dma_wait3A_172 : memref<80x128xf32, #tpu.memory_space<vmem_shared>>)
      %mul3A_173 = arith.constant 640 : i32
      %mul3A_174 = arith.muli %arg1, %mul3A_173 : i32
      %add3A_175 = arith.constant 560 : i32
      %add3A_176 = arith.addi %mul3A_174, %add3A_175 : i32
      %dma_wait3A_177 = arith.constant 0 : i32
      %dma_wait3A_178 = tpu.memref_slice %arg21[%add3A_176, %dma_wait3A_177] : memref<10000x128xf32, #tpu.memory_space<vmem_shared>> -> memref<80x128xf32, #tpu.memory_space<vmem_shared>>
      %dma_wait3A_179 = arith.constant 0 : i32
      %dma_wait3A_180 = tpu.memref_slice %arg21[%add3A_176, %dma_wait3A_179] : memref<10000x128xf32, #tpu.memory_space<vmem_shared>> -> memref<80x128xf32, #tpu.memory_space<vmem_shared>>
      tpu.wait_dma2 semaphore(%arg13 : memref<!tpu.dma_semaphore, #tpu.memory_space<semaphore_mem>>) src(%arg5 : memref<80x128xf32, #tpu.memory_space<vmem>>) dst(%dma_wait3A_180 : memref<80x128xf32, #tpu.memory_space<vmem_shared>>)
    } else {
    }
    %eq3A_19 = arith.constant 15 : i32
    %eq3A_20 = arith.cmpi eq, %arg1, %eq3A_19 : i32
    %convert_element_type3A_21 = arith.extui %eq3A_20 : i1 to i32
    %cond3A_22 = arith.constant 0 : i32
    %cond3A_23 = arith.cmpi ne, %convert_element_type3A_21, %cond3A_22 : i32
    scf.if %cond3A_23 {
      %dma_wait3A_117 = arith.constant 9600 : i32
      %dma_wait3A_118 = arith.constant 0 : i32
      %dma_wait3A_119 = tpu.memref_slice %arg21[%dma_wait3A_117, %dma_wait3A_118] : memref<10000x128xf32, #tpu.memory_space<vmem_shared>> -> memref<80x128xf32, #tpu.memory_space<vmem_shared>>
      %dma_wait3A_120 = arith.constant 9600 : i32
      %dma_wait3A_121 = arith.constant 0 : i32
      %dma_wait3A_122 = tpu.memref_slice %arg21[%dma_wait3A_120, %dma_wait3A_121] : memref<10000x128xf32, #tpu.memory_space<vmem_shared>> -> memref<80x128xf32, #tpu.memory_space<vmem_shared>>
      tpu.wait_dma2 semaphore(%arg13 : memref<!tpu.dma_semaphore, #tpu.memory_space<semaphore_mem>>) src(%arg5 : memref<80x128xf32, #tpu.memory_space<vmem>>) dst(%dma_wait3A_122 : memref<80x128xf32, #tpu.memory_space<vmem_shared>>)
      %dma_wait3A_123 = arith.constant 9680 : i32
      %dma_wait3A_124 = arith.constant 0 : i32
      %dma_wait3A_125 = tpu.memref_slice %arg21[%dma_wait3A_123, %dma_wait3A_124] : memref<10000x128xf32, #tpu.memory_space<vmem_shared>> -> memref<80x128xf32, #tpu.memory_space<vmem_shared>>
      %dma_wait3A_126 = arith.constant 9680 : i32
      %dma_wait3A_127 = arith.constant 0 : i32
      %dma_wait3A_128 = tpu.memref_slice %arg21[%dma_wait3A_126, %dma_wait3A_127] : memref<10000x128xf32, #tpu.memory_space<vmem_shared>> -> memref<80x128xf32, #tpu.memory_space<vmem_shared>>
      tpu.wait_dma2 semaphore(%arg13 : memref<!tpu.dma_semaphore, #tpu.memory_space<semaphore_mem>>) src(%arg5 : memref<80x128xf32, #tpu.memory_space<vmem>>) dst(%dma_wait3A_128 : memref<80x128xf32, #tpu.memory_space<vmem_shared>>)
      %dma_wait3A_129 = arith.constant 9760 : i32
      %dma_wait3A_130 = arith.constant 0 : i32
      %dma_wait3A_131 = tpu.memref_slice %arg21[%dma_wait3A_129, %dma_wait3A_130] : memref<10000x128xf32, #tpu.memory_space<vmem_shared>> -> memref<80x128xf32, #tpu.memory_space<vmem_shared>>
      %dma_wait3A_132 = arith.constant 9760 : i32
      %dma_wait3A_133 = arith.constant 0 : i32
      %dma_wait3A_134 = tpu.memref_slice %arg21[%dma_wait3A_132, %dma_wait3A_133] : memref<10000x128xf32, #tpu.memory_space<vmem_shared>> -> memref<80x128xf32, #tpu.memory_space<vmem_shared>>
      tpu.wait_dma2 semaphore(%arg13 : memref<!tpu.dma_semaphore, #tpu.memory_space<semaphore_mem>>) src(%arg5 : memref<80x128xf32, #tpu.memory_space<vmem>>) dst(%dma_wait3A_134 : memref<80x128xf32, #tpu.memory_space<vmem_shared>>)
      %dma_wait3A_135 = arith.constant 9840 : i32
      %dma_wait3A_136 = arith.constant 0 : i32
      %dma_wait3A_137 = tpu.memref_slice %arg21[%dma_wait3A_135, %dma_wait3A_136] : memref<10000x128xf32, #tpu.memory_space<vmem_shared>> -> memref<80x128xf32, #tpu.memory_space<vmem_shared>>
      %dma_wait3A_138 = arith.constant 9840 : i32
      %dma_wait3A_139 = arith.constant 0 : i32
      %dma_wait3A_140 = tpu.memref_slice %arg21[%dma_wait3A_138, %dma_wait3A_139] : memref<10000x128xf32, #tpu.memory_space<vmem_shared>> -> memref<80x128xf32, #tpu.memory_space<vmem_shared>>
      tpu.wait_dma2 semaphore(%arg13 : memref<!tpu.dma_semaphore, #tpu.memory_space<semaphore_mem>>) src(%arg5 : memref<80x128xf32, #tpu.memory_space<vmem>>) dst(%dma_wait3A_140 : memref<80x128xf32, #tpu.memory_space<vmem_shared>>)
      %dma_wait3A_141 = arith.constant 9920 : i32
      %dma_wait3A_142 = arith.constant 0 : i32
      %dma_wait3A_143 = tpu.memref_slice %arg21[%dma_wait3A_141, %dma_wait3A_142] : memref<10000x128xf32, #tpu.memory_space<vmem_shared>> -> memref<80x128xf32, #tpu.memory_space<vmem_shared>>
      %dma_wait3A_144 = arith.constant 9920 : i32
      %dma_wait3A_145 = arith.constant 0 : i32
      %dma_wait3A_146 = tpu.memref_slice %arg21[%dma_wait3A_144, %dma_wait3A_145] : memref<10000x128xf32, #tpu.memory_space<vmem_shared>> -> memref<80x128xf32, #tpu.memory_space<vmem_shared>>
      tpu.wait_dma2 semaphore(%arg13 : memref<!tpu.dma_semaphore, #tpu.memory_space<semaphore_mem>>) src(%arg5 : memref<80x128xf32, #tpu.memory_space<vmem>>) dst(%dma_wait3A_146 : memref<80x128xf32, #tpu.memory_space<vmem_shared>>)
    } else {
    }
    %barrier3A = arith.constant 0 : index
    tpu.barrier barrier_id(%barrier3A)
    %add3A = arith.constant 0 : i32
    %add3A_24 = arith.addi %mul3A_0, %add3A : i32
    %dma_start3A = tpu.memref_slice %arg3[%add3A_24] : memref<320000xi32, #tpu.memory_space<hbm>> -> memref<80xi32, #tpu.memory_space<hbm>>
    %dma_start3A_25 = tpu.memref_slice %arg3[%add3A_24] : memref<320000xi32, #tpu.memory_space<hbm>> -> memref<80xi32, #tpu.memory_space<hbm>>
    tpu.enqueue_dma source(%dma_start3A_25 : memref<80xi32, #tpu.memory_space<hbm>>) target(%arg9 : memref<80xi32, #tpu.memory_space<vmem>>) target_semaphore(%arg13 : memref<!tpu.dma_semaphore, #tpu.memory_space<semaphore_mem>>)
    %dma_start3A_26 = arith.constant 0 : i32
    %dma_start3A_27 = tpu.memref_slice %arg2[%add3A_24, %dma_start3A_26] : memref<320000x128xf32, #tpu.memory_space<hbm>> -> memref<80x128xf32, #tpu.memory_space<hbm>>
    %dma_start3A_28 = arith.constant 0 : i32
    %dma_start3A_29 = tpu.memref_slice %arg2[%add3A_24, %dma_start3A_28] : memref<320000x128xf32, #tpu.memory_space<hbm>> -> memref<80x128xf32, #tpu.memory_space<hbm>>
    tpu.enqueue_dma source(%dma_start3A_29 : memref<80x128xf32, #tpu.memory_space<hbm>>) target(%arg5 : memref<80x128xf32, #tpu.memory_space<vmem>>) target_semaphore(%arg13 : memref<!tpu.dma_semaphore, #tpu.memory_space<semaphore_mem>>)
    %add3A_30 = arith.constant 80 : i32
    %add3A_31 = arith.addi %mul3A_0, %add3A_30 : i32
    %dma_start3A_32 = tpu.memref_slice %arg3[%add3A_31] : memref<320000xi32, #tpu.memory_space<hbm>> -> memref<80xi32, #tpu.memory_space<hbm>>
    %dma_start3A_33 = tpu.memref_slice %arg3[%add3A_31] : memref<320000xi32, #tpu.memory_space<hbm>> -> memref<80xi32, #tpu.memory_space<hbm>>
    tpu.enqueue_dma source(%dma_start3A_33 : memref<80xi32, #tpu.memory_space<hbm>>) target(%arg10 : memref<80xi32, #tpu.memory_space<vmem>>) target_semaphore(%arg14 : memref<!tpu.dma_semaphore, #tpu.memory_space<semaphore_mem>>)
    %dma_start3A_34 = arith.constant 0 : i32
    %dma_start3A_35 = tpu.memref_slice %arg2[%add3A_31, %dma_start3A_34] : memref<320000x128xf32, #tpu.memory_space<hbm>> -> memref<80x128xf32, #tpu.memory_space<hbm>>
    %dma_start3A_36 = arith.constant 0 : i32
    %dma_start3A_37 = tpu.memref_slice %arg2[%add3A_31, %dma_start3A_36] : memref<320000x128xf32, #tpu.memory_space<hbm>> -> memref<80x128xf32, #tpu.memory_space<hbm>>
    tpu.enqueue_dma source(%dma_start3A_37 : memref<80x128xf32, #tpu.memory_space<hbm>>) target(%arg6 : memref<80x128xf32, #tpu.memory_space<vmem>>) target_semaphore(%arg14 : memref<!tpu.dma_semaphore, #tpu.memory_space<semaphore_mem>>)
    %scan3A_38 = arith.constant 0 : i32
    %scan3A_39 = arith.constant 0 : i32
    %scan3A_40 = arith.constant 62 : i32
    %scan3A_41 = arith.addi %scan3A_39, %scan3A_40 : i32
    %scan3A_42 = arith.constant 1 : i32
    %scan3A_43 = scf.for %scan3A_117 = %scan3A_39 to %scan3A_41 step %scan3A_42 iter_args(%scan3A_118 = %scan3A_38) -> (i32)  : i32 {
      %mul3A_119 = arith.constant 4 : i32
      %mul3A_120 = arith.muli %mul3A_119, %scan3A_117 : i32
      %add3A_121 = arith.constant 0 : i32
      %add3A_122 = arith.addi %mul3A_120, %add3A_121 : i32
      %dma_wait3A_123 = arith.constant 0 : i32
      %dma_wait3A_124 = tpu.memref_slice %arg3[%dma_wait3A_123] : memref<320000xi32, #tpu.memory_space<hbm>> -> memref<80xi32, #tpu.memory_space<hbm>>
      %dma_wait3A_125 = arith.constant 0 : i32
      %dma_wait3A_126 = tpu.memref_slice %arg3[%dma_wait3A_125] : memref<320000xi32, #tpu.memory_space<hbm>> -> memref<80xi32, #tpu.memory_space<hbm>>
      tpu.wait_dma2 semaphore(%arg13 : memref<!tpu.dma_semaphore, #tpu.memory_space<semaphore_mem>>) src(%dma_wait3A_126 : memref<80xi32, #tpu.memory_space<hbm>>) dst(%arg9 : memref<80xi32, #tpu.memory_space<vmem>>)
      %dma_wait3A_127 = arith.constant 0 : i32
      %dma_wait3A_128 = arith.constant 0 : i32
      %dma_wait3A_129 = tpu.memref_slice %arg2[%dma_wait3A_127, %dma_wait3A_128] : memref<320000x128xf32, #tpu.memory_space<hbm>> -> memref<80x128xf32, #tpu.memory_space<hbm>>
      %dma_wait3A_130 = arith.constant 0 : i32
      %dma_wait3A_131 = arith.constant 0 : i32
      %dma_wait3A_132 = tpu.memref_slice %arg2[%dma_wait3A_130, %dma_wait3A_131] : memref<320000x128xf32, #tpu.memory_space<hbm>> -> memref<80x128xf32, #tpu.memory_space<hbm>>
      tpu.wait_dma2 semaphore(%arg13 : memref<!tpu.dma_semaphore, #tpu.memory_space<semaphore_mem>>) src(%dma_wait3A_132 : memref<80x128xf32, #tpu.memory_space<hbm>>) dst(%arg5 : memref<80x128xf32, #tpu.memory_space<vmem>>)
      %scan3A_133 = arith.constant 0 : i32
      %scan3A_134 = arith.constant 0 : i32
      %scan3A_135 = arith.constant 80 : i32
      %scan3A_136 = arith.addi %scan3A_134, %scan3A_135 : i32
      %scan3A_137 = arith.constant 1 : i32
      %scan3A_138 = scf.for %scan3A_279 = %scan3A_134 to %scan3A_136 step %scan3A_137 iter_args(%scan3A_280 = %scan3A_133) -> (i32)  : i32 {
        %get3A = arith.index_cast %scan3A_279 : i32 to index
        %get3A_281 = arith.constant 0 : index
        %get3A_282 = tpu.vector_load %arg5[%get3A, %get3A_281] {strides = array<i32>} : memref<80x128xf32, #tpu.memory_space<vmem>>, vector<1x16xf32>,
        %get3A_283 = vector.shape_cast %get3A_282 : vector<1x16xf32> to vector<16xf32>
        %mul3A_284 = vector.broadcast %convert_element_type3A : f32 to vector<16xf32>
        %mul3A_285 = arith.mulf %mul3A_284, %get3A_283 : vector<16xf32>
        %sub3A = arith.constant 1.000000e+00 : f32
        %sub3A_286 = arith.subf %sub3A, %convert_element_type3A : f32
        %add3A_287 = vector.broadcast %sub3A_286 : f32 to vector<16xf32>
        %add3A_288 = arith.addf %mul3A_285, %add3A_287 : vector<16xf32>
        %mul3A_289 = arith.mulf %get3A_283, %add3A_288 : vector<16xf32>
        %swap3A = arith.index_cast %scan3A_279 : i32 to index
        %swap3A_290 = arith.constant 0 : index
        %swap3A_291 = tpu.vector_load %arg5[%swap3A, %swap3A_290] {strides = array<i32>} : memref<80x128xf32, #tpu.memory_space<vmem>>, vector<1x16xf32>,
        %swap3A_292 = vector.shape_cast %swap3A_291 : vector<1x16xf32> to vector<16xf32>
        %swap3A_293 = vector.shape_cast %mul3A_289 : vector<16xf32> to vector<1x16xf32>
        tpu.vector_store %arg5[%swap3A, %swap3A_290], %swap3A_293 {strides = array<i32>} : memref<80x128xf32, #tpu.memory_space<vmem>>, vector<1x16xf32>,
        %get3A_294 = arith.index_cast %scan3A_279 : i32 to index
        %get3A_295 = arith.constant 16 : index
        %get3A_296 = tpu.vector_load %arg5[%get3A_294, %get3A_295] {strides = array<i32>} : memref<80x128xf32, #tpu.memory_space<vmem>>, vector<1x16xf32>,
        %get3A_297 = vector.shape_cast %get3A_296 : vector<1x16xf32> to vector<16xf32>
        %mul3A_298 = vector.broadcast %convert_element_type3A : f32 to vector<16xf32>
        %mul3A_299 = arith.mulf %mul3A_298, %get3A_297 : vector<16xf32>
        %sub3A_300 = arith.constant 1.000000e+00 : f32
        %sub3A_301 = arith.subf %sub3A_300, %convert_element_type3A : f32
        %add3A_302 = vector.broadcast %sub3A_301 : f32 to vector<16xf32>
        %add3A_303 = arith.addf %mul3A_299, %add3A_302 : vector<16xf32>
        %mul3A_304 = arith.mulf %get3A_297, %add3A_303 : vector<16xf32>
        %swap3A_305 = arith.index_cast %scan3A_279 : i32 to index
        %swap3A_306 = arith.constant 16 : index
        %swap3A_307 = tpu.vector_load %arg5[%swap3A_305, %swap3A_306] {strides = array<i32>} : memref<80x128xf32, #tpu.memory_space<vmem>>, vector<1x16xf32>,
        %swap3A_308 = vector.shape_cast %swap3A_307 : vector<1x16xf32> to vector<16xf32>
        %swap3A_309 = vector.shape_cast %mul3A_304 : vector<16xf32> to vector<1x16xf32>
        tpu.vector_store %arg5[%swap3A_305, %swap3A_306], %swap3A_309 {strides = array<i32>} : memref<80x128xf32, #tpu.memory_space<vmem>>, vector<1x16xf32>,
        %get3A_310 = arith.index_cast %scan3A_279 : i32 to index
        %get3A_311 = arith.constant 32 : index
        %get3A_312 = tpu.vector_load %arg5[%get3A_310, %get3A_311] {strides = array<i32>} : memref<80x128xf32, #tpu.memory_space<vmem>>, vector<1x16xf32>,
        %get3A_313 = vector.shape_cast %get3A_312 : vector<1x16xf32> to vector<16xf32>
        %mul3A_314 = vector.broadcast %convert_element_type3A : f32 to vector<16xf32>
        %mul3A_315 = arith.mulf %mul3A_314, %get3A_313 : vector<16xf32>
        %sub3A_316 = arith.constant 1.000000e+00 : f32
        %sub3A_317 = arith.subf %sub3A_316, %convert_element_type3A : f32
        %add3A_318 = vector.broadcast %sub3A_317 : f32 to vector<16xf32>
        %add3A_319 = arith.addf %mul3A_315, %add3A_318 : vector<16xf32>
        %mul3A_320 = arith.mulf %get3A_313, %add3A_319 : vector<16xf32>
        %swap3A_321 = arith.index_cast %scan3A_279 : i32 to index
        %swap3A_322 = arith.constant 32 : index
        %swap3A_323 = tpu.vector_load %arg5[%swap3A_321, %swap3A_322] {strides = array<i32>} : memref<80x128xf32, #tpu.memory_space<vmem>>, vector<1x16xf32>,
        %swap3A_324 = vector.shape_cast %swap3A_323 : vector<1x16xf32> to vector<16xf32>
        %swap3A_325 = vector.shape_cast %mul3A_320 : vector<16xf32> to vector<1x16xf32>
        tpu.vector_store %arg5[%swap3A_321, %swap3A_322], %swap3A_325 {strides = array<i32>} : memref<80x128xf32, #tpu.memory_space<vmem>>, vector<1x16xf32>,
        %get3A_326 = arith.index_cast %scan3A_279 : i32 to index
        %get3A_327 = arith.constant 48 : index
        %get3A_328 = tpu.vector_load %arg5[%get3A_326, %get3A_327] {strides = array<i32>} : memref<80x128xf32, #tpu.memory_space<vmem>>, vector<1x16xf32>,
        %get3A_329 = vector.shape_cast %get3A_328 : vector<1x16xf32> to vector<16xf32>
        %mul3A_330 = vector.broadcast %convert_element_type3A : f32 to vector<16xf32>
        %mul3A_331 = arith.mulf %mul3A_330, %get3A_329 : vector<16xf32>
        %sub3A_332 = arith.constant 1.000000e+00 : f32
        %sub3A_333 = arith.subf %sub3A_332, %convert_element_type3A : f32
        %add3A_334 = vector.broadcast %sub3A_333 : f32 to vector<16xf32>
        %add3A_335 = arith.addf %mul3A_331, %add3A_334 : vector<16xf32>
        %mul3A_336 = arith.mulf %get3A_329, %add3A_335 : vector<16xf32>
        %swap3A_337 = arith.index_cast %scan3A_279 : i32 to index
        %swap3A_338 = arith.constant 48 : index
        %swap3A_339 = tpu.vector_load %arg5[%swap3A_337, %swap3A_338] {strides = array<i32>} : memref<80x128xf32, #tpu.memory_space<vmem>>, vector<1x16xf32>,
        %swap3A_340 = vector.shape_cast %swap3A_339 : vector<1x16xf32> to vector<16xf32>
        %swap3A_341 = vector.shape_cast %mul3A_336 : vector<16xf32> to vector<1x16xf32>
        tpu.vector_store %arg5[%swap3A_337, %swap3A_338], %swap3A_341 {strides = array<i32>} : memref<80x128xf32, #tpu.memory_space<vmem>>, vector<1x16xf32>,
        %get3A_342 = arith.index_cast %scan3A_279 : i32 to index
        %get3A_343 = arith.constant 64 : index
        %get3A_344 = tpu.vector_load %arg5[%get3A_342, %get3A_343] {strides = array<i32>} : memref<80x128xf32, #tpu.memory_space<vmem>>, vector<1x16xf32>,
        %get3A_345 = vector.shape_cast %get3A_344 : vector<1x16xf32> to vector<16xf32>
        %mul3A_346 = vector.broadcast %convert_element_type3A : f32 to vector<16xf32>
        %mul3A_347 = arith.mulf %mul3A_346, %get3A_345 : vector<16xf32>
        %sub3A_348 = arith.constant 1.000000e+00 : f32
        %sub3A_349 = arith.subf %sub3A_348, %convert_element_type3A : f32
        %add3A_350 = vector.broadcast %sub3A_349 : f32 to vector<16xf32>
        %add3A_351 = arith.addf %mul3A_347, %add3A_350 : vector<16xf32>
        %mul3A_352 = arith.mulf %get3A_345, %add3A_351 : vector<16xf32>
        %swap3A_353 = arith.index_cast %scan3A_279 : i32 to index
        %swap3A_354 = arith.constant 64 : index
        %swap3A_355 = tpu.vector_load %arg5[%swap3A_353, %swap3A_354] {strides = array<i32>} : memref<80x128xf32, #tpu.memory_space<vmem>>, vector<1x16xf32>,
        %swap3A_356 = vector.shape_cast %swap3A_355 : vector<1x16xf32> to vector<16xf32>
        %swap3A_357 = vector.shape_cast %mul3A_352 : vector<16xf32> to vector<1x16xf32>
        tpu.vector_store %arg5[%swap3A_353, %swap3A_354], %swap3A_357 {strides = array<i32>} : memref<80x128xf32, #tpu.memory_space<vmem>>, vector<1x16xf32>,
        %get3A_358 = arith.index_cast %scan3A_279 : i32 to index
        %get3A_359 = arith.constant 80 : index
        %get3A_360 = tpu.vector_load %arg5[%get3A_358, %get3A_359] {strides = array<i32>} : memref<80x128xf32, #tpu.memory_space<vmem>>, vector<1x16xf32>,
        %get3A_361 = vector.shape_cast %get3A_360 : vector<1x16xf32> to vector<16xf32>
        %mul3A_362 = vector.broadcast %convert_element_type3A : f32 to vector<16xf32>
        %mul3A_363 = arith.mulf %mul3A_362, %get3A_361 : vector<16xf32>
        %sub3A_364 = arith.constant 1.000000e+00 : f32
        %sub3A_365 = arith.subf %sub3A_364, %convert_element_type3A : f32
        %add3A_366 = vector.broadcast %sub3A_365 : f32 to vector<16xf32>
        %add3A_367 = arith.addf %mul3A_363, %add3A_366 : vector<16xf32>
        %mul3A_368 = arith.mulf %get3A_361, %add3A_367 : vector<16xf32>
        %swap3A_369 = arith.index_cast %scan3A_279 : i32 to index
        %swap3A_370 = arith.constant 80 : index
        %swap3A_371 = tpu.vector_load %arg5[%swap3A_369, %swap3A_370] {strides = array<i32>} : memref<80x128xf32, #tpu.memory_space<vmem>>, vector<1x16xf32>,
        %swap3A_372 = vector.shape_cast %swap3A_371 : vector<1x16xf32> to vector<16xf32>
        %swap3A_373 = vector.shape_cast %mul3A_368 : vector<16xf32> to vector<1x16xf32>
        tpu.vector_store %arg5[%swap3A_369, %swap3A_370], %swap3A_373 {strides = array<i32>} : memref<80x128xf32, #tpu.memory_space<vmem>>, vector<1x16xf32>,
        %get3A_374 = arith.index_cast %scan3A_279 : i32 to index
        %get3A_375 = arith.constant 96 : index
        %get3A_376 = tpu.vector_load %arg5[%get3A_374, %get3A_375] {strides = array<i32>} : memref<80x128xf32, #tpu.memory_space<vmem>>, vector<1x16xf32>,
        %get3A_377 = vector.shape_cast %get3A_376 : vector<1x16xf32> to vector<16xf32>
        %mul3A_378 = vector.broadcast %convert_element_type3A : f32 to vector<16xf32>
        %mul3A_379 = arith.mulf %mul3A_378, %get3A_377 : vector<16xf32>
        %sub3A_380 = arith.constant 1.000000e+00 : f32
        %sub3A_381 = arith.subf %sub3A_380, %convert_element_type3A : f32
        %add3A_382 = vector.broadcast %sub3A_381 : f32 to vector<16xf32>
        %add3A_383 = arith.addf %mul3A_379, %add3A_382 : vector<16xf32>
        %mul3A_384 = arith.mulf %get3A_377, %add3A_383 : vector<16xf32>
        %swap3A_385 = arith.index_cast %scan3A_279 : i32 to index
        %swap3A_386 = arith.constant 96 : index
        %swap3A_387 = tpu.vector_load %arg5[%swap3A_385, %swap3A_386] {strides = array<i32>} : memref<80x128xf32, #tpu.memory_space<vmem>>, vector<1x16xf32>,
        %swap3A_388 = vector.shape_cast %swap3A_387 : vector<1x16xf32> to vector<16xf32>
        %swap3A_389 = vector.shape_cast %mul3A_384 : vector<16xf32> to vector<1x16xf32>
        tpu.vector_store %arg5[%swap3A_385, %swap3A_386], %swap3A_389 {strides = array<i32>} : memref<80x128xf32, #tpu.memory_space<vmem>>, vector<1x16xf32>,
        %get3A_390 = arith.index_cast %scan3A_279 : i32 to index
        %get3A_391 = arith.constant 112 : index
        %get3A_392 = tpu.vector_load %arg5[%get3A_390, %get3A_391] {strides = array<i32>} : memref<80x128xf32, #tpu.memory_space<vmem>>, vector<1x16xf32>,
        %get3A_393 = vector.shape_cast %get3A_392 : vector<1x16xf32> to vector<16xf32>
        %mul3A_394 = vector.broadcast %convert_element_type3A : f32 to vector<16xf32>
        %mul3A_395 = arith.mulf %mul3A_394, %get3A_393 : vector<16xf32>
        %sub3A_396 = arith.constant 1.000000e+00 : f32
        %sub3A_397 = arith.subf %sub3A_396, %convert_element_type3A : f32
        %add3A_398 = vector.broadcast %sub3A_397 : f32 to vector<16xf32>
        %add3A_399 = arith.addf %mul3A_395, %add3A_398 : vector<16xf32>
        %mul3A_400 = arith.mulf %get3A_393, %add3A_399 : vector<16xf32>
        %swap3A_401 = arith.index_cast %scan3A_279 : i32 to index
        %swap3A_402 = arith.constant 112 : index
        %swap3A_403 = tpu.vector_load %arg5[%swap3A_401, %swap3A_402] {strides = array<i32>} : memref<80x128xf32, #tpu.memory_space<vmem>>, vector<1x16xf32>,
        %swap3A_404 = vector.shape_cast %swap3A_403 : vector<1x16xf32> to vector<16xf32>
        %swap3A_405 = vector.shape_cast %mul3A_400 : vector<16xf32> to vector<1x16xf32>
        tpu.vector_store %arg5[%swap3A_401, %swap3A_402], %swap3A_405 {strides = array<i32>} : memref<80x128xf32, #tpu.memory_space<vmem>>, vector<1x16xf32>,
        %scan3A_406 = arith.constant 0 : i32
        scf.yield %scan3A_406 : i32
      }
      %scan3A_139 = arith.constant 80 : i32
      %dma_start3A_140 = arith.constant 0 : i32
      %dma_start3A_141 = arith.constant 0 : i32
      %dma_start3A_142 = tpu.memref_slice %arg21[%dma_start3A_140, %dma_start3A_141] : memref<10000x128xf32, #tpu.memory_space<vmem_shared>> -> memref<10000x128xf32, #tpu.memory_space<vmem_shared>>
      tpu.enqueue_indirect_dma source(%arg5 : memref<80x128xf32, #tpu.memory_space<vmem>>) target(%dma_start3A_142 : memref<10000x128xf32, #tpu.memory_space<vmem_shared>>) offsets(%arg9 : memref<80xi32, #tpu.memory_space<vmem>>) semaphore(%arg17 : memref<!tpu.dma_semaphore, #tpu.memory_space<semaphore_mem>>) {add = true}
      %ge3A = arith.constant 2 : i32
      %ge3A_143 = arith.cmpi sge, %add3A_122, %ge3A : i32
      %convert_element_type3A_144 = arith.extui %ge3A_143 : i1 to i32
      %cond3A_145 = arith.constant 0 : i32
      %cond3A_146 = arith.cmpi ne, %convert_element_type3A_144, %cond3A_145 : i32
      scf.if %cond3A_146 {
        %dma_wait3A_279 = arith.constant 0 : i32
        %dma_wait3A_280 = arith.constant 0 : i32
        %dma_wait3A_281 = tpu.memref_slice %arg21[%dma_wait3A_279, %dma_wait3A_280] : memref<10000x128xf32, #tpu.memory_space<vmem_shared>> -> memref<10000x128xf32, #tpu.memory_space<vmem_shared>>
        tpu.wait_indirect_dma semaphore(%arg19 : memref<!tpu.dma_semaphore, #tpu.memory_space<semaphore_mem>>) src(%arg7 : memref<80x128xf32, #tpu.memory_space<vmem>>) dst(%dma_wait3A_281 : memref<10000x128xf32, #tpu.memory_space<vmem_shared>>)
      } else {
      }
      %add3A_147 = arith.constant 2 : i32
      %add3A_148 = arith.addi %add3A_122, %add3A_147 : i32
      %mul3A_149 = arith.constant 80 : i32
      %mul3A_150 = arith.muli %add3A_148, %mul3A_149 : i32
      %add3A_151 = arith.addi %mul3A_0, %mul3A_150 : i32
      %dma_start3A_152 = tpu.memref_slice %arg3[%add3A_151] : memref<320000xi32, #tpu.memory_space<hbm>> -> memref<80xi32, #tpu.memory_space<hbm>>
      %dma_start3A_153 = tpu.memref_slice %arg3[%add3A_151] : memref<320000xi32, #tpu.memory_space<hbm>> -> memref<80xi32, #tpu.memory_space<hbm>>
      tpu.enqueue_dma source(%dma_start3A_153 : memref<80xi32, #tpu.memory_space<hbm>>) target(%arg11 : memref<80xi32, #tpu.memory_space<vmem>>) target_semaphore(%arg15 : memref<!tpu.dma_semaphore, #tpu.memory_space<semaphore_mem>>)
      %dma_start3A_154 = arith.constant 0 : i32
      %dma_start3A_155 = tpu.memref_slice %arg2[%add3A_151, %dma_start3A_154] : memref<320000x128xf32, #tpu.memory_space<hbm>> -> memref<80x128xf32, #tpu.memory_space<hbm>>
      %dma_start3A_156 = arith.constant 0 : i32
      %dma_start3A_157 = tpu.memref_slice %arg2[%add3A_151, %dma_start3A_156] : memref<320000x128xf32, #tpu.memory_space<hbm>> -> memref<80x128xf32, #tpu.memory_space<hbm>>
      tpu.enqueue_dma source(%dma_start3A_157 : memref<80x128xf32, #tpu.memory_space<hbm>>) target(%arg7 : memref<80x128xf32, #tpu.memory_space<vmem>>) target_semaphore(%arg15 : memref<!tpu.dma_semaphore, #tpu.memory_space<semaphore_mem>>)
      %mul3A_158 = arith.constant 4 : i32
      %mul3A_159 = arith.muli %mul3A_158, %scan3A_117 : i32
      %add3A_160 = arith.constant 1 : i32
      %add3A_161 = arith.addi %mul3A_159, %add3A_160 : i32
      %dma_wait3A_162 = arith.constant 0 : i32
      %dma_wait3A_163 = tpu.memref_slice %arg3[%dma_wait3A_162] : memref<320000xi32, #tpu.memory_space<hbm>> -> memref<80xi32, #tpu.memory_space<hbm>>
      %dma_wait3A_164 = arith.constant 0 : i32
      %dma_wait3A_165 = tpu.memref_slice %arg3[%dma_wait3A_164] : memref<320000xi32, #tpu.memory_space<hbm>> -> memref<80xi32, #tpu.memory_space<hbm>>
      tpu.wait_dma2 semaphore(%arg14 : memref<!tpu.dma_semaphore, #tpu.memory_space<semaphore_mem>>) src(%dma_wait3A_165 : memref<80xi32, #tpu.memory_space<hbm>>) dst(%arg10 : memref<80xi32, #tpu.memory_space<vmem>>)
      %dma_wait3A_166 = arith.constant 0 : i32
      %dma_wait3A_167 = arith.constant 0 : i32
      %dma_wait3A_168 = tpu.memref_slice %arg2[%dma_wait3A_166, %dma_wait3A_167] : memref<320000x128xf32, #tpu.memory_space<hbm>> -> memref<80x128xf32, #tpu.memory_space<hbm>>
      %dma_wait3A_169 = arith.constant 0 : i32
      %dma_wait3A_170 = arith.constant 0 : i32
      %dma_wait3A_171 = tpu.memref_slice %arg2[%dma_wait3A_169, %dma_wait3A_170] : memref<320000x128xf32, #tpu.memory_space<hbm>> -> memref<80x128xf32, #tpu.memory_space<hbm>>
      tpu.wait_dma2 semaphore(%arg14 : memref<!tpu.dma_semaphore, #tpu.memory_space<semaphore_mem>>) src(%dma_wait3A_171 : memref<80x128xf32, #tpu.memory_space<hbm>>) dst(%arg6 : memref<80x128xf32, #tpu.memory_space<vmem>>)
      %scan3A_172 = arith.constant 0 : i32
      %scan3A_173 = arith.constant 0 : i32
      %scan3A_174 = arith.constant 80 : i32
      %scan3A_175 = arith.addi %scan3A_173, %scan3A_174 : i32
      %scan3A_176 = arith.constant 1 : i32
      %scan3A_177 = scf.for %scan3A_279 = %scan3A_173 to %scan3A_175 step %scan3A_176 iter_args(%scan3A_280 = %scan3A_172) -> (i32)  : i32 {
        %get3A = arith.index_cast %scan3A_279 : i32 to index
        %get3A_281 = arith.constant 0 : index
        %get3A_282 = tpu.vector_load %arg6[%get3A, %get3A_281] {strides = array<i32>} : memref<80x128xf32, #tpu.memory_space<vmem>>, vector<1x16xf32>,
        %get3A_283 = vector.shape_cast %get3A_282 : vector<1x16xf32> to vector<16xf32>
        %mul3A_284 = vector.broadcast %convert_element_type3A : f32 to vector<16xf32>
        %mul3A_285 = arith.mulf %mul3A_284, %get3A_283 : vector<16xf32>
        %sub3A = arith.constant 1.000000e+00 : f32
        %sub3A_286 = arith.subf %sub3A, %convert_element_type3A : f32
        %add3A_287 = vector.broadcast %sub3A_286 : f32 to vector<16xf32>
        %add3A_288 = arith.addf %mul3A_285, %add3A_287 : vector<16xf32>
        %mul3A_289 = arith.mulf %get3A_283, %add3A_288 : vector<16xf32>
        %swap3A = arith.index_cast %scan3A_279 : i32 to index
        %swap3A_290 = arith.constant 0 : index
        %swap3A_291 = tpu.vector_load %arg6[%swap3A, %swap3A_290] {strides = array<i32>} : memref<80x128xf32, #tpu.memory_space<vmem>>, vector<1x16xf32>,
        %swap3A_292 = vector.shape_cast %swap3A_291 : vector<1x16xf32> to vector<16xf32>
        %swap3A_293 = vector.shape_cast %mul3A_289 : vector<16xf32> to vector<1x16xf32>
        tpu.vector_store %arg6[%swap3A, %swap3A_290], %swap3A_293 {strides = array<i32>} : memref<80x128xf32, #tpu.memory_space<vmem>>, vector<1x16xf32>,
        %get3A_294 = arith.index_cast %scan3A_279 : i32 to index
        %get3A_295 = arith.constant 16 : index
        %get3A_296 = tpu.vector_load %arg6[%get3A_294, %get3A_295] {strides = array<i32>} : memref<80x128xf32, #tpu.memory_space<vmem>>, vector<1x16xf32>,
        %get3A_297 = vector.shape_cast %get3A_296 : vector<1x16xf32> to vector<16xf32>
        %mul3A_298 = vector.broadcast %convert_element_type3A : f32 to vector<16xf32>
        %mul3A_299 = arith.mulf %mul3A_298, %get3A_297 : vector<16xf32>
        %sub3A_300 = arith.constant 1.000000e+00 : f32
        %sub3A_301 = arith.subf %sub3A_300, %convert_element_type3A : f32
        %add3A_302 = vector.broadcast %sub3A_301 : f32 to vector<16xf32>
        %add3A_303 = arith.addf %mul3A_299, %add3A_302 : vector<16xf32>
        %mul3A_304 = arith.mulf %get3A_297, %add3A_303 : vector<16xf32>
        %swap3A_305 = arith.index_cast %scan3A_279 : i32 to index
        %swap3A_306 = arith.constant 16 : index
        %swap3A_307 = tpu.vector_load %arg6[%swap3A_305, %swap3A_306] {strides = array<i32>} : memref<80x128xf32, #tpu.memory_space<vmem>>, vector<1x16xf32>,
        %swap3A_308 = vector.shape_cast %swap3A_307 : vector<1x16xf32> to vector<16xf32>
        %swap3A_309 = vector.shape_cast %mul3A_304 : vector<16xf32> to vector<1x16xf32>
        tpu.vector_store %arg6[%swap3A_305, %swap3A_306], %swap3A_309 {strides = array<i32>} : memref<80x128xf32, #tpu.memory_space<vmem>>, vector<1x16xf32>,
        %get3A_310 = arith.index_cast %scan3A_279 : i32 to index
        %get3A_311 = arith.constant 32 : index
        %get3A_312 = tpu.vector_load %arg6[%get3A_310, %get3A_311] {strides = array<i32>} : memref<80x128xf32, #tpu.memory_space<vmem>>, vector<1x16xf32>,
        %get3A_313 = vector.shape_cast %get3A_312 : vector<1x16xf32> to vector<16xf32>
        %mul3A_314 = vector.broadcast %convert_element_type3A : f32 to vector<16xf32>
        %mul3A_315 = arith.mulf %mul3A_314, %get3A_313 : vector<16xf32>
        %sub3A_316 = arith.constant 1.000000e+00 : f32
        %sub3A_317 = arith.subf %sub3A_316, %convert_element_type3A : f32
        %add3A_318 = vector.broadcast %sub3A_317 : f32 to vector<16xf32>
        %add3A_319 = arith.addf %mul3A_315, %add3A_318 : vector<16xf32>
        %mul3A_320 = arith.mulf %get3A_313, %add3A_319 : vector<16xf32>
        %swap3A_321 = arith.index_cast %scan3A_279 : i32 to index
        %swap3A_322 = arith.constant 32 : index
        %swap3A_323 = tpu.vector_load %arg6[%swap3A_321, %swap3A_322] {strides = array<i32>} : memref<80x128xf32, #tpu.memory_space<vmem>>, vector<1x16xf32>,
        %swap3A_324 = vector.shape_cast %swap3A_323 : vector<1x16xf32> to vector<16xf32>
        %swap3A_325 = vector.shape_cast %mul3A_320 : vector<16xf32> to vector<1x16xf32>
        tpu.vector_store %arg6[%swap3A_321, %swap3A_322], %swap3A_325 {strides = array<i32>} : memref<80x128xf32, #tpu.memory_space<vmem>>, vector<1x16xf32>,
        %get3A_326 = arith.index_cast %scan3A_279 : i32 to index
        %get3A_327 = arith.constant 48 : index
        %get3A_328 = tpu.vector_load %arg6[%get3A_326, %get3A_327] {strides = array<i32>} : memref<80x128xf32, #tpu.memory_space<vmem>>, vector<1x16xf32>,
        %get3A_329 = vector.shape_cast %get3A_328 : vector<1x16xf32> to vector<16xf32>
        %mul3A_330 = vector.broadcast %convert_element_type3A : f32 to vector<16xf32>
        %mul3A_331 = arith.mulf %mul3A_330, %get3A_329 : vector<16xf32>
        %sub3A_332 = arith.constant 1.000000e+00 : f32
        %sub3A_333 = arith.subf %sub3A_332, %convert_element_type3A : f32
        %add3A_334 = vector.broadcast %sub3A_333 : f32 to vector<16xf32>
        %add3A_335 = arith.addf %mul3A_331, %add3A_334 : vector<16xf32>
        %mul3A_336 = arith.mulf %get3A_329, %add3A_335 : vector<16xf32>
        %swap3A_337 = arith.index_cast %scan3A_279 : i32 to index
        %swap3A_338 = arith.constant 48 : index
        %swap3A_339 = tpu.vector_load %arg6[%swap3A_337, %swap3A_338] {strides = array<i32>} : memref<80x128xf32, #tpu.memory_space<vmem>>, vector<1x16xf32>,
        %swap3A_340 = vector.shape_cast %swap3A_339 : vector<1x16xf32> to vector<16xf32>
        %swap3A_341 = vector.shape_cast %mul3A_336 : vector<16xf32> to vector<1x16xf32>
        tpu.vector_store %arg6[%swap3A_337, %swap3A_338], %swap3A_341 {strides = array<i32>} : memref<80x128xf32, #tpu.memory_space<vmem>>, vector<1x16xf32>,
        %get3A_342 = arith.index_cast %scan3A_279 : i32 to index
        %get3A_343 = arith.constant 64 : index
        %get3A_344 = tpu.vector_load %arg6[%get3A_342, %get3A_343] {strides = array<i32>} : memref<80x128xf32, #tpu.memory_space<vmem>>, vector<1x16xf32>,
        %get3A_345 = vector.shape_cast %get3A_344 : vector<1x16xf32> to vector<16xf32>
        %mul3A_346 = vector.broadcast %convert_element_type3A : f32 to vector<16xf32>
        %mul3A_347 = arith.mulf %mul3A_346, %get3A_345 : vector<16xf32>
        %sub3A_348 = arith.constant 1.000000e+00 : f32
        %sub3A_349 = arith.subf %sub3A_348, %convert_element_type3A : f32
        %add3A_350 = vector.broadcast %sub3A_349 : f32 to vector<16xf32>
        %add3A_351 = arith.addf %mul3A_347, %add3A_350 : vector<16xf32>
        %mul3A_352 = arith.mulf %get3A_345, %add3A_351 : vector<16xf32>
        %swap3A_353 = arith.index_cast %scan3A_279 : i32 to index
        %swap3A_354 = arith.constant 64 : index
        %swap3A_355 = tpu.vector_load %arg6[%swap3A_353, %swap3A_354] {strides = array<i32>} : memref<80x128xf32, #tpu.memory_space<vmem>>, vector<1x16xf32>,
        %swap3A_356 = vector.shape_cast %swap3A_355 : vector<1x16xf32> to vector<16xf32>
        %swap3A_357 = vector.shape_cast %mul3A_352 : vector<16xf32> to vector<1x16xf32>
        tpu.vector_store %arg6[%swap3A_353, %swap3A_354], %swap3A_357 {strides = array<i32>} : memref<80x128xf32, #tpu.memory_space<vmem>>, vector<1x16xf32>,
        %get3A_358 = arith.index_cast %scan3A_279 : i32 to index
        %get3A_359 = arith.constant 80 : index
        %get3A_360 = tpu.vector_load %arg6[%get3A_358, %get3A_359] {strides = array<i32>} : memref<80x128xf32, #tpu.memory_space<vmem>>, vector<1x16xf32>,
        %get3A_361 = vector.shape_cast %get3A_360 : vector<1x16xf32> to vector<16xf32>
        %mul3A_362 = vector.broadcast %convert_element_type3A : f32 to vector<16xf32>
        %mul3A_363 = arith.mulf %mul3A_362, %get3A_361 : vector<16xf32>
        %sub3A_364 = arith.constant 1.000000e+00 : f32
        %sub3A_365 = arith.subf %sub3A_364, %convert_element_type3A : f32
        %add3A_366 = vector.broadcast %sub3A_365 : f32 to vector<16xf32>
        %add3A_367 = arith.addf %mul3A_363, %add3A_366 : vector<16xf32>
        %mul3A_368 = arith.mulf %get3A_361, %add3A_367 : vector<16xf32>
        %swap3A_369 = arith.index_cast %scan3A_279 : i32 to index
        %swap3A_370 = arith.constant 80 : index
        %swap3A_371 = tpu.vector_load %arg6[%swap3A_369, %swap3A_370] {strides = array<i32>} : memref<80x128xf32, #tpu.memory_space<vmem>>, vector<1x16xf32>,
        %swap3A_372 = vector.shape_cast %swap3A_371 : vector<1x16xf32> to vector<16xf32>
        %swap3A_373 = vector.shape_cast %mul3A_368 : vector<16xf32> to vector<1x16xf32>
        tpu.vector_store %arg6[%swap3A_369, %swap3A_370], %swap3A_373 {strides = array<i32>} : memref<80x128xf32, #tpu.memory_space<vmem>>, vector<1x16xf32>,
        %get3A_374 = arith.index_cast %scan3A_279 : i32 to index
        %get3A_375 = arith.constant 96 : index
        %get3A_376 = tpu.vector_load %arg6[%get3A_374, %get3A_375] {strides = array<i32>} : memref<80x128xf32, #tpu.memory_space<vmem>>, vector<1x16xf32>,
        %get3A_377 = vector.shape_cast %get3A_376 : vector<1x16xf32> to vector<16xf32>
        %mul3A_378 = vector.broadcast %convert_element_type3A : f32 to vector<16xf32>
        %mul3A_379 = arith.mulf %mul3A_378, %get3A_377 : vector<16xf32>
        %sub3A_380 = arith.constant 1.000000e+00 : f32
        %sub3A_381 = arith.subf %sub3A_380, %convert_element_type3A : f32
        %add3A_382 = vector.broadcast %sub3A_381 : f32 to vector<16xf32>
        %add3A_383 = arith.addf %mul3A_379, %add3A_382 : vector<16xf32>
        %mul3A_384 = arith.mulf %get3A_377, %add3A_383 : vector<16xf32>
        %swap3A_385 = arith.index_cast %scan3A_279 : i32 to index
        %swap3A_386 = arith.constant 96 : index
        %swap3A_387 = tpu.vector_load %arg6[%swap3A_385, %swap3A_386] {strides = array<i32>} : memref<80x128xf32, #tpu.memory_space<vmem>>, vector<1x16xf32>,
        %swap3A_388 = vector.shape_cast %swap3A_387 : vector<1x16xf32> to vector<16xf32>
        %swap3A_389 = vector.shape_cast %mul3A_384 : vector<16xf32> to vector<1x16xf32>
        tpu.vector_store %arg6[%swap3A_385, %swap3A_386], %swap3A_389 {strides = array<i32>} : memref<80x128xf32, #tpu.memory_space<vmem>>, vector<1x16xf32>,
        %get3A_390 = arith.index_cast %scan3A_279 : i32 to index
        %get3A_391 = arith.constant 112 : index
        %get3A_392 = tpu.vector_load %arg6[%get3A_390, %get3A_391] {strides = array<i32>} : memref<80x128xf32, #tpu.memory_space<vmem>>, vector<1x16xf32>,
        %get3A_393 = vector.shape_cast %get3A_392 : vector<1x16xf32> to vector<16xf32>
        %mul3A_394 = vector.broadcast %convert_element_type3A : f32 to vector<16xf32>
        %mul3A_395 = arith.mulf %mul3A_394, %get3A_393 : vector<16xf32>
        %sub3A_396 = arith.constant 1.000000e+00 : f32
        %sub3A_397 = arith.subf %sub3A_396, %convert_element_type3A : f32
        %add3A_398 = vector.broadcast %sub3A_397 : f32 to vector<16xf32>
        %add3A_399 = arith.addf %mul3A_395, %add3A_398 : vector<16xf32>
        %mul3A_400 = arith.mulf %get3A_393, %add3A_399 : vector<16xf32>
        %swap3A_401 = arith.index_cast %scan3A_279 : i32 to index
        %swap3A_402 = arith.constant 112 : index
        %swap3A_403 = tpu.vector_load %arg6[%swap3A_401, %swap3A_402] {strides = array<i32>} : memref<80x128xf32, #tpu.memory_space<vmem>>, vector<1x16xf32>,
        %swap3A_404 = vector.shape_cast %swap3A_403 : vector<1x16xf32> to vector<16xf32>
        %swap3A_405 = vector.shape_cast %mul3A_400 : vector<16xf32> to vector<1x16xf32>
        tpu.vector_store %arg6[%swap3A_401, %swap3A_402], %swap3A_405 {strides = array<i32>} : memref<80x128xf32, #tpu.memory_space<vmem>>, vector<1x16xf32>,
        %scan3A_406 = arith.constant 0 : i32
        scf.yield %scan3A_406 : i32
      }
      %scan3A_178 = arith.constant 80 : i32
      %dma_start3A_179 = arith.constant 0 : i32
      %dma_start3A_180 = arith.constant 0 : i32
      %dma_start3A_181 = tpu.memref_slice %arg21[%dma_start3A_179, %dma_start3A_180] : memref<10000x128xf32, #tpu.memory_space<vmem_shared>> -> memref<10000x128xf32, #tpu.memory_space<vmem_shared>>
      tpu.enqueue_indirect_dma source(%arg6 : memref<80x128xf32, #tpu.memory_space<vmem>>) target(%dma_start3A_181 : memref<10000x128xf32, #tpu.memory_space<vmem_shared>>) offsets(%arg10 : memref<80xi32, #tpu.memory_space<vmem>>) semaphore(%arg18 : memref<!tpu.dma_semaphore, #tpu.memory_space<semaphore_mem>>) {add = true}
      %ge3A_182 = arith.constant 2 : i32
      %ge3A_183 = arith.cmpi sge, %add3A_161, %ge3A_182 : i32
      %convert_element_type3A_184 = arith.extui %ge3A_183 : i1 to i32
      %cond3A_185 = arith.constant 0 : i32
      %cond3A_186 = arith.cmpi ne, %convert_element_type3A_184, %cond3A_185 : i32
      scf.if %cond3A_186 {
        %dma_wait3A_279 = arith.constant 0 : i32
        %dma_wait3A_280 = arith.constant 0 : i32
        %dma_wait3A_281 = tpu.memref_slice %arg21[%dma_wait3A_279, %dma_wait3A_280] : memref<10000x128xf32, #tpu.memory_space<vmem_shared>> -> memref<10000x128xf32, #tpu.memory_space<vmem_shared>>
        tpu.wait_indirect_dma semaphore(%arg20 : memref<!tpu.dma_semaphore, #tpu.memory_space<semaphore_mem>>) src(%arg8 : memref<80x128xf32, #tpu.memory_space<vmem>>) dst(%dma_wait3A_281 : memref<10000x128xf32, #tpu.memory_space<vmem_shared>>)
      } else {
      }
      %add3A_187 = arith.constant 2 : i32
      %add3A_188 = arith.addi %add3A_161, %add3A_187 : i32
      %mul3A_189 = arith.constant 80 : i32
      %mul3A_190 = arith.muli %add3A_188, %mul3A_189 : i32
      %add3A_191 = arith.addi %mul3A_0, %mul3A_190 : i32
      %dma_start3A_192 = tpu.memref_slice %arg3[%add3A_191] : memref<320000xi32, #tpu.memory_space<hbm>> -> memref<80xi32, #tpu.memory_space<hbm>>
      %dma_start3A_193 = tpu.memref_slice %arg3[%add3A_191] : memref<320000xi32, #tpu.memory_space<hbm>> -> memref<80xi32, #tpu.memory_space<hbm>>
      tpu.enqueue_dma source(%dma_start3A_193 : memref<80xi32, #tpu.memory_space<hbm>>) target(%arg12 : memref<80xi32, #tpu.memory_space<vmem>>) target_semaphore(%arg16 : memref<!tpu.dma_semaphore, #tpu.memory_space<semaphore_mem>>)
      %dma_start3A_194 = arith.constant 0 : i32
      %dma_start3A_195 = tpu.memref_slice %arg2[%add3A_191, %dma_start3A_194] : memref<320000x128xf32, #tpu.memory_space<hbm>> -> memref<80x128xf32, #tpu.memory_space<hbm>>
      %dma_start3A_196 = arith.constant 0 : i32
      %dma_start3A_197 = tpu.memref_slice %arg2[%add3A_191, %dma_start3A_196] : memref<320000x128xf32, #tpu.memory_space<hbm>> -> memref<80x128xf32, #tpu.memory_space<hbm>>
      tpu.enqueue_dma source(%dma_start3A_197 : memref<80x128xf32, #tpu.memory_space<hbm>>) target(%arg8 : memref<80x128xf32, #tpu.memory_space<vmem>>) target_semaphore(%arg16 : memref<!tpu.dma_semaphore, #tpu.memory_space<semaphore_mem>>)
      %mul3A_198 = arith.constant 4 : i32
      %mul3A_199 = arith.muli %mul3A_198, %scan3A_117 : i32
      %add3A_200 = arith.constant 2 : i32
      %add3A_201 = arith.addi %mul3A_199, %add3A_200 : i32
      %dma_wait3A_202 = arith.constant 0 : i32
      %dma_wait3A_203 = tpu.memref_slice %arg3[%dma_wait3A_202] : memref<320000xi32, #tpu.memory_space<hbm>> -> memref<80xi32, #tpu.memory_space<hbm>>
      %dma_wait3A_204 = arith.constant 0 : i32
      %dma_wait3A_205 = tpu.memref_slice %arg3[%dma_wait3A_204] : memref<320000xi32, #tpu.memory_space<hbm>> -> memref<80xi32, #tpu.memory_space<hbm>>
      tpu.wait_dma2 semaphore(%arg15 : memref<!tpu.dma_semaphore, #tpu.memory_space<semaphore_mem>>) src(%dma_wait3A_205 : memref<80xi32, #tpu.memory_space<hbm>>) dst(%arg11 : memref<80xi32, #tpu.memory_space<vmem>>)
      %dma_wait3A_206 = arith.constant 0 : i32
      %dma_wait3A_207 = arith.constant 0 : i32
      %dma_wait3A_208 = tpu.memref_slice %arg2[%dma_wait3A_206, %dma_wait3A_207] : memref<320000x128xf32, #tpu.memory_space<hbm>> -> memref<80x128xf32, #tpu.memory_space<hbm>>
      %dma_wait3A_209 = arith.constant 0 : i32
      %dma_wait3A_210 = arith.constant 0 : i32
      %dma_wait3A_211 = tpu.memref_slice %arg2[%dma_wait3A_209, %dma_wait3A_210] : memref<320000x128xf32, #tpu.memory_space<hbm>> -> memref<80x128xf32, #tpu.memory_space<hbm>>
      tpu.wait_dma2 semaphore(%arg15 : memref<!tpu.dma_semaphore, #tpu.memory_space<semaphore_mem>>) src(%dma_wait3A_211 : memref<80x128xf32, #tpu.memory_space<hbm>>) dst(%arg7 : memref<80x128xf32, #tpu.memory_space<vmem>>)
      %scan3A_212 = arith.constant 0 : i32
      %scan3A_213 = arith.constant 0 : i32
      %scan3A_214 = arith.constant 80 : i32
      %scan3A_215 = arith.addi %scan3A_213, %scan3A_214 : i32
      %scan3A_216 = arith.constant 1 : i32
      %scan3A_217 = scf.for %scan3A_279 = %scan3A_213 to %scan3A_215 step %scan3A_216 iter_args(%scan3A_280 = %scan3A_212) -> (i32)  : i32 {
        %get3A = arith.index_cast %scan3A_279 : i32 to index
        %get3A_281 = arith.constant 0 : index
        %get3A_282 = tpu.vector_load %arg7[%get3A, %get3A_281] {strides = array<i32>} : memref<80x128xf32, #tpu.memory_space<vmem>>, vector<1x16xf32>,
        %get3A_283 = vector.shape_cast %get3A_282 : vector<1x16xf32> to vector<16xf32>
        %mul3A_284 = vector.broadcast %convert_element_type3A : f32 to vector<16xf32>
        %mul3A_285 = arith.mulf %mul3A_284, %get3A_283 : vector<16xf32>
        %sub3A = arith.constant 1.000000e+00 : f32
        %sub3A_286 = arith.subf %sub3A, %convert_element_type3A : f32
        %add3A_287 = vector.broadcast %sub3A_286 : f32 to vector<16xf32>
        %add3A_288 = arith.addf %mul3A_285, %add3A_287 : vector<16xf32>
        %mul3A_289 = arith.mulf %get3A_283, %add3A_288 : vector<16xf32>
        %swap3A = arith.index_cast %scan3A_279 : i32 to index
        %swap3A_290 = arith.constant 0 : index
        %swap3A_291 = tpu.vector_load %arg7[%swap3A, %swap3A_290] {strides = array<i32>} : memref<80x128xf32, #tpu.memory_space<vmem>>, vector<1x16xf32>,
        %swap3A_292 = vector.shape_cast %swap3A_291 : vector<1x16xf32> to vector<16xf32>
        %swap3A_293 = vector.shape_cast %mul3A_289 : vector<16xf32> to vector<1x16xf32>
        tpu.vector_store %arg7[%swap3A, %swap3A_290], %swap3A_293 {strides = array<i32>} : memref<80x128xf32, #tpu.memory_space<vmem>>, vector<1x16xf32>,
        %get3A_294 = arith.index_cast %scan3A_279 : i32 to index
        %get3A_295 = arith.constant 16 : index
        %get3A_296 = tpu.vector_load %arg7[%get3A_294, %get3A_295] {strides = array<i32>} : memref<80x128xf32, #tpu.memory_space<vmem>>, vector<1x16xf32>,
        %get3A_297 = vector.shape_cast %get3A_296 : vector<1x16xf32> to vector<16xf32>
        %mul3A_298 = vector.broadcast %convert_element_type3A : f32 to vector<16xf32>
        %mul3A_299 = arith.mulf %mul3A_298, %get3A_297 : vector<16xf32>
        %sub3A_300 = arith.constant 1.000000e+00 : f32
        %sub3A_301 = arith.subf %sub3A_300, %convert_element_type3A : f32
        %add3A_302 = vector.broadcast %sub3A_301 : f32 to vector<16xf32>
        %add3A_303 = arith.addf %mul3A_299, %add3A_302 : vector<16xf32>
        %mul3A_304 = arith.mulf %get3A_297, %add3A_303 : vector<16xf32>
        %swap3A_305 = arith.index_cast %scan3A_279 : i32 to index
        %swap3A_306 = arith.constant 16 : index
        %swap3A_307 = tpu.vector_load %arg7[%swap3A_305, %swap3A_306] {strides = array<i32>} : memref<80x128xf32, #tpu.memory_space<vmem>>, vector<1x16xf32>,
        %swap3A_308 = vector.shape_cast %swap3A_307 : vector<1x16xf32> to vector<16xf32>
        %swap3A_309 = vector.shape_cast %mul3A_304 : vector<16xf32> to vector<1x16xf32>
        tpu.vector_store %arg7[%swap3A_305, %swap3A_306], %swap3A_309 {strides = array<i32>} : memref<80x128xf32, #tpu.memory_space<vmem>>, vector<1x16xf32>,
        %get3A_310 = arith.index_cast %scan3A_279 : i32 to index
        %get3A_311 = arith.constant 32 : index
        %get3A_312 = tpu.vector_load %arg7[%get3A_310, %get3A_311] {strides = array<i32>} : memref<80x128xf32, #tpu.memory_space<vmem>>, vector<1x16xf32>,
        %get3A_313 = vector.shape_cast %get3A_312 : vector<1x16xf32> to vector<16xf32>
        %mul3A_314 = vector.broadcast %convert_element_type3A : f32 to vector<16xf32>
        %mul3A_315 = arith.mulf %mul3A_314, %get3A_313 : vector<16xf32>
        %sub3A_316 = arith.constant 1.000000e+00 : f32
        %sub3A_317 = arith.subf %sub3A_316, %convert_element_type3A : f32
        %add3A_318 = vector.broadcast %sub3A_317 : f32 to vector<16xf32>
        %add3A_319 = arith.addf %mul3A_315, %add3A_318 : vector<16xf32>
        %mul3A_320 = arith.mulf %get3A_313, %add3A_319 : vector<16xf32>
        %swap3A_321 = arith.index_cast %scan3A_279 : i32 to index
        %swap3A_322 = arith.constant 32 : index
        %swap3A_323 = tpu.vector_load %arg7[%swap3A_321, %swap3A_322] {strides = array<i32>} : memref<80x128xf32, #tpu.memory_space<vmem>>, vector<1x16xf32>,
        %swap3A_324 = vector.shape_cast %swap3A_323 : vector<1x16xf32> to vector<16xf32>
        %swap3A_325 = vector.shape_cast %mul3A_320 : vector<16xf32> to vector<1x16xf32>
        tpu.vector_store %arg7[%swap3A_321, %swap3A_322], %swap3A_325 {strides = array<i32>} : memref<80x128xf32, #tpu.memory_space<vmem>>, vector<1x16xf32>,
        %get3A_326 = arith.index_cast %scan3A_279 : i32 to index
        %get3A_327 = arith.constant 48 : index
        %get3A_328 = tpu.vector_load %arg7[%get3A_326, %get3A_327] {strides = array<i32>} : memref<80x128xf32, #tpu.memory_space<vmem>>, vector<1x16xf32>,
        %get3A_329 = vector.shape_cast %get3A_328 : vector<1x16xf32> to vector<16xf32>
        %mul3A_330 = vector.broadcast %convert_element_type3A : f32 to vector<16xf32>
        %mul3A_331 = arith.mulf %mul3A_330, %get3A_329 : vector<16xf32>
        %sub3A_332 = arith.constant 1.000000e+00 : f32
        %sub3A_333 = arith.subf %sub3A_332, %convert_element_type3A : f32
        %add3A_334 = vector.broadcast %sub3A_333 : f32 to vector<16xf32>
        %add3A_335 = arith.addf %mul3A_331, %add3A_334 : vector<16xf32>
        %mul3A_336 = arith.mulf %get3A_329, %add3A_335 : vector<16xf32>
        %swap3A_337 = arith.index_cast %scan3A_279 : i32 to index
        %swap3A_338 = arith.constant 48 : index
        %swap3A_339 = tpu.vector_load %arg7[%swap3A_337, %swap3A_338] {strides = array<i32>} : memref<80x128xf32, #tpu.memory_space<vmem>>, vector<1x16xf32>,
        %swap3A_340 = vector.shape_cast %swap3A_339 : vector<1x16xf32> to vector<16xf32>
        %swap3A_341 = vector.shape_cast %mul3A_336 : vector<16xf32> to vector<1x16xf32>
        tpu.vector_store %arg7[%swap3A_337, %swap3A_338], %swap3A_341 {strides = array<i32>} : memref<80x128xf32, #tpu.memory_space<vmem>>, vector<1x16xf32>,
        %get3A_342 = arith.index_cast %scan3A_279 : i32 to index
        %get3A_343 = arith.constant 64 : index
        %get3A_344 = tpu.vector_load %arg7[%get3A_342, %get3A_343] {strides = array<i32>} : memref<80x128xf32, #tpu.memory_space<vmem>>, vector<1x16xf32>,
        %get3A_345 = vector.shape_cast %get3A_344 : vector<1x16xf32> to vector<16xf32>
        %mul3A_346 = vector.broadcast %convert_element_type3A : f32 to vector<16xf32>
        %mul3A_347 = arith.mulf %mul3A_346, %get3A_345 : vector<16xf32>
        %sub3A_348 = arith.constant 1.000000e+00 : f32
        %sub3A_349 = arith.subf %sub3A_348, %convert_element_type3A : f32
        %add3A_350 = vector.broadcast %sub3A_349 : f32 to vector<16xf32>
        %add3A_351 = arith.addf %mul3A_347, %add3A_350 : vector<16xf32>
        %mul3A_352 = arith.mulf %get3A_345, %add3A_351 : vector<16xf32>
        %swap3A_353 = arith.index_cast %scan3A_279 : i32 to index
        %swap3A_354 = arith.constant 64 : index
        %swap3A_355 = tpu.vector_load %arg7[%swap3A_353, %swap3A_354] {strides = array<i32>} : memref<80x128xf32, #tpu.memory_space<vmem>>, vector<1x16xf32>,
        %swap3A_356 = vector.shape_cast %swap3A_355 : vector<1x16xf32> to vector<16xf32>
        %swap3A_357 = vector.shape_cast %mul3A_352 : vector<16xf32> to vector<1x16xf32>
        tpu.vector_store %arg7[%swap3A_353, %swap3A_354], %swap3A_357 {strides = array<i32>} : memref<80x128xf32, #tpu.memory_space<vmem>>, vector<1x16xf32>,
        %get3A_358 = arith.index_cast %scan3A_279 : i32 to index
        %get3A_359 = arith.constant 80 : index
        %get3A_360 = tpu.vector_load %arg7[%get3A_358, %get3A_359] {strides = array<i32>} : memref<80x128xf32, #tpu.memory_space<vmem>>, vector<1x16xf32>,
        %get3A_361 = vector.shape_cast %get3A_360 : vector<1x16xf32> to vector<16xf32>
        %mul3A_362 = vector.broadcast %convert_element_type3A : f32 to vector<16xf32>
        %mul3A_363 = arith.mulf %mul3A_362, %get3A_361 : vector<16xf32>
        %sub3A_364 = arith.constant 1.000000e+00 : f32
        %sub3A_365 = arith.subf %sub3A_364, %convert_element_type3A : f32
        %add3A_366 = vector.broadcast %sub3A_365 : f32 to vector<16xf32>
        %add3A_367 = arith.addf %mul3A_363, %add3A_366 : vector<16xf32>
        %mul3A_368 = arith.mulf %get3A_361, %add3A_367 : vector<16xf32>
        %swap3A_369 = arith.index_cast %scan3A_279 : i32 to index
        %swap3A_370 = arith.constant 80 : index
        %swap3A_371 = tpu.vector_load %arg7[%swap3A_369, %swap3A_370] {strides = array<i32>} : memref<80x128xf32, #tpu.memory_space<vmem>>, vector<1x16xf32>,
        %swap3A_372 = vector.shape_cast %swap3A_371 : vector<1x16xf32> to vector<16xf32>
        %swap3A_373 = vector.shape_cast %mul3A_368 : vector<16xf32> to vector<1x16xf32>
        tpu.vector_store %arg7[%swap3A_369, %swap3A_370], %swap3A_373 {strides = array<i32>} : memref<80x128xf32, #tpu.memory_space<vmem>>, vector<1x16xf32>,
        %get3A_374 = arith.index_cast %scan3A_279 : i32 to index
        %get3A_375 = arith.constant 96 : index
        %get3A_376 = tpu.vector_load %arg7[%get3A_374, %get3A_375] {strides = array<i32>} : memref<80x128xf32, #tpu.memory_space<vmem>>, vector<1x16xf32>,
        %get3A_377 = vector.shape_cast %get3A_376 : vector<1x16xf32> to vector<16xf32>
        %mul3A_378 = vector.broadcast %convert_element_type3A : f32 to vector<16xf32>
        %mul3A_379 = arith.mulf %mul3A_378, %get3A_377 : vector<16xf32>
        %sub3A_380 = arith.constant 1.000000e+00 : f32
        %sub3A_381 = arith.subf %sub3A_380, %convert_element_type3A : f32
        %add3A_382 = vector.broadcast %sub3A_381 : f32 to vector<16xf32>
        %add3A_383 = arith.addf %mul3A_379, %add3A_382 : vector<16xf32>
        %mul3A_384 = arith.mulf %get3A_377, %add3A_383 : vector<16xf32>
        %swap3A_385 = arith.index_cast %scan3A_279 : i32 to index
        %swap3A_386 = arith.constant 96 : index
        %swap3A_387 = tpu.vector_load %arg7[%swap3A_385, %swap3A_386] {strides = array<i32>} : memref<80x128xf32, #tpu.memory_space<vmem>>, vector<1x16xf32>,
        %swap3A_388 = vector.shape_cast %swap3A_387 : vector<1x16xf32> to vector<16xf32>
        %swap3A_389 = vector.shape_cast %mul3A_384 : vector<16xf32> to vector<1x16xf32>
        tpu.vector_store %arg7[%swap3A_385, %swap3A_386], %swap3A_389 {strides = array<i32>} : memref<80x128xf32, #tpu.memory_space<vmem>>, vector<1x16xf32>,
        %get3A_390 = arith.index_cast %scan3A_279 : i32 to index
        %get3A_391 = arith.constant 112 : index
        %get3A_392 = tpu.vector_load %arg7[%get3A_390, %get3A_391] {strides = array<i32>} : memref<80x128xf32, #tpu.memory_space<vmem>>, vector<1x16xf32>,
        %get3A_393 = vector.shape_cast %get3A_392 : vector<1x16xf32> to vector<16xf32>
        %mul3A_394 = vector.broadcast %convert_element_type3A : f32 to vector<16xf32>
        %mul3A_395 = arith.mulf %mul3A_394, %get3A_393 : vector<16xf32>
        %sub3A_396 = arith.constant 1.000000e+00 : f32
        %sub3A_397 = arith.subf %sub3A_396, %convert_element_type3A : f32
        %add3A_398 = vector.broadcast %sub3A_397 : f32 to vector<16xf32>
        %add3A_399 = arith.addf %mul3A_395, %add3A_398 : vector<16xf32>
        %mul3A_400 = arith.mulf %get3A_393, %add3A_399 : vector<16xf32>
        %swap3A_401 = arith.index_cast %scan3A_279 : i32 to index
        %swap3A_402 = arith.constant 112 : index
        %swap3A_403 = tpu.vector_load %arg7[%swap3A_401, %swap3A_402] {strides = array<i32>} : memref<80x128xf32, #tpu.memory_space<vmem>>, vector<1x16xf32>,
        %swap3A_404 = vector.shape_cast %swap3A_403 : vector<1x16xf32> to vector<16xf32>
        %swap3A_405 = vector.shape_cast %mul3A_400 : vector<16xf32> to vector<1x16xf32>
        tpu.vector_store %arg7[%swap3A_401, %swap3A_402], %swap3A_405 {strides = array<i32>} : memref<80x128xf32, #tpu.memory_space<vmem>>, vector<1x16xf32>,
        %scan3A_406 = arith.constant 0 : i32
        scf.yield %scan3A_406 : i32
      }
      %scan3A_218 = arith.constant 80 : i32
      %dma_start3A_219 = arith.constant 0 : i32
      %dma_start3A_220 = arith.constant 0 : i32
      %dma_start3A_221 = tpu.memref_slice %arg21[%dma_start3A_219, %dma_start3A_220] : memref<10000x128xf32, #tpu.memory_space<vmem_shared>> -> memref<10000x128xf32, #tpu.memory_space<vmem_shared>>
      tpu.enqueue_indirect_dma source(%arg7 : memref<80x128xf32, #tpu.memory_space<vmem>>) target(%dma_start3A_221 : memref<10000x128xf32, #tpu.memory_space<vmem_shared>>) offsets(%arg11 : memref<80xi32, #tpu.memory_space<vmem>>) semaphore(%arg19 : memref<!tpu.dma_semaphore, #tpu.memory_space<semaphore_mem>>) {add = true}
      %ge3A_222 = arith.constant 2 : i32
      %ge3A_223 = arith.cmpi sge, %add3A_201, %ge3A_222 : i32
      %convert_element_type3A_224 = arith.extui %ge3A_223 : i1 to i32
      %cond3A_225 = arith.constant 0 : i32
      %cond3A_226 = arith.cmpi ne, %convert_element_type3A_224, %cond3A_225 : i32
      scf.if %cond3A_226 {
        %dma_wait3A_279 = arith.constant 0 : i32
        %dma_wait3A_280 = arith.constant 0 : i32
        %dma_wait3A_281 = tpu.memref_slice %arg21[%dma_wait3A_279, %dma_wait3A_280] : memref<10000x128xf32, #tpu.memory_space<vmem_shared>> -> memref<10000x128xf32, #tpu.memory_space<vmem_shared>>
        tpu.wait_indirect_dma semaphore(%arg17 : memref<!tpu.dma_semaphore, #tpu.memory_space<semaphore_mem>>) src(%arg5 : memref<80x128xf32, #tpu.memory_space<vmem>>) dst(%dma_wait3A_281 : memref<10000x128xf32, #tpu.memory_space<vmem_shared>>)
      } else {
      }
      %add3A_227 = arith.constant 2 : i32
      %add3A_228 = arith.addi %add3A_201, %add3A_227 : i32
      %mul3A_229 = arith.constant 80 : i32
      %mul3A_230 = arith.muli %add3A_228, %mul3A_229 : i32
      %add3A_231 = arith.addi %mul3A_0, %mul3A_230 : i32
      %dma_start3A_232 = tpu.memref_slice %arg3[%add3A_231] : memref<320000xi32, #tpu.memory_space<hbm>> -> memref<80xi32, #tpu.memory_space<hbm>>
      %dma_start3A_233 = tpu.memref_slice %arg3[%add3A_231] : memref<320000xi32, #tpu.memory_space<hbm>> -> memref<80xi32, #tpu.memory_space<hbm>>
      tpu.enqueue_dma source(%dma_start3A_233 : memref<80xi32, #tpu.memory_space<hbm>>) target(%arg9 : memref<80xi32, #tpu.memory_space<vmem>>) target_semaphore(%arg13 : memref<!tpu.dma_semaphore, #tpu.memory_space<semaphore_mem>>)
      %dma_start3A_234 = arith.constant 0 : i32
      %dma_start3A_235 = tpu.memref_slice %arg2[%add3A_231, %dma_start3A_234] : memref<320000x128xf32, #tpu.memory_space<hbm>> -> memref<80x128xf32, #tpu.memory_space<hbm>>
      %dma_start3A_236 = arith.constant 0 : i32
      %dma_start3A_237 = tpu.memref_slice %arg2[%add3A_231, %dma_start3A_236] : memref<320000x128xf32, #tpu.memory_space<hbm>> -> memref<80x128xf32, #tpu.memory_space<hbm>>
      tpu.enqueue_dma source(%dma_start3A_237 : memref<80x128xf32, #tpu.memory_space<hbm>>) target(%arg5 : memref<80x128xf32, #tpu.memory_space<vmem>>) target_semaphore(%arg13 : memref<!tpu.dma_semaphore, #tpu.memory_space<semaphore_mem>>)
      %mul3A_238 = arith.constant 4 : i32
      %mul3A_239 = arith.muli %mul3A_238, %scan3A_117 : i32
      %add3A_240 = arith.constant 3 : i32
      %add3A_241 = arith.addi %mul3A_239, %add3A_240 : i32
      %dma_wait3A_242 = arith.constant 0 : i32
      %dma_wait3A_243 = tpu.memref_slice %arg3[%dma_wait3A_242] : memref<320000xi32, #tpu.memory_space<hbm>> -> memref<80xi32, #tpu.memory_space<hbm>>
      %dma_wait3A_244 = arith.constant 0 : i32
      %dma_wait3A_245 = tpu.memref_slice %arg3[%dma_wait3A_244] : memref<320000xi32, #tpu.memory_space<hbm>> -> memref<80xi32, #tpu.memory_space<hbm>>
      tpu.wait_dma2 semaphore(%arg16 : memref<!tpu.dma_semaphore, #tpu.memory_space<semaphore_mem>>) src(%dma_wait3A_245 : memref<80xi32, #tpu.memory_space<hbm>>) dst(%arg12 : memref<80xi32, #tpu.memory_space<vmem>>)
      %dma_wait3A_246 = arith.constant 0 : i32
      %dma_wait3A_247 = arith.constant 0 : i32
      %dma_wait3A_248 = tpu.memref_slice %arg2[%dma_wait3A_246, %dma_wait3A_247] : memref<320000x128xf32, #tpu.memory_space<hbm>> -> memref<80x128xf32, #tpu.memory_space<hbm>>
      %dma_wait3A_249 = arith.constant 0 : i32
      %dma_wait3A_250 = arith.constant 0 : i32
      %dma_wait3A_251 = tpu.memref_slice %arg2[%dma_wait3A_249, %dma_wait3A_250] : memref<320000x128xf32, #tpu.memory_space<hbm>> -> memref<80x128xf32, #tpu.memory_space<hbm>>
      tpu.wait_dma2 semaphore(%arg16 : memref<!tpu.dma_semaphore, #tpu.memory_space<semaphore_mem>>) src(%dma_wait3A_251 : memref<80x128xf32, #tpu.memory_space<hbm>>) dst(%arg8 : memref<80x128xf32, #tpu.memory_space<vmem>>)
      %scan3A_252 = arith.constant 0 : i32
      %scan3A_253 = arith.constant 0 : i32
      %scan3A_254 = arith.constant 80 : i32
      %scan3A_255 = arith.addi %scan3A_253, %scan3A_254 : i32
      %scan3A_256 = arith.constant 1 : i32
      %scan3A_257 = scf.for %scan3A_279 = %scan3A_253 to %scan3A_255 step %scan3A_256 iter_args(%scan3A_280 = %scan3A_252) -> (i32)  : i32 {
        %get3A = arith.index_cast %scan3A_279 : i32 to index
        %get3A_281 = arith.constant 0 : index
        %get3A_282 = tpu.vector_load %arg8[%get3A, %get3A_281] {strides = array<i32>} : memref<80x128xf32, #tpu.memory_space<vmem>>, vector<1x16xf32>,
        %get3A_283 = vector.shape_cast %get3A_282 : vector<1x16xf32> to vector<16xf32>
        %mul3A_284 = vector.broadcast %convert_element_type3A : f32 to vector<16xf32>
        %mul3A_285 = arith.mulf %mul3A_284, %get3A_283 : vector<16xf32>
        %sub3A = arith.constant 1.000000e+00 : f32
        %sub3A_286 = arith.subf %sub3A, %convert_element_type3A : f32
        %add3A_287 = vector.broadcast %sub3A_286 : f32 to vector<16xf32>
        %add3A_288 = arith.addf %mul3A_285, %add3A_287 : vector<16xf32>
        %mul3A_289 = arith.mulf %get3A_283, %add3A_288 : vector<16xf32>
        %swap3A = arith.index_cast %scan3A_279 : i32 to index
        %swap3A_290 = arith.constant 0 : index
        %swap3A_291 = tpu.vector_load %arg8[%swap3A, %swap3A_290] {strides = array<i32>} : memref<80x128xf32, #tpu.memory_space<vmem>>, vector<1x16xf32>,
        %swap3A_292 = vector.shape_cast %swap3A_291 : vector<1x16xf32> to vector<16xf32>
        %swap3A_293 = vector.shape_cast %mul3A_289 : vector<16xf32> to vector<1x16xf32>
        tpu.vector_store %arg8[%swap3A, %swap3A_290], %swap3A_293 {strides = array<i32>} : memref<80x128xf32, #tpu.memory_space<vmem>>, vector<1x16xf32>,
        %get3A_294 = arith.index_cast %scan3A_279 : i32 to index
        %get3A_295 = arith.constant 16 : index
        %get3A_296 = tpu.vector_load %arg8[%get3A_294, %get3A_295] {strides = array<i32>} : memref<80x128xf32, #tpu.memory_space<vmem>>, vector<1x16xf32>,
        %get3A_297 = vector.shape_cast %get3A_296 : vector<1x16xf32> to vector<16xf32>
        %mul3A_298 = vector.broadcast %convert_element_type3A : f32 to vector<16xf32>
        %mul3A_299 = arith.mulf %mul3A_298, %get3A_297 : vector<16xf32>
        %sub3A_300 = arith.constant 1.000000e+00 : f32
        %sub3A_301 = arith.subf %sub3A_300, %convert_element_type3A : f32
        %add3A_302 = vector.broadcast %sub3A_301 : f32 to vector<16xf32>
        %add3A_303 = arith.addf %mul3A_299, %add3A_302 : vector<16xf32>
        %mul3A_304 = arith.mulf %get3A_297, %add3A_303 : vector<16xf32>
        %swap3A_305 = arith.index_cast %scan3A_279 : i32 to index
        %swap3A_306 = arith.constant 16 : index
        %swap3A_307 = tpu.vector_load %arg8[%swap3A_305, %swap3A_306] {strides = array<i32>} : memref<80x128xf32, #tpu.memory_space<vmem>>, vector<1x16xf32>,
        %swap3A_308 = vector.shape_cast %swap3A_307 : vector<1x16xf32> to vector<16xf32>
        %swap3A_309 = vector.shape_cast %mul3A_304 : vector<16xf32> to vector<1x16xf32>
        tpu.vector_store %arg8[%swap3A_305, %swap3A_306], %swap3A_309 {strides = array<i32>} : memref<80x128xf32, #tpu.memory_space<vmem>>, vector<1x16xf32>,
        %get3A_310 = arith.index_cast %scan3A_279 : i32 to index
        %get3A_311 = arith.constant 32 : index
        %get3A_312 = tpu.vector_load %arg8[%get3A_310, %get3A_311] {strides = array<i32>} : memref<80x128xf32, #tpu.memory_space<vmem>>, vector<1x16xf32>,
        %get3A_313 = vector.shape_cast %get3A_312 : vector<1x16xf32> to vector<16xf32>
        %mul3A_314 = vector.broadcast %convert_element_type3A : f32 to vector<16xf32>
        %mul3A_315 = arith.mulf %mul3A_314, %get3A_313 : vector<16xf32>
        %sub3A_316 = arith.constant 1.000000e+00 : f32
        %sub3A_317 = arith.subf %sub3A_316, %convert_element_type3A : f32
        %add3A_318 = vector.broadcast %sub3A_317 : f32 to vector<16xf32>
        %add3A_319 = arith.addf %mul3A_315, %add3A_318 : vector<16xf32>
        %mul3A_320 = arith.mulf %get3A_313, %add3A_319 : vector<16xf32>
        %swap3A_321 = arith.index_cast %scan3A_279 : i32 to index
        %swap3A_322 = arith.constant 32 : index
        %swap3A_323 = tpu.vector_load %arg8[%swap3A_321, %swap3A_322] {strides = array<i32>} : memref<80x128xf32, #tpu.memory_space<vmem>>, vector<1x16xf32>,
        %swap3A_324 = vector.shape_cast %swap3A_323 : vector<1x16xf32> to vector<16xf32>
        %swap3A_325 = vector.shape_cast %mul3A_320 : vector<16xf32> to vector<1x16xf32>
        tpu.vector_store %arg8[%swap3A_321, %swap3A_322], %swap3A_325 {strides = array<i32>} : memref<80x128xf32, #tpu.memory_space<vmem>>, vector<1x16xf32>,
        %get3A_326 = arith.index_cast %scan3A_279 : i32 to index
        %get3A_327 = arith.constant 48 : index
        %get3A_328 = tpu.vector_load %arg8[%get3A_326, %get3A_327] {strides = array<i32>} : memref<80x128xf32, #tpu.memory_space<vmem>>, vector<1x16xf32>,
        %get3A_329 = vector.shape_cast %get3A_328 : vector<1x16xf32> to vector<16xf32>
        %mul3A_330 = vector.broadcast %convert_element_type3A : f32 to vector<16xf32>
        %mul3A_331 = arith.mulf %mul3A_330, %get3A_329 : vector<16xf32>
        %sub3A_332 = arith.constant 1.000000e+00 : f32
        %sub3A_333 = arith.subf %sub3A_332, %convert_element_type3A : f32
        %add3A_334 = vector.broadcast %sub3A_333 : f32 to vector<16xf32>
        %add3A_335 = arith.addf %mul3A_331, %add3A_334 : vector<16xf32>
        %mul3A_336 = arith.mulf %get3A_329, %add3A_335 : vector<16xf32>
        %swap3A_337 = arith.index_cast %scan3A_279 : i32 to index
        %swap3A_338 = arith.constant 48 : index
        %swap3A_339 = tpu.vector_load %arg8[%swap3A_337, %swap3A_338] {strides = array<i32>} : memref<80x128xf32, #tpu.memory_space<vmem>>, vector<1x16xf32>,
        %swap3A_340 = vector.shape_cast %swap3A_339 : vector<1x16xf32> to vector<16xf32>
        %swap3A_341 = vector.shape_cast %mul3A_336 : vector<16xf32> to vector<1x16xf32>
        tpu.vector_store %arg8[%swap3A_337, %swap3A_338], %swap3A_341 {strides = array<i32>} : memref<80x128xf32, #tpu.memory_space<vmem>>, vector<1x16xf32>,
        %get3A_342 = arith.index_cast %scan3A_279 : i32 to index
        %get3A_343 = arith.constant 64 : index
        %get3A_344 = tpu.vector_load %arg8[%get3A_342, %get3A_343] {strides = array<i32>} : memref<80x128xf32, #tpu.memory_space<vmem>>, vector<1x16xf32>,
        %get3A_345 = vector.shape_cast %get3A_344 : vector<1x16xf32> to vector<16xf32>
        %mul3A_346 = vector.broadcast %convert_element_type3A : f32 to vector<16xf32>
        %mul3A_347 = arith.mulf %mul3A_346, %get3A_345 : vector<16xf32>
        %sub3A_348 = arith.constant 1.000000e+00 : f32
        %sub3A_349 = arith.subf %sub3A_348, %convert_element_type3A : f32
        %add3A_350 = vector.broadcast %sub3A_349 : f32 to vector<16xf32>
        %add3A_351 = arith.addf %mul3A_347, %add3A_350 : vector<16xf32>
        %mul3A_352 = arith.mulf %get3A_345, %add3A_351 : vector<16xf32>
        %swap3A_353 = arith.index_cast %scan3A_279 : i32 to index
        %swap3A_354 = arith.constant 64 : index
        %swap3A_355 = tpu.vector_load %arg8[%swap3A_353, %swap3A_354] {strides = array<i32>} : memref<80x128xf32, #tpu.memory_space<vmem>>, vector<1x16xf32>,
        %swap3A_356 = vector.shape_cast %swap3A_355 : vector<1x16xf32> to vector<16xf32>
        %swap3A_357 = vector.shape_cast %mul3A_352 : vector<16xf32> to vector<1x16xf32>
        tpu.vector_store %arg8[%swap3A_353, %swap3A_354], %swap3A_357 {strides = array<i32>} : memref<80x128xf32, #tpu.memory_space<vmem>>, vector<1x16xf32>,
        %get3A_358 = arith.index_cast %scan3A_279 : i32 to index
        %get3A_359 = arith.constant 80 : index
        %get3A_360 = tpu.vector_load %arg8[%get3A_358, %get3A_359] {strides = array<i32>} : memref<80x128xf32, #tpu.memory_space<vmem>>, vector<1x16xf32>,
        %get3A_361 = vector.shape_cast %get3A_360 : vector<1x16xf32> to vector<16xf32>
        %mul3A_362 = vector.broadcast %convert_element_type3A : f32 to vector<16xf32>
        %mul3A_363 = arith.mulf %mul3A_362, %get3A_361 : vector<16xf32>
        %sub3A_364 = arith.constant 1.000000e+00 : f32
        %sub3A_365 = arith.subf %sub3A_364, %convert_element_type3A : f32
        %add3A_366 = vector.broadcast %sub3A_365 : f32 to vector<16xf32>
        %add3A_367 = arith.addf %mul3A_363, %add3A_366 : vector<16xf32>
        %mul3A_368 = arith.mulf %get3A_361, %add3A_367 : vector<16xf32>
        %swap3A_369 = arith.index_cast %scan3A_279 : i32 to index
        %swap3A_370 = arith.constant 80 : index
        %swap3A_371 = tpu.vector_load %arg8[%swap3A_369, %swap3A_370] {strides = array<i32>} : memref<80x128xf32, #tpu.memory_space<vmem>>, vector<1x16xf32>,
        %swap3A_372 = vector.shape_cast %swap3A_371 : vector<1x16xf32> to vector<16xf32>
        %swap3A_373 = vector.shape_cast %mul3A_368 : vector<16xf32> to vector<1x16xf32>
        tpu.vector_store %arg8[%swap3A_369, %swap3A_370], %swap3A_373 {strides = array<i32>} : memref<80x128xf32, #tpu.memory_space<vmem>>, vector<1x16xf32>,
        %get3A_374 = arith.index_cast %scan3A_279 : i32 to index
        %get3A_375 = arith.constant 96 : index
        %get3A_376 = tpu.vector_load %arg8[%get3A_374, %get3A_375] {strides = array<i32>} : memref<80x128xf32, #tpu.memory_space<vmem>>, vector<1x16xf32>,
        %get3A_377 = vector.shape_cast %get3A_376 : vector<1x16xf32> to vector<16xf32>
        %mul3A_378 = vector.broadcast %convert_element_type3A : f32 to vector<16xf32>
        %mul3A_379 = arith.mulf %mul3A_378, %get3A_377 : vector<16xf32>
        %sub3A_380 = arith.constant 1.000000e+00 : f32
        %sub3A_381 = arith.subf %sub3A_380, %convert_element_type3A : f32
        %add3A_382 = vector.broadcast %sub3A_381 : f32 to vector<16xf32>
        %add3A_383 = arith.addf %mul3A_379, %add3A_382 : vector<16xf32>
        %mul3A_384 = arith.mulf %get3A_377, %add3A_383 : vector<16xf32>
        %swap3A_385 = arith.index_cast %scan3A_279 : i32 to index
        %swap3A_386 = arith.constant 96 : index
        %swap3A_387 = tpu.vector_load %arg8[%swap3A_385, %swap3A_386] {strides = array<i32>} : memref<80x128xf32, #tpu.memory_space<vmem>>, vector<1x16xf32>,
        %swap3A_388 = vector.shape_cast %swap3A_387 : vector<1x16xf32> to vector<16xf32>
        %swap3A_389 = vector.shape_cast %mul3A_384 : vector<16xf32> to vector<1x16xf32>
        tpu.vector_store %arg8[%swap3A_385, %swap3A_386], %swap3A_389 {strides = array<i32>} : memref<80x128xf32, #tpu.memory_space<vmem>>, vector<1x16xf32>,
        %get3A_390 = arith.index_cast %scan3A_279 : i32 to index
        %get3A_391 = arith.constant 112 : index
        %get3A_392 = tpu.vector_load %arg8[%get3A_390, %get3A_391] {strides = array<i32>} : memref<80x128xf32, #tpu.memory_space<vmem>>, vector<1x16xf32>,
        %get3A_393 = vector.shape_cast %get3A_392 : vector<1x16xf32> to vector<16xf32>
        %mul3A_394 = vector.broadcast %convert_element_type3A : f32 to vector<16xf32>
        %mul3A_395 = arith.mulf %mul3A_394, %get3A_393 : vector<16xf32>
        %sub3A_396 = arith.constant 1.000000e+00 : f32
        %sub3A_397 = arith.subf %sub3A_396, %convert_element_type3A : f32
        %add3A_398 = vector.broadcast %sub3A_397 : f32 to vector<16xf32>
        %add3A_399 = arith.addf %mul3A_395, %add3A_398 : vector<16xf32>
        %mul3A_400 = arith.mulf %get3A_393, %add3A_399 : vector<16xf32>
        %swap3A_401 = arith.index_cast %scan3A_279 : i32 to index
        %swap3A_402 = arith.constant 112 : index
        %swap3A_403 = tpu.vector_load %arg8[%swap3A_401, %swap3A_402] {strides = array<i32>} : memref<80x128xf32, #tpu.memory_space<vmem>>, vector<1x16xf32>,
        %swap3A_404 = vector.shape_cast %swap3A_403 : vector<1x16xf32> to vector<16xf32>
        %swap3A_405 = vector.shape_cast %mul3A_400 : vector<16xf32> to vector<1x16xf32>
        tpu.vector_store %arg8[%swap3A_401, %swap3A_402], %swap3A_405 {strides = array<i32>} : memref<80x128xf32, #tpu.memory_space<vmem>>, vector<1x16xf32>,
        %scan3A_406 = arith.constant 0 : i32
        scf.yield %scan3A_406 : i32
      }
      %scan3A_258 = arith.constant 80 : i32
      %dma_start3A_259 = arith.constant 0 : i32
      %dma_start3A_260 = arith.constant 0 : i32
      %dma_start3A_261 = tpu.memref_slice %arg21[%dma_start3A_259, %dma_start3A_260] : memref<10000x128xf32, #tpu.memory_space<vmem_shared>> -> memref<10000x128xf32, #tpu.memory_space<vmem_shared>>
      tpu.enqueue_indirect_dma source(%arg8 : memref<80x128xf32, #tpu.memory_space<vmem>>) target(%dma_start3A_261 : memref<10000x128xf32, #tpu.memory_space<vmem_shared>>) offsets(%arg12 : memref<80xi32, #tpu.memory_space<vmem>>) semaphore(%arg20 : memref<!tpu.dma_semaphore, #tpu.memory_space<semaphore_mem>>) {add = true}
      %ge3A_262 = arith.constant 2 : i32
      %ge3A_263 = arith.cmpi sge, %add3A_241, %ge3A_262 : i32
      %convert_element_type3A_264 = arith.extui %ge3A_263 : i1 to i32
      %cond3A_265 = arith.constant 0 : i32
      %cond3A_266 = arith.cmpi ne, %convert_element_type3A_264, %cond3A_265 : i32
      scf.if %cond3A_266 {
        %dma_wait3A_279 = arith.constant 0 : i32
        %dma_wait3A_280 = arith.constant 0 : i32
        %dma_wait3A_281 = tpu.memref_slice %arg21[%dma_wait3A_279, %dma_wait3A_280] : memref<10000x128xf32, #tpu.memory_space<vmem_shared>> -> memref<10000x128xf32, #tpu.memory_space<vmem_shared>>
        tpu.wait_indirect_dma semaphore(%arg18 : memref<!tpu.dma_semaphore, #tpu.memory_space<semaphore_mem>>) src(%arg6 : memref<80x128xf32, #tpu.memory_space<vmem>>) dst(%dma_wait3A_281 : memref<10000x128xf32, #tpu.memory_space<vmem_shared>>)
      } else {
      }
      %add3A_267 = arith.constant 2 : i32
      %add3A_268 = arith.addi %add3A_241, %add3A_267 : i32
      %mul3A_269 = arith.constant 80 : i32
      %mul3A_270 = arith.muli %add3A_268, %mul3A_269 : i32
      %add3A_271 = arith.addi %mul3A_0, %mul3A_270 : i32
      %dma_start3A_272 = tpu.memref_slice %arg3[%add3A_271] : memref<320000xi32, #tpu.memory_space<hbm>> -> memref<80xi32, #tpu.memory_space<hbm>>
      %dma_start3A_273 = tpu.memref_slice %arg3[%add3A_271] : memref<320000xi32, #tpu.memory_space<hbm>> -> memref<80xi32, #tpu.memory_space<hbm>>
      tpu.enqueue_dma source(%dma_start3A_273 : memref<80xi32, #tpu.memory_space<hbm>>) target(%arg10 : memref<80xi32, #tpu.memory_space<vmem>>) target_semaphore(%arg14 : memref<!tpu.dma_semaphore, #tpu.memory_space<semaphore_mem>>)
      %dma_start3A_274 = arith.constant 0 : i32
      %dma_start3A_275 = tpu.memref_slice %arg2[%add3A_271, %dma_start3A_274] : memref<320000x128xf32, #tpu.memory_space<hbm>> -> memref<80x128xf32, #tpu.memory_space<hbm>>
      %dma_start3A_276 = arith.constant 0 : i32
      %dma_start3A_277 = tpu.memref_slice %arg2[%add3A_271, %dma_start3A_276] : memref<320000x128xf32, #tpu.memory_space<hbm>> -> memref<80x128xf32, #tpu.memory_space<hbm>>
      tpu.enqueue_dma source(%dma_start3A_277 : memref<80x128xf32, #tpu.memory_space<hbm>>) target(%arg6 : memref<80x128xf32, #tpu.memory_space<vmem>>) target_semaphore(%arg14 : memref<!tpu.dma_semaphore, #tpu.memory_space<semaphore_mem>>)
      %scan3A_278 = arith.constant 0 : i32
      scf.yield %scan3A_278 : i32
    }
    %scan3A_44 = arith.constant 62 : i32
    %dma_wait3A = arith.constant 0 : i32
    %dma_wait3A_45 = tpu.memref_slice %arg3[%dma_wait3A] : memref<320000xi32, #tpu.memory_space<hbm>> -> memref<80xi32, #tpu.memory_space<hbm>>
    %dma_wait3A_46 = arith.constant 0 : i32
    %dma_wait3A_47 = tpu.memref_slice %arg3[%dma_wait3A_46] : memref<320000xi32, #tpu.memory_space<hbm>> -> memref<80xi32, #tpu.memory_space<hbm>>
    tpu.wait_dma2 semaphore(%arg13 : memref<!tpu.dma_semaphore, #tpu.memory_space<semaphore_mem>>) src(%dma_wait3A_47 : memref<80xi32, #tpu.memory_space<hbm>>) dst(%arg9 : memref<80xi32, #tpu.memory_space<vmem>>)
    %dma_wait3A_48 = arith.constant 0 : i32
    %dma_wait3A_49 = arith.constant 0 : i32
    %dma_wait3A_50 = tpu.memref_slice %arg2[%dma_wait3A_48, %dma_wait3A_49] : memref<320000x128xf32, #tpu.memory_space<hbm>> -> memref<80x128xf32, #tpu.memory_space<hbm>>
    %dma_wait3A_51 = arith.constant 0 : i32
    %dma_wait3A_52 = arith.constant 0 : i32
    %dma_wait3A_53 = tpu.memref_slice %arg2[%dma_wait3A_51, %dma_wait3A_52] : memref<320000x128xf32, #tpu.memory_space<hbm>> -> memref<80x128xf32, #tpu.memory_space<hbm>>
    tpu.wait_dma2 semaphore(%arg13 : memref<!tpu.dma_semaphore, #tpu.memory_space<semaphore_mem>>) src(%dma_wait3A_53 : memref<80x128xf32, #tpu.memory_space<hbm>>) dst(%arg5 : memref<80x128xf32, #tpu.memory_space<vmem>>)
    %scan3A_54 = arith.constant 0 : i32
    %scan3A_55 = arith.constant 0 : i32
    %scan3A_56 = arith.constant 80 : i32
    %scan3A_57 = arith.addi %scan3A_55, %scan3A_56 : i32
    %scan3A_58 = arith.constant 1 : i32
    %scan3A_59 = scf.for %scan3A_117 = %scan3A_55 to %scan3A_57 step %scan3A_58 iter_args(%scan3A_118 = %scan3A_54) -> (i32)  : i32 {
      %get3A = arith.index_cast %scan3A_117 : i32 to index
      %get3A_119 = arith.constant 0 : index
      %get3A_120 = tpu.vector_load %arg5[%get3A, %get3A_119] {strides = array<i32>} : memref<80x128xf32, #tpu.memory_space<vmem>>, vector<1x16xf32>,
      %get3A_121 = vector.shape_cast %get3A_120 : vector<1x16xf32> to vector<16xf32>
      %mul3A_122 = vector.broadcast %convert_element_type3A : f32 to vector<16xf32>
      %mul3A_123 = arith.mulf %mul3A_122, %get3A_121 : vector<16xf32>
      %sub3A = arith.constant 1.000000e+00 : f32
      %sub3A_124 = arith.subf %sub3A, %convert_element_type3A : f32
      %add3A_125 = vector.broadcast %sub3A_124 : f32 to vector<16xf32>
      %add3A_126 = arith.addf %mul3A_123, %add3A_125 : vector<16xf32>
      %mul3A_127 = arith.mulf %get3A_121, %add3A_126 : vector<16xf32>
      %swap3A = arith.index_cast %scan3A_117 : i32 to index
      %swap3A_128 = arith.constant 0 : index
      %swap3A_129 = tpu.vector_load %arg5[%swap3A, %swap3A_128] {strides = array<i32>} : memref<80x128xf32, #tpu.memory_space<vmem>>, vector<1x16xf32>,
      %swap3A_130 = vector.shape_cast %swap3A_129 : vector<1x16xf32> to vector<16xf32>
      %swap3A_131 = vector.shape_cast %mul3A_127 : vector<16xf32> to vector<1x16xf32>
      tpu.vector_store %arg5[%swap3A, %swap3A_128], %swap3A_131 {strides = array<i32>} : memref<80x128xf32, #tpu.memory_space<vmem>>, vector<1x16xf32>,
      %get3A_132 = arith.index_cast %scan3A_117 : i32 to index
      %get3A_133 = arith.constant 16 : index
      %get3A_134 = tpu.vector_load %arg5[%get3A_132, %get3A_133] {strides = array<i32>} : memref<80x128xf32, #tpu.memory_space<vmem>>, vector<1x16xf32>,
      %get3A_135 = vector.shape_cast %get3A_134 : vector<1x16xf32> to vector<16xf32>
      %mul3A_136 = vector.broadcast %convert_element_type3A : f32 to vector<16xf32>
      %mul3A_137 = arith.mulf %mul3A_136, %get3A_135 : vector<16xf32>
      %sub3A_138 = arith.constant 1.000000e+00 : f32
      %sub3A_139 = arith.subf %sub3A_138, %convert_element_type3A : f32
      %add3A_140 = vector.broadcast %sub3A_139 : f32 to vector<16xf32>
      %add3A_141 = arith.addf %mul3A_137, %add3A_140 : vector<16xf32>
      %mul3A_142 = arith.mulf %get3A_135, %add3A_141 : vector<16xf32>
      %swap3A_143 = arith.index_cast %scan3A_117 : i32 to index
      %swap3A_144 = arith.constant 16 : index
      %swap3A_145 = tpu.vector_load %arg5[%swap3A_143, %swap3A_144] {strides = array<i32>} : memref<80x128xf32, #tpu.memory_space<vmem>>, vector<1x16xf32>,
      %swap3A_146 = vector.shape_cast %swap3A_145 : vector<1x16xf32> to vector<16xf32>
      %swap3A_147 = vector.shape_cast %mul3A_142 : vector<16xf32> to vector<1x16xf32>
      tpu.vector_store %arg5[%swap3A_143, %swap3A_144], %swap3A_147 {strides = array<i32>} : memref<80x128xf32, #tpu.memory_space<vmem>>, vector<1x16xf32>,
      %get3A_148 = arith.index_cast %scan3A_117 : i32 to index
      %get3A_149 = arith.constant 32 : index
      %get3A_150 = tpu.vector_load %arg5[%get3A_148, %get3A_149] {strides = array<i32>} : memref<80x128xf32, #tpu.memory_space<vmem>>, vector<1x16xf32>,
      %get3A_151 = vector.shape_cast %get3A_150 : vector<1x16xf32> to vector<16xf32>
      %mul3A_152 = vector.broadcast %convert_element_type3A : f32 to vector<16xf32>
      %mul3A_153 = arith.mulf %mul3A_152, %get3A_151 : vector<16xf32>
      %sub3A_154 = arith.constant 1.000000e+00 : f32
      %sub3A_155 = arith.subf %sub3A_154, %convert_element_type3A : f32
      %add3A_156 = vector.broadcast %sub3A_155 : f32 to vector<16xf32>
      %add3A_157 = arith.addf %mul3A_153, %add3A_156 : vector<16xf32>
      %mul3A_158 = arith.mulf %get3A_151, %add3A_157 : vector<16xf32>
      %swap3A_159 = arith.index_cast %scan3A_117 : i32 to index
      %swap3A_160 = arith.constant 32 : index
      %swap3A_161 = tpu.vector_load %arg5[%swap3A_159, %swap3A_160] {strides = array<i32>} : memref<80x128xf32, #tpu.memory_space<vmem>>, vector<1x16xf32>,
      %swap3A_162 = vector.shape_cast %swap3A_161 : vector<1x16xf32> to vector<16xf32>
      %swap3A_163 = vector.shape_cast %mul3A_158 : vector<16xf32> to vector<1x16xf32>
      tpu.vector_store %arg5[%swap3A_159, %swap3A_160], %swap3A_163 {strides = array<i32>} : memref<80x128xf32, #tpu.memory_space<vmem>>, vector<1x16xf32>,
      %get3A_164 = arith.index_cast %scan3A_117 : i32 to index
      %get3A_165 = arith.constant 48 : index
      %get3A_166 = tpu.vector_load %arg5[%get3A_164, %get3A_165] {strides = array<i32>} : memref<80x128xf32, #tpu.memory_space<vmem>>, vector<1x16xf32>,
      %get3A_167 = vector.shape_cast %get3A_166 : vector<1x16xf32> to vector<16xf32>
      %mul3A_168 = vector.broadcast %convert_element_type3A : f32 to vector<16xf32>
      %mul3A_169 = arith.mulf %mul3A_168, %get3A_167 : vector<16xf32>
      %sub3A_170 = arith.constant 1.000000e+00 : f32
      %sub3A_171 = arith.subf %sub3A_170, %convert_element_type3A : f32
      %add3A_172 = vector.broadcast %sub3A_171 : f32 to vector<16xf32>
      %add3A_173 = arith.addf %mul3A_169, %add3A_172 : vector<16xf32>
      %mul3A_174 = arith.mulf %get3A_167, %add3A_173 : vector<16xf32>
      %swap3A_175 = arith.index_cast %scan3A_117 : i32 to index
      %swap3A_176 = arith.constant 48 : index
      %swap3A_177 = tpu.vector_load %arg5[%swap3A_175, %swap3A_176] {strides = array<i32>} : memref<80x128xf32, #tpu.memory_space<vmem>>, vector<1x16xf32>,
      %swap3A_178 = vector.shape_cast %swap3A_177 : vector<1x16xf32> to vector<16xf32>
      %swap3A_179 = vector.shape_cast %mul3A_174 : vector<16xf32> to vector<1x16xf32>
      tpu.vector_store %arg5[%swap3A_175, %swap3A_176], %swap3A_179 {strides = array<i32>} : memref<80x128xf32, #tpu.memory_space<vmem>>, vector<1x16xf32>,
      %get3A_180 = arith.index_cast %scan3A_117 : i32 to index
      %get3A_181 = arith.constant 64 : index
      %get3A_182 = tpu.vector_load %arg5[%get3A_180, %get3A_181] {strides = array<i32>} : memref<80x128xf32, #tpu.memory_space<vmem>>, vector<1x16xf32>,
      %get3A_183 = vector.shape_cast %get3A_182 : vector<1x16xf32> to vector<16xf32>
      %mul3A_184 = vector.broadcast %convert_element_type3A : f32 to vector<16xf32>
      %mul3A_185 = arith.mulf %mul3A_184, %get3A_183 : vector<16xf32>
      %sub3A_186 = arith.constant 1.000000e+00 : f32
      %sub3A_187 = arith.subf %sub3A_186, %convert_element_type3A : f32
      %add3A_188 = vector.broadcast %sub3A_187 : f32 to vector<16xf32>
      %add3A_189 = arith.addf %mul3A_185, %add3A_188 : vector<16xf32>
      %mul3A_190 = arith.mulf %get3A_183, %add3A_189 : vector<16xf32>
      %swap3A_191 = arith.index_cast %scan3A_117 : i32 to index
      %swap3A_192 = arith.constant 64 : index
      %swap3A_193 = tpu.vector_load %arg5[%swap3A_191, %swap3A_192] {strides = array<i32>} : memref<80x128xf32, #tpu.memory_space<vmem>>, vector<1x16xf32>,
      %swap3A_194 = vector.shape_cast %swap3A_193 : vector<1x16xf32> to vector<16xf32>
      %swap3A_195 = vector.shape_cast %mul3A_190 : vector<16xf32> to vector<1x16xf32>
      tpu.vector_store %arg5[%swap3A_191, %swap3A_192], %swap3A_195 {strides = array<i32>} : memref<80x128xf32, #tpu.memory_space<vmem>>, vector<1x16xf32>,
      %get3A_196 = arith.index_cast %scan3A_117 : i32 to index
      %get3A_197 = arith.constant 80 : index
      %get3A_198 = tpu.vector_load %arg5[%get3A_196, %get3A_197] {strides = array<i32>} : memref<80x128xf32, #tpu.memory_space<vmem>>, vector<1x16xf32>,
      %get3A_199 = vector.shape_cast %get3A_198 : vector<1x16xf32> to vector<16xf32>
      %mul3A_200 = vector.broadcast %convert_element_type3A : f32 to vector<16xf32>
      %mul3A_201 = arith.mulf %mul3A_200, %get3A_199 : vector<16xf32>
      %sub3A_202 = arith.constant 1.000000e+00 : f32
      %sub3A_203 = arith.subf %sub3A_202, %convert_element_type3A : f32
      %add3A_204 = vector.broadcast %sub3A_203 : f32 to vector<16xf32>
      %add3A_205 = arith.addf %mul3A_201, %add3A_204 : vector<16xf32>
      %mul3A_206 = arith.mulf %get3A_199, %add3A_205 : vector<16xf32>
      %swap3A_207 = arith.index_cast %scan3A_117 : i32 to index
      %swap3A_208 = arith.constant 80 : index
      %swap3A_209 = tpu.vector_load %arg5[%swap3A_207, %swap3A_208] {strides = array<i32>} : memref<80x128xf32, #tpu.memory_space<vmem>>, vector<1x16xf32>,
      %swap3A_210 = vector.shape_cast %swap3A_209 : vector<1x16xf32> to vector<16xf32>
      %swap3A_211 = vector.shape_cast %mul3A_206 : vector<16xf32> to vector<1x16xf32>
      tpu.vector_store %arg5[%swap3A_207, %swap3A_208], %swap3A_211 {strides = array<i32>} : memref<80x128xf32, #tpu.memory_space<vmem>>, vector<1x16xf32>,
      %get3A_212 = arith.index_cast %scan3A_117 : i32 to index
      %get3A_213 = arith.constant 96 : index
      %get3A_214 = tpu.vector_load %arg5[%get3A_212, %get3A_213] {strides = array<i32>} : memref<80x128xf32, #tpu.memory_space<vmem>>, vector<1x16xf32>,
      %get3A_215 = vector.shape_cast %get3A_214 : vector<1x16xf32> to vector<16xf32>
      %mul3A_216 = vector.broadcast %convert_element_type3A : f32 to vector<16xf32>
      %mul3A_217 = arith.mulf %mul3A_216, %get3A_215 : vector<16xf32>
      %sub3A_218 = arith.constant 1.000000e+00 : f32
      %sub3A_219 = arith.subf %sub3A_218, %convert_element_type3A : f32
      %add3A_220 = vector.broadcast %sub3A_219 : f32 to vector<16xf32>
      %add3A_221 = arith.addf %mul3A_217, %add3A_220 : vector<16xf32>
      %mul3A_222 = arith.mulf %get3A_215, %add3A_221 : vector<16xf32>
      %swap3A_223 = arith.index_cast %scan3A_117 : i32 to index
      %swap3A_224 = arith.constant 96 : index
      %swap3A_225 = tpu.vector_load %arg5[%swap3A_223, %swap3A_224] {strides = array<i32>} : memref<80x128xf32, #tpu.memory_space<vmem>>, vector<1x16xf32>,
      %swap3A_226 = vector.shape_cast %swap3A_225 : vector<1x16xf32> to vector<16xf32>
      %swap3A_227 = vector.shape_cast %mul3A_222 : vector<16xf32> to vector<1x16xf32>
      tpu.vector_store %arg5[%swap3A_223, %swap3A_224], %swap3A_227 {strides = array<i32>} : memref<80x128xf32, #tpu.memory_space<vmem>>, vector<1x16xf32>,
      %get3A_228 = arith.index_cast %scan3A_117 : i32 to index
      %get3A_229 = arith.constant 112 : index
      %get3A_230 = tpu.vector_load %arg5[%get3A_228, %get3A_229] {strides = array<i32>} : memref<80x128xf32, #tpu.memory_space<vmem>>, vector<1x16xf32>,
      %get3A_231 = vector.shape_cast %get3A_230 : vector<1x16xf32> to vector<16xf32>
      %mul3A_232 = vector.broadcast %convert_element_type3A : f32 to vector<16xf32>
      %mul3A_233 = arith.mulf %mul3A_232, %get3A_231 : vector<16xf32>
      %sub3A_234 = arith.constant 1.000000e+00 : f32
      %sub3A_235 = arith.subf %sub3A_234, %convert_element_type3A : f32
      %add3A_236 = vector.broadcast %sub3A_235 : f32 to vector<16xf32>
      %add3A_237 = arith.addf %mul3A_233, %add3A_236 : vector<16xf32>
      %mul3A_238 = arith.mulf %get3A_231, %add3A_237 : vector<16xf32>
      %swap3A_239 = arith.index_cast %scan3A_117 : i32 to index
      %swap3A_240 = arith.constant 112 : index
      %swap3A_241 = tpu.vector_load %arg5[%swap3A_239, %swap3A_240] {strides = array<i32>} : memref<80x128xf32, #tpu.memory_space<vmem>>, vector<1x16xf32>,
      %swap3A_242 = vector.shape_cast %swap3A_241 : vector<1x16xf32> to vector<16xf32>
      %swap3A_243 = vector.shape_cast %mul3A_238 : vector<16xf32> to vector<1x16xf32>
      tpu.vector_store %arg5[%swap3A_239, %swap3A_240], %swap3A_243 {strides = array<i32>} : memref<80x128xf32, #tpu.memory_space<vmem>>, vector<1x16xf32>,
      %scan3A_244 = arith.constant 0 : i32
      scf.yield %scan3A_244 : i32
    }
    %scan3A_60 = arith.constant 80 : i32
    %dma_start3A_61 = arith.constant 0 : i32
    %dma_start3A_62 = arith.constant 0 : i32
    %dma_start3A_63 = tpu.memref_slice %arg21[%dma_start3A_61, %dma_start3A_62] : memref<10000x128xf32, #tpu.memory_space<vmem_shared>> -> memref<10000x128xf32, #tpu.memory_space<vmem_shared>>
    tpu.enqueue_indirect_dma source(%arg5 : memref<80x128xf32, #tpu.memory_space<vmem>>) target(%dma_start3A_63 : memref<10000x128xf32, #tpu.memory_space<vmem_shared>>) offsets(%arg9 : memref<80xi32, #tpu.memory_space<vmem>>) semaphore(%arg17 : memref<!tpu.dma_semaphore, #tpu.memory_space<semaphore_mem>>) {add = true}
    %dma_wait3A_64 = arith.constant 0 : i32
    %dma_wait3A_65 = tpu.memref_slice %arg3[%dma_wait3A_64] : memref<320000xi32, #tpu.memory_space<hbm>> -> memref<80xi32, #tpu.memory_space<hbm>>
    %dma_wait3A_66 = arith.constant 0 : i32
    %dma_wait3A_67 = tpu.memref_slice %arg3[%dma_wait3A_66] : memref<320000xi32, #tpu.memory_space<hbm>> -> memref<80xi32, #tpu.memory_space<hbm>>
    tpu.wait_dma2 semaphore(%arg14 : memref<!tpu.dma_semaphore, #tpu.memory_space<semaphore_mem>>) src(%dma_wait3A_67 : memref<80xi32, #tpu.memory_space<hbm>>) dst(%arg10 : memref<80xi32, #tpu.memory_space<vmem>>)
    %dma_wait3A_68 = arith.constant 0 : i32
    %dma_wait3A_69 = arith.constant 0 : i32
    %dma_wait3A_70 = tpu.memref_slice %arg2[%dma_wait3A_68, %dma_wait3A_69] : memref<320000x128xf32, #tpu.memory_space<hbm>> -> memref<80x128xf32, #tpu.memory_space<hbm>>
    %dma_wait3A_71 = arith.constant 0 : i32
    %dma_wait3A_72 = arith.constant 0 : i32
    %dma_wait3A_73 = tpu.memref_slice %arg2[%dma_wait3A_71, %dma_wait3A_72] : memref<320000x128xf32, #tpu.memory_space<hbm>> -> memref<80x128xf32, #tpu.memory_space<hbm>>
    tpu.wait_dma2 semaphore(%arg14 : memref<!tpu.dma_semaphore, #tpu.memory_space<semaphore_mem>>) src(%dma_wait3A_73 : memref<80x128xf32, #tpu.memory_space<hbm>>) dst(%arg6 : memref<80x128xf32, #tpu.memory_space<vmem>>)
    %scan3A_74 = arith.constant 0 : i32
    %scan3A_75 = arith.constant 0 : i32
    %scan3A_76 = arith.constant 80 : i32
    %scan3A_77 = arith.addi %scan3A_75, %scan3A_76 : i32
    %scan3A_78 = arith.constant 1 : i32
    %scan3A_79 = scf.for %scan3A_117 = %scan3A_75 to %scan3A_77 step %scan3A_78 iter_args(%scan3A_118 = %scan3A_74) -> (i32)  : i32 {
      %get3A = arith.index_cast %scan3A_117 : i32 to index
      %get3A_119 = arith.constant 0 : index
      %get3A_120 = tpu.vector_load %arg6[%get3A, %get3A_119] {strides = array<i32>} : memref<80x128xf32, #tpu.memory_space<vmem>>, vector<1x16xf32>,
      %get3A_121 = vector.shape_cast %get3A_120 : vector<1x16xf32> to vector<16xf32>
      %mul3A_122 = vector.broadcast %convert_element_type3A : f32 to vector<16xf32>
      %mul3A_123 = arith.mulf %mul3A_122, %get3A_121 : vector<16xf32>
      %sub3A = arith.constant 1.000000e+00 : f32
      %sub3A_124 = arith.subf %sub3A, %convert_element_type3A : f32
      %add3A_125 = vector.broadcast %sub3A_124 : f32 to vector<16xf32>
      %add3A_126 = arith.addf %mul3A_123, %add3A_125 : vector<16xf32>
      %mul3A_127 = arith.mulf %get3A_121, %add3A_126 : vector<16xf32>
      %swap3A = arith.index_cast %scan3A_117 : i32 to index
      %swap3A_128 = arith.constant 0 : index
      %swap3A_129 = tpu.vector_load %arg6[%swap3A, %swap3A_128] {strides = array<i32>} : memref<80x128xf32, #tpu.memory_space<vmem>>, vector<1x16xf32>,
      %swap3A_130 = vector.shape_cast %swap3A_129 : vector<1x16xf32> to vector<16xf32>
      %swap3A_131 = vector.shape_cast %mul3A_127 : vector<16xf32> to vector<1x16xf32>
      tpu.vector_store %arg6[%swap3A, %swap3A_128], %swap3A_131 {strides = array<i32>} : memref<80x128xf32, #tpu.memory_space<vmem>>, vector<1x16xf32>,
      %get3A_132 = arith.index_cast %scan3A_117 : i32 to index
      %get3A_133 = arith.constant 16 : index
      %get3A_134 = tpu.vector_load %arg6[%get3A_132, %get3A_133] {strides = array<i32>} : memref<80x128xf32, #tpu.memory_space<vmem>>, vector<1x16xf32>,
      %get3A_135 = vector.shape_cast %get3A_134 : vector<1x16xf32> to vector<16xf32>
      %mul3A_136 = vector.broadcast %convert_element_type3A : f32 to vector<16xf32>
      %mul3A_137 = arith.mulf %mul3A_136, %get3A_135 : vector<16xf32>
      %sub3A_138 = arith.constant 1.000000e+00 : f32
      %sub3A_139 = arith.subf %sub3A_138, %convert_element_type3A : f32
      %add3A_140 = vector.broadcast %sub3A_139 : f32 to vector<16xf32>
      %add3A_141 = arith.addf %mul3A_137, %add3A_140 : vector<16xf32>
      %mul3A_142 = arith.mulf %get3A_135, %add3A_141 : vector<16xf32>
      %swap3A_143 = arith.index_cast %scan3A_117 : i32 to index
      %swap3A_144 = arith.constant 16 : index
      %swap3A_145 = tpu.vector_load %arg6[%swap3A_143, %swap3A_144] {strides = array<i32>} : memref<80x128xf32, #tpu.memory_space<vmem>>, vector<1x16xf32>,
      %swap3A_146 = vector.shape_cast %swap3A_145 : vector<1x16xf32> to vector<16xf32>
      %swap3A_147 = vector.shape_cast %mul3A_142 : vector<16xf32> to vector<1x16xf32>
      tpu.vector_store %arg6[%swap3A_143, %swap3A_144], %swap3A_147 {strides = array<i32>} : memref<80x128xf32, #tpu.memory_space<vmem>>, vector<1x16xf32>,
      %get3A_148 = arith.index_cast %scan3A_117 : i32 to index
      %get3A_149 = arith.constant 32 : index
      %get3A_150 = tpu.vector_load %arg6[%get3A_148, %get3A_149] {strides = array<i32>} : memref<80x128xf32, #tpu.memory_space<vmem>>, vector<1x16xf32>,
      %get3A_151 = vector.shape_cast %get3A_150 : vector<1x16xf32> to vector<16xf32>
      %mul3A_152 = vector.broadcast %convert_element_type3A : f32 to vector<16xf32>
      %mul3A_153 = arith.mulf %mul3A_152, %get3A_151 : vector<16xf32>
      %sub3A_154 = arith.constant 1.000000e+00 : f32
      %sub3A_155 = arith.subf %sub3A_154, %convert_element_type3A : f32
      %add3A_156 = vector.broadcast %sub3A_155 : f32 to vector<16xf32>
      %add3A_157 = arith.addf %mul3A_153, %add3A_156 : vector<16xf32>
      %mul3A_158 = arith.mulf %get3A_151, %add3A_157 : vector<16xf32>
      %swap3A_159 = arith.index_cast %scan3A_117 : i32 to index
      %swap3A_160 = arith.constant 32 : index
      %swap3A_161 = tpu.vector_load %arg6[%swap3A_159, %swap3A_160] {strides = array<i32>} : memref<80x128xf32, #tpu.memory_space<vmem>>, vector<1x16xf32>,
      %swap3A_162 = vector.shape_cast %swap3A_161 : vector<1x16xf32> to vector<16xf32>
      %swap3A_163 = vector.shape_cast %mul3A_158 : vector<16xf32> to vector<1x16xf32>
      tpu.vector_store %arg6[%swap3A_159, %swap3A_160], %swap3A_163 {strides = array<i32>} : memref<80x128xf32, #tpu.memory_space<vmem>>, vector<1x16xf32>,
      %get3A_164 = arith.index_cast %scan3A_117 : i32 to index
      %get3A_165 = arith.constant 48 : index
      %get3A_166 = tpu.vector_load %arg6[%get3A_164, %get3A_165] {strides = array<i32>} : memref<80x128xf32, #tpu.memory_space<vmem>>, vector<1x16xf32>,
      %get3A_167 = vector.shape_cast %get3A_166 : vector<1x16xf32> to vector<16xf32>
      %mul3A_168 = vector.broadcast %convert_element_type3A : f32 to vector<16xf32>
      %mul3A_169 = arith.mulf %mul3A_168, %get3A_167 : vector<16xf32>
      %sub3A_170 = arith.constant 1.000000e+00 : f32
      %sub3A_171 = arith.subf %sub3A_170, %convert_element_type3A : f32
      %add3A_172 = vector.broadcast %sub3A_171 : f32 to vector<16xf32>
      %add3A_173 = arith.addf %mul3A_169, %add3A_172 : vector<16xf32>
      %mul3A_174 = arith.mulf %get3A_167, %add3A_173 : vector<16xf32>
      %swap3A_175 = arith.index_cast %scan3A_117 : i32 to index
      %swap3A_176 = arith.constant 48 : index
      %swap3A_177 = tpu.vector_load %arg6[%swap3A_175, %swap3A_176] {strides = array<i32>} : memref<80x128xf32, #tpu.memory_space<vmem>>, vector<1x16xf32>,
      %swap3A_178 = vector.shape_cast %swap3A_177 : vector<1x16xf32> to vector<16xf32>
      %swap3A_179 = vector.shape_cast %mul3A_174 : vector<16xf32> to vector<1x16xf32>
      tpu.vector_store %arg6[%swap3A_175, %swap3A_176], %swap3A_179 {strides = array<i32>} : memref<80x128xf32, #tpu.memory_space<vmem>>, vector<1x16xf32>,
      %get3A_180 = arith.index_cast %scan3A_117 : i32 to index
      %get3A_181 = arith.constant 64 : index
      %get3A_182 = tpu.vector_load %arg6[%get3A_180, %get3A_181] {strides = array<i32>} : memref<80x128xf32, #tpu.memory_space<vmem>>, vector<1x16xf32>,
      %get3A_183 = vector.shape_cast %get3A_182 : vector<1x16xf32> to vector<16xf32>
      %mul3A_184 = vector.broadcast %convert_element_type3A : f32 to vector<16xf32>
      %mul3A_185 = arith.mulf %mul3A_184, %get3A_183 : vector<16xf32>
      %sub3A_186 = arith.constant 1.000000e+00 : f32
      %sub3A_187 = arith.subf %sub3A_186, %convert_element_type3A : f32
      %add3A_188 = vector.broadcast %sub3A_187 : f32 to vector<16xf32>
      %add3A_189 = arith.addf %mul3A_185, %add3A_188 : vector<16xf32>
      %mul3A_190 = arith.mulf %get3A_183, %add3A_189 : vector<16xf32>
      %swap3A_191 = arith.index_cast %scan3A_117 : i32 to index
      %swap3A_192 = arith.constant 64 : index
      %swap3A_193 = tpu.vector_load %arg6[%swap3A_191, %swap3A_192] {strides = array<i32>} : memref<80x128xf32, #tpu.memory_space<vmem>>, vector<1x16xf32>,
      %swap3A_194 = vector.shape_cast %swap3A_193 : vector<1x16xf32> to vector<16xf32>
      %swap3A_195 = vector.shape_cast %mul3A_190 : vector<16xf32> to vector<1x16xf32>
      tpu.vector_store %arg6[%swap3A_191, %swap3A_192], %swap3A_195 {strides = array<i32>} : memref<80x128xf32, #tpu.memory_space<vmem>>, vector<1x16xf32>,
      %get3A_196 = arith.index_cast %scan3A_117 : i32 to index
      %get3A_197 = arith.constant 80 : index
      %get3A_198 = tpu.vector_load %arg6[%get3A_196, %get3A_197] {strides = array<i32>} : memref<80x128xf32, #tpu.memory_space<vmem>>, vector<1x16xf32>,
      %get3A_199 = vector.shape_cast %get3A_198 : vector<1x16xf32> to vector<16xf32>
      %mul3A_200 = vector.broadcast %convert_element_type3A : f32 to vector<16xf32>
      %mul3A_201 = arith.mulf %mul3A_200, %get3A_199 : vector<16xf32>
      %sub3A_202 = arith.constant 1.000000e+00 : f32
      %sub3A_203 = arith.subf %sub3A_202, %convert_element_type3A : f32
      %add3A_204 = vector.broadcast %sub3A_203 : f32 to vector<16xf32>
      %add3A_205 = arith.addf %mul3A_201, %add3A_204 : vector<16xf32>
      %mul3A_206 = arith.mulf %get3A_199, %add3A_205 : vector<16xf32>
      %swap3A_207 = arith.index_cast %scan3A_117 : i32 to index
      %swap3A_208 = arith.constant 80 : index
      %swap3A_209 = tpu.vector_load %arg6[%swap3A_207, %swap3A_208] {strides = array<i32>} : memref<80x128xf32, #tpu.memory_space<vmem>>, vector<1x16xf32>,
      %swap3A_210 = vector.shape_cast %swap3A_209 : vector<1x16xf32> to vector<16xf32>
      %swap3A_211 = vector.shape_cast %mul3A_206 : vector<16xf32> to vector<1x16xf32>
      tpu.vector_store %arg6[%swap3A_207, %swap3A_208], %swap3A_211 {strides = array<i32>} : memref<80x128xf32, #tpu.memory_space<vmem>>, vector<1x16xf32>,
      %get3A_212 = arith.index_cast %scan3A_117 : i32 to index
      %get3A_213 = arith.constant 96 : index
      %get3A_214 = tpu.vector_load %arg6[%get3A_212, %get3A_213] {strides = array<i32>} : memref<80x128xf32, #tpu.memory_space<vmem>>, vector<1x16xf32>,
      %get3A_215 = vector.shape_cast %get3A_214 : vector<1x16xf32> to vector<16xf32>
      %mul3A_216 = vector.broadcast %convert_element_type3A : f32 to vector<16xf32>
      %mul3A_217 = arith.mulf %mul3A_216, %get3A_215 : vector<16xf32>
      %sub3A_218 = arith.constant 1.000000e+00 : f32
      %sub3A_219 = arith.subf %sub3A_218, %convert_element_type3A : f32
      %add3A_220 = vector.broadcast %sub3A_219 : f32 to vector<16xf32>
      %add3A_221 = arith.addf %mul3A_217, %add3A_220 : vector<16xf32>
      %mul3A_222 = arith.mulf %get3A_215, %add3A_221 : vector<16xf32>
      %swap3A_223 = arith.index_cast %scan3A_117 : i32 to index
      %swap3A_224 = arith.constant 96 : index
      %swap3A_225 = tpu.vector_load %arg6[%swap3A_223, %swap3A_224] {strides = array<i32>} : memref<80x128xf32, #tpu.memory_space<vmem>>, vector<1x16xf32>,
      %swap3A_226 = vector.shape_cast %swap3A_225 : vector<1x16xf32> to vector<16xf32>
      %swap3A_227 = vector.shape_cast %mul3A_222 : vector<16xf32> to vector<1x16xf32>
      tpu.vector_store %arg6[%swap3A_223, %swap3A_224], %swap3A_227 {strides = array<i32>} : memref<80x128xf32, #tpu.memory_space<vmem>>, vector<1x16xf32>,
      %get3A_228 = arith.index_cast %scan3A_117 : i32 to index
      %get3A_229 = arith.constant 112 : index
      %get3A_230 = tpu.vector_load %arg6[%get3A_228, %get3A_229] {strides = array<i32>} : memref<80x128xf32, #tpu.memory_space<vmem>>, vector<1x16xf32>,
      %get3A_231 = vector.shape_cast %get3A_230 : vector<1x16xf32> to vector<16xf32>
      %mul3A_232 = vector.broadcast %convert_element_type3A : f32 to vector<16xf32>
      %mul3A_233 = arith.mulf %mul3A_232, %get3A_231 : vector<16xf32>
      %sub3A_234 = arith.constant 1.000000e+00 : f32
      %sub3A_235 = arith.subf %sub3A_234, %convert_element_type3A : f32
      %add3A_236 = vector.broadcast %sub3A_235 : f32 to vector<16xf32>
      %add3A_237 = arith.addf %mul3A_233, %add3A_236 : vector<16xf32>
      %mul3A_238 = arith.mulf %get3A_231, %add3A_237 : vector<16xf32>
      %swap3A_239 = arith.index_cast %scan3A_117 : i32 to index
      %swap3A_240 = arith.constant 112 : index
      %swap3A_241 = tpu.vector_load %arg6[%swap3A_239, %swap3A_240] {strides = array<i32>} : memref<80x128xf32, #tpu.memory_space<vmem>>, vector<1x16xf32>,
      %swap3A_242 = vector.shape_cast %swap3A_241 : vector<1x16xf32> to vector<16xf32>
      %swap3A_243 = vector.shape_cast %mul3A_238 : vector<16xf32> to vector<1x16xf32>
      tpu.vector_store %arg6[%swap3A_239, %swap3A_240], %swap3A_243 {strides = array<i32>} : memref<80x128xf32, #tpu.memory_space<vmem>>, vector<1x16xf32>,
      %scan3A_244 = arith.constant 0 : i32
      scf.yield %scan3A_244 : i32
    }
    %scan3A_80 = arith.constant 80 : i32
    %dma_start3A_81 = arith.constant 0 : i32
    %dma_start3A_82 = arith.constant 0 : i32
    %dma_start3A_83 = tpu.memref_slice %arg21[%dma_start3A_81, %dma_start3A_82] : memref<10000x128xf32, #tpu.memory_space<vmem_shared>> -> memref<10000x128xf32, #tpu.memory_space<vmem_shared>>
    tpu.enqueue_indirect_dma source(%arg6 : memref<80x128xf32, #tpu.memory_space<vmem>>) target(%dma_start3A_83 : memref<10000x128xf32, #tpu.memory_space<vmem_shared>>) offsets(%arg10 : memref<80xi32, #tpu.memory_space<vmem>>) semaphore(%arg18 : memref<!tpu.dma_semaphore, #tpu.memory_space<semaphore_mem>>) {add = true}
    %dma_wait3A_84 = arith.constant 0 : i32
    %dma_wait3A_85 = arith.constant 0 : i32
    %dma_wait3A_86 = tpu.memref_slice %arg21[%dma_wait3A_84, %dma_wait3A_85] : memref<10000x128xf32, #tpu.memory_space<vmem_shared>> -> memref<10000x128xf32, #tpu.memory_space<vmem_shared>>
    tpu.wait_indirect_dma semaphore(%arg17 : memref<!tpu.dma_semaphore, #tpu.memory_space<semaphore_mem>>) src(%arg5 : memref<80x128xf32, #tpu.memory_space<vmem>>) dst(%dma_wait3A_86 : memref<10000x128xf32, #tpu.memory_space<vmem_shared>>)
    %dma_wait3A_87 = arith.constant 0 : i32
    %dma_wait3A_88 = arith.constant 0 : i32
    %dma_wait3A_89 = tpu.memref_slice %arg21[%dma_wait3A_87, %dma_wait3A_88] : memref<10000x128xf32, #tpu.memory_space<vmem_shared>> -> memref<10000x128xf32, #tpu.memory_space<vmem_shared>>
    tpu.wait_indirect_dma semaphore(%arg18 : memref<!tpu.dma_semaphore, #tpu.memory_space<semaphore_mem>>) src(%arg6 : memref<80x128xf32, #tpu.memory_space<vmem>>) dst(%dma_wait3A_89 : memref<10000x128xf32, #tpu.memory_space<vmem_shared>>)
    %dma_wait3A_90 = arith.constant 0 : i32
    %dma_wait3A_91 = arith.constant 0 : i32
    %dma_wait3A_92 = tpu.memref_slice %arg21[%dma_wait3A_90, %dma_wait3A_91] : memref<10000x128xf32, #tpu.memory_space<vmem_shared>> -> memref<10000x128xf32, #tpu.memory_space<vmem_shared>>
    tpu.wait_indirect_dma semaphore(%arg19 : memref<!tpu.dma_semaphore, #tpu.memory_space<semaphore_mem>>) src(%arg7 : memref<80x128xf32, #tpu.memory_space<vmem>>) dst(%dma_wait3A_92 : memref<10000x128xf32, #tpu.memory_space<vmem_shared>>)
    %dma_wait3A_93 = arith.constant 0 : i32
    %dma_wait3A_94 = arith.constant 0 : i32
    %dma_wait3A_95 = tpu.memref_slice %arg21[%dma_wait3A_93, %dma_wait3A_94] : memref<10000x128xf32, #tpu.memory_space<vmem_shared>> -> memref<10000x128xf32, #tpu.memory_space<vmem_shared>>
    tpu.wait_indirect_dma semaphore(%arg20 : memref<!tpu.dma_semaphore, #tpu.memory_space<semaphore_mem>>) src(%arg8 : memref<80x128xf32, #tpu.memory_space<vmem>>) dst(%dma_wait3A_95 : memref<10000x128xf32, #tpu.memory_space<vmem_shared>>)
    %barrier3A_96 = arith.constant 0 : index
    tpu.barrier barrier_id(%barrier3A_96)
    %lt3A_97 = arith.constant 15 : i32
    %lt3A_98 = arith.cmpi slt, %arg1, %lt3A_97 : i32
    %convert_element_type3A_99 = arith.extui %lt3A_98 : i1 to i32
    %cond3A_100 = arith.constant 0 : i32
    %cond3A_101 = arith.cmpi ne, %convert_element_type3A_99, %cond3A_100 : i32
    scf.if %cond3A_101 {
      %mul3A_117 = arith.constant 640 : i32
      %mul3A_118 = arith.muli %arg1, %mul3A_117 : i32
      %add3A_119 = arith.constant 0 : i32
      %add3A_120 = arith.addi %mul3A_118, %add3A_119 : i32
      %mul3A_121 = arith.constant 10000 : i32
      %mul3A_122 = arith.muli %arg0, %mul3A_121 : i32
      %add3A_123 = arith.addi %mul3A_122, %add3A_120 : i32
      %dma_start3A_124 = arith.constant 0 : i32
      %dma_start3A_125 = tpu.memref_slice %arg4[%add3A_123, %dma_start3A_124] : memref<20000x128xf32, #tpu.memory_space<hbm>> -> memref<80x128xf32, #tpu.memory_space<hbm>>
      %dma_start3A_126 = arith.constant 0 : i32
      %dma_start3A_127 = tpu.memref_slice %arg21[%add3A_120, %dma_start3A_126] : memref<10000x128xf32, #tpu.memory_space<vmem_shared>> -> memref<80x128xf32, #tpu.memory_space<vmem_shared>>
      tpu.enqueue_dma source(%dma_start3A_127 : memref<80x128xf32, #tpu.memory_space<vmem_shared>>) target(%dma_start3A_125 : memref<80x128xf32, #tpu.memory_space<hbm>>) target_semaphore(%arg13 : memref<!tpu.dma_semaphore, #tpu.memory_space<semaphore_mem>>)
      %mul3A_128 = arith.constant 640 : i32
      %mul3A_129 = arith.muli %arg1, %mul3A_128 : i32
      %add3A_130 = arith.constant 80 : i32
      %add3A_131 = arith.addi %mul3A_129, %add3A_130 : i32
      %mul3A_132 = arith.constant 10000 : i32
      %mul3A_133 = arith.muli %arg0, %mul3A_132 : i32
      %add3A_134 = arith.addi %mul3A_133, %add3A_131 : i32
      %dma_start3A_135 = arith.constant 0 : i32
      %dma_start3A_136 = tpu.memref_slice %arg4[%add3A_134, %dma_start3A_135] : memref<20000x128xf32, #tpu.memory_space<hbm>> -> memref<80x128xf32, #tpu.memory_space<hbm>>
      %dma_start3A_137 = arith.constant 0 : i32
      %dma_start3A_138 = tpu.memref_slice %arg21[%add3A_131, %dma_start3A_137] : memref<10000x128xf32, #tpu.memory_space<vmem_shared>> -> memref<80x128xf32, #tpu.memory_space<vmem_shared>>
      tpu.enqueue_dma source(%dma_start3A_138 : memref<80x128xf32, #tpu.memory_space<vmem_shared>>) target(%dma_start3A_136 : memref<80x128xf32, #tpu.memory_space<hbm>>) target_semaphore(%arg13 : memref<!tpu.dma_semaphore, #tpu.memory_space<semaphore_mem>>)
      %mul3A_139 = arith.constant 640 : i32
      %mul3A_140 = arith.muli %arg1, %mul3A_139 : i32
      %add3A_141 = arith.constant 160 : i32
      %add3A_142 = arith.addi %mul3A_140, %add3A_141 : i32
      %mul3A_143 = arith.constant 10000 : i32
      %mul3A_144 = arith.muli %arg0, %mul3A_143 : i32
      %add3A_145 = arith.addi %mul3A_144, %add3A_142 : i32
      %dma_start3A_146 = arith.constant 0 : i32
      %dma_start3A_147 = tpu.memref_slice %arg4[%add3A_145, %dma_start3A_146] : memref<20000x128xf32, #tpu.memory_space<hbm>> -> memref<80x128xf32, #tpu.memory_space<hbm>>
      %dma_start3A_148 = arith.constant 0 : i32
      %dma_start3A_149 = tpu.memref_slice %arg21[%add3A_142, %dma_start3A_148] : memref<10000x128xf32, #tpu.memory_space<vmem_shared>> -> memref<80x128xf32, #tpu.memory_space<vmem_shared>>
      tpu.enqueue_dma source(%dma_start3A_149 : memref<80x128xf32, #tpu.memory_space<vmem_shared>>) target(%dma_start3A_147 : memref<80x128xf32, #tpu.memory_space<hbm>>) target_semaphore(%arg13 : memref<!tpu.dma_semaphore, #tpu.memory_space<semaphore_mem>>)
      %mul3A_150 = arith.constant 640 : i32
      %mul3A_151 = arith.muli %arg1, %mul3A_150 : i32
      %add3A_152 = arith.constant 240 : i32
      %add3A_153 = arith.addi %mul3A_151, %add3A_152 : i32
      %mul3A_154 = arith.constant 10000 : i32
      %mul3A_155 = arith.muli %arg0, %mul3A_154 : i32
      %add3A_156 = arith.addi %mul3A_155, %add3A_153 : i32
      %dma_start3A_157 = arith.constant 0 : i32
      %dma_start3A_158 = tpu.memref_slice %arg4[%add3A_156, %dma_start3A_157] : memref<20000x128xf32, #tpu.memory_space<hbm>> -> memref<80x128xf32, #tpu.memory_space<hbm>>
      %dma_start3A_159 = arith.constant 0 : i32
      %dma_start3A_160 = tpu.memref_slice %arg21[%add3A_153, %dma_start3A_159] : memref<10000x128xf32, #tpu.memory_space<vmem_shared>> -> memref<80x128xf32, #tpu.memory_space<vmem_shared>>
      tpu.enqueue_dma source(%dma_start3A_160 : memref<80x128xf32, #tpu.memory_space<vmem_shared>>) target(%dma_start3A_158 : memref<80x128xf32, #tpu.memory_space<hbm>>) target_semaphore(%arg13 : memref<!tpu.dma_semaphore, #tpu.memory_space<semaphore_mem>>)
      %mul3A_161 = arith.constant 640 : i32
      %mul3A_162 = arith.muli %arg1, %mul3A_161 : i32
      %add3A_163 = arith.constant 320 : i32
      %add3A_164 = arith.addi %mul3A_162, %add3A_163 : i32
      %mul3A_165 = arith.constant 10000 : i32
      %mul3A_166 = arith.muli %arg0, %mul3A_165 : i32
      %add3A_167 = arith.addi %mul3A_166, %add3A_164 : i32
      %dma_start3A_168 = arith.constant 0 : i32
      %dma_start3A_169 = tpu.memref_slice %arg4[%add3A_167, %dma_start3A_168] : memref<20000x128xf32, #tpu.memory_space<hbm>> -> memref<80x128xf32, #tpu.memory_space<hbm>>
      %dma_start3A_170 = arith.constant 0 : i32
      %dma_start3A_171 = tpu.memref_slice %arg21[%add3A_164, %dma_start3A_170] : memref<10000x128xf32, #tpu.memory_space<vmem_shared>> -> memref<80x128xf32, #tpu.memory_space<vmem_shared>>
      tpu.enqueue_dma source(%dma_start3A_171 : memref<80x128xf32, #tpu.memory_space<vmem_shared>>) target(%dma_start3A_169 : memref<80x128xf32, #tpu.memory_space<hbm>>) target_semaphore(%arg13 : memref<!tpu.dma_semaphore, #tpu.memory_space<semaphore_mem>>)
      %mul3A_172 = arith.constant 640 : i32
      %mul3A_173 = arith.muli %arg1, %mul3A_172 : i32
      %add3A_174 = arith.constant 400 : i32
      %add3A_175 = arith.addi %mul3A_173, %add3A_174 : i32
      %mul3A_176 = arith.constant 10000 : i32
      %mul3A_177 = arith.muli %arg0, %mul3A_176 : i32
      %add3A_178 = arith.addi %mul3A_177, %add3A_175 : i32
      %dma_start3A_179 = arith.constant 0 : i32
      %dma_start3A_180 = tpu.memref_slice %arg4[%add3A_178, %dma_start3A_179] : memref<20000x128xf32, #tpu.memory_space<hbm>> -> memref<80x128xf32, #tpu.memory_space<hbm>>
      %dma_start3A_181 = arith.constant 0 : i32
      %dma_start3A_182 = tpu.memref_slice %arg21[%add3A_175, %dma_start3A_181] : memref<10000x128xf32, #tpu.memory_space<vmem_shared>> -> memref<80x128xf32, #tpu.memory_space<vmem_shared>>
      tpu.enqueue_dma source(%dma_start3A_182 : memref<80x128xf32, #tpu.memory_space<vmem_shared>>) target(%dma_start3A_180 : memref<80x128xf32, #tpu.memory_space<hbm>>) target_semaphore(%arg13 : memref<!tpu.dma_semaphore, #tpu.memory_space<semaphore_mem>>)
      %mul3A_183 = arith.constant 640 : i32
      %mul3A_184 = arith.muli %arg1, %mul3A_183 : i32
      %add3A_185 = arith.constant 480 : i32
      %add3A_186 = arith.addi %mul3A_184, %add3A_185 : i32
      %mul3A_187 = arith.constant 10000 : i32
      %mul3A_188 = arith.muli %arg0, %mul3A_187 : i32
      %add3A_189 = arith.addi %mul3A_188, %add3A_186 : i32
      %dma_start3A_190 = arith.constant 0 : i32
      %dma_start3A_191 = tpu.memref_slice %arg4[%add3A_189, %dma_start3A_190] : memref<20000x128xf32, #tpu.memory_space<hbm>> -> memref<80x128xf32, #tpu.memory_space<hbm>>
      %dma_start3A_192 = arith.constant 0 : i32
      %dma_start3A_193 = tpu.memref_slice %arg21[%add3A_186, %dma_start3A_192] : memref<10000x128xf32, #tpu.memory_space<vmem_shared>> -> memref<80x128xf32, #tpu.memory_space<vmem_shared>>
      tpu.enqueue_dma source(%dma_start3A_193 : memref<80x128xf32, #tpu.memory_space<vmem_shared>>) target(%dma_start3A_191 : memref<80x128xf32, #tpu.memory_space<hbm>>) target_semaphore(%arg13 : memref<!tpu.dma_semaphore, #tpu.memory_space<semaphore_mem>>)
      %mul3A_194 = arith.constant 640 : i32
      %mul3A_195 = arith.muli %arg1, %mul3A_194 : i32
      %add3A_196 = arith.constant 560 : i32
      %add3A_197 = arith.addi %mul3A_195, %add3A_196 : i32
      %mul3A_198 = arith.constant 10000 : i32
      %mul3A_199 = arith.muli %arg0, %mul3A_198 : i32
      %add3A_200 = arith.addi %mul3A_199, %add3A_197 : i32
      %dma_start3A_201 = arith.constant 0 : i32
      %dma_start3A_202 = tpu.memref_slice %arg4[%add3A_200, %dma_start3A_201] : memref<20000x128xf32, #tpu.memory_space<hbm>> -> memref<80x128xf32, #tpu.memory_space<hbm>>
      %dma_start3A_203 = arith.constant 0 : i32
      %dma_start3A_204 = tpu.memref_slice %arg21[%add3A_197, %dma_start3A_203] : memref<10000x128xf32, #tpu.memory_space<vmem_shared>> -> memref<80x128xf32, #tpu.memory_space<vmem_shared>>
      tpu.enqueue_dma source(%dma_start3A_204 : memref<80x128xf32, #tpu.memory_space<vmem_shared>>) target(%dma_start3A_202 : memref<80x128xf32, #tpu.memory_space<hbm>>) target_semaphore(%arg13 : memref<!tpu.dma_semaphore, #tpu.memory_space<semaphore_mem>>)
    } else {
    }
    %eq3A_102 = arith.constant 15 : i32
    %eq3A_103 = arith.cmpi eq, %arg1, %eq3A_102 : i32
    %convert_element_type3A_104 = arith.extui %eq3A_103 : i1 to i32
    %cond3A_105 = arith.constant 0 : i32
    %cond3A_106 = arith.cmpi ne, %convert_element_type3A_104, %cond3A_105 : i32
    scf.if %cond3A_106 {
      %mul3A_117 = arith.constant 10000 : i32
      %mul3A_118 = arith.muli %arg0, %mul3A_117 : i32
      %add3A_119 = arith.constant 9600 : i32
      %add3A_120 = arith.addi %mul3A_118, %add3A_119 : i32
      %dma_start3A_121 = arith.constant 0 : i32
      %dma_start3A_122 = tpu.memref_slice %arg4[%add3A_120, %dma_start3A_121] : memref<20000x128xf32, #tpu.memory_space<hbm>> -> memref<80x128xf32, #tpu.memory_space<hbm>>
      %dma_start3A_123 = arith.constant 9600 : i32
      %dma_start3A_124 = arith.constant 0 : i32
      %dma_start3A_125 = tpu.memref_slice %arg21[%dma_start3A_123, %dma_start3A_124] : memref<10000x128xf32, #tpu.memory_space<vmem_shared>> -> memref<80x128xf32, #tpu.memory_space<vmem_shared>>
      tpu.enqueue_dma source(%dma_start3A_125 : memref<80x128xf32, #tpu.memory_space<vmem_shared>>) target(%dma_start3A_122 : memref<80x128xf32, #tpu.memory_space<hbm>>) target_semaphore(%arg13 : memref<!tpu.dma_semaphore, #tpu.memory_space<semaphore_mem>>)
      %mul3A_126 = arith.constant 10000 : i32
      %mul3A_127 = arith.muli %arg0, %mul3A_126 : i32
      %add3A_128 = arith.constant 9680 : i32
      %add3A_129 = arith.addi %mul3A_127, %add3A_128 : i32
      %dma_start3A_130 = arith.constant 0 : i32
      %dma_start3A_131 = tpu.memref_slice %arg4[%add3A_129, %dma_start3A_130] : memref<20000x128xf32, #tpu.memory_space<hbm>> -> memref<80x128xf32, #tpu.memory_space<hbm>>
      %dma_start3A_132 = arith.constant 9680 : i32
      %dma_start3A_133 = arith.constant 0 : i32
      %dma_start3A_134 = tpu.memref_slice %arg21[%dma_start3A_132, %dma_start3A_133] : memref<10000x128xf32, #tpu.memory_space<vmem_shared>> -> memref<80x128xf32, #tpu.memory_space<vmem_shared>>
      tpu.enqueue_dma source(%dma_start3A_134 : memref<80x128xf32, #tpu.memory_space<vmem_shared>>) target(%dma_start3A_131 : memref<80x128xf32, #tpu.memory_space<hbm>>) target_semaphore(%arg13 : memref<!tpu.dma_semaphore, #tpu.memory_space<semaphore_mem>>)
      %mul3A_135 = arith.constant 10000 : i32
      %mul3A_136 = arith.muli %arg0, %mul3A_135 : i32
      %add3A_137 = arith.constant 9760 : i32
      %add3A_138 = arith.addi %mul3A_136, %add3A_137 : i32
      %dma_start3A_139 = arith.constant 0 : i32
      %dma_start3A_140 = tpu.memref_slice %arg4[%add3A_138, %dma_start3A_139] : memref<20000x128xf32, #tpu.memory_space<hbm>> -> memref<80x128xf32, #tpu.memory_space<hbm>>
      %dma_start3A_141 = arith.constant 9760 : i32
      %dma_start3A_142 = arith.constant 0 : i32
      %dma_start3A_143 = tpu.memref_slice %arg21[%dma_start3A_141, %dma_start3A_142] : memref<10000x128xf32, #tpu.memory_space<vmem_shared>> -> memref<80x128xf32, #tpu.memory_space<vmem_shared>>
      tpu.enqueue_dma source(%dma_start3A_143 : memref<80x128xf32, #tpu.memory_space<vmem_shared>>) target(%dma_start3A_140 : memref<80x128xf32, #tpu.memory_space<hbm>>) target_semaphore(%arg13 : memref<!tpu.dma_semaphore, #tpu.memory_space<semaphore_mem>>)
      %mul3A_144 = arith.constant 10000 : i32
      %mul3A_145 = arith.muli %arg0, %mul3A_144 : i32
      %add3A_146 = arith.constant 9840 : i32
      %add3A_147 = arith.addi %mul3A_145, %add3A_146 : i32
      %dma_start3A_148 = arith.constant 0 : i32
      %dma_start3A_149 = tpu.memref_slice %arg4[%add3A_147, %dma_start3A_148] : memref<20000x128xf32, #tpu.memory_space<hbm>> -> memref<80x128xf32, #tpu.memory_space<hbm>>
      %dma_start3A_150 = arith.constant 9840 : i32
      %dma_start3A_151 = arith.constant 0 : i32
      %dma_start3A_152 = tpu.memref_slice %arg21[%dma_start3A_150, %dma_start3A_151] : memref<10000x128xf32, #tpu.memory_space<vmem_shared>> -> memref<80x128xf32, #tpu.memory_space<vmem_shared>>
      tpu.enqueue_dma source(%dma_start3A_152 : memref<80x128xf32, #tpu.memory_space<vmem_shared>>) target(%dma_start3A_149 : memref<80x128xf32, #tpu.memory_space<hbm>>) target_semaphore(%arg13 : memref<!tpu.dma_semaphore, #tpu.memory_space<semaphore_mem>>)
      %mul3A_153 = arith.constant 10000 : i32
      %mul3A_154 = arith.muli %arg0, %mul3A_153 : i32
      %add3A_155 = arith.constant 9920 : i32
      %add3A_156 = arith.addi %mul3A_154, %add3A_155 : i32
      %dma_start3A_157 = arith.constant 0 : i32
      %dma_start3A_158 = tpu.memref_slice %arg4[%add3A_156, %dma_start3A_157] : memref<20000x128xf32, #tpu.memory_space<hbm>> -> memref<80x128xf32, #tpu.memory_space<hbm>>
      %dma_start3A_159 = arith.constant 9920 : i32
      %dma_start3A_160 = arith.constant 0 : i32
      %dma_start3A_161 = tpu.memref_slice %arg21[%dma_start3A_159, %dma_start3A_160] : memref<10000x128xf32, #tpu.memory_space<vmem_shared>> -> memref<80x128xf32, #tpu.memory_space<vmem_shared>>
      tpu.enqueue_dma source(%dma_start3A_161 : memref<80x128xf32, #tpu.memory_space<vmem_shared>>) target(%dma_start3A_158 : memref<80x128xf32, #tpu.memory_space<hbm>>) target_semaphore(%arg13 : memref<!tpu.dma_semaphore, #tpu.memory_space<semaphore_mem>>)
    } else {
    }
    %lt3A_107 = arith.constant 15 : i32
    %lt3A_108 = arith.cmpi slt, %arg1, %lt3A_107 : i32
    %convert_element_type3A_109 = arith.extui %lt3A_108 : i1 to i32
    %cond3A_110 = arith.constant 0 : i32
    %cond3A_111 = arith.cmpi ne, %convert_element_type3A_109, %cond3A_110 : i32
    scf.if %cond3A_111 {
      %mul3A_117 = arith.constant 640 : i32
      %mul3A_118 = arith.muli %arg1, %mul3A_117 : i32
      %add3A_119 = arith.constant 0 : i32
      %add3A_120 = arith.addi %mul3A_118, %add3A_119 : i32
      %mul3A_121 = arith.constant 10000 : i32
      %mul3A_122 = arith.muli %arg0, %mul3A_121 : i32
      %add3A_123 = arith.addi %mul3A_122, %add3A_120 : i32
      %dma_wait3A_124 = arith.constant 0 : i32
      %dma_wait3A_125 = tpu.memref_slice %arg4[%add3A_123, %dma_wait3A_124] : memref<20000x128xf32, #tpu.memory_space<hbm>> -> memref<80x128xf32, #tpu.memory_space<hbm>>
      %dma_wait3A_126 = arith.constant 0 : i32
      %dma_wait3A_127 = tpu.memref_slice %arg21[%add3A_120, %dma_wait3A_126] : memref<10000x128xf32, #tpu.memory_space<vmem_shared>> -> memref<80x128xf32, #tpu.memory_space<vmem_shared>>
      tpu.wait_dma2 semaphore(%arg13 : memref<!tpu.dma_semaphore, #tpu.memory_space<semaphore_mem>>) src(%dma_wait3A_127 : memref<80x128xf32, #tpu.memory_space<vmem_shared>>) dst(%dma_wait3A_125 : memref<80x128xf32, #tpu.memory_space<hbm>>)
      %mul3A_128 = arith.constant 640 : i32
      %mul3A_129 = arith.muli %arg1, %mul3A_128 : i32
      %add3A_130 = arith.constant 80 : i32
      %add3A_131 = arith.addi %mul3A_129, %add3A_130 : i32
      %mul3A_132 = arith.constant 10000 : i32
      %mul3A_133 = arith.muli %arg0, %mul3A_132 : i32
      %add3A_134 = arith.addi %mul3A_133, %add3A_131 : i32
      %dma_wait3A_135 = arith.constant 0 : i32
      %dma_wait3A_136 = tpu.memref_slice %arg4[%add3A_134, %dma_wait3A_135] : memref<20000x128xf32, #tpu.memory_space<hbm>> -> memref<80x128xf32, #tpu.memory_space<hbm>>
      %dma_wait3A_137 = arith.constant 0 : i32
      %dma_wait3A_138 = tpu.memref_slice %arg21[%add3A_131, %dma_wait3A_137] : memref<10000x128xf32, #tpu.memory_space<vmem_shared>> -> memref<80x128xf32, #tpu.memory_space<vmem_shared>>
      tpu.wait_dma2 semaphore(%arg13 : memref<!tpu.dma_semaphore, #tpu.memory_space<semaphore_mem>>) src(%dma_wait3A_138 : memref<80x128xf32, #tpu.memory_space<vmem_shared>>) dst(%dma_wait3A_136 : memref<80x128xf32, #tpu.memory_space<hbm>>)
      %mul3A_139 = arith.constant 640 : i32
      %mul3A_140 = arith.muli %arg1, %mul3A_139 : i32
      %add3A_141 = arith.constant 160 : i32
      %add3A_142 = arith.addi %mul3A_140, %add3A_141 : i32
      %mul3A_143 = arith.constant 10000 : i32
      %mul3A_144 = arith.muli %arg0, %mul3A_143 : i32
      %add3A_145 = arith.addi %mul3A_144, %add3A_142 : i32
      %dma_wait3A_146 = arith.constant 0 : i32
      %dma_wait3A_147 = tpu.memref_slice %arg4[%add3A_145, %dma_wait3A_146] : memref<20000x128xf32, #tpu.memory_space<hbm>> -> memref<80x128xf32, #tpu.memory_space<hbm>>
      %dma_wait3A_148 = arith.constant 0 : i32
      %dma_wait3A_149 = tpu.memref_slice %arg21[%add3A_142, %dma_wait3A_148] : memref<10000x128xf32, #tpu.memory_space<vmem_shared>> -> memref<80x128xf32, #tpu.memory_space<vmem_shared>>
      tpu.wait_dma2 semaphore(%arg13 : memref<!tpu.dma_semaphore, #tpu.memory_space<semaphore_mem>>) src(%dma_wait3A_149 : memref<80x128xf32, #tpu.memory_space<vmem_shared>>) dst(%dma_wait3A_147 : memref<80x128xf32, #tpu.memory_space<hbm>>)
      %mul3A_150 = arith.constant 640 : i32
      %mul3A_151 = arith.muli %arg1, %mul3A_150 : i32
      %add3A_152 = arith.constant 240 : i32
      %add3A_153 = arith.addi %mul3A_151, %add3A_152 : i32
      %mul3A_154 = arith.constant 10000 : i32
      %mul3A_155 = arith.muli %arg0, %mul3A_154 : i32
      %add3A_156 = arith.addi %mul3A_155, %add3A_153 : i32
      %dma_wait3A_157 = arith.constant 0 : i32
      %dma_wait3A_158 = tpu.memref_slice %arg4[%add3A_156, %dma_wait3A_157] : memref<20000x128xf32, #tpu.memory_space<hbm>> -> memref<80x128xf32, #tpu.memory_space<hbm>>
      %dma_wait3A_159 = arith.constant 0 : i32
      %dma_wait3A_160 = tpu.memref_slice %arg21[%add3A_153, %dma_wait3A_159] : memref<10000x128xf32, #tpu.memory_space<vmem_shared>> -> memref<80x128xf32, #tpu.memory_space<vmem_shared>>
      tpu.wait_dma2 semaphore(%arg13 : memref<!tpu.dma_semaphore, #tpu.memory_space<semaphore_mem>>) src(%dma_wait3A_160 : memref<80x128xf32, #tpu.memory_space<vmem_shared>>) dst(%dma_wait3A_158 : memref<80x128xf32, #tpu.memory_space<hbm>>)
      %mul3A_161 = arith.constant 640 : i32
      %mul3A_162 = arith.muli %arg1, %mul3A_161 : i32
      %add3A_163 = arith.constant 320 : i32
      %add3A_164 = arith.addi %mul3A_162, %add3A_163 : i32
      %mul3A_165 = arith.constant 10000 : i32
      %mul3A_166 = arith.muli %arg0, %mul3A_165 : i32
      %add3A_167 = arith.addi %mul3A_166, %add3A_164 : i32
      %dma_wait3A_168 = arith.constant 0 : i32
      %dma_wait3A_169 = tpu.memref_slice %arg4[%add3A_167, %dma_wait3A_168] : memref<20000x128xf32, #tpu.memory_space<hbm>> -> memref<80x128xf32, #tpu.memory_space<hbm>>
      %dma_wait3A_170 = arith.constant 0 : i32
      %dma_wait3A_171 = tpu.memref_slice %arg21[%add3A_164, %dma_wait3A_170] : memref<10000x128xf32, #tpu.memory_space<vmem_shared>> -> memref<80x128xf32, #tpu.memory_space<vmem_shared>>
      tpu.wait_dma2 semaphore(%arg13 : memref<!tpu.dma_semaphore, #tpu.memory_space<semaphore_mem>>) src(%dma_wait3A_171 : memref<80x128xf32, #tpu.memory_space<vmem_shared>>) dst(%dma_wait3A_169 : memref<80x128xf32, #tpu.memory_space<hbm>>)
      %mul3A_172 = arith.constant 640 : i32
      %mul3A_173 = arith.muli %arg1, %mul3A_172 : i32
      %add3A_174 = arith.constant 400 : i32
      %add3A_175 = arith.addi %mul3A_173, %add3A_174 : i32
      %mul3A_176 = arith.constant 10000 : i32
      %mul3A_177 = arith.muli %arg0, %mul3A_176 : i32
      %add3A_178 = arith.addi %mul3A_177, %add3A_175 : i32
      %dma_wait3A_179 = arith.constant 0 : i32
      %dma_wait3A_180 = tpu.memref_slice %arg4[%add3A_178, %dma_wait3A_179] : memref<20000x128xf32, #tpu.memory_space<hbm>> -> memref<80x128xf32, #tpu.memory_space<hbm>>
      %dma_wait3A_181 = arith.constant 0 : i32
      %dma_wait3A_182 = tpu.memref_slice %arg21[%add3A_175, %dma_wait3A_181] : memref<10000x128xf32, #tpu.memory_space<vmem_shared>> -> memref<80x128xf32, #tpu.memory_space<vmem_shared>>
      tpu.wait_dma2 semaphore(%arg13 : memref<!tpu.dma_semaphore, #tpu.memory_space<semaphore_mem>>) src(%dma_wait3A_182 : memref<80x128xf32, #tpu.memory_space<vmem_shared>>) dst(%dma_wait3A_180 : memref<80x128xf32, #tpu.memory_space<hbm>>)
      %mul3A_183 = arith.constant 640 : i32
      %mul3A_184 = arith.muli %arg1, %mul3A_183 : i32
      %add3A_185 = arith.constant 480 : i32
      %add3A_186 = arith.addi %mul3A_184, %add3A_185 : i32
      %mul3A_187 = arith.constant 10000 : i32
      %mul3A_188 = arith.muli %arg0, %mul3A_187 : i32
      %add3A_189 = arith.addi %mul3A_188, %add3A_186 : i32
      %dma_wait3A_190 = arith.constant 0 : i32
      %dma_wait3A_191 = tpu.memref_slice %arg4[%add3A_189, %dma_wait3A_190] : memref<20000x128xf32, #tpu.memory_space<hbm>> -> memref<80x128xf32, #tpu.memory_space<hbm>>
      %dma_wait3A_192 = arith.constant 0 : i32
      %dma_wait3A_193 = tpu.memref_slice %arg21[%add3A_186, %dma_wait3A_192] : memref<10000x128xf32, #tpu.memory_space<vmem_shared>> -> memref<80x128xf32, #tpu.memory_space<vmem_shared>>
      tpu.wait_dma2 semaphore(%arg13 : memref<!tpu.dma_semaphore, #tpu.memory_space<semaphore_mem>>) src(%dma_wait3A_193 : memref<80x128xf32, #tpu.memory_space<vmem_shared>>) dst(%dma_wait3A_191 : memref<80x128xf32, #tpu.memory_space<hbm>>)
      %mul3A_194 = arith.constant 640 : i32
      %mul3A_195 = arith.muli %arg1, %mul3A_194 : i32
      %add3A_196 = arith.constant 560 : i32
      %add3A_197 = arith.addi %mul3A_195, %add3A_196 : i32
      %mul3A_198 = arith.constant 10000 : i32
      %mul3A_199 = arith.muli %arg0, %mul3A_198 : i32
      %add3A_200 = arith.addi %mul3A_199, %add3A_197 : i32
      %dma_wait3A_201 = arith.constant 0 : i32
      %dma_wait3A_202 = tpu.memref_slice %arg4[%add3A_200, %dma_wait3A_201] : memref<20000x128xf32, #tpu.memory_space<hbm>> -> memref<80x128xf32, #tpu.memory_space<hbm>>
      %dma_wait3A_203 = arith.constant 0 : i32
      %dma_wait3A_204 = tpu.memref_slice %arg21[%add3A_197, %dma_wait3A_203] : memref<10000x128xf32, #tpu.memory_space<vmem_shared>> -> memref<80x128xf32, #tpu.memory_space<vmem_shared>>
      tpu.wait_dma2 semaphore(%arg13 : memref<!tpu.dma_semaphore, #tpu.memory_space<semaphore_mem>>) src(%dma_wait3A_204 : memref<80x128xf32, #tpu.memory_space<vmem_shared>>) dst(%dma_wait3A_202 : memref<80x128xf32, #tpu.memory_space<hbm>>)
    } else {
    }
    %eq3A_112 = arith.constant 15 : i32
    %eq3A_113 = arith.cmpi eq, %arg1, %eq3A_112 : i32
    %convert_element_type3A_114 = arith.extui %eq3A_113 : i1 to i32
    %cond3A_115 = arith.constant 0 : i32
    %cond3A_116 = arith.cmpi ne, %convert_element_type3A_114, %cond3A_115 : i32
    scf.if %cond3A_116 {
      %mul3A_117 = arith.constant 10000 : i32
      %mul3A_118 = arith.muli %arg0, %mul3A_117 : i32
      %add3A_119 = arith.constant 9600 : i32
      %add3A_120 = arith.addi %mul3A_118, %add3A_119 : i32
      %dma_wait3A_121 = arith.constant 0 : i32
      %dma_wait3A_122 = tpu.memref_slice %arg4[%add3A_120, %dma_wait3A_121] : memref<20000x128xf32, #tpu.memory_space<hbm>> -> memref<80x128xf32, #tpu.memory_space<hbm>>
      %dma_wait3A_123 = arith.constant 9600 : i32
      %dma_wait3A_124 = arith.constant 0 : i32
      %dma_wait3A_125 = tpu.memref_slice %arg21[%dma_wait3A_123, %dma_wait3A_124] : memref<10000x128xf32, #tpu.memory_space<vmem_shared>> -> memref<80x128xf32, #tpu.memory_space<vmem_shared>>
      tpu.wait_dma2 semaphore(%arg13 : memref<!tpu.dma_semaphore, #tpu.memory_space<semaphore_mem>>) src(%dma_wait3A_125 : memref<80x128xf32, #tpu.memory_space<vmem_shared>>) dst(%dma_wait3A_122 : memref<80x128xf32, #tpu.memory_space<hbm>>)
      %mul3A_126 = arith.constant 10000 : i32
      %mul3A_127 = arith.muli %arg0, %mul3A_126 : i32
      %add3A_128 = arith.constant 9680 : i32
      %add3A_129 = arith.addi %mul3A_127, %add3A_128 : i32
      %dma_wait3A_130 = arith.constant 0 : i32
      %dma_wait3A_131 = tpu.memref_slice %arg4[%add3A_129, %dma_wait3A_130] : memref<20000x128xf32, #tpu.memory_space<hbm>> -> memref<80x128xf32, #tpu.memory_space<hbm>>
      %dma_wait3A_132 = arith.constant 9680 : i32
      %dma_wait3A_133 = arith.constant 0 : i32
      %dma_wait3A_134 = tpu.memref_slice %arg21[%dma_wait3A_132, %dma_wait3A_133] : memref<10000x128xf32, #tpu.memory_space<vmem_shared>> -> memref<80x128xf32, #tpu.memory_space<vmem_shared>>
      tpu.wait_dma2 semaphore(%arg13 : memref<!tpu.dma_semaphore, #tpu.memory_space<semaphore_mem>>) src(%dma_wait3A_134 : memref<80x128xf32, #tpu.memory_space<vmem_shared>>) dst(%dma_wait3A_131 : memref<80x128xf32, #tpu.memory_space<hbm>>)
      %mul3A_135 = arith.constant 10000 : i32
      %mul3A_136 = arith.muli %arg0, %mul3A_135 : i32
      %add3A_137 = arith.constant 9760 : i32
      %add3A_138 = arith.addi %mul3A_136, %add3A_137 : i32
      %dma_wait3A_139 = arith.constant 0 : i32
      %dma_wait3A_140 = tpu.memref_slice %arg4[%add3A_138, %dma_wait3A_139] : memref<20000x128xf32, #tpu.memory_space<hbm>> -> memref<80x128xf32, #tpu.memory_space<hbm>>
      %dma_wait3A_141 = arith.constant 9760 : i32
      %dma_wait3A_142 = arith.constant 0 : i32
      %dma_wait3A_143 = tpu.memref_slice %arg21[%dma_wait3A_141, %dma_wait3A_142] : memref<10000x128xf32, #tpu.memory_space<vmem_shared>> -> memref<80x128xf32, #tpu.memory_space<vmem_shared>>
      tpu.wait_dma2 semaphore(%arg13 : memref<!tpu.dma_semaphore, #tpu.memory_space<semaphore_mem>>) src(%dma_wait3A_143 : memref<80x128xf32, #tpu.memory_space<vmem_shared>>) dst(%dma_wait3A_140 : memref<80x128xf32, #tpu.memory_space<hbm>>)
      %mul3A_144 = arith.constant 10000 : i32
      %mul3A_145 = arith.muli %arg0, %mul3A_144 : i32
      %add3A_146 = arith.constant 9840 : i32
      %add3A_147 = arith.addi %mul3A_145, %add3A_146 : i32
      %dma_wait3A_148 = arith.constant 0 : i32
      %dma_wait3A_149 = tpu.memref_slice %arg4[%add3A_147, %dma_wait3A_148] : memref<20000x128xf32, #tpu.memory_space<hbm>> -> memref<80x128xf32, #tpu.memory_space<hbm>>
      %dma_wait3A_150 = arith.constant 9840 : i32
      %dma_wait3A_151 = arith.constant 0 : i32
      %dma_wait3A_152 = tpu.memref_slice %arg21[%dma_wait3A_150, %dma_wait3A_151] : memref<10000x128xf32, #tpu.memory_space<vmem_shared>> -> memref<80x128xf32, #tpu.memory_space<vmem_shared>>
      tpu.wait_dma2 semaphore(%arg13 : memref<!tpu.dma_semaphore, #tpu.memory_space<semaphore_mem>>) src(%dma_wait3A_152 : memref<80x128xf32, #tpu.memory_space<vmem_shared>>) dst(%dma_wait3A_149 : memref<80x128xf32, #tpu.memory_space<hbm>>)
      %mul3A_153 = arith.constant 10000 : i32
      %mul3A_154 = arith.muli %arg0, %mul3A_153 : i32
      %add3A_155 = arith.constant 9920 : i32
      %add3A_156 = arith.addi %mul3A_154, %add3A_155 : i32
      %dma_wait3A_157 = arith.constant 0 : i32
      %dma_wait3A_158 = tpu.memref_slice %arg4[%add3A_156, %dma_wait3A_157] : memref<20000x128xf32, #tpu.memory_space<hbm>> -> memref<80x128xf32, #tpu.memory_space<hbm>>
      %dma_wait3A_159 = arith.constant 9920 : i32
      %dma_wait3A_160 = arith.constant 0 : i32
      %dma_wait3A_161 = tpu.memref_slice %arg21[%dma_wait3A_159, %dma_wait3A_160] : memref<10000x128xf32, #tpu.memory_space<vmem_shared>> -> memref<80x128xf32, #tpu.memory_space<vmem_shared>>
      tpu.wait_dma2 semaphore(%arg13 : memref<!tpu.dma_semaphore, #tpu.memory_space<semaphore_mem>>) src(%dma_wait3A_161 : memref<80x128xf32, #tpu.memory_space<vmem_shared>>) dst(%dma_wait3A_158 : memref<80x128xf32, #tpu.memory_space<hbm>>)
    } else {
    }
    return
  }
}

#map = affine_map<(d0, d1) -> (0, 0)>
#map1 = affine_map<(d0, d1) -> (0)>
module attributes {stable_mosaic.version = 14 : i64} {
  func.func @sc_kernel(%arg0: i32, %arg1: i32, %arg2: memref<320000x128xf32, #tpu.memory_space<hbm>>, %arg3: memref<320000xi32, #tpu.memory_space<hbm>>, %arg4: memref<20000x128xf32, #tpu.memory_space<hbm>>, %arg5: memref<80x128xf32, #tpu.memory_space<vmem>>, %arg6: memref<80xi32, #tpu.memory_space<vmem>>, %arg7: memref<80xi32, #tpu.memory_space<vmem>>, %arg8: memref<80xi32, #tpu.memory_space<vmem>>, %arg9: memref<80xi32, #tpu.memory_space<vmem>>, %arg10: memref<!tpu.dma_semaphore, #tpu.memory_space<semaphore_mem>>, %arg11: memref<!tpu.dma_semaphore, #tpu.memory_space<semaphore_mem>>, %arg12: memref<!tpu.dma_semaphore, #tpu.memory_space<semaphore_mem>>, %arg13: memref<!tpu.dma_semaphore, #tpu.memory_space<semaphore_mem>>, %arg14: memref<!tpu.dma_semaphore, #tpu.memory_space<semaphore_mem>>, %arg15: memref<!tpu.dma_semaphore, #tpu.memory_space<semaphore_mem>>, %arg16: memref<!tpu.dma_semaphore, #tpu.memory_space<semaphore_mem>>, %arg17: memref<!tpu.dma_semaphore, #tpu.memory_space<semaphore_mem>>, %arg18: memref<10000x128xf32, #tpu.memory_space<vmem_shared>>) attributes {dimension_semantics = [#tpu.dimension_semantics<core_parallel>, #tpu.dimension_semantics<subcore_parallel>], iteration_bounds = array<i64: 2, 16>, scalar_prefetch = 0 : i64, scratch_operands = 14 : i64, tpu.core_type = #tpu.core_type<sc_vector_subcore>, window_params = [{transform_indices = #map}, {transform_indices = #map1}, {transform_indices = #map}]} {
    %mul3A = arith.constant 16 : i32
    %mul3A_0 = arith.muli %arg0, %mul3A : i32
    %add3A = arith.addi %mul3A_0, %arg1 : i32
    %mul3A_1 = arith.constant 10000 : i32
    %mul3A_2 = arith.muli %add3A, %mul3A_1 : i32
    "tpu.region"() ({
      %run_scoped3A = tpu.sem_alloc : memref<!tpu.dma_semaphore, #tpu.memory_space<semaphore_mem>>
      %dma_start3A_82 = arith.constant 0 : i32
      %dma_start3A_83 = arith.constant 0 : i32
      %dma_start3A_84 = tpu.memref_slice %arg2[%dma_start3A_82, %dma_start3A_83] : memref<320000x128xf32, #tpu.memory_space<hbm>> -> memref<80x128xf32, #tpu.memory_space<hbm>>
      %dma_start3A_85 = arith.constant 0 : i32
      %dma_start3A_86 = arith.constant 0 : i32
      %dma_start3A_87 = tpu.memref_slice %arg2[%dma_start3A_85, %dma_start3A_86] : memref<320000x128xf32, #tpu.memory_space<hbm>> -> memref<80x128xf32, #tpu.memory_space<hbm>>
      tpu.enqueue_dma source(%dma_start3A_87 : memref<80x128xf32, #tpu.memory_space<hbm>>) target(%arg5 : memref<80x128xf32, #tpu.memory_space<vmem>>) target_semaphore(%run_scoped3A : memref<!tpu.dma_semaphore, #tpu.memory_space<semaphore_mem>>)
      %dma_wait3A_88 = arith.constant 0 : i32
      %dma_wait3A_89 = arith.constant 0 : i32
      %dma_wait3A_90 = tpu.memref_slice %arg2[%dma_wait3A_88, %dma_wait3A_89] : memref<320000x128xf32, #tpu.memory_space<hbm>> -> memref<80x128xf32, #tpu.memory_space<hbm>>
      %dma_wait3A_91 = arith.constant 0 : i32
      %dma_wait3A_92 = arith.constant 0 : i32
      %dma_wait3A_93 = tpu.memref_slice %arg2[%dma_wait3A_91, %dma_wait3A_92] : memref<320000x128xf32, #tpu.memory_space<hbm>> -> memref<80x128xf32, #tpu.memory_space<hbm>>
      tpu.wait_dma2 semaphore(%run_scoped3A : memref<!tpu.dma_semaphore, #tpu.memory_space<semaphore_mem>>) src(%dma_wait3A_93 : memref<80x128xf32, #tpu.memory_space<hbm>>) dst(%arg5 : memref<80x128xf32, #tpu.memory_space<vmem>>)
      tpu.yield
    }) : () -> ()
    %scan3A = arith.constant 0 : i32
    %scan3A_3 = arith.constant 0 : i32
    %scan3A_4 = arith.constant 80 : i32
    %scan3A_5 = arith.addi %scan3A_3, %scan3A_4 : i32
    %scan3A_6 = arith.constant 1 : i32
    %scan3A_7 = scf.for %scan3A_82 = %scan3A_3 to %scan3A_5 step %scan3A_6 iter_args(%scan3A_83 = %scan3A) -> (i32)  : i32 {
      %get3A = arith.index_cast %scan3A_82 : i32 to index
      %get3A_84 = arith.constant 0 : index
      %get3A_85 = tpu.vector_load %arg5[%get3A, %get3A_84] {strides = array<i32>} : memref<80x128xf32, #tpu.memory_space<vmem>>, vector<1x16xf32>,
      %get3A_86 = vector.shape_cast %get3A_85 : vector<1x16xf32> to vector<16xf32>
      %mul3A_87 = arith.constant 0.000000e+00 : f32
      %mul3A_88 = vector.broadcast %mul3A_87 : f32 to vector<16xf32>
      %mul3A_89 = arith.mulf %get3A_86, %mul3A_88 : vector<16xf32>
      %swap3A = arith.index_cast %scan3A_82 : i32 to index
      %swap3A_90 = arith.constant 0 : index
      %swap3A_91 = tpu.vector_load %arg5[%swap3A, %swap3A_90] {strides = array<i32>} : memref<80x128xf32, #tpu.memory_space<vmem>>, vector<1x16xf32>,
      %swap3A_92 = vector.shape_cast %swap3A_91 : vector<1x16xf32> to vector<16xf32>
      %swap3A_93 = vector.shape_cast %mul3A_89 : vector<16xf32> to vector<1x16xf32>
      tpu.vector_store %arg5[%swap3A, %swap3A_90], %swap3A_93 {strides = array<i32>} : memref<80x128xf32, #tpu.memory_space<vmem>>, vector<1x16xf32>,
      %get3A_94 = arith.index_cast %scan3A_82 : i32 to index
      %get3A_95 = arith.constant 16 : index
      %get3A_96 = tpu.vector_load %arg5[%get3A_94, %get3A_95] {strides = array<i32>} : memref<80x128xf32, #tpu.memory_space<vmem>>, vector<1x16xf32>,
      %get3A_97 = vector.shape_cast %get3A_96 : vector<1x16xf32> to vector<16xf32>
      %mul3A_98 = arith.constant 0.000000e+00 : f32
      %mul3A_99 = vector.broadcast %mul3A_98 : f32 to vector<16xf32>
      %mul3A_100 = arith.mulf %get3A_97, %mul3A_99 : vector<16xf32>
      %swap3A_101 = arith.index_cast %scan3A_82 : i32 to index
      %swap3A_102 = arith.constant 16 : index
      %swap3A_103 = tpu.vector_load %arg5[%swap3A_101, %swap3A_102] {strides = array<i32>} : memref<80x128xf32, #tpu.memory_space<vmem>>, vector<1x16xf32>,
      %swap3A_104 = vector.shape_cast %swap3A_103 : vector<1x16xf32> to vector<16xf32>
      %swap3A_105 = vector.shape_cast %mul3A_100 : vector<16xf32> to vector<1x16xf32>
      tpu.vector_store %arg5[%swap3A_101, %swap3A_102], %swap3A_105 {strides = array<i32>} : memref<80x128xf32, #tpu.memory_space<vmem>>, vector<1x16xf32>,
      %get3A_106 = arith.index_cast %scan3A_82 : i32 to index
      %get3A_107 = arith.constant 32 : index
      %get3A_108 = tpu.vector_load %arg5[%get3A_106, %get3A_107] {strides = array<i32>} : memref<80x128xf32, #tpu.memory_space<vmem>>, vector<1x16xf32>,
      %get3A_109 = vector.shape_cast %get3A_108 : vector<1x16xf32> to vector<16xf32>
      %mul3A_110 = arith.constant 0.000000e+00 : f32
      %mul3A_111 = vector.broadcast %mul3A_110 : f32 to vector<16xf32>
      %mul3A_112 = arith.mulf %get3A_109, %mul3A_111 : vector<16xf32>
      %swap3A_113 = arith.index_cast %scan3A_82 : i32 to index
      %swap3A_114 = arith.constant 32 : index
      %swap3A_115 = tpu.vector_load %arg5[%swap3A_113, %swap3A_114] {strides = array<i32>} : memref<80x128xf32, #tpu.memory_space<vmem>>, vector<1x16xf32>,
      %swap3A_116 = vector.shape_cast %swap3A_115 : vector<1x16xf32> to vector<16xf32>
      %swap3A_117 = vector.shape_cast %mul3A_112 : vector<16xf32> to vector<1x16xf32>
      tpu.vector_store %arg5[%swap3A_113, %swap3A_114], %swap3A_117 {strides = array<i32>} : memref<80x128xf32, #tpu.memory_space<vmem>>, vector<1x16xf32>,
      %get3A_118 = arith.index_cast %scan3A_82 : i32 to index
      %get3A_119 = arith.constant 48 : index
      %get3A_120 = tpu.vector_load %arg5[%get3A_118, %get3A_119] {strides = array<i32>} : memref<80x128xf32, #tpu.memory_space<vmem>>, vector<1x16xf32>,
      %get3A_121 = vector.shape_cast %get3A_120 : vector<1x16xf32> to vector<16xf32>
      %mul3A_122 = arith.constant 0.000000e+00 : f32
      %mul3A_123 = vector.broadcast %mul3A_122 : f32 to vector<16xf32>
      %mul3A_124 = arith.mulf %get3A_121, %mul3A_123 : vector<16xf32>
      %swap3A_125 = arith.index_cast %scan3A_82 : i32 to index
      %swap3A_126 = arith.constant 48 : index
      %swap3A_127 = tpu.vector_load %arg5[%swap3A_125, %swap3A_126] {strides = array<i32>} : memref<80x128xf32, #tpu.memory_space<vmem>>, vector<1x16xf32>,
      %swap3A_128 = vector.shape_cast %swap3A_127 : vector<1x16xf32> to vector<16xf32>
      %swap3A_129 = vector.shape_cast %mul3A_124 : vector<16xf32> to vector<1x16xf32>
      tpu.vector_store %arg5[%swap3A_125, %swap3A_126], %swap3A_129 {strides = array<i32>} : memref<80x128xf32, #tpu.memory_space<vmem>>, vector<1x16xf32>,
      %get3A_130 = arith.index_cast %scan3A_82 : i32 to index
      %get3A_131 = arith.constant 64 : index
      %get3A_132 = tpu.vector_load %arg5[%get3A_130, %get3A_131] {strides = array<i32>} : memref<80x128xf32, #tpu.memory_space<vmem>>, vector<1x16xf32>,
      %get3A_133 = vector.shape_cast %get3A_132 : vector<1x16xf32> to vector<16xf32>
      %mul3A_134 = arith.constant 0.000000e+00 : f32
      %mul3A_135 = vector.broadcast %mul3A_134 : f32 to vector<16xf32>
      %mul3A_136 = arith.mulf %get3A_133, %mul3A_135 : vector<16xf32>
      %swap3A_137 = arith.index_cast %scan3A_82 : i32 to index
      %swap3A_138 = arith.constant 64 : index
      %swap3A_139 = tpu.vector_load %arg5[%swap3A_137, %swap3A_138] {strides = array<i32>} : memref<80x128xf32, #tpu.memory_space<vmem>>, vector<1x16xf32>,
      %swap3A_140 = vector.shape_cast %swap3A_139 : vector<1x16xf32> to vector<16xf32>
      %swap3A_141 = vector.shape_cast %mul3A_136 : vector<16xf32> to vector<1x16xf32>
      tpu.vector_store %arg5[%swap3A_137, %swap3A_138], %swap3A_141 {strides = array<i32>} : memref<80x128xf32, #tpu.memory_space<vmem>>, vector<1x16xf32>,
      %get3A_142 = arith.index_cast %scan3A_82 : i32 to index
      %get3A_143 = arith.constant 80 : index
      %get3A_144 = tpu.vector_load %arg5[%get3A_142, %get3A_143] {strides = array<i32>} : memref<80x128xf32, #tpu.memory_space<vmem>>, vector<1x16xf32>,
      %get3A_145 = vector.shape_cast %get3A_144 : vector<1x16xf32> to vector<16xf32>
      %mul3A_146 = arith.constant 0.000000e+00 : f32
      %mul3A_147 = vector.broadcast %mul3A_146 : f32 to vector<16xf32>
      %mul3A_148 = arith.mulf %get3A_145, %mul3A_147 : vector<16xf32>
      %swap3A_149 = arith.index_cast %scan3A_82 : i32 to index
      %swap3A_150 = arith.constant 80 : index
      %swap3A_151 = tpu.vector_load %arg5[%swap3A_149, %swap3A_150] {strides = array<i32>} : memref<80x128xf32, #tpu.memory_space<vmem>>, vector<1x16xf32>,
      %swap3A_152 = vector.shape_cast %swap3A_151 : vector<1x16xf32> to vector<16xf32>
      %swap3A_153 = vector.shape_cast %mul3A_148 : vector<16xf32> to vector<1x16xf32>
      tpu.vector_store %arg5[%swap3A_149, %swap3A_150], %swap3A_153 {strides = array<i32>} : memref<80x128xf32, #tpu.memory_space<vmem>>, vector<1x16xf32>,
      %get3A_154 = arith.index_cast %scan3A_82 : i32 to index
      %get3A_155 = arith.constant 96 : index
      %get3A_156 = tpu.vector_load %arg5[%get3A_154, %get3A_155] {strides = array<i32>} : memref<80x128xf32, #tpu.memory_space<vmem>>, vector<1x16xf32>,
      %get3A_157 = vector.shape_cast %get3A_156 : vector<1x16xf32> to vector<16xf32>
      %mul3A_158 = arith.constant 0.000000e+00 : f32
      %mul3A_159 = vector.broadcast %mul3A_158 : f32 to vector<16xf32>
      %mul3A_160 = arith.mulf %get3A_157, %mul3A_159 : vector<16xf32>
      %swap3A_161 = arith.index_cast %scan3A_82 : i32 to index
      %swap3A_162 = arith.constant 96 : index
      %swap3A_163 = tpu.vector_load %arg5[%swap3A_161, %swap3A_162] {strides = array<i32>} : memref<80x128xf32, #tpu.memory_space<vmem>>, vector<1x16xf32>,
      %swap3A_164 = vector.shape_cast %swap3A_163 : vector<1x16xf32> to vector<16xf32>
      %swap3A_165 = vector.shape_cast %mul3A_160 : vector<16xf32> to vector<1x16xf32>
      tpu.vector_store %arg5[%swap3A_161, %swap3A_162], %swap3A_165 {strides = array<i32>} : memref<80x128xf32, #tpu.memory_space<vmem>>, vector<1x16xf32>,
      %get3A_166 = arith.index_cast %scan3A_82 : i32 to index
      %get3A_167 = arith.constant 112 : index
      %get3A_168 = tpu.vector_load %arg5[%get3A_166, %get3A_167] {strides = array<i32>} : memref<80x128xf32, #tpu.memory_space<vmem>>, vector<1x16xf32>,
      %get3A_169 = vector.shape_cast %get3A_168 : vector<1x16xf32> to vector<16xf32>
      %mul3A_170 = arith.constant 0.000000e+00 : f32
      %mul3A_171 = vector.broadcast %mul3A_170 : f32 to vector<16xf32>
      %mul3A_172 = arith.mulf %get3A_169, %mul3A_171 : vector<16xf32>
      %swap3A_173 = arith.index_cast %scan3A_82 : i32 to index
      %swap3A_174 = arith.constant 112 : index
      %swap3A_175 = tpu.vector_load %arg5[%swap3A_173, %swap3A_174] {strides = array<i32>} : memref<80x128xf32, #tpu.memory_space<vmem>>, vector<1x16xf32>,
      %swap3A_176 = vector.shape_cast %swap3A_175 : vector<1x16xf32> to vector<16xf32>
      %swap3A_177 = vector.shape_cast %mul3A_172 : vector<16xf32> to vector<1x16xf32>
      tpu.vector_store %arg5[%swap3A_173, %swap3A_174], %swap3A_177 {strides = array<i32>} : memref<80x128xf32, #tpu.memory_space<vmem>>, vector<1x16xf32>,
      %scan3A_178 = arith.constant 0 : i32
      scf.yield %scan3A_178 : i32
    }
    %scan3A_8 = arith.constant 80 : i32
    %lt3A = arith.constant 15 : i32
    %lt3A_9 = arith.cmpi slt, %arg1, %lt3A : i32
    %convert_element_type3A = arith.extui %lt3A_9 : i1 to i32
    %cond3A = arith.constant 0 : i32
    %cond3A_10 = arith.cmpi ne, %convert_element_type3A, %cond3A : i32
    scf.if %cond3A_10 {
      %mul3A_82 = arith.constant 640 : i32
      %mul3A_83 = arith.muli %arg1, %mul3A_82 : i32
      %add3A_84 = arith.constant 0 : i32
      %add3A_85 = arith.addi %mul3A_83, %add3A_84 : i32
      %dma_start3A_86 = arith.constant 0 : i32
      %dma_start3A_87 = tpu.memref_slice %arg18[%add3A_85, %dma_start3A_86] : memref<10000x128xf32, #tpu.memory_space<vmem_shared>> -> memref<80x128xf32, #tpu.memory_space<vmem_shared>>
      %dma_start3A_88 = arith.constant 0 : i32
      %dma_start3A_89 = tpu.memref_slice %arg18[%add3A_85, %dma_start3A_88] : memref<10000x128xf32, #tpu.memory_space<vmem_shared>> -> memref<80x128xf32, #tpu.memory_space<vmem_shared>>
      tpu.enqueue_dma source(%arg5 : memref<80x128xf32, #tpu.memory_space<vmem>>) target(%dma_start3A_89 : memref<80x128xf32, #tpu.memory_space<vmem_shared>>) target_semaphore(%arg10 : memref<!tpu.dma_semaphore, #tpu.memory_space<semaphore_mem>>)
      %mul3A_90 = arith.constant 640 : i32
      %mul3A_91 = arith.muli %arg1, %mul3A_90 : i32
      %add3A_92 = arith.constant 80 : i32
      %add3A_93 = arith.addi %mul3A_91, %add3A_92 : i32
      %dma_start3A_94 = arith.constant 0 : i32
      %dma_start3A_95 = tpu.memref_slice %arg18[%add3A_93, %dma_start3A_94] : memref<10000x128xf32, #tpu.memory_space<vmem_shared>> -> memref<80x128xf32, #tpu.memory_space<vmem_shared>>
      %dma_start3A_96 = arith.constant 0 : i32
      %dma_start3A_97 = tpu.memref_slice %arg18[%add3A_93, %dma_start3A_96] : memref<10000x128xf32, #tpu.memory_space<vmem_shared>> -> memref<80x128xf32, #tpu.memory_space<vmem_shared>>
      tpu.enqueue_dma source(%arg5 : memref<80x128xf32, #tpu.memory_space<vmem>>) target(%dma_start3A_97 : memref<80x128xf32, #tpu.memory_space<vmem_shared>>) target_semaphore(%arg10 : memref<!tpu.dma_semaphore, #tpu.memory_space<semaphore_mem>>)
      %mul3A_98 = arith.constant 640 : i32
      %mul3A_99 = arith.muli %arg1, %mul3A_98 : i32
      %add3A_100 = arith.constant 160 : i32
      %add3A_101 = arith.addi %mul3A_99, %add3A_100 : i32
      %dma_start3A_102 = arith.constant 0 : i32
      %dma_start3A_103 = tpu.memref_slice %arg18[%add3A_101, %dma_start3A_102] : memref<10000x128xf32, #tpu.memory_space<vmem_shared>> -> memref<80x128xf32, #tpu.memory_space<vmem_shared>>
      %dma_start3A_104 = arith.constant 0 : i32
      %dma_start3A_105 = tpu.memref_slice %arg18[%add3A_101, %dma_start3A_104] : memref<10000x128xf32, #tpu.memory_space<vmem_shared>> -> memref<80x128xf32, #tpu.memory_space<vmem_shared>>
      tpu.enqueue_dma source(%arg5 : memref<80x128xf32, #tpu.memory_space<vmem>>) target(%dma_start3A_105 : memref<80x128xf32, #tpu.memory_space<vmem_shared>>) target_semaphore(%arg10 : memref<!tpu.dma_semaphore, #tpu.memory_space<semaphore_mem>>)
      %mul3A_106 = arith.constant 640 : i32
      %mul3A_107 = arith.muli %arg1, %mul3A_106 : i32
      %add3A_108 = arith.constant 240 : i32
      %add3A_109 = arith.addi %mul3A_107, %add3A_108 : i32
      %dma_start3A_110 = arith.constant 0 : i32
      %dma_start3A_111 = tpu.memref_slice %arg18[%add3A_109, %dma_start3A_110] : memref<10000x128xf32, #tpu.memory_space<vmem_shared>> -> memref<80x128xf32, #tpu.memory_space<vmem_shared>>
      %dma_start3A_112 = arith.constant 0 : i32
      %dma_start3A_113 = tpu.memref_slice %arg18[%add3A_109, %dma_start3A_112] : memref<10000x128xf32, #tpu.memory_space<vmem_shared>> -> memref<80x128xf32, #tpu.memory_space<vmem_shared>>
      tpu.enqueue_dma source(%arg5 : memref<80x128xf32, #tpu.memory_space<vmem>>) target(%dma_start3A_113 : memref<80x128xf32, #tpu.memory_space<vmem_shared>>) target_semaphore(%arg10 : memref<!tpu.dma_semaphore, #tpu.memory_space<semaphore_mem>>)
      %mul3A_114 = arith.constant 640 : i32
      %mul3A_115 = arith.muli %arg1, %mul3A_114 : i32
      %add3A_116 = arith.constant 320 : i32
      %add3A_117 = arith.addi %mul3A_115, %add3A_116 : i32
      %dma_start3A_118 = arith.constant 0 : i32
      %dma_start3A_119 = tpu.memref_slice %arg18[%add3A_117, %dma_start3A_118] : memref<10000x128xf32, #tpu.memory_space<vmem_shared>> -> memref<80x128xf32, #tpu.memory_space<vmem_shared>>
      %dma_start3A_120 = arith.constant 0 : i32
      %dma_start3A_121 = tpu.memref_slice %arg18[%add3A_117, %dma_start3A_120] : memref<10000x128xf32, #tpu.memory_space<vmem_shared>> -> memref<80x128xf32, #tpu.memory_space<vmem_shared>>
      tpu.enqueue_dma source(%arg5 : memref<80x128xf32, #tpu.memory_space<vmem>>) target(%dma_start3A_121 : memref<80x128xf32, #tpu.memory_space<vmem_shared>>) target_semaphore(%arg10 : memref<!tpu.dma_semaphore, #tpu.memory_space<semaphore_mem>>)
      %mul3A_122 = arith.constant 640 : i32
      %mul3A_123 = arith.muli %arg1, %mul3A_122 : i32
      %add3A_124 = arith.constant 400 : i32
      %add3A_125 = arith.addi %mul3A_123, %add3A_124 : i32
      %dma_start3A_126 = arith.constant 0 : i32
      %dma_start3A_127 = tpu.memref_slice %arg18[%add3A_125, %dma_start3A_126] : memref<10000x128xf32, #tpu.memory_space<vmem_shared>> -> memref<80x128xf32, #tpu.memory_space<vmem_shared>>
      %dma_start3A_128 = arith.constant 0 : i32
      %dma_start3A_129 = tpu.memref_slice %arg18[%add3A_125, %dma_start3A_128] : memref<10000x128xf32, #tpu.memory_space<vmem_shared>> -> memref<80x128xf32, #tpu.memory_space<vmem_shared>>
      tpu.enqueue_dma source(%arg5 : memref<80x128xf32, #tpu.memory_space<vmem>>) target(%dma_start3A_129 : memref<80x128xf32, #tpu.memory_space<vmem_shared>>) target_semaphore(%arg10 : memref<!tpu.dma_semaphore, #tpu.memory_space<semaphore_mem>>)
      %mul3A_130 = arith.constant 640 : i32
      %mul3A_131 = arith.muli %arg1, %mul3A_130 : i32
      %add3A_132 = arith.constant 480 : i32
      %add3A_133 = arith.addi %mul3A_131, %add3A_132 : i32
      %dma_start3A_134 = arith.constant 0 : i32
      %dma_start3A_135 = tpu.memref_slice %arg18[%add3A_133, %dma_start3A_134] : memref<10000x128xf32, #tpu.memory_space<vmem_shared>> -> memref<80x128xf32, #tpu.memory_space<vmem_shared>>
      %dma_start3A_136 = arith.constant 0 : i32
      %dma_start3A_137 = tpu.memref_slice %arg18[%add3A_133, %dma_start3A_136] : memref<10000x128xf32, #tpu.memory_space<vmem_shared>> -> memref<80x128xf32, #tpu.memory_space<vmem_shared>>
      tpu.enqueue_dma source(%arg5 : memref<80x128xf32, #tpu.memory_space<vmem>>) target(%dma_start3A_137 : memref<80x128xf32, #tpu.memory_space<vmem_shared>>) target_semaphore(%arg10 : memref<!tpu.dma_semaphore, #tpu.memory_space<semaphore_mem>>)
      %mul3A_138 = arith.constant 640 : i32
      %mul3A_139 = arith.muli %arg1, %mul3A_138 : i32
      %add3A_140 = arith.constant 560 : i32
      %add3A_141 = arith.addi %mul3A_139, %add3A_140 : i32
      %dma_start3A_142 = arith.constant 0 : i32
      %dma_start3A_143 = tpu.memref_slice %arg18[%add3A_141, %dma_start3A_142] : memref<10000x128xf32, #tpu.memory_space<vmem_shared>> -> memref<80x128xf32, #tpu.memory_space<vmem_shared>>
      %dma_start3A_144 = arith.constant 0 : i32
      %dma_start3A_145 = tpu.memref_slice %arg18[%add3A_141, %dma_start3A_144] : memref<10000x128xf32, #tpu.memory_space<vmem_shared>> -> memref<80x128xf32, #tpu.memory_space<vmem_shared>>
      tpu.enqueue_dma source(%arg5 : memref<80x128xf32, #tpu.memory_space<vmem>>) target(%dma_start3A_145 : memref<80x128xf32, #tpu.memory_space<vmem_shared>>) target_semaphore(%arg10 : memref<!tpu.dma_semaphore, #tpu.memory_space<semaphore_mem>>)
    } else {
    }
    %eq3A = arith.constant 15 : i32
    %eq3A_11 = arith.cmpi eq, %arg1, %eq3A : i32
    %convert_element_type3A_12 = arith.extui %eq3A_11 : i1 to i32
    %cond3A_13 = arith.constant 0 : i32
    %cond3A_14 = arith.cmpi ne, %convert_element_type3A_12, %cond3A_13 : i32
    scf.if %cond3A_14 {
      %dma_start3A_82 = arith.constant 9600 : i32
      %dma_start3A_83 = arith.constant 0 : i32
      %dma_start3A_84 = tpu.memref_slice %arg18[%dma_start3A_82, %dma_start3A_83] : memref<10000x128xf32, #tpu.memory_space<vmem_shared>> -> memref<80x128xf32, #tpu.memory_space<vmem_shared>>
      %dma_start3A_85 = arith.constant 9600 : i32
      %dma_start3A_86 = arith.constant 0 : i32
      %dma_start3A_87 = tpu.memref_slice %arg18[%dma_start3A_85, %dma_start3A_86] : memref<10000x128xf32, #tpu.memory_space<vmem_shared>> -> memref<80x128xf32, #tpu.memory_space<vmem_shared>>
      tpu.enqueue_dma source(%arg5 : memref<80x128xf32, #tpu.memory_space<vmem>>) target(%dma_start3A_87 : memref<80x128xf32, #tpu.memory_space<vmem_shared>>) target_semaphore(%arg10 : memref<!tpu.dma_semaphore, #tpu.memory_space<semaphore_mem>>)
      %dma_start3A_88 = arith.constant 9680 : i32
      %dma_start3A_89 = arith.constant 0 : i32
      %dma_start3A_90 = tpu.memref_slice %arg18[%dma_start3A_88, %dma_start3A_89] : memref<10000x128xf32, #tpu.memory_space<vmem_shared>> -> memref<80x128xf32, #tpu.memory_space<vmem_shared>>
      %dma_start3A_91 = arith.constant 9680 : i32
      %dma_start3A_92 = arith.constant 0 : i32
      %dma_start3A_93 = tpu.memref_slice %arg18[%dma_start3A_91, %dma_start3A_92] : memref<10000x128xf32, #tpu.memory_space<vmem_shared>> -> memref<80x128xf32, #tpu.memory_space<vmem_shared>>
      tpu.enqueue_dma source(%arg5 : memref<80x128xf32, #tpu.memory_space<vmem>>) target(%dma_start3A_93 : memref<80x128xf32, #tpu.memory_space<vmem_shared>>) target_semaphore(%arg10 : memref<!tpu.dma_semaphore, #tpu.memory_space<semaphore_mem>>)
      %dma_start3A_94 = arith.constant 9760 : i32
      %dma_start3A_95 = arith.constant 0 : i32
      %dma_start3A_96 = tpu.memref_slice %arg18[%dma_start3A_94, %dma_start3A_95] : memref<10000x128xf32, #tpu.memory_space<vmem_shared>> -> memref<80x128xf32, #tpu.memory_space<vmem_shared>>
      %dma_start3A_97 = arith.constant 9760 : i32
      %dma_start3A_98 = arith.constant 0 : i32
      %dma_start3A_99 = tpu.memref_slice %arg18[%dma_start3A_97, %dma_start3A_98] : memref<10000x128xf32, #tpu.memory_space<vmem_shared>> -> memref<80x128xf32, #tpu.memory_space<vmem_shared>>
      tpu.enqueue_dma source(%arg5 : memref<80x128xf32, #tpu.memory_space<vmem>>) target(%dma_start3A_99 : memref<80x128xf32, #tpu.memory_space<vmem_shared>>) target_semaphore(%arg10 : memref<!tpu.dma_semaphore, #tpu.memory_space<semaphore_mem>>)
      %dma_start3A_100 = arith.constant 9840 : i32
      %dma_start3A_101 = arith.constant 0 : i32
      %dma_start3A_102 = tpu.memref_slice %arg18[%dma_start3A_100, %dma_start3A_101] : memref<10000x128xf32, #tpu.memory_space<vmem_shared>> -> memref<80x128xf32, #tpu.memory_space<vmem_shared>>
      %dma_start3A_103 = arith.constant 9840 : i32
      %dma_start3A_104 = arith.constant 0 : i32
      %dma_start3A_105 = tpu.memref_slice %arg18[%dma_start3A_103, %dma_start3A_104] : memref<10000x128xf32, #tpu.memory_space<vmem_shared>> -> memref<80x128xf32, #tpu.memory_space<vmem_shared>>
      tpu.enqueue_dma source(%arg5 : memref<80x128xf32, #tpu.memory_space<vmem>>) target(%dma_start3A_105 : memref<80x128xf32, #tpu.memory_space<vmem_shared>>) target_semaphore(%arg10 : memref<!tpu.dma_semaphore, #tpu.memory_space<semaphore_mem>>)
      %dma_start3A_106 = arith.constant 9920 : i32
      %dma_start3A_107 = arith.constant 0 : i32
      %dma_start3A_108 = tpu.memref_slice %arg18[%dma_start3A_106, %dma_start3A_107] : memref<10000x128xf32, #tpu.memory_space<vmem_shared>> -> memref<80x128xf32, #tpu.memory_space<vmem_shared>>
      %dma_start3A_109 = arith.constant 9920 : i32
      %dma_start3A_110 = arith.constant 0 : i32
      %dma_start3A_111 = tpu.memref_slice %arg18[%dma_start3A_109, %dma_start3A_110] : memref<10000x128xf32, #tpu.memory_space<vmem_shared>> -> memref<80x128xf32, #tpu.memory_space<vmem_shared>>
      tpu.enqueue_dma source(%arg5 : memref<80x128xf32, #tpu.memory_space<vmem>>) target(%dma_start3A_111 : memref<80x128xf32, #tpu.memory_space<vmem_shared>>) target_semaphore(%arg10 : memref<!tpu.dma_semaphore, #tpu.memory_space<semaphore_mem>>)
    } else {
    }
    %lt3A_15 = arith.constant 15 : i32
    %lt3A_16 = arith.cmpi slt, %arg1, %lt3A_15 : i32
    %convert_element_type3A_17 = arith.extui %lt3A_16 : i1 to i32
    %cond3A_18 = arith.constant 0 : i32
    %cond3A_19 = arith.cmpi ne, %convert_element_type3A_17, %cond3A_18 : i32
    scf.if %cond3A_19 {
      %mul3A_82 = arith.constant 640 : i32
      %mul3A_83 = arith.muli %arg1, %mul3A_82 : i32
      %add3A_84 = arith.constant 0 : i32
      %add3A_85 = arith.addi %mul3A_83, %add3A_84 : i32
      %dma_wait3A_86 = arith.constant 0 : i32
      %dma_wait3A_87 = tpu.memref_slice %arg18[%add3A_85, %dma_wait3A_86] : memref<10000x128xf32, #tpu.memory_space<vmem_shared>> -> memref<80x128xf32, #tpu.memory_space<vmem_shared>>
      %dma_wait3A_88 = arith.constant 0 : i32
      %dma_wait3A_89 = tpu.memref_slice %arg18[%add3A_85, %dma_wait3A_88] : memref<10000x128xf32, #tpu.memory_space<vmem_shared>> -> memref<80x128xf32, #tpu.memory_space<vmem_shared>>
      tpu.wait_dma2 semaphore(%arg10 : memref<!tpu.dma_semaphore, #tpu.memory_space<semaphore_mem>>) src(%arg5 : memref<80x128xf32, #tpu.memory_space<vmem>>) dst(%dma_wait3A_89 : memref<80x128xf32, #tpu.memory_space<vmem_shared>>)
      %mul3A_90 = arith.constant 640 : i32
      %mul3A_91 = arith.muli %arg1, %mul3A_90 : i32
      %add3A_92 = arith.constant 80 : i32
      %add3A_93 = arith.addi %mul3A_91, %add3A_92 : i32
      %dma_wait3A_94 = arith.constant 0 : i32
      %dma_wait3A_95 = tpu.memref_slice %arg18[%add3A_93, %dma_wait3A_94] : memref<10000x128xf32, #tpu.memory_space<vmem_shared>> -> memref<80x128xf32, #tpu.memory_space<vmem_shared>>
      %dma_wait3A_96 = arith.constant 0 : i32
      %dma_wait3A_97 = tpu.memref_slice %arg18[%add3A_93, %dma_wait3A_96] : memref<10000x128xf32, #tpu.memory_space<vmem_shared>> -> memref<80x128xf32, #tpu.memory_space<vmem_shared>>
      tpu.wait_dma2 semaphore(%arg10 : memref<!tpu.dma_semaphore, #tpu.memory_space<semaphore_mem>>) src(%arg5 : memref<80x128xf32, #tpu.memory_space<vmem>>) dst(%dma_wait3A_97 : memref<80x128xf32, #tpu.memory_space<vmem_shared>>)
      %mul3A_98 = arith.constant 640 : i32
      %mul3A_99 = arith.muli %arg1, %mul3A_98 : i32
      %add3A_100 = arith.constant 160 : i32
      %add3A_101 = arith.addi %mul3A_99, %add3A_100 : i32
      %dma_wait3A_102 = arith.constant 0 : i32
      %dma_wait3A_103 = tpu.memref_slice %arg18[%add3A_101, %dma_wait3A_102] : memref<10000x128xf32, #tpu.memory_space<vmem_shared>> -> memref<80x128xf32, #tpu.memory_space<vmem_shared>>
      %dma_wait3A_104 = arith.constant 0 : i32
      %dma_wait3A_105 = tpu.memref_slice %arg18[%add3A_101, %dma_wait3A_104] : memref<10000x128xf32, #tpu.memory_space<vmem_shared>> -> memref<80x128xf32, #tpu.memory_space<vmem_shared>>
      tpu.wait_dma2 semaphore(%arg10 : memref<!tpu.dma_semaphore, #tpu.memory_space<semaphore_mem>>) src(%arg5 : memref<80x128xf32, #tpu.memory_space<vmem>>) dst(%dma_wait3A_105 : memref<80x128xf32, #tpu.memory_space<vmem_shared>>)
      %mul3A_106 = arith.constant 640 : i32
      %mul3A_107 = arith.muli %arg1, %mul3A_106 : i32
      %add3A_108 = arith.constant 240 : i32
      %add3A_109 = arith.addi %mul3A_107, %add3A_108 : i32
      %dma_wait3A_110 = arith.constant 0 : i32
      %dma_wait3A_111 = tpu.memref_slice %arg18[%add3A_109, %dma_wait3A_110] : memref<10000x128xf32, #tpu.memory_space<vmem_shared>> -> memref<80x128xf32, #tpu.memory_space<vmem_shared>>
      %dma_wait3A_112 = arith.constant 0 : i32
      %dma_wait3A_113 = tpu.memref_slice %arg18[%add3A_109, %dma_wait3A_112] : memref<10000x128xf32, #tpu.memory_space<vmem_shared>> -> memref<80x128xf32, #tpu.memory_space<vmem_shared>>
      tpu.wait_dma2 semaphore(%arg10 : memref<!tpu.dma_semaphore, #tpu.memory_space<semaphore_mem>>) src(%arg5 : memref<80x128xf32, #tpu.memory_space<vmem>>) dst(%dma_wait3A_113 : memref<80x128xf32, #tpu.memory_space<vmem_shared>>)
      %mul3A_114 = arith.constant 640 : i32
      %mul3A_115 = arith.muli %arg1, %mul3A_114 : i32
      %add3A_116 = arith.constant 320 : i32
      %add3A_117 = arith.addi %mul3A_115, %add3A_116 : i32
      %dma_wait3A_118 = arith.constant 0 : i32
      %dma_wait3A_119 = tpu.memref_slice %arg18[%add3A_117, %dma_wait3A_118] : memref<10000x128xf32, #tpu.memory_space<vmem_shared>> -> memref<80x128xf32, #tpu.memory_space<vmem_shared>>
      %dma_wait3A_120 = arith.constant 0 : i32
      %dma_wait3A_121 = tpu.memref_slice %arg18[%add3A_117, %dma_wait3A_120] : memref<10000x128xf32, #tpu.memory_space<vmem_shared>> -> memref<80x128xf32, #tpu.memory_space<vmem_shared>>
      tpu.wait_dma2 semaphore(%arg10 : memref<!tpu.dma_semaphore, #tpu.memory_space<semaphore_mem>>) src(%arg5 : memref<80x128xf32, #tpu.memory_space<vmem>>) dst(%dma_wait3A_121 : memref<80x128xf32, #tpu.memory_space<vmem_shared>>)
      %mul3A_122 = arith.constant 640 : i32
      %mul3A_123 = arith.muli %arg1, %mul3A_122 : i32
      %add3A_124 = arith.constant 400 : i32
      %add3A_125 = arith.addi %mul3A_123, %add3A_124 : i32
      %dma_wait3A_126 = arith.constant 0 : i32
      %dma_wait3A_127 = tpu.memref_slice %arg18[%add3A_125, %dma_wait3A_126] : memref<10000x128xf32, #tpu.memory_space<vmem_shared>> -> memref<80x128xf32, #tpu.memory_space<vmem_shared>>
      %dma_wait3A_128 = arith.constant 0 : i32
      %dma_wait3A_129 = tpu.memref_slice %arg18[%add3A_125, %dma_wait3A_128] : memref<10000x128xf32, #tpu.memory_space<vmem_shared>> -> memref<80x128xf32, #tpu.memory_space<vmem_shared>>
      tpu.wait_dma2 semaphore(%arg10 : memref<!tpu.dma_semaphore, #tpu.memory_space<semaphore_mem>>) src(%arg5 : memref<80x128xf32, #tpu.memory_space<vmem>>) dst(%dma_wait3A_129 : memref<80x128xf32, #tpu.memory_space<vmem_shared>>)
      %mul3A_130 = arith.constant 640 : i32
      %mul3A_131 = arith.muli %arg1, %mul3A_130 : i32
      %add3A_132 = arith.constant 480 : i32
      %add3A_133 = arith.addi %mul3A_131, %add3A_132 : i32
      %dma_wait3A_134 = arith.constant 0 : i32
      %dma_wait3A_135 = tpu.memref_slice %arg18[%add3A_133, %dma_wait3A_134] : memref<10000x128xf32, #tpu.memory_space<vmem_shared>> -> memref<80x128xf32, #tpu.memory_space<vmem_shared>>
      %dma_wait3A_136 = arith.constant 0 : i32
      %dma_wait3A_137 = tpu.memref_slice %arg18[%add3A_133, %dma_wait3A_136] : memref<10000x128xf32, #tpu.memory_space<vmem_shared>> -> memref<80x128xf32, #tpu.memory_space<vmem_shared>>
      tpu.wait_dma2 semaphore(%arg10 : memref<!tpu.dma_semaphore, #tpu.memory_space<semaphore_mem>>) src(%arg5 : memref<80x128xf32, #tpu.memory_space<vmem>>) dst(%dma_wait3A_137 : memref<80x128xf32, #tpu.memory_space<vmem_shared>>)
      %mul3A_138 = arith.constant 640 : i32
      %mul3A_139 = arith.muli %arg1, %mul3A_138 : i32
      %add3A_140 = arith.constant 560 : i32
      %add3A_141 = arith.addi %mul3A_139, %add3A_140 : i32
      %dma_wait3A_142 = arith.constant 0 : i32
      %dma_wait3A_143 = tpu.memref_slice %arg18[%add3A_141, %dma_wait3A_142] : memref<10000x128xf32, #tpu.memory_space<vmem_shared>> -> memref<80x128xf32, #tpu.memory_space<vmem_shared>>
      %dma_wait3A_144 = arith.constant 0 : i32
      %dma_wait3A_145 = tpu.memref_slice %arg18[%add3A_141, %dma_wait3A_144] : memref<10000x128xf32, #tpu.memory_space<vmem_shared>> -> memref<80x128xf32, #tpu.memory_space<vmem_shared>>
      tpu.wait_dma2 semaphore(%arg10 : memref<!tpu.dma_semaphore, #tpu.memory_space<semaphore_mem>>) src(%arg5 : memref<80x128xf32, #tpu.memory_space<vmem>>) dst(%dma_wait3A_145 : memref<80x128xf32, #tpu.memory_space<vmem_shared>>)
    } else {
    }
    %eq3A_20 = arith.constant 15 : i32
    %eq3A_21 = arith.cmpi eq, %arg1, %eq3A_20 : i32
    %convert_element_type3A_22 = arith.extui %eq3A_21 : i1 to i32
    %cond3A_23 = arith.constant 0 : i32
    %cond3A_24 = arith.cmpi ne, %convert_element_type3A_22, %cond3A_23 : i32
    scf.if %cond3A_24 {
      %dma_wait3A_82 = arith.constant 9600 : i32
      %dma_wait3A_83 = arith.constant 0 : i32
      %dma_wait3A_84 = tpu.memref_slice %arg18[%dma_wait3A_82, %dma_wait3A_83] : memref<10000x128xf32, #tpu.memory_space<vmem_shared>> -> memref<80x128xf32, #tpu.memory_space<vmem_shared>>
      %dma_wait3A_85 = arith.constant 9600 : i32
      %dma_wait3A_86 = arith.constant 0 : i32
      %dma_wait3A_87 = tpu.memref_slice %arg18[%dma_wait3A_85, %dma_wait3A_86] : memref<10000x128xf32, #tpu.memory_space<vmem_shared>> -> memref<80x128xf32, #tpu.memory_space<vmem_shared>>
      tpu.wait_dma2 semaphore(%arg10 : memref<!tpu.dma_semaphore, #tpu.memory_space<semaphore_mem>>) src(%arg5 : memref<80x128xf32, #tpu.memory_space<vmem>>) dst(%dma_wait3A_87 : memref<80x128xf32, #tpu.memory_space<vmem_shared>>)
      %dma_wait3A_88 = arith.constant 9680 : i32
      %dma_wait3A_89 = arith.constant 0 : i32
      %dma_wait3A_90 = tpu.memref_slice %arg18[%dma_wait3A_88, %dma_wait3A_89] : memref<10000x128xf32, #tpu.memory_space<vmem_shared>> -> memref<80x128xf32, #tpu.memory_space<vmem_shared>>
      %dma_wait3A_91 = arith.constant 9680 : i32
      %dma_wait3A_92 = arith.constant 0 : i32
      %dma_wait3A_93 = tpu.memref_slice %arg18[%dma_wait3A_91, %dma_wait3A_92] : memref<10000x128xf32, #tpu.memory_space<vmem_shared>> -> memref<80x128xf32, #tpu.memory_space<vmem_shared>>
      tpu.wait_dma2 semaphore(%arg10 : memref<!tpu.dma_semaphore, #tpu.memory_space<semaphore_mem>>) src(%arg5 : memref<80x128xf32, #tpu.memory_space<vmem>>) dst(%dma_wait3A_93 : memref<80x128xf32, #tpu.memory_space<vmem_shared>>)
      %dma_wait3A_94 = arith.constant 9760 : i32
      %dma_wait3A_95 = arith.constant 0 : i32
      %dma_wait3A_96 = tpu.memref_slice %arg18[%dma_wait3A_94, %dma_wait3A_95] : memref<10000x128xf32, #tpu.memory_space<vmem_shared>> -> memref<80x128xf32, #tpu.memory_space<vmem_shared>>
      %dma_wait3A_97 = arith.constant 9760 : i32
      %dma_wait3A_98 = arith.constant 0 : i32
      %dma_wait3A_99 = tpu.memref_slice %arg18[%dma_wait3A_97, %dma_wait3A_98] : memref<10000x128xf32, #tpu.memory_space<vmem_shared>> -> memref<80x128xf32, #tpu.memory_space<vmem_shared>>
      tpu.wait_dma2 semaphore(%arg10 : memref<!tpu.dma_semaphore, #tpu.memory_space<semaphore_mem>>) src(%arg5 : memref<80x128xf32, #tpu.memory_space<vmem>>) dst(%dma_wait3A_99 : memref<80x128xf32, #tpu.memory_space<vmem_shared>>)
      %dma_wait3A_100 = arith.constant 9840 : i32
      %dma_wait3A_101 = arith.constant 0 : i32
      %dma_wait3A_102 = tpu.memref_slice %arg18[%dma_wait3A_100, %dma_wait3A_101] : memref<10000x128xf32, #tpu.memory_space<vmem_shared>> -> memref<80x128xf32, #tpu.memory_space<vmem_shared>>
      %dma_wait3A_103 = arith.constant 9840 : i32
      %dma_wait3A_104 = arith.constant 0 : i32
      %dma_wait3A_105 = tpu.memref_slice %arg18[%dma_wait3A_103, %dma_wait3A_104] : memref<10000x128xf32, #tpu.memory_space<vmem_shared>> -> memref<80x128xf32, #tpu.memory_space<vmem_shared>>
      tpu.wait_dma2 semaphore(%arg10 : memref<!tpu.dma_semaphore, #tpu.memory_space<semaphore_mem>>) src(%arg5 : memref<80x128xf32, #tpu.memory_space<vmem>>) dst(%dma_wait3A_105 : memref<80x128xf32, #tpu.memory_space<vmem_shared>>)
      %dma_wait3A_106 = arith.constant 9920 : i32
      %dma_wait3A_107 = arith.constant 0 : i32
      %dma_wait3A_108 = tpu.memref_slice %arg18[%dma_wait3A_106, %dma_wait3A_107] : memref<10000x128xf32, #tpu.memory_space<vmem_shared>> -> memref<80x128xf32, #tpu.memory_space<vmem_shared>>
      %dma_wait3A_109 = arith.constant 9920 : i32
      %dma_wait3A_110 = arith.constant 0 : i32
      %dma_wait3A_111 = tpu.memref_slice %arg18[%dma_wait3A_109, %dma_wait3A_110] : memref<10000x128xf32, #tpu.memory_space<vmem_shared>> -> memref<80x128xf32, #tpu.memory_space<vmem_shared>>
      tpu.wait_dma2 semaphore(%arg10 : memref<!tpu.dma_semaphore, #tpu.memory_space<semaphore_mem>>) src(%arg5 : memref<80x128xf32, #tpu.memory_space<vmem>>) dst(%dma_wait3A_111 : memref<80x128xf32, #tpu.memory_space<vmem_shared>>)
    } else {
    }
    %scan3A_25 = arith.constant 0 : i32
    %scan3A_26 = arith.constant 0 : i32
    %scan3A_27 = arith.constant 80 : i32
    %scan3A_28 = arith.addi %scan3A_26, %scan3A_27 : i32
    %scan3A_29 = arith.constant 1 : i32
    %scan3A_30 = scf.for %scan3A_82 = %scan3A_26 to %scan3A_28 step %scan3A_29 iter_args(%scan3A_83 = %scan3A_25) -> (i32)  : i32 {
      %get3A = arith.index_cast %scan3A_82 : i32 to index
      %get3A_84 = arith.constant 0 : index
      %get3A_85 = tpu.vector_load %arg5[%get3A, %get3A_84] {strides = array<i32>} : memref<80x128xf32, #tpu.memory_space<vmem>>, vector<1x16xf32>,
      %get3A_86 = vector.shape_cast %get3A_85 : vector<1x16xf32> to vector<16xf32>
      %add3A_87 = arith.constant 1.000000e+00 : f32
      %add3A_88 = vector.broadcast %add3A_87 : f32 to vector<16xf32>
      %add3A_89 = arith.addf %get3A_86, %add3A_88 : vector<16xf32>
      %swap3A = arith.index_cast %scan3A_82 : i32 to index
      %swap3A_90 = arith.constant 0 : index
      %swap3A_91 = tpu.vector_load %arg5[%swap3A, %swap3A_90] {strides = array<i32>} : memref<80x128xf32, #tpu.memory_space<vmem>>, vector<1x16xf32>,
      %swap3A_92 = vector.shape_cast %swap3A_91 : vector<1x16xf32> to vector<16xf32>
      %swap3A_93 = vector.shape_cast %add3A_89 : vector<16xf32> to vector<1x16xf32>
      tpu.vector_store %arg5[%swap3A, %swap3A_90], %swap3A_93 {strides = array<i32>} : memref<80x128xf32, #tpu.memory_space<vmem>>, vector<1x16xf32>,
      %get3A_94 = arith.index_cast %scan3A_82 : i32 to index
      %get3A_95 = arith.constant 16 : index
      %get3A_96 = tpu.vector_load %arg5[%get3A_94, %get3A_95] {strides = array<i32>} : memref<80x128xf32, #tpu.memory_space<vmem>>, vector<1x16xf32>,
      %get3A_97 = vector.shape_cast %get3A_96 : vector<1x16xf32> to vector<16xf32>
      %add3A_98 = arith.constant 1.000000e+00 : f32
      %add3A_99 = vector.broadcast %add3A_98 : f32 to vector<16xf32>
      %add3A_100 = arith.addf %get3A_97, %add3A_99 : vector<16xf32>
      %swap3A_101 = arith.index_cast %scan3A_82 : i32 to index
      %swap3A_102 = arith.constant 16 : index
      %swap3A_103 = tpu.vector_load %arg5[%swap3A_101, %swap3A_102] {strides = array<i32>} : memref<80x128xf32, #tpu.memory_space<vmem>>, vector<1x16xf32>,
      %swap3A_104 = vector.shape_cast %swap3A_103 : vector<1x16xf32> to vector<16xf32>
      %swap3A_105 = vector.shape_cast %add3A_100 : vector<16xf32> to vector<1x16xf32>
      tpu.vector_store %arg5[%swap3A_101, %swap3A_102], %swap3A_105 {strides = array<i32>} : memref<80x128xf32, #tpu.memory_space<vmem>>, vector<1x16xf32>,
      %get3A_106 = arith.index_cast %scan3A_82 : i32 to index
      %get3A_107 = arith.constant 32 : index
      %get3A_108 = tpu.vector_load %arg5[%get3A_106, %get3A_107] {strides = array<i32>} : memref<80x128xf32, #tpu.memory_space<vmem>>, vector<1x16xf32>,
      %get3A_109 = vector.shape_cast %get3A_108 : vector<1x16xf32> to vector<16xf32>
      %add3A_110 = arith.constant 1.000000e+00 : f32
      %add3A_111 = vector.broadcast %add3A_110 : f32 to vector<16xf32>
      %add3A_112 = arith.addf %get3A_109, %add3A_111 : vector<16xf32>
      %swap3A_113 = arith.index_cast %scan3A_82 : i32 to index
      %swap3A_114 = arith.constant 32 : index
      %swap3A_115 = tpu.vector_load %arg5[%swap3A_113, %swap3A_114] {strides = array<i32>} : memref<80x128xf32, #tpu.memory_space<vmem>>, vector<1x16xf32>,
      %swap3A_116 = vector.shape_cast %swap3A_115 : vector<1x16xf32> to vector<16xf32>
      %swap3A_117 = vector.shape_cast %add3A_112 : vector<16xf32> to vector<1x16xf32>
      tpu.vector_store %arg5[%swap3A_113, %swap3A_114], %swap3A_117 {strides = array<i32>} : memref<80x128xf32, #tpu.memory_space<vmem>>, vector<1x16xf32>,
      %get3A_118 = arith.index_cast %scan3A_82 : i32 to index
      %get3A_119 = arith.constant 48 : index
      %get3A_120 = tpu.vector_load %arg5[%get3A_118, %get3A_119] {strides = array<i32>} : memref<80x128xf32, #tpu.memory_space<vmem>>, vector<1x16xf32>,
      %get3A_121 = vector.shape_cast %get3A_120 : vector<1x16xf32> to vector<16xf32>
      %add3A_122 = arith.constant 1.000000e+00 : f32
      %add3A_123 = vector.broadcast %add3A_122 : f32 to vector<16xf32>
      %add3A_124 = arith.addf %get3A_121, %add3A_123 : vector<16xf32>
      %swap3A_125 = arith.index_cast %scan3A_82 : i32 to index
      %swap3A_126 = arith.constant 48 : index
      %swap3A_127 = tpu.vector_load %arg5[%swap3A_125, %swap3A_126] {strides = array<i32>} : memref<80x128xf32, #tpu.memory_space<vmem>>, vector<1x16xf32>,
      %swap3A_128 = vector.shape_cast %swap3A_127 : vector<1x16xf32> to vector<16xf32>
      %swap3A_129 = vector.shape_cast %add3A_124 : vector<16xf32> to vector<1x16xf32>
      tpu.vector_store %arg5[%swap3A_125, %swap3A_126], %swap3A_129 {strides = array<i32>} : memref<80x128xf32, #tpu.memory_space<vmem>>, vector<1x16xf32>,
      %get3A_130 = arith.index_cast %scan3A_82 : i32 to index
      %get3A_131 = arith.constant 64 : index
      %get3A_132 = tpu.vector_load %arg5[%get3A_130, %get3A_131] {strides = array<i32>} : memref<80x128xf32, #tpu.memory_space<vmem>>, vector<1x16xf32>,
      %get3A_133 = vector.shape_cast %get3A_132 : vector<1x16xf32> to vector<16xf32>
      %add3A_134 = arith.constant 1.000000e+00 : f32
      %add3A_135 = vector.broadcast %add3A_134 : f32 to vector<16xf32>
      %add3A_136 = arith.addf %get3A_133, %add3A_135 : vector<16xf32>
      %swap3A_137 = arith.index_cast %scan3A_82 : i32 to index
      %swap3A_138 = arith.constant 64 : index
      %swap3A_139 = tpu.vector_load %arg5[%swap3A_137, %swap3A_138] {strides = array<i32>} : memref<80x128xf32, #tpu.memory_space<vmem>>, vector<1x16xf32>,
      %swap3A_140 = vector.shape_cast %swap3A_139 : vector<1x16xf32> to vector<16xf32>
      %swap3A_141 = vector.shape_cast %add3A_136 : vector<16xf32> to vector<1x16xf32>
      tpu.vector_store %arg5[%swap3A_137, %swap3A_138], %swap3A_141 {strides = array<i32>} : memref<80x128xf32, #tpu.memory_space<vmem>>, vector<1x16xf32>,
      %get3A_142 = arith.index_cast %scan3A_82 : i32 to index
      %get3A_143 = arith.constant 80 : index
      %get3A_144 = tpu.vector_load %arg5[%get3A_142, %get3A_143] {strides = array<i32>} : memref<80x128xf32, #tpu.memory_space<vmem>>, vector<1x16xf32>,
      %get3A_145 = vector.shape_cast %get3A_144 : vector<1x16xf32> to vector<16xf32>
      %add3A_146 = arith.constant 1.000000e+00 : f32
      %add3A_147 = vector.broadcast %add3A_146 : f32 to vector<16xf32>
      %add3A_148 = arith.addf %get3A_145, %add3A_147 : vector<16xf32>
      %swap3A_149 = arith.index_cast %scan3A_82 : i32 to index
      %swap3A_150 = arith.constant 80 : index
      %swap3A_151 = tpu.vector_load %arg5[%swap3A_149, %swap3A_150] {strides = array<i32>} : memref<80x128xf32, #tpu.memory_space<vmem>>, vector<1x16xf32>,
      %swap3A_152 = vector.shape_cast %swap3A_151 : vector<1x16xf32> to vector<16xf32>
      %swap3A_153 = vector.shape_cast %add3A_148 : vector<16xf32> to vector<1x16xf32>
      tpu.vector_store %arg5[%swap3A_149, %swap3A_150], %swap3A_153 {strides = array<i32>} : memref<80x128xf32, #tpu.memory_space<vmem>>, vector<1x16xf32>,
      %get3A_154 = arith.index_cast %scan3A_82 : i32 to index
      %get3A_155 = arith.constant 96 : index
      %get3A_156 = tpu.vector_load %arg5[%get3A_154, %get3A_155] {strides = array<i32>} : memref<80x128xf32, #tpu.memory_space<vmem>>, vector<1x16xf32>,
      %get3A_157 = vector.shape_cast %get3A_156 : vector<1x16xf32> to vector<16xf32>
      %add3A_158 = arith.constant 1.000000e+00 : f32
      %add3A_159 = vector.broadcast %add3A_158 : f32 to vector<16xf32>
      %add3A_160 = arith.addf %get3A_157, %add3A_159 : vector<16xf32>
      %swap3A_161 = arith.index_cast %scan3A_82 : i32 to index
      %swap3A_162 = arith.constant 96 : index
      %swap3A_163 = tpu.vector_load %arg5[%swap3A_161, %swap3A_162] {strides = array<i32>} : memref<80x128xf32, #tpu.memory_space<vmem>>, vector<1x16xf32>,
      %swap3A_164 = vector.shape_cast %swap3A_163 : vector<1x16xf32> to vector<16xf32>
      %swap3A_165 = vector.shape_cast %add3A_160 : vector<16xf32> to vector<1x16xf32>
      tpu.vector_store %arg5[%swap3A_161, %swap3A_162], %swap3A_165 {strides = array<i32>} : memref<80x128xf32, #tpu.memory_space<vmem>>, vector<1x16xf32>,
      %get3A_166 = arith.index_cast %scan3A_82 : i32 to index
      %get3A_167 = arith.constant 112 : index
      %get3A_168 = tpu.vector_load %arg5[%get3A_166, %get3A_167] {strides = array<i32>} : memref<80x128xf32, #tpu.memory_space<vmem>>, vector<1x16xf32>,
      %get3A_169 = vector.shape_cast %get3A_168 : vector<1x16xf32> to vector<16xf32>
      %add3A_170 = arith.constant 1.000000e+00 : f32
      %add3A_171 = vector.broadcast %add3A_170 : f32 to vector<16xf32>
      %add3A_172 = arith.addf %get3A_169, %add3A_171 : vector<16xf32>
      %swap3A_173 = arith.index_cast %scan3A_82 : i32 to index
      %swap3A_174 = arith.constant 112 : index
      %swap3A_175 = tpu.vector_load %arg5[%swap3A_173, %swap3A_174] {strides = array<i32>} : memref<80x128xf32, #tpu.memory_space<vmem>>, vector<1x16xf32>,
      %swap3A_176 = vector.shape_cast %swap3A_175 : vector<1x16xf32> to vector<16xf32>
      %swap3A_177 = vector.shape_cast %add3A_172 : vector<16xf32> to vector<1x16xf32>
      tpu.vector_store %arg5[%swap3A_173, %swap3A_174], %swap3A_177 {strides = array<i32>} : memref<80x128xf32, #tpu.memory_space<vmem>>, vector<1x16xf32>,
      %scan3A_178 = arith.constant 0 : i32
      scf.yield %scan3A_178 : i32
    }
    %scan3A_31 = arith.constant 80 : i32
    %barrier3A = arith.constant 0 : index
    tpu.barrier barrier_id(%barrier3A)
    %add3A_32 = arith.constant 0 : i32
    %add3A_33 = arith.addi %mul3A_2, %add3A_32 : i32
    %dma_start3A = tpu.memref_slice %arg3[%add3A_33] : memref<320000xi32, #tpu.memory_space<hbm>> -> memref<80xi32, #tpu.memory_space<hbm>>
    %dma_start3A_34 = tpu.memref_slice %arg3[%add3A_33] : memref<320000xi32, #tpu.memory_space<hbm>> -> memref<80xi32, #tpu.memory_space<hbm>>
    tpu.enqueue_dma source(%dma_start3A_34 : memref<80xi32, #tpu.memory_space<hbm>>) target(%arg6 : memref<80xi32, #tpu.memory_space<vmem>>) target_semaphore(%arg10 : memref<!tpu.dma_semaphore, #tpu.memory_space<semaphore_mem>>)
    %add3A_35 = arith.constant 80 : i32
    %add3A_36 = arith.addi %mul3A_2, %add3A_35 : i32
    %dma_start3A_37 = tpu.memref_slice %arg3[%add3A_36] : memref<320000xi32, #tpu.memory_space<hbm>> -> memref<80xi32, #tpu.memory_space<hbm>>
    %dma_start3A_38 = tpu.memref_slice %arg3[%add3A_36] : memref<320000xi32, #tpu.memory_space<hbm>> -> memref<80xi32, #tpu.memory_space<hbm>>
    tpu.enqueue_dma source(%dma_start3A_38 : memref<80xi32, #tpu.memory_space<hbm>>) target(%arg7 : memref<80xi32, #tpu.memory_space<vmem>>) target_semaphore(%arg11 : memref<!tpu.dma_semaphore, #tpu.memory_space<semaphore_mem>>)
    %scan3A_39 = arith.constant 0 : i32
    %scan3A_40 = arith.constant 0 : i32
    %scan3A_41 = arith.constant 31 : i32
    %scan3A_42 = arith.addi %scan3A_40, %scan3A_41 : i32
    %scan3A_43 = arith.constant 1 : i32
    %scan3A_44 = scf.for %scan3A_82 = %scan3A_40 to %scan3A_42 step %scan3A_43 iter_args(%scan3A_83 = %scan3A_39) -> (i32)  : i32 {
      %mul3A_84 = arith.constant 4 : i32
      %mul3A_85 = arith.muli %mul3A_84, %scan3A_82 : i32
      %add3A_86 = arith.constant 0 : i32
      %add3A_87 = arith.addi %mul3A_85, %add3A_86 : i32
      %dma_wait3A_88 = arith.constant 0 : i32
      %dma_wait3A_89 = tpu.memref_slice %arg3[%dma_wait3A_88] : memref<320000xi32, #tpu.memory_space<hbm>> -> memref<80xi32, #tpu.memory_space<hbm>>
      %dma_wait3A_90 = arith.constant 0 : i32
      %dma_wait3A_91 = tpu.memref_slice %arg3[%dma_wait3A_90] : memref<320000xi32, #tpu.memory_space<hbm>> -> memref<80xi32, #tpu.memory_space<hbm>>
      tpu.wait_dma2 semaphore(%arg10 : memref<!tpu.dma_semaphore, #tpu.memory_space<semaphore_mem>>) src(%dma_wait3A_91 : memref<80xi32, #tpu.memory_space<hbm>>) dst(%arg6 : memref<80xi32, #tpu.memory_space<vmem>>)
      %dma_start3A_92 = arith.constant 0 : i32
      %dma_start3A_93 = arith.constant 0 : i32
      %dma_start3A_94 = tpu.memref_slice %arg18[%dma_start3A_92, %dma_start3A_93] : memref<10000x128xf32, #tpu.memory_space<vmem_shared>> -> memref<10000x128xf32, #tpu.memory_space<vmem_shared>>
      tpu.enqueue_indirect_dma source(%arg5 : memref<80x128xf32, #tpu.memory_space<vmem>>) target(%dma_start3A_94 : memref<10000x128xf32, #tpu.memory_space<vmem_shared>>) offsets(%arg6 : memref<80xi32, #tpu.memory_space<vmem>>) semaphore(%arg14 : memref<!tpu.dma_semaphore, #tpu.memory_space<semaphore_mem>>) {add = true}
      %ge3A = arith.constant 2 : i32
      %ge3A_95 = arith.cmpi sge, %add3A_87, %ge3A : i32
      %convert_element_type3A_96 = arith.extui %ge3A_95 : i1 to i32
      %cond3A_97 = arith.constant 0 : i32
      %cond3A_98 = arith.cmpi ne, %convert_element_type3A_96, %cond3A_97 : i32
      scf.if %cond3A_98 {
        %dma_wait3A_176 = arith.constant 0 : i32
        %dma_wait3A_177 = arith.constant 0 : i32
        %dma_wait3A_178 = tpu.memref_slice %arg18[%dma_wait3A_176, %dma_wait3A_177] : memref<10000x128xf32, #tpu.memory_space<vmem_shared>> -> memref<10000x128xf32, #tpu.memory_space<vmem_shared>>
        tpu.wait_indirect_dma semaphore(%arg16 : memref<!tpu.dma_semaphore, #tpu.memory_space<semaphore_mem>>) src(%arg5 : memref<80x128xf32, #tpu.memory_space<vmem>>) dst(%dma_wait3A_178 : memref<10000x128xf32, #tpu.memory_space<vmem_shared>>)
      } else {
      }
      %add3A_99 = arith.constant 2 : i32
      %add3A_100 = arith.addi %add3A_87, %add3A_99 : i32
      %lt3A_101 = arith.constant 125 : i32
      %lt3A_102 = arith.cmpi slt, %add3A_100, %lt3A_101 : i32
      %convert_element_type3A_103 = arith.extui %lt3A_102 : i1 to i32
      %cond3A_104 = arith.constant 0 : i32
      %cond3A_105 = arith.cmpi ne, %convert_element_type3A_103, %cond3A_104 : i32
      scf.if %cond3A_105 {
        %add3A_176 = arith.constant 2 : i32
        %add3A_177 = arith.addi %add3A_87, %add3A_176 : i32
        %mul3A_178 = arith.constant 80 : i32
        %mul3A_179 = arith.muli %add3A_177, %mul3A_178 : i32
        %add3A_180 = arith.addi %mul3A_2, %mul3A_179 : i32
        %dma_start3A_181 = tpu.memref_slice %arg3[%add3A_180] : memref<320000xi32, #tpu.memory_space<hbm>> -> memref<80xi32, #tpu.memory_space<hbm>>
        %dma_start3A_182 = tpu.memref_slice %arg3[%add3A_180] : memref<320000xi32, #tpu.memory_space<hbm>> -> memref<80xi32, #tpu.memory_space<hbm>>
        tpu.enqueue_dma source(%dma_start3A_182 : memref<80xi32, #tpu.memory_space<hbm>>) target(%arg8 : memref<80xi32, #tpu.memory_space<vmem>>) target_semaphore(%arg12 : memref<!tpu.dma_semaphore, #tpu.memory_space<semaphore_mem>>)
      } else {
      }
      %mul3A_106 = arith.constant 4 : i32
      %mul3A_107 = arith.muli %mul3A_106, %scan3A_82 : i32
      %add3A_108 = arith.constant 1 : i32
      %add3A_109 = arith.addi %mul3A_107, %add3A_108 : i32
      %dma_wait3A_110 = arith.constant 0 : i32
      %dma_wait3A_111 = tpu.memref_slice %arg3[%dma_wait3A_110] : memref<320000xi32, #tpu.memory_space<hbm>> -> memref<80xi32, #tpu.memory_space<hbm>>
      %dma_wait3A_112 = arith.constant 0 : i32
      %dma_wait3A_113 = tpu.memref_slice %arg3[%dma_wait3A_112] : memref<320000xi32, #tpu.memory_space<hbm>> -> memref<80xi32, #tpu.memory_space<hbm>>
      tpu.wait_dma2 semaphore(%arg11 : memref<!tpu.dma_semaphore, #tpu.memory_space<semaphore_mem>>) src(%dma_wait3A_113 : memref<80xi32, #tpu.memory_space<hbm>>) dst(%arg7 : memref<80xi32, #tpu.memory_space<vmem>>)
      %dma_start3A_114 = arith.constant 0 : i32
      %dma_start3A_115 = arith.constant 0 : i32
      %dma_start3A_116 = tpu.memref_slice %arg18[%dma_start3A_114, %dma_start3A_115] : memref<10000x128xf32, #tpu.memory_space<vmem_shared>> -> memref<10000x128xf32, #tpu.memory_space<vmem_shared>>
      tpu.enqueue_indirect_dma source(%arg5 : memref<80x128xf32, #tpu.memory_space<vmem>>) target(%dma_start3A_116 : memref<10000x128xf32, #tpu.memory_space<vmem_shared>>) offsets(%arg7 : memref<80xi32, #tpu.memory_space<vmem>>) semaphore(%arg15 : memref<!tpu.dma_semaphore, #tpu.memory_space<semaphore_mem>>) {add = true}
      %ge3A_117 = arith.constant 2 : i32
      %ge3A_118 = arith.cmpi sge, %add3A_109, %ge3A_117 : i32
      %convert_element_type3A_119 = arith.extui %ge3A_118 : i1 to i32
      %cond3A_120 = arith.constant 0 : i32
      %cond3A_121 = arith.cmpi ne, %convert_element_type3A_119, %cond3A_120 : i32
      scf.if %cond3A_121 {
        %dma_wait3A_176 = arith.constant 0 : i32
        %dma_wait3A_177 = arith.constant 0 : i32
        %dma_wait3A_178 = tpu.memref_slice %arg18[%dma_wait3A_176, %dma_wait3A_177] : memref<10000x128xf32, #tpu.memory_space<vmem_shared>> -> memref<10000x128xf32, #tpu.memory_space<vmem_shared>>
        tpu.wait_indirect_dma semaphore(%arg17 : memref<!tpu.dma_semaphore, #tpu.memory_space<semaphore_mem>>) src(%arg5 : memref<80x128xf32, #tpu.memory_space<vmem>>) dst(%dma_wait3A_178 : memref<10000x128xf32, #tpu.memory_space<vmem_shared>>)
      } else {
      }
      %add3A_122 = arith.constant 2 : i32
      %add3A_123 = arith.addi %add3A_109, %add3A_122 : i32
      %lt3A_124 = arith.constant 125 : i32
      %lt3A_125 = arith.cmpi slt, %add3A_123, %lt3A_124 : i32
      %convert_element_type3A_126 = arith.extui %lt3A_125 : i1 to i32
      %cond3A_127 = arith.constant 0 : i32
      %cond3A_128 = arith.cmpi ne, %convert_element_type3A_126, %cond3A_127 : i32
      scf.if %cond3A_128 {
        %add3A_176 = arith.constant 2 : i32
        %add3A_177 = arith.addi %add3A_109, %add3A_176 : i32
        %mul3A_178 = arith.constant 80 : i32
        %mul3A_179 = arith.muli %add3A_177, %mul3A_178 : i32
        %add3A_180 = arith.addi %mul3A_2, %mul3A_179 : i32
        %dma_start3A_181 = tpu.memref_slice %arg3[%add3A_180] : memref<320000xi32, #tpu.memory_space<hbm>> -> memref<80xi32, #tpu.memory_space<hbm>>
        %dma_start3A_182 = tpu.memref_slice %arg3[%add3A_180] : memref<320000xi32, #tpu.memory_space<hbm>> -> memref<80xi32, #tpu.memory_space<hbm>>
        tpu.enqueue_dma source(%dma_start3A_182 : memref<80xi32, #tpu.memory_space<hbm>>) target(%arg9 : memref<80xi32, #tpu.memory_space<vmem>>) target_semaphore(%arg13 : memref<!tpu.dma_semaphore, #tpu.memory_space<semaphore_mem>>)
      } else {
      }
      %mul3A_129 = arith.constant 4 : i32
      %mul3A_130 = arith.muli %mul3A_129, %scan3A_82 : i32
      %add3A_131 = arith.constant 2 : i32
      %add3A_132 = arith.addi %mul3A_130, %add3A_131 : i32
      %dma_wait3A_133 = arith.constant 0 : i32
      %dma_wait3A_134 = tpu.memref_slice %arg3[%dma_wait3A_133] : memref<320000xi32, #tpu.memory_space<hbm>> -> memref<80xi32, #tpu.memory_space<hbm>>
      %dma_wait3A_135 = arith.constant 0 : i32
      %dma_wait3A_136 = tpu.memref_slice %arg3[%dma_wait3A_135] : memref<320000xi32, #tpu.memory_space<hbm>> -> memref<80xi32, #tpu.memory_space<hbm>>
      tpu.wait_dma2 semaphore(%arg12 : memref<!tpu.dma_semaphore, #tpu.memory_space<semaphore_mem>>) src(%dma_wait3A_136 : memref<80xi32, #tpu.memory_space<hbm>>) dst(%arg8 : memref<80xi32, #tpu.memory_space<vmem>>)
      %dma_start3A_137 = arith.constant 0 : i32
      %dma_start3A_138 = arith.constant 0 : i32
      %dma_start3A_139 = tpu.memref_slice %arg18[%dma_start3A_137, %dma_start3A_138] : memref<10000x128xf32, #tpu.memory_space<vmem_shared>> -> memref<10000x128xf32, #tpu.memory_space<vmem_shared>>
      tpu.enqueue_indirect_dma source(%arg5 : memref<80x128xf32, #tpu.memory_space<vmem>>) target(%dma_start3A_139 : memref<10000x128xf32, #tpu.memory_space<vmem_shared>>) offsets(%arg8 : memref<80xi32, #tpu.memory_space<vmem>>) semaphore(%arg16 : memref<!tpu.dma_semaphore, #tpu.memory_space<semaphore_mem>>) {add = true}
      %ge3A_140 = arith.constant 2 : i32
      %ge3A_141 = arith.cmpi sge, %add3A_132, %ge3A_140 : i32
      %convert_element_type3A_142 = arith.extui %ge3A_141 : i1 to i32
      %cond3A_143 = arith.constant 0 : i32
      %cond3A_144 = arith.cmpi ne, %convert_element_type3A_142, %cond3A_143 : i32
      scf.if %cond3A_144 {
        %dma_wait3A_176 = arith.constant 0 : i32
        %dma_wait3A_177 = arith.constant 0 : i32
        %dma_wait3A_178 = tpu.memref_slice %arg18[%dma_wait3A_176, %dma_wait3A_177] : memref<10000x128xf32, #tpu.memory_space<vmem_shared>> -> memref<10000x128xf32, #tpu.memory_space<vmem_shared>>
        tpu.wait_indirect_dma semaphore(%arg14 : memref<!tpu.dma_semaphore, #tpu.memory_space<semaphore_mem>>) src(%arg5 : memref<80x128xf32, #tpu.memory_space<vmem>>) dst(%dma_wait3A_178 : memref<10000x128xf32, #tpu.memory_space<vmem_shared>>)
      } else {
      }
      %add3A_145 = arith.constant 2 : i32
      %add3A_146 = arith.addi %add3A_132, %add3A_145 : i32
      %lt3A_147 = arith.constant 125 : i32
      %lt3A_148 = arith.cmpi slt, %add3A_146, %lt3A_147 : i32
      %convert_element_type3A_149 = arith.extui %lt3A_148 : i1 to i32
      %cond3A_150 = arith.constant 0 : i32
      %cond3A_151 = arith.cmpi ne, %convert_element_type3A_149, %cond3A_150 : i32
      scf.if %cond3A_151 {
        %add3A_176 = arith.constant 2 : i32
        %add3A_177 = arith.addi %add3A_132, %add3A_176 : i32
        %mul3A_178 = arith.constant 80 : i32
        %mul3A_179 = arith.muli %add3A_177, %mul3A_178 : i32
        %add3A_180 = arith.addi %mul3A_2, %mul3A_179 : i32
        %dma_start3A_181 = tpu.memref_slice %arg3[%add3A_180] : memref<320000xi32, #tpu.memory_space<hbm>> -> memref<80xi32, #tpu.memory_space<hbm>>
        %dma_start3A_182 = tpu.memref_slice %arg3[%add3A_180] : memref<320000xi32, #tpu.memory_space<hbm>> -> memref<80xi32, #tpu.memory_space<hbm>>
        tpu.enqueue_dma source(%dma_start3A_182 : memref<80xi32, #tpu.memory_space<hbm>>) target(%arg6 : memref<80xi32, #tpu.memory_space<vmem>>) target_semaphore(%arg10 : memref<!tpu.dma_semaphore, #tpu.memory_space<semaphore_mem>>)
      } else {
      }
      %mul3A_152 = arith.constant 4 : i32
      %mul3A_153 = arith.muli %mul3A_152, %scan3A_82 : i32
      %add3A_154 = arith.constant 3 : i32
      %add3A_155 = arith.addi %mul3A_153, %add3A_154 : i32
      %dma_wait3A_156 = arith.constant 0 : i32
      %dma_wait3A_157 = tpu.memref_slice %arg3[%dma_wait3A_156] : memref<320000xi32, #tpu.memory_space<hbm>> -> memref<80xi32, #tpu.memory_space<hbm>>
      %dma_wait3A_158 = arith.constant 0 : i32
      %dma_wait3A_159 = tpu.memref_slice %arg3[%dma_wait3A_158] : memref<320000xi32, #tpu.memory_space<hbm>> -> memref<80xi32, #tpu.memory_space<hbm>>
      tpu.wait_dma2 semaphore(%arg13 : memref<!tpu.dma_semaphore, #tpu.memory_space<semaphore_mem>>) src(%dma_wait3A_159 : memref<80xi32, #tpu.memory_space<hbm>>) dst(%arg9 : memref<80xi32, #tpu.memory_space<vmem>>)
      %dma_start3A_160 = arith.constant 0 : i32
      %dma_start3A_161 = arith.constant 0 : i32
      %dma_start3A_162 = tpu.memref_slice %arg18[%dma_start3A_160, %dma_start3A_161] : memref<10000x128xf32, #tpu.memory_space<vmem_shared>> -> memref<10000x128xf32, #tpu.memory_space<vmem_shared>>
      tpu.enqueue_indirect_dma source(%arg5 : memref<80x128xf32, #tpu.memory_space<vmem>>) target(%dma_start3A_162 : memref<10000x128xf32, #tpu.memory_space<vmem_shared>>) offsets(%arg9 : memref<80xi32, #tpu.memory_space<vmem>>) semaphore(%arg17 : memref<!tpu.dma_semaphore, #tpu.memory_space<semaphore_mem>>) {add = true}
      %ge3A_163 = arith.constant 2 : i32
      %ge3A_164 = arith.cmpi sge, %add3A_155, %ge3A_163 : i32
      %convert_element_type3A_165 = arith.extui %ge3A_164 : i1 to i32
      %cond3A_166 = arith.constant 0 : i32
      %cond3A_167 = arith.cmpi ne, %convert_element_type3A_165, %cond3A_166 : i32
      scf.if %cond3A_167 {
        %dma_wait3A_176 = arith.constant 0 : i32
        %dma_wait3A_177 = arith.constant 0 : i32
        %dma_wait3A_178 = tpu.memref_slice %arg18[%dma_wait3A_176, %dma_wait3A_177] : memref<10000x128xf32, #tpu.memory_space<vmem_shared>> -> memref<10000x128xf32, #tpu.memory_space<vmem_shared>>
        tpu.wait_indirect_dma semaphore(%arg15 : memref<!tpu.dma_semaphore, #tpu.memory_space<semaphore_mem>>) src(%arg5 : memref<80x128xf32, #tpu.memory_space<vmem>>) dst(%dma_wait3A_178 : memref<10000x128xf32, #tpu.memory_space<vmem_shared>>)
      } else {
      }
      %add3A_168 = arith.constant 2 : i32
      %add3A_169 = arith.addi %add3A_155, %add3A_168 : i32
      %lt3A_170 = arith.constant 125 : i32
      %lt3A_171 = arith.cmpi slt, %add3A_169, %lt3A_170 : i32
      %convert_element_type3A_172 = arith.extui %lt3A_171 : i1 to i32
      %cond3A_173 = arith.constant 0 : i32
      %cond3A_174 = arith.cmpi ne, %convert_element_type3A_172, %cond3A_173 : i32
      scf.if %cond3A_174 {
        %add3A_176 = arith.constant 2 : i32
        %add3A_177 = arith.addi %add3A_155, %add3A_176 : i32
        %mul3A_178 = arith.constant 80 : i32
        %mul3A_179 = arith.muli %add3A_177, %mul3A_178 : i32
        %add3A_180 = arith.addi %mul3A_2, %mul3A_179 : i32
        %dma_start3A_181 = tpu.memref_slice %arg3[%add3A_180] : memref<320000xi32, #tpu.memory_space<hbm>> -> memref<80xi32, #tpu.memory_space<hbm>>
        %dma_start3A_182 = tpu.memref_slice %arg3[%add3A_180] : memref<320000xi32, #tpu.memory_space<hbm>> -> memref<80xi32, #tpu.memory_space<hbm>>
        tpu.enqueue_dma source(%dma_start3A_182 : memref<80xi32, #tpu.memory_space<hbm>>) target(%arg7 : memref<80xi32, #tpu.memory_space<vmem>>) target_semaphore(%arg11 : memref<!tpu.dma_semaphore, #tpu.memory_space<semaphore_mem>>)
      } else {
      }
      %scan3A_175 = arith.constant 0 : i32
      scf.yield %scan3A_175 : i32
    }
    %scan3A_45 = arith.constant 31 : i32
    %dma_wait3A = arith.constant 0 : i32
    %dma_wait3A_46 = tpu.memref_slice %arg3[%dma_wait3A] : memref<320000xi32, #tpu.memory_space<hbm>> -> memref<80xi32, #tpu.memory_space<hbm>>
    %dma_wait3A_47 = arith.constant 0 : i32
    %dma_wait3A_48 = tpu.memref_slice %arg3[%dma_wait3A_47] : memref<320000xi32, #tpu.memory_space<hbm>> -> memref<80xi32, #tpu.memory_space<hbm>>
    tpu.wait_dma2 semaphore(%arg10 : memref<!tpu.dma_semaphore, #tpu.memory_space<semaphore_mem>>) src(%dma_wait3A_48 : memref<80xi32, #tpu.memory_space<hbm>>) dst(%arg6 : memref<80xi32, #tpu.memory_space<vmem>>)
    %dma_start3A_49 = arith.constant 0 : i32
    %dma_start3A_50 = arith.constant 0 : i32
    %dma_start3A_51 = tpu.memref_slice %arg18[%dma_start3A_49, %dma_start3A_50] : memref<10000x128xf32, #tpu.memory_space<vmem_shared>> -> memref<10000x128xf32, #tpu.memory_space<vmem_shared>>
    tpu.enqueue_indirect_dma source(%arg5 : memref<80x128xf32, #tpu.memory_space<vmem>>) target(%dma_start3A_51 : memref<10000x128xf32, #tpu.memory_space<vmem_shared>>) offsets(%arg6 : memref<80xi32, #tpu.memory_space<vmem>>) semaphore(%arg14 : memref<!tpu.dma_semaphore, #tpu.memory_space<semaphore_mem>>) {add = true}
    %dma_wait3A_52 = arith.constant 0 : i32
    %dma_wait3A_53 = arith.constant 0 : i32
    %dma_wait3A_54 = tpu.memref_slice %arg18[%dma_wait3A_52, %dma_wait3A_53] : memref<10000x128xf32, #tpu.memory_space<vmem_shared>> -> memref<10000x128xf32, #tpu.memory_space<vmem_shared>>
    tpu.wait_indirect_dma semaphore(%arg16 : memref<!tpu.dma_semaphore, #tpu.memory_space<semaphore_mem>>) src(%arg5 : memref<80x128xf32, #tpu.memory_space<vmem>>) dst(%dma_wait3A_54 : memref<10000x128xf32, #tpu.memory_space<vmem_shared>>)
    %dma_wait3A_55 = arith.constant 0 : i32
    %dma_wait3A_56 = arith.constant 0 : i32
    %dma_wait3A_57 = tpu.memref_slice %arg18[%dma_wait3A_55, %dma_wait3A_56] : memref<10000x128xf32, #tpu.memory_space<vmem_shared>> -> memref<10000x128xf32, #tpu.memory_space<vmem_shared>>
    tpu.wait_indirect_dma semaphore(%arg17 : memref<!tpu.dma_semaphore, #tpu.memory_space<semaphore_mem>>) src(%arg5 : memref<80x128xf32, #tpu.memory_space<vmem>>) dst(%dma_wait3A_57 : memref<10000x128xf32, #tpu.memory_space<vmem_shared>>)
    %dma_wait3A_58 = arith.constant 0 : i32
    %dma_wait3A_59 = arith.constant 0 : i32
    %dma_wait3A_60 = tpu.memref_slice %arg18[%dma_wait3A_58, %dma_wait3A_59] : memref<10000x128xf32, #tpu.memory_space<vmem_shared>> -> memref<10000x128xf32, #tpu.memory_space<vmem_shared>>
    tpu.wait_indirect_dma semaphore(%arg14 : memref<!tpu.dma_semaphore, #tpu.memory_space<semaphore_mem>>) src(%arg5 : memref<80x128xf32, #tpu.memory_space<vmem>>) dst(%dma_wait3A_60 : memref<10000x128xf32, #tpu.memory_space<vmem_shared>>)
    %barrier3A_61 = arith.constant 0 : index
    tpu.barrier barrier_id(%barrier3A_61)
    %lt3A_62 = arith.constant 15 : i32
    %lt3A_63 = arith.cmpi slt, %arg1, %lt3A_62 : i32
    %convert_element_type3A_64 = arith.extui %lt3A_63 : i1 to i32
    %cond3A_65 = arith.constant 0 : i32
    %cond3A_66 = arith.cmpi ne, %convert_element_type3A_64, %cond3A_65 : i32
    scf.if %cond3A_66 {
      %mul3A_82 = arith.constant 640 : i32
      %mul3A_83 = arith.muli %arg1, %mul3A_82 : i32
      %add3A_84 = arith.constant 0 : i32
      %add3A_85 = arith.addi %mul3A_83, %add3A_84 : i32
      %mul3A_86 = arith.constant 10000 : i32
      %mul3A_87 = arith.muli %arg0, %mul3A_86 : i32
      %add3A_88 = arith.addi %mul3A_87, %add3A_85 : i32
      %dma_start3A_89 = arith.constant 0 : i32
      %dma_start3A_90 = tpu.memref_slice %arg4[%add3A_88, %dma_start3A_89] : memref<20000x128xf32, #tpu.memory_space<hbm>> -> memref<80x128xf32, #tpu.memory_space<hbm>>
      %dma_start3A_91 = arith.constant 0 : i32
      %dma_start3A_92 = tpu.memref_slice %arg18[%add3A_85, %dma_start3A_91] : memref<10000x128xf32, #tpu.memory_space<vmem_shared>> -> memref<80x128xf32, #tpu.memory_space<vmem_shared>>
      tpu.enqueue_dma source(%dma_start3A_92 : memref<80x128xf32, #tpu.memory_space<vmem_shared>>) target(%dma_start3A_90 : memref<80x128xf32, #tpu.memory_space<hbm>>) target_semaphore(%arg10 : memref<!tpu.dma_semaphore, #tpu.memory_space<semaphore_mem>>)
      %mul3A_93 = arith.constant 640 : i32
      %mul3A_94 = arith.muli %arg1, %mul3A_93 : i32
      %add3A_95 = arith.constant 80 : i32
      %add3A_96 = arith.addi %mul3A_94, %add3A_95 : i32
      %mul3A_97 = arith.constant 10000 : i32
      %mul3A_98 = arith.muli %arg0, %mul3A_97 : i32
      %add3A_99 = arith.addi %mul3A_98, %add3A_96 : i32
      %dma_start3A_100 = arith.constant 0 : i32
      %dma_start3A_101 = tpu.memref_slice %arg4[%add3A_99, %dma_start3A_100] : memref<20000x128xf32, #tpu.memory_space<hbm>> -> memref<80x128xf32, #tpu.memory_space<hbm>>
      %dma_start3A_102 = arith.constant 0 : i32
      %dma_start3A_103 = tpu.memref_slice %arg18[%add3A_96, %dma_start3A_102] : memref<10000x128xf32, #tpu.memory_space<vmem_shared>> -> memref<80x128xf32, #tpu.memory_space<vmem_shared>>
      tpu.enqueue_dma source(%dma_start3A_103 : memref<80x128xf32, #tpu.memory_space<vmem_shared>>) target(%dma_start3A_101 : memref<80x128xf32, #tpu.memory_space<hbm>>) target_semaphore(%arg10 : memref<!tpu.dma_semaphore, #tpu.memory_space<semaphore_mem>>)
      %mul3A_104 = arith.constant 640 : i32
      %mul3A_105 = arith.muli %arg1, %mul3A_104 : i32
      %add3A_106 = arith.constant 160 : i32
      %add3A_107 = arith.addi %mul3A_105, %add3A_106 : i32
      %mul3A_108 = arith.constant 10000 : i32
      %mul3A_109 = arith.muli %arg0, %mul3A_108 : i32
      %add3A_110 = arith.addi %mul3A_109, %add3A_107 : i32
      %dma_start3A_111 = arith.constant 0 : i32
      %dma_start3A_112 = tpu.memref_slice %arg4[%add3A_110, %dma_start3A_111] : memref<20000x128xf32, #tpu.memory_space<hbm>> -> memref<80x128xf32, #tpu.memory_space<hbm>>
      %dma_start3A_113 = arith.constant 0 : i32
      %dma_start3A_114 = tpu.memref_slice %arg18[%add3A_107, %dma_start3A_113] : memref<10000x128xf32, #tpu.memory_space<vmem_shared>> -> memref<80x128xf32, #tpu.memory_space<vmem_shared>>
      tpu.enqueue_dma source(%dma_start3A_114 : memref<80x128xf32, #tpu.memory_space<vmem_shared>>) target(%dma_start3A_112 : memref<80x128xf32, #tpu.memory_space<hbm>>) target_semaphore(%arg10 : memref<!tpu.dma_semaphore, #tpu.memory_space<semaphore_mem>>)
      %mul3A_115 = arith.constant 640 : i32
      %mul3A_116 = arith.muli %arg1, %mul3A_115 : i32
      %add3A_117 = arith.constant 240 : i32
      %add3A_118 = arith.addi %mul3A_116, %add3A_117 : i32
      %mul3A_119 = arith.constant 10000 : i32
      %mul3A_120 = arith.muli %arg0, %mul3A_119 : i32
      %add3A_121 = arith.addi %mul3A_120, %add3A_118 : i32
      %dma_start3A_122 = arith.constant 0 : i32
      %dma_start3A_123 = tpu.memref_slice %arg4[%add3A_121, %dma_start3A_122] : memref<20000x128xf32, #tpu.memory_space<hbm>> -> memref<80x128xf32, #tpu.memory_space<hbm>>
      %dma_start3A_124 = arith.constant 0 : i32
      %dma_start3A_125 = tpu.memref_slice %arg18[%add3A_118, %dma_start3A_124] : memref<10000x128xf32, #tpu.memory_space<vmem_shared>> -> memref<80x128xf32, #tpu.memory_space<vmem_shared>>
      tpu.enqueue_dma source(%dma_start3A_125 : memref<80x128xf32, #tpu.memory_space<vmem_shared>>) target(%dma_start3A_123 : memref<80x128xf32, #tpu.memory_space<hbm>>) target_semaphore(%arg10 : memref<!tpu.dma_semaphore, #tpu.memory_space<semaphore_mem>>)
      %mul3A_126 = arith.constant 640 : i32
      %mul3A_127 = arith.muli %arg1, %mul3A_126 : i32
      %add3A_128 = arith.constant 320 : i32
      %add3A_129 = arith.addi %mul3A_127, %add3A_128 : i32
      %mul3A_130 = arith.constant 10000 : i32
      %mul3A_131 = arith.muli %arg0, %mul3A_130 : i32
      %add3A_132 = arith.addi %mul3A_131, %add3A_129 : i32
      %dma_start3A_133 = arith.constant 0 : i32
      %dma_start3A_134 = tpu.memref_slice %arg4[%add3A_132, %dma_start3A_133] : memref<20000x128xf32, #tpu.memory_space<hbm>> -> memref<80x128xf32, #tpu.memory_space<hbm>>
      %dma_start3A_135 = arith.constant 0 : i32
      %dma_start3A_136 = tpu.memref_slice %arg18[%add3A_129, %dma_start3A_135] : memref<10000x128xf32, #tpu.memory_space<vmem_shared>> -> memref<80x128xf32, #tpu.memory_space<vmem_shared>>
      tpu.enqueue_dma source(%dma_start3A_136 : memref<80x128xf32, #tpu.memory_space<vmem_shared>>) target(%dma_start3A_134 : memref<80x128xf32, #tpu.memory_space<hbm>>) target_semaphore(%arg10 : memref<!tpu.dma_semaphore, #tpu.memory_space<semaphore_mem>>)
      %mul3A_137 = arith.constant 640 : i32
      %mul3A_138 = arith.muli %arg1, %mul3A_137 : i32
      %add3A_139 = arith.constant 400 : i32
      %add3A_140 = arith.addi %mul3A_138, %add3A_139 : i32
      %mul3A_141 = arith.constant 10000 : i32
      %mul3A_142 = arith.muli %arg0, %mul3A_141 : i32
      %add3A_143 = arith.addi %mul3A_142, %add3A_140 : i32
      %dma_start3A_144 = arith.constant 0 : i32
      %dma_start3A_145 = tpu.memref_slice %arg4[%add3A_143, %dma_start3A_144] : memref<20000x128xf32, #tpu.memory_space<hbm>> -> memref<80x128xf32, #tpu.memory_space<hbm>>
      %dma_start3A_146 = arith.constant 0 : i32
      %dma_start3A_147 = tpu.memref_slice %arg18[%add3A_140, %dma_start3A_146] : memref<10000x128xf32, #tpu.memory_space<vmem_shared>> -> memref<80x128xf32, #tpu.memory_space<vmem_shared>>
      tpu.enqueue_dma source(%dma_start3A_147 : memref<80x128xf32, #tpu.memory_space<vmem_shared>>) target(%dma_start3A_145 : memref<80x128xf32, #tpu.memory_space<hbm>>) target_semaphore(%arg10 : memref<!tpu.dma_semaphore, #tpu.memory_space<semaphore_mem>>)
      %mul3A_148 = arith.constant 640 : i32
      %mul3A_149 = arith.muli %arg1, %mul3A_148 : i32
      %add3A_150 = arith.constant 480 : i32
      %add3A_151 = arith.addi %mul3A_149, %add3A_150 : i32
      %mul3A_152 = arith.constant 10000 : i32
      %mul3A_153 = arith.muli %arg0, %mul3A_152 : i32
      %add3A_154 = arith.addi %mul3A_153, %add3A_151 : i32
      %dma_start3A_155 = arith.constant 0 : i32
      %dma_start3A_156 = tpu.memref_slice %arg4[%add3A_154, %dma_start3A_155] : memref<20000x128xf32, #tpu.memory_space<hbm>> -> memref<80x128xf32, #tpu.memory_space<hbm>>
      %dma_start3A_157 = arith.constant 0 : i32
      %dma_start3A_158 = tpu.memref_slice %arg18[%add3A_151, %dma_start3A_157] : memref<10000x128xf32, #tpu.memory_space<vmem_shared>> -> memref<80x128xf32, #tpu.memory_space<vmem_shared>>
      tpu.enqueue_dma source(%dma_start3A_158 : memref<80x128xf32, #tpu.memory_space<vmem_shared>>) target(%dma_start3A_156 : memref<80x128xf32, #tpu.memory_space<hbm>>) target_semaphore(%arg10 : memref<!tpu.dma_semaphore, #tpu.memory_space<semaphore_mem>>)
      %mul3A_159 = arith.constant 640 : i32
      %mul3A_160 = arith.muli %arg1, %mul3A_159 : i32
      %add3A_161 = arith.constant 560 : i32
      %add3A_162 = arith.addi %mul3A_160, %add3A_161 : i32
      %mul3A_163 = arith.constant 10000 : i32
      %mul3A_164 = arith.muli %arg0, %mul3A_163 : i32
      %add3A_165 = arith.addi %mul3A_164, %add3A_162 : i32
      %dma_start3A_166 = arith.constant 0 : i32
      %dma_start3A_167 = tpu.memref_slice %arg4[%add3A_165, %dma_start3A_166] : memref<20000x128xf32, #tpu.memory_space<hbm>> -> memref<80x128xf32, #tpu.memory_space<hbm>>
      %dma_start3A_168 = arith.constant 0 : i32
      %dma_start3A_169 = tpu.memref_slice %arg18[%add3A_162, %dma_start3A_168] : memref<10000x128xf32, #tpu.memory_space<vmem_shared>> -> memref<80x128xf32, #tpu.memory_space<vmem_shared>>
      tpu.enqueue_dma source(%dma_start3A_169 : memref<80x128xf32, #tpu.memory_space<vmem_shared>>) target(%dma_start3A_167 : memref<80x128xf32, #tpu.memory_space<hbm>>) target_semaphore(%arg10 : memref<!tpu.dma_semaphore, #tpu.memory_space<semaphore_mem>>)
    } else {
    }
    %eq3A_67 = arith.constant 15 : i32
    %eq3A_68 = arith.cmpi eq, %arg1, %eq3A_67 : i32
    %convert_element_type3A_69 = arith.extui %eq3A_68 : i1 to i32
    %cond3A_70 = arith.constant 0 : i32
    %cond3A_71 = arith.cmpi ne, %convert_element_type3A_69, %cond3A_70 : i32
    scf.if %cond3A_71 {
      %mul3A_82 = arith.constant 10000 : i32
      %mul3A_83 = arith.muli %arg0, %mul3A_82 : i32
      %add3A_84 = arith.constant 9600 : i32
      %add3A_85 = arith.addi %mul3A_83, %add3A_84 : i32
      %dma_start3A_86 = arith.constant 0 : i32
      %dma_start3A_87 = tpu.memref_slice %arg4[%add3A_85, %dma_start3A_86] : memref<20000x128xf32, #tpu.memory_space<hbm>> -> memref<80x128xf32, #tpu.memory_space<hbm>>
      %dma_start3A_88 = arith.constant 9600 : i32
      %dma_start3A_89 = arith.constant 0 : i32
      %dma_start3A_90 = tpu.memref_slice %arg18[%dma_start3A_88, %dma_start3A_89] : memref<10000x128xf32, #tpu.memory_space<vmem_shared>> -> memref<80x128xf32, #tpu.memory_space<vmem_shared>>
      tpu.enqueue_dma source(%dma_start3A_90 : memref<80x128xf32, #tpu.memory_space<vmem_shared>>) target(%dma_start3A_87 : memref<80x128xf32, #tpu.memory_space<hbm>>) target_semaphore(%arg10 : memref<!tpu.dma_semaphore, #tpu.memory_space<semaphore_mem>>)
      %mul3A_91 = arith.constant 10000 : i32
      %mul3A_92 = arith.muli %arg0, %mul3A_91 : i32
      %add3A_93 = arith.constant 9680 : i32
      %add3A_94 = arith.addi %mul3A_92, %add3A_93 : i32
      %dma_start3A_95 = arith.constant 0 : i32
      %dma_start3A_96 = tpu.memref_slice %arg4[%add3A_94, %dma_start3A_95] : memref<20000x128xf32, #tpu.memory_space<hbm>> -> memref<80x128xf32, #tpu.memory_space<hbm>>
      %dma_start3A_97 = arith.constant 9680 : i32
      %dma_start3A_98 = arith.constant 0 : i32
      %dma_start3A_99 = tpu.memref_slice %arg18[%dma_start3A_97, %dma_start3A_98] : memref<10000x128xf32, #tpu.memory_space<vmem_shared>> -> memref<80x128xf32, #tpu.memory_space<vmem_shared>>
      tpu.enqueue_dma source(%dma_start3A_99 : memref<80x128xf32, #tpu.memory_space<vmem_shared>>) target(%dma_start3A_96 : memref<80x128xf32, #tpu.memory_space<hbm>>) target_semaphore(%arg10 : memref<!tpu.dma_semaphore, #tpu.memory_space<semaphore_mem>>)
      %mul3A_100 = arith.constant 10000 : i32
      %mul3A_101 = arith.muli %arg0, %mul3A_100 : i32
      %add3A_102 = arith.constant 9760 : i32
      %add3A_103 = arith.addi %mul3A_101, %add3A_102 : i32
      %dma_start3A_104 = arith.constant 0 : i32
      %dma_start3A_105 = tpu.memref_slice %arg4[%add3A_103, %dma_start3A_104] : memref<20000x128xf32, #tpu.memory_space<hbm>> -> memref<80x128xf32, #tpu.memory_space<hbm>>
      %dma_start3A_106 = arith.constant 9760 : i32
      %dma_start3A_107 = arith.constant 0 : i32
      %dma_start3A_108 = tpu.memref_slice %arg18[%dma_start3A_106, %dma_start3A_107] : memref<10000x128xf32, #tpu.memory_space<vmem_shared>> -> memref<80x128xf32, #tpu.memory_space<vmem_shared>>
      tpu.enqueue_dma source(%dma_start3A_108 : memref<80x128xf32, #tpu.memory_space<vmem_shared>>) target(%dma_start3A_105 : memref<80x128xf32, #tpu.memory_space<hbm>>) target_semaphore(%arg10 : memref<!tpu.dma_semaphore, #tpu.memory_space<semaphore_mem>>)
      %mul3A_109 = arith.constant 10000 : i32
      %mul3A_110 = arith.muli %arg0, %mul3A_109 : i32
      %add3A_111 = arith.constant 9840 : i32
      %add3A_112 = arith.addi %mul3A_110, %add3A_111 : i32
      %dma_start3A_113 = arith.constant 0 : i32
      %dma_start3A_114 = tpu.memref_slice %arg4[%add3A_112, %dma_start3A_113] : memref<20000x128xf32, #tpu.memory_space<hbm>> -> memref<80x128xf32, #tpu.memory_space<hbm>>
      %dma_start3A_115 = arith.constant 9840 : i32
      %dma_start3A_116 = arith.constant 0 : i32
      %dma_start3A_117 = tpu.memref_slice %arg18[%dma_start3A_115, %dma_start3A_116] : memref<10000x128xf32, #tpu.memory_space<vmem_shared>> -> memref<80x128xf32, #tpu.memory_space<vmem_shared>>
      tpu.enqueue_dma source(%dma_start3A_117 : memref<80x128xf32, #tpu.memory_space<vmem_shared>>) target(%dma_start3A_114 : memref<80x128xf32, #tpu.memory_space<hbm>>) target_semaphore(%arg10 : memref<!tpu.dma_semaphore, #tpu.memory_space<semaphore_mem>>)
      %mul3A_118 = arith.constant 10000 : i32
      %mul3A_119 = arith.muli %arg0, %mul3A_118 : i32
      %add3A_120 = arith.constant 9920 : i32
      %add3A_121 = arith.addi %mul3A_119, %add3A_120 : i32
      %dma_start3A_122 = arith.constant 0 : i32
      %dma_start3A_123 = tpu.memref_slice %arg4[%add3A_121, %dma_start3A_122] : memref<20000x128xf32, #tpu.memory_space<hbm>> -> memref<80x128xf32, #tpu.memory_space<hbm>>
      %dma_start3A_124 = arith.constant 9920 : i32
      %dma_start3A_125 = arith.constant 0 : i32
      %dma_start3A_126 = tpu.memref_slice %arg18[%dma_start3A_124, %dma_start3A_125] : memref<10000x128xf32, #tpu.memory_space<vmem_shared>> -> memref<80x128xf32, #tpu.memory_space<vmem_shared>>
      tpu.enqueue_dma source(%dma_start3A_126 : memref<80x128xf32, #tpu.memory_space<vmem_shared>>) target(%dma_start3A_123 : memref<80x128xf32, #tpu.memory_space<hbm>>) target_semaphore(%arg10 : memref<!tpu.dma_semaphore, #tpu.memory_space<semaphore_mem>>)
    } else {
    }
    %lt3A_72 = arith.constant 15 : i32
    %lt3A_73 = arith.cmpi slt, %arg1, %lt3A_72 : i32
    %convert_element_type3A_74 = arith.extui %lt3A_73 : i1 to i32
    %cond3A_75 = arith.constant 0 : i32
    %cond3A_76 = arith.cmpi ne, %convert_element_type3A_74, %cond3A_75 : i32
    scf.if %cond3A_76 {
      %mul3A_82 = arith.constant 640 : i32
      %mul3A_83 = arith.muli %arg1, %mul3A_82 : i32
      %add3A_84 = arith.constant 0 : i32
      %add3A_85 = arith.addi %mul3A_83, %add3A_84 : i32
      %mul3A_86 = arith.constant 10000 : i32
      %mul3A_87 = arith.muli %arg0, %mul3A_86 : i32
      %add3A_88 = arith.addi %mul3A_87, %add3A_85 : i32
      %dma_wait3A_89 = arith.constant 0 : i32
      %dma_wait3A_90 = tpu.memref_slice %arg4[%add3A_88, %dma_wait3A_89] : memref<20000x128xf32, #tpu.memory_space<hbm>> -> memref<80x128xf32, #tpu.memory_space<hbm>>
      %dma_wait3A_91 = arith.constant 0 : i32
      %dma_wait3A_92 = tpu.memref_slice %arg18[%add3A_85, %dma_wait3A_91] : memref<10000x128xf32, #tpu.memory_space<vmem_shared>> -> memref<80x128xf32, #tpu.memory_space<vmem_shared>>
      tpu.wait_dma2 semaphore(%arg10 : memref<!tpu.dma_semaphore, #tpu.memory_space<semaphore_mem>>) src(%dma_wait3A_92 : memref<80x128xf32, #tpu.memory_space<vmem_shared>>) dst(%dma_wait3A_90 : memref<80x128xf32, #tpu.memory_space<hbm>>)
      %mul3A_93 = arith.constant 640 : i32
      %mul3A_94 = arith.muli %arg1, %mul3A_93 : i32
      %add3A_95 = arith.constant 80 : i32
      %add3A_96 = arith.addi %mul3A_94, %add3A_95 : i32
      %mul3A_97 = arith.constant 10000 : i32
      %mul3A_98 = arith.muli %arg0, %mul3A_97 : i32
      %add3A_99 = arith.addi %mul3A_98, %add3A_96 : i32
      %dma_wait3A_100 = arith.constant 0 : i32
      %dma_wait3A_101 = tpu.memref_slice %arg4[%add3A_99, %dma_wait3A_100] : memref<20000x128xf32, #tpu.memory_space<hbm>> -> memref<80x128xf32, #tpu.memory_space<hbm>>
      %dma_wait3A_102 = arith.constant 0 : i32
      %dma_wait3A_103 = tpu.memref_slice %arg18[%add3A_96, %dma_wait3A_102] : memref<10000x128xf32, #tpu.memory_space<vmem_shared>> -> memref<80x128xf32, #tpu.memory_space<vmem_shared>>
      tpu.wait_dma2 semaphore(%arg10 : memref<!tpu.dma_semaphore, #tpu.memory_space<semaphore_mem>>) src(%dma_wait3A_103 : memref<80x128xf32, #tpu.memory_space<vmem_shared>>) dst(%dma_wait3A_101 : memref<80x128xf32, #tpu.memory_space<hbm>>)
      %mul3A_104 = arith.constant 640 : i32
      %mul3A_105 = arith.muli %arg1, %mul3A_104 : i32
      %add3A_106 = arith.constant 160 : i32
      %add3A_107 = arith.addi %mul3A_105, %add3A_106 : i32
      %mul3A_108 = arith.constant 10000 : i32
      %mul3A_109 = arith.muli %arg0, %mul3A_108 : i32
      %add3A_110 = arith.addi %mul3A_109, %add3A_107 : i32
      %dma_wait3A_111 = arith.constant 0 : i32
      %dma_wait3A_112 = tpu.memref_slice %arg4[%add3A_110, %dma_wait3A_111] : memref<20000x128xf32, #tpu.memory_space<hbm>> -> memref<80x128xf32, #tpu.memory_space<hbm>>
      %dma_wait3A_113 = arith.constant 0 : i32
      %dma_wait3A_114 = tpu.memref_slice %arg18[%add3A_107, %dma_wait3A_113] : memref<10000x128xf32, #tpu.memory_space<vmem_shared>> -> memref<80x128xf32, #tpu.memory_space<vmem_shared>>
      tpu.wait_dma2 semaphore(%arg10 : memref<!tpu.dma_semaphore, #tpu.memory_space<semaphore_mem>>) src(%dma_wait3A_114 : memref<80x128xf32, #tpu.memory_space<vmem_shared>>) dst(%dma_wait3A_112 : memref<80x128xf32, #tpu.memory_space<hbm>>)
      %mul3A_115 = arith.constant 640 : i32
      %mul3A_116 = arith.muli %arg1, %mul3A_115 : i32
      %add3A_117 = arith.constant 240 : i32
      %add3A_118 = arith.addi %mul3A_116, %add3A_117 : i32
      %mul3A_119 = arith.constant 10000 : i32
      %mul3A_120 = arith.muli %arg0, %mul3A_119 : i32
      %add3A_121 = arith.addi %mul3A_120, %add3A_118 : i32
      %dma_wait3A_122 = arith.constant 0 : i32
      %dma_wait3A_123 = tpu.memref_slice %arg4[%add3A_121, %dma_wait3A_122] : memref<20000x128xf32, #tpu.memory_space<hbm>> -> memref<80x128xf32, #tpu.memory_space<hbm>>
      %dma_wait3A_124 = arith.constant 0 : i32
      %dma_wait3A_125 = tpu.memref_slice %arg18[%add3A_118, %dma_wait3A_124] : memref<10000x128xf32, #tpu.memory_space<vmem_shared>> -> memref<80x128xf32, #tpu.memory_space<vmem_shared>>
      tpu.wait_dma2 semaphore(%arg10 : memref<!tpu.dma_semaphore, #tpu.memory_space<semaphore_mem>>) src(%dma_wait3A_125 : memref<80x128xf32, #tpu.memory_space<vmem_shared>>) dst(%dma_wait3A_123 : memref<80x128xf32, #tpu.memory_space<hbm>>)
      %mul3A_126 = arith.constant 640 : i32
      %mul3A_127 = arith.muli %arg1, %mul3A_126 : i32
      %add3A_128 = arith.constant 320 : i32
      %add3A_129 = arith.addi %mul3A_127, %add3A_128 : i32
      %mul3A_130 = arith.constant 10000 : i32
      %mul3A_131 = arith.muli %arg0, %mul3A_130 : i32
      %add3A_132 = arith.addi %mul3A_131, %add3A_129 : i32
      %dma_wait3A_133 = arith.constant 0 : i32
      %dma_wait3A_134 = tpu.memref_slice %arg4[%add3A_132, %dma_wait3A_133] : memref<20000x128xf32, #tpu.memory_space<hbm>> -> memref<80x128xf32, #tpu.memory_space<hbm>>
      %dma_wait3A_135 = arith.constant 0 : i32
      %dma_wait3A_136 = tpu.memref_slice %arg18[%add3A_129, %dma_wait3A_135] : memref<10000x128xf32, #tpu.memory_space<vmem_shared>> -> memref<80x128xf32, #tpu.memory_space<vmem_shared>>
      tpu.wait_dma2 semaphore(%arg10 : memref<!tpu.dma_semaphore, #tpu.memory_space<semaphore_mem>>) src(%dma_wait3A_136 : memref<80x128xf32, #tpu.memory_space<vmem_shared>>) dst(%dma_wait3A_134 : memref<80x128xf32, #tpu.memory_space<hbm>>)
      %mul3A_137 = arith.constant 640 : i32
      %mul3A_138 = arith.muli %arg1, %mul3A_137 : i32
      %add3A_139 = arith.constant 400 : i32
      %add3A_140 = arith.addi %mul3A_138, %add3A_139 : i32
      %mul3A_141 = arith.constant 10000 : i32
      %mul3A_142 = arith.muli %arg0, %mul3A_141 : i32
      %add3A_143 = arith.addi %mul3A_142, %add3A_140 : i32
      %dma_wait3A_144 = arith.constant 0 : i32
      %dma_wait3A_145 = tpu.memref_slice %arg4[%add3A_143, %dma_wait3A_144] : memref<20000x128xf32, #tpu.memory_space<hbm>> -> memref<80x128xf32, #tpu.memory_space<hbm>>
      %dma_wait3A_146 = arith.constant 0 : i32
      %dma_wait3A_147 = tpu.memref_slice %arg18[%add3A_140, %dma_wait3A_146] : memref<10000x128xf32, #tpu.memory_space<vmem_shared>> -> memref<80x128xf32, #tpu.memory_space<vmem_shared>>
      tpu.wait_dma2 semaphore(%arg10 : memref<!tpu.dma_semaphore, #tpu.memory_space<semaphore_mem>>) src(%dma_wait3A_147 : memref<80x128xf32, #tpu.memory_space<vmem_shared>>) dst(%dma_wait3A_145 : memref<80x128xf32, #tpu.memory_space<hbm>>)
      %mul3A_148 = arith.constant 640 : i32
      %mul3A_149 = arith.muli %arg1, %mul3A_148 : i32
      %add3A_150 = arith.constant 480 : i32
      %add3A_151 = arith.addi %mul3A_149, %add3A_150 : i32
      %mul3A_152 = arith.constant 10000 : i32
      %mul3A_153 = arith.muli %arg0, %mul3A_152 : i32
      %add3A_154 = arith.addi %mul3A_153, %add3A_151 : i32
      %dma_wait3A_155 = arith.constant 0 : i32
      %dma_wait3A_156 = tpu.memref_slice %arg4[%add3A_154, %dma_wait3A_155] : memref<20000x128xf32, #tpu.memory_space<hbm>> -> memref<80x128xf32, #tpu.memory_space<hbm>>
      %dma_wait3A_157 = arith.constant 0 : i32
      %dma_wait3A_158 = tpu.memref_slice %arg18[%add3A_151, %dma_wait3A_157] : memref<10000x128xf32, #tpu.memory_space<vmem_shared>> -> memref<80x128xf32, #tpu.memory_space<vmem_shared>>
      tpu.wait_dma2 semaphore(%arg10 : memref<!tpu.dma_semaphore, #tpu.memory_space<semaphore_mem>>) src(%dma_wait3A_158 : memref<80x128xf32, #tpu.memory_space<vmem_shared>>) dst(%dma_wait3A_156 : memref<80x128xf32, #tpu.memory_space<hbm>>)
      %mul3A_159 = arith.constant 640 : i32
      %mul3A_160 = arith.muli %arg1, %mul3A_159 : i32
      %add3A_161 = arith.constant 560 : i32
      %add3A_162 = arith.addi %mul3A_160, %add3A_161 : i32
      %mul3A_163 = arith.constant 10000 : i32
      %mul3A_164 = arith.muli %arg0, %mul3A_163 : i32
      %add3A_165 = arith.addi %mul3A_164, %add3A_162 : i32
      %dma_wait3A_166 = arith.constant 0 : i32
      %dma_wait3A_167 = tpu.memref_slice %arg4[%add3A_165, %dma_wait3A_166] : memref<20000x128xf32, #tpu.memory_space<hbm>> -> memref<80x128xf32, #tpu.memory_space<hbm>>
      %dma_wait3A_168 = arith.constant 0 : i32
      %dma_wait3A_169 = tpu.memref_slice %arg18[%add3A_162, %dma_wait3A_168] : memref<10000x128xf32, #tpu.memory_space<vmem_shared>> -> memref<80x128xf32, #tpu.memory_space<vmem_shared>>
      tpu.wait_dma2 semaphore(%arg10 : memref<!tpu.dma_semaphore, #tpu.memory_space<semaphore_mem>>) src(%dma_wait3A_169 : memref<80x128xf32, #tpu.memory_space<vmem_shared>>) dst(%dma_wait3A_167 : memref<80x128xf32, #tpu.memory_space<hbm>>)
    } else {
    }
    %eq3A_77 = arith.constant 15 : i32
    %eq3A_78 = arith.cmpi eq, %arg1, %eq3A_77 : i32
    %convert_element_type3A_79 = arith.extui %eq3A_78 : i1 to i32
    %cond3A_80 = arith.constant 0 : i32
    %cond3A_81 = arith.cmpi ne, %convert_element_type3A_79, %cond3A_80 : i32
    scf.if %cond3A_81 {
      %mul3A_82 = arith.constant 10000 : i32
      %mul3A_83 = arith.muli %arg0, %mul3A_82 : i32
      %add3A_84 = arith.constant 9600 : i32
      %add3A_85 = arith.addi %mul3A_83, %add3A_84 : i32
      %dma_wait3A_86 = arith.constant 0 : i32
      %dma_wait3A_87 = tpu.memref_slice %arg4[%add3A_85, %dma_wait3A_86] : memref<20000x128xf32, #tpu.memory_space<hbm>> -> memref<80x128xf32, #tpu.memory_space<hbm>>
      %dma_wait3A_88 = arith.constant 9600 : i32
      %dma_wait3A_89 = arith.constant 0 : i32
      %dma_wait3A_90 = tpu.memref_slice %arg18[%dma_wait3A_88, %dma_wait3A_89] : memref<10000x128xf32, #tpu.memory_space<vmem_shared>> -> memref<80x128xf32, #tpu.memory_space<vmem_shared>>
      tpu.wait_dma2 semaphore(%arg10 : memref<!tpu.dma_semaphore, #tpu.memory_space<semaphore_mem>>) src(%dma_wait3A_90 : memref<80x128xf32, #tpu.memory_space<vmem_shared>>) dst(%dma_wait3A_87 : memref<80x128xf32, #tpu.memory_space<hbm>>)
      %mul3A_91 = arith.constant 10000 : i32
      %mul3A_92 = arith.muli %arg0, %mul3A_91 : i32
      %add3A_93 = arith.constant 9680 : i32
      %add3A_94 = arith.addi %mul3A_92, %add3A_93 : i32
      %dma_wait3A_95 = arith.constant 0 : i32
      %dma_wait3A_96 = tpu.memref_slice %arg4[%add3A_94, %dma_wait3A_95] : memref<20000x128xf32, #tpu.memory_space<hbm>> -> memref<80x128xf32, #tpu.memory_space<hbm>>
      %dma_wait3A_97 = arith.constant 9680 : i32
      %dma_wait3A_98 = arith.constant 0 : i32
      %dma_wait3A_99 = tpu.memref_slice %arg18[%dma_wait3A_97, %dma_wait3A_98] : memref<10000x128xf32, #tpu.memory_space<vmem_shared>> -> memref<80x128xf32, #tpu.memory_space<vmem_shared>>
      tpu.wait_dma2 semaphore(%arg10 : memref<!tpu.dma_semaphore, #tpu.memory_space<semaphore_mem>>) src(%dma_wait3A_99 : memref<80x128xf32, #tpu.memory_space<vmem_shared>>) dst(%dma_wait3A_96 : memref<80x128xf32, #tpu.memory_space<hbm>>)
      %mul3A_100 = arith.constant 10000 : i32
      %mul3A_101 = arith.muli %arg0, %mul3A_100 : i32
      %add3A_102 = arith.constant 9760 : i32
      %add3A_103 = arith.addi %mul3A_101, %add3A_102 : i32
      %dma_wait3A_104 = arith.constant 0 : i32
      %dma_wait3A_105 = tpu.memref_slice %arg4[%add3A_103, %dma_wait3A_104] : memref<20000x128xf32, #tpu.memory_space<hbm>> -> memref<80x128xf32, #tpu.memory_space<hbm>>
      %dma_wait3A_106 = arith.constant 9760 : i32
      %dma_wait3A_107 = arith.constant 0 : i32
      %dma_wait3A_108 = tpu.memref_slice %arg18[%dma_wait3A_106, %dma_wait3A_107] : memref<10000x128xf32, #tpu.memory_space<vmem_shared>> -> memref<80x128xf32, #tpu.memory_space<vmem_shared>>
      tpu.wait_dma2 semaphore(%arg10 : memref<!tpu.dma_semaphore, #tpu.memory_space<semaphore_mem>>) src(%dma_wait3A_108 : memref<80x128xf32, #tpu.memory_space<vmem_shared>>) dst(%dma_wait3A_105 : memref<80x128xf32, #tpu.memory_space<hbm>>)
      %mul3A_109 = arith.constant 10000 : i32
      %mul3A_110 = arith.muli %arg0, %mul3A_109 : i32
      %add3A_111 = arith.constant 9840 : i32
      %add3A_112 = arith.addi %mul3A_110, %add3A_111 : i32
      %dma_wait3A_113 = arith.constant 0 : i32
      %dma_wait3A_114 = tpu.memref_slice %arg4[%add3A_112, %dma_wait3A_113] : memref<20000x128xf32, #tpu.memory_space<hbm>> -> memref<80x128xf32, #tpu.memory_space<hbm>>
      %dma_wait3A_115 = arith.constant 9840 : i32
      %dma_wait3A_116 = arith.constant 0 : i32
      %dma_wait3A_117 = tpu.memref_slice %arg18[%dma_wait3A_115, %dma_wait3A_116] : memref<10000x128xf32, #tpu.memory_space<vmem_shared>> -> memref<80x128xf32, #tpu.memory_space<vmem_shared>>
      tpu.wait_dma2 semaphore(%arg10 : memref<!tpu.dma_semaphore, #tpu.memory_space<semaphore_mem>>) src(%dma_wait3A_117 : memref<80x128xf32, #tpu.memory_space<vmem_shared>>) dst(%dma_wait3A_114 : memref<80x128xf32, #tpu.memory_space<hbm>>)
      %mul3A_118 = arith.constant 10000 : i32
      %mul3A_119 = arith.muli %arg0, %mul3A_118 : i32
      %add3A_120 = arith.constant 9920 : i32
      %add3A_121 = arith.addi %mul3A_119, %add3A_120 : i32
      %dma_wait3A_122 = arith.constant 0 : i32
      %dma_wait3A_123 = tpu.memref_slice %arg4[%add3A_121, %dma_wait3A_122] : memref<20000x128xf32, #tpu.memory_space<hbm>> -> memref<80x128xf32, #tpu.memory_space<hbm>>
      %dma_wait3A_124 = arith.constant 9920 : i32
      %dma_wait3A_125 = arith.constant 0 : i32
      %dma_wait3A_126 = tpu.memref_slice %arg18[%dma_wait3A_124, %dma_wait3A_125] : memref<10000x128xf32, #tpu.memory_space<vmem_shared>> -> memref<80x128xf32, #tpu.memory_space<vmem_shared>>
      tpu.wait_dma2 semaphore(%arg10 : memref<!tpu.dma_semaphore, #tpu.memory_space<semaphore_mem>>) src(%dma_wait3A_126 : memref<80x128xf32, #tpu.memory_space<vmem_shared>>) dst(%dma_wait3A_123 : memref<80x128xf32, #tpu.memory_space<hbm>>)
    } else {
    }
    return
  }
}

module attributes {stable_mosaic.version = 14 : i64} {
  func.func @_finalize_body(%arg0: i32, %arg1: memref<1000x128xf32, #tpu.memory_space<vmem>>, %arg2: memref<1000x128xf32, #tpu.memory_space<vmem>>, %arg3: memref<1000x128xf32, #tpu.memory_space<vmem>>, %arg4: memref<1000x128xf32, #tpu.memory_space<vmem>>, %arg5: memref<1000x128xf32, #tpu.memory_space<vmem>>, %arg6: memref<1000x128xf32, #tpu.memory_space<vmem>>, %arg7: memref<1000x128xf32, #tpu.memory_space<vmem>>, %arg8: memref<1000x128xf32, #tpu.memory_space<vmem>>) attributes {dimension_semantics = [#tpu.dimension_semantics<arbitrary>], iteration_bounds = array<i64: 10>, scalar_prefetch = 0 : i64, scratch_operands = 0 : i64, tpu.core_type = #tpu.core_type<tc>, window_params = [{transform_indices = @transform_0, window_bounds = array<i64: 1000, 128>}, {transform_indices = @transform_1, window_bounds = array<i64: 1000, 128>}, {transform_indices = @transform_2, window_bounds = array<i64: 1000, 128>}, {transform_indices = @transform_3, window_bounds = array<i64: 1000, 128>}, {transform_indices = @transform_4, window_bounds = array<i64: 1000, 128>}, {transform_indices = @transform_5, window_bounds = array<i64: 1000, 128>}, {transform_indices = @transform_6, window_bounds = array<i64: 1000, 128>}, {transform_indices = @transform_7, window_bounds = array<i64: 1000, 128>}]} {
    %get3A = arith.constant 0 : index
    %get3A_0 = arith.constant 0 : index
    %get3A_1 = vector.load %arg1[%get3A, %get3A_0] : memref<1000x128xf32, #tpu.memory_space<vmem>>, vector<1000x1xf32>
    %get3A_2 = arith.constant 0 : index
    %get3A_3 = arith.constant 0 : index
    %get3A_4 = vector.load %arg2[%get3A_2, %get3A_3] : memref<1000x128xf32, #tpu.memory_space<vmem>>, vector<1000x1xf32>
    %add3A = arith.addf %get3A_1, %get3A_4 : vector<1000x1xf32>
    %max3A = arith.constant 1.000000e+00 : f32
    %max3A_5 = vector.broadcast %max3A : f32 to vector<1000x1xf32>
    %max3A_6 = arith.maximumf %add3A, %max3A_5 : vector<1000x1xf32>
    %get3A_7 = arith.constant 0 : index
    %get3A_8 = arith.constant 0 : index
    %get3A_9 = vector.load %arg3[%get3A_7, %get3A_8] : memref<1000x128xf32, #tpu.memory_space<vmem>>, vector<1000x128xf32>
    %div3A = vector.broadcast %max3A_6 : vector<1000x1xf32> to vector<1000x128xf32>
    %div3A_10 = arith.divf %get3A_9, %div3A : vector<1000x128xf32>
    %sub3A = arith.constant 1.000000e+00 : f32
    %sub3A_11 = vector.broadcast %sub3A : f32 to vector<1000x1xf32>
    %sub3A_12 = arith.subf %add3A, %sub3A_11 : vector<1000x1xf32>
    %max3A_13 = arith.constant 1.000000e+00 : f32
    %max3A_14 = vector.broadcast %max3A_13 : f32 to vector<1000x1xf32>
    %max3A_15 = arith.maximumf %sub3A_12, %max3A_14 : vector<1000x1xf32>
    %get3A_16 = arith.constant 0 : index
    %get3A_17 = arith.constant 0 : index
    %get3A_18 = vector.load %arg4[%get3A_16, %get3A_17] : memref<1000x128xf32, #tpu.memory_space<vmem>>, vector<1000x128xf32>
    %mul3A = vector.broadcast %max3A_6 : vector<1000x1xf32> to vector<1000x128xf32>
    %mul3A_19 = arith.mulf %mul3A, %div3A_10 : vector<1000x128xf32>
    %mul3A_20 = arith.mulf %mul3A_19, %div3A_10 : vector<1000x128xf32>
    %sub3A_21 = arith.subf %get3A_18, %mul3A_20 : vector<1000x128xf32>
    %div3A_22 = vector.broadcast %max3A_15 : vector<1000x1xf32> to vector<1000x128xf32>
    %div3A_23 = arith.divf %sub3A_21, %div3A_22 : vector<1000x128xf32>
    %max3A_24 = arith.constant 0.000000e+00 : f32
    %max3A_25 = vector.broadcast %max3A_24 : f32 to vector<1000x128xf32>
    %max3A_26 = arith.maximumf %div3A_23, %max3A_25 : vector<1000x128xf32>
    %sqrt3A = math.sqrt %max3A_26 : vector<1000x128xf32>
    %gt3A = arith.constant 0.000000e+00 : f32
    %gt3A_27 = vector.broadcast %gt3A : f32 to vector<1000x1xf32>
    %gt3A_28 = arith.cmpf ogt, %add3A, %gt3A_27 : vector<1000x1xf32>
    %get3A_29 = arith.constant 0 : index
    %get3A_30 = arith.constant 0 : index
    %get3A_31 = vector.load %arg5[%get3A_29, %get3A_30] : memref<1000x128xf32, #tpu.memory_space<vmem>>, vector<1000x128xf32>
    %broadcast_in_dim3A = vector.shape_cast %gt3A_28 : vector<1000x1xi1> to vector<1000x1xi1>
    %broadcast_in_dim3A_32 = vector.broadcast %broadcast_in_dim3A : vector<1000x1xi1> to vector<1000x128xi1>
    %select_n3A = arith.select %broadcast_in_dim3A_32, %div3A_10, %get3A_31 : vector<1000x128xi1>, vector<1000x128xf32>
    %swap3A = arith.constant 0 : index
    %swap3A_33 = arith.constant 0 : index
    %swap3A_34 = vector.load %arg7[%swap3A, %swap3A_33] : memref<1000x128xf32, #tpu.memory_space<vmem>>, vector<1000x128xf32>
    tpu.vector_store %arg7[%swap3A, %swap3A_33], %select_n3A {strides = array<i32>} : memref<1000x128xf32, #tpu.memory_space<vmem>>, vector<1000x128xf32>,
    %get3A_35 = arith.constant 0 : index
    %get3A_36 = arith.constant 0 : index
    %get3A_37 = vector.load %arg6[%get3A_35, %get3A_36] : memref<1000x128xf32, #tpu.memory_space<vmem>>, vector<1000x128xf32>
    %broadcast_in_dim3A_38 = vector.shape_cast %gt3A_28 : vector<1000x1xi1> to vector<1000x1xi1>
    %broadcast_in_dim3A_39 = vector.broadcast %broadcast_in_dim3A_38 : vector<1000x1xi1> to vector<1000x128xi1>
    %select_n3A_40 = arith.select %broadcast_in_dim3A_39, %sqrt3A, %get3A_37 : vector<1000x128xi1>, vector<1000x128xf32>
    %swap3A_41 = arith.constant 0 : index
    %swap3A_42 = arith.constant 0 : index
    %swap3A_43 = vector.load %arg8[%swap3A_41, %swap3A_42] : memref<1000x128xf32, #tpu.memory_space<vmem>>, vector<1000x128xf32>
    tpu.vector_store %arg8[%swap3A_41, %swap3A_42], %select_n3A_40 {strides = array<i32>} : memref<1000x128xf32, #tpu.memory_space<vmem>>, vector<1000x128xf32>,
    return
  }
  func.func @transform_0(%arg0: i32) -> (i32, i32) {
    %c0_i32 = arith.constant 0 : i32
    %c0_i32_0 = arith.constant 0 : i32
    return %arg0, %c0_i32 : i32, i32
  }
  func.func @transform_1(%arg0: i32) -> (i32, i32) {
    %c0_i32 = arith.constant 0 : i32
    %c0_i32_0 = arith.constant 0 : i32
    return %arg0, %c0_i32 : i32, i32
  }
  func.func @transform_2(%arg0: i32) -> (i32, i32) {
    %c0_i32 = arith.constant 0 : i32
    %c0_i32_0 = arith.constant 0 : i32
    return %arg0, %c0_i32 : i32, i32
  }
  func.func @transform_3(%arg0: i32) -> (i32, i32) {
    %c0_i32 = arith.constant 0 : i32
    %c0_i32_0 = arith.constant 0 : i32
    return %arg0, %c0_i32 : i32, i32
  }
  func.func @transform_4(%arg0: i32) -> (i32, i32) {
    %c0_i32 = arith.constant 0 : i32
    %c0_i32_0 = arith.constant 0 : i32
    return %arg0, %c0_i32 : i32, i32
  }
  func.func @transform_5(%arg0: i32) -> (i32, i32) {
    %c0_i32 = arith.constant 0 : i32
    %c0_i32_0 = arith.constant 0 : i32
    return %arg0, %c0_i32 : i32, i32
  }
  func.func @transform_6(%arg0: i32) -> (i32, i32) {
    %c0_i32 = arith.constant 0 : i32
    %c0_i32_0 = arith.constant 0 : i32
    return %arg0, %c0_i32 : i32, i32
  }
  func.func @transform_7(%arg0: i32) -> (i32, i32) {
    %c0_i32 = arith.constant 0 : i32
    %c0_i32_0 = arith.constant 0 : i32
    return %arg0, %c0_i32 : i32, i32
  }
}

</mosaic_0001>

<sc_bundles>
// kernel: kernel.5.cloned.1.call-start
scs
__scs_entry_jumppad:
0x0: {  	(pc) =	sbr.rel $0x88, $3  }
0x1: {  	(tag) =	ssettag $0x0;
	lr =	simm.s32 $0x1  }
0x2: {  	[smem:$0x3F9D] =	sst lr;
	_ =	strace $0xD0000000  }
0x3: {  	_ = 	snop  }
0x4: {  	_ = 	snop  }
0x5: {  	_ = 	snop  }
0x6: {  	_ = 	snop  }
0x7: {  	_ = 	snop  }
__scs_overlays_trampoline_lowered:
0x8: {  	[smem:$0x3FAC] =	sst s0  }
0x9: {  	[smem:$0x3FAD] =	sst s1  }
0xa: {  	[smem:$0x3FAE] =	sst s2  }
0xb: {  	[smem:$0x3FAF] =	sst s3  }
0xc: {  	[smem:$0x3FB0] =	sst s4  }
0xd: {  	[smem:$0x3FB1] =	sst s5  }
0xe: {  	[smem:$0x3FB2] =	sst s6  }
0xf: {  	[smem:$0x3FB3] =	sst s7  }
0x10: {  	[smem:$0x3FB4] =	sst s8  }
0x11: {  	[smem:$0x3FB5] =	sst s9;
	s0 =	simm.s32 @!p0 $0x0  }
0x12: {  	s1 =	sld [smem:$0x3F9B];
	s0 =	simm.s32 @p0 $0x1  }
0x13: {  	[smem:$0x3FB6] =	sst s0;
	s0 =	simm.s32 @!p1 $0x0  }
0x14: {  	s2 =	sld [smem:$0x3F9A];
	s0 =	simm.s32 @p1 $0x1  }
0x15: {  	[smem:$0x3FB7] =	sst s0;
	s0 =	simm.s32 @!p2 $0x0  }
0x16: {  	s3 =	sld [smem:$0x3FDB];
	s0 =	simm.s32 @p2 $0x1  }
0x17: {  	s4 =	simm.s32 $0x1BF5;
	[smem:$0x3FB9] =	sst s0  }
0x18: {  	s0 =	sld [smem:$0x3F9C];
	_ =	swait.ge [sflag:s4], $0x0  }
0x19: {  	s7 =	sld [smem:$0x3F9D]  }
0x1a: {  	s8 =	sadd.s32 $0xFFFFE003, lr  }
0x1b: {  	s9 =	sadd.s32 $0xFFFFFEF7, lr;
	s5 =	simm.s32 $0xFFFFFFFF;
	p2 =	slt.u32 s8, $0xFFFFF086  }
0x1c: {  	p1 =	slt.u32 s9, $0xF7A;
	s5 =	simm.s32 @!p2 $0x0  }
0x1d: {  	s5 =	simm.s32 @p1 $0x1;
	p0 =	seq.s32 s7, s2  }
0x1e: {  	s7 =	smul.u32 @!p0 $0xF7A, s2;
	p2 =	seq.s32 @!p0 s5, $0x0  }
0x1f: {  	s9 =	smul.u32 $0xF7A, s1;
	s8 =	simm.s32 @!p0 $0x1BF5;
	p2 =	por !p2, p0  }
0x20: {  	[sflag:s8] =	ssyncset.s32 @!p0 $0xFFFFF086;
	s6 =	sadd.s32 @!p0 s3, s7;
	s7 =	simm.s32 @!p0 $0x108  }
0x21: {  	s3 =	sadd.s32 s3, s9;
	s6 =	sadd.s32 @!p0 $0x88, s6;
	s7 =	simm.s32 @p2 $0x1082  }
0x22: {  	[simem:s7], [sflag:s8] =	dma.local @!p0 [hbm:s6], $0xF7A  }
0x23: {  	s9 =	sor.u32 $0xD0000000, s2;
	s6 =	simm.s32 $0x108;
	_ =	swait.ge @!p0 [sflag:s8], $0x0  }
0x24: {  	s3 =	sadd.s32 $0x88, s3;
	s6 =	simm.s32 @!p1 $0x1082;
	[sflag:s4] =	ssyncset.s32 $0xFFFFF086  }
0x25: {  	[simem:s6], [sflag:s4] =	dma.local [hbm:s3], $0xF7A  }
0x26: {  	[smem:$0x3F9D] =	sst s1;
	(tag) =	ssettag s2;
	_ =	strace s9  }
0x27: {  	s1 =	sld [smem:$0x3FAD]  }
0x28: {  	s2 =	sld [smem:$0x3FAE]  }
0x29: {  	s4 =	sld [smem:$0x3FB0]  }
0x2a: {  	p0 =	seq.s32 s5, $0x0;
	s5 =	sld [smem:$0x3FB1]  }
0x2b: {  	s6 =	sld [smem:$0x3FB2]  }
0x2c: {  	s7 =	sld [smem:$0x3FB3]  }
0x2d: {  	s3 =	simm.s32 $0x108;
	s8 =	sld [smem:$0x3FB4]  }
0x2e: {  	s3 =	simm.s32 @!p0 $0x1082;
	s9 =	sld [smem:$0x3FB5]  }
0x2f: {  	lr =	sadd.s32 s0, s3;
	s0 =	sld [smem:$0x3FAC]  }
0x30: {  	s3 =	sld [smem:$0x3FAF]  }
0x31: {  	[smem:$0x3FB8] =	sst s10  }
0x32: {  	s10 =	sld [smem:$0x3FB6];
	_ =	sdelay $0x3  }
0x33: {  	p0 =	seq.s32 s10, $0x1;
	s10 =	sld [smem:$0x3FB8];
	_ =	sdelay $0x3  }
0x34: {  	[smem:$0x3FB8] =	sst s10  }
0x35: {  	s10 =	sld [smem:$0x3FB7];
	_ =	sdelay $0x3  }
0x36: {  	p1 =	seq.s32 s10, $0x1;
	s10 =	sld [smem:$0x3FB8];
	_ =	sdelay $0x3  }
0x37: {  	[smem:$0x3FB8] =	sst s10  }
0x38: {  	s10 =	sld [smem:$0x3FB9]  }
0x39: {  	_ = 	snop;
	(pc) =	sbr.ind lr, $3  }
0x3a: {  	_ = 	snop  }
0x3b: {  	_ = 	snop  }
0x3c: {  	p2 =	seq.s32 s10, $0x1;
	s10 =	sld [smem:$0x3FB8]  }
0x3d: {  	_ =	shalt  }
0x3e: {  	_ =	shalt  }
0x3f: {  	_ =	shalt  }
0x40: {  	_ =	shalt  }
0x41: {  	_ =	shalt  }
0x42: {  	_ =	shalt  }
0x43: {  	_ =	shalt  }
0x44: {  	_ =	shalt  }
0x45: {  	_ =	shalt  }
0x46: {  	_ =	shalt  }
0x47: {  	_ =	shalt  }
0x48: {  	_ =	shalt  }
0x49: {  	_ =	shalt  }
0x4a: {  	_ =	shalt  }
0x4b: {  	_ =	shalt  }
0x4c: {  	_ =	shalt  }
0x4d: {  	_ =	shalt  }
0x4e: {  	_ =	shalt  }
0x4f: {  	_ =	shalt  }
0x50: {  	_ =	shalt  }
0x51: {  	_ =	shalt  }
0x52: {  	_ =	shalt  }
0x53: {  	_ =	shalt  }
0x54: {  	_ =	shalt  }
0x55: {  	_ =	shalt  }
0x56: {  	_ =	shalt  }
0x57: {  	_ =	shalt  }
0x58: {  	_ =	shalt  }
0x59: {  	_ =	shalt  }
0x5a: {  	_ =	shalt  }
0x5b: {  	_ =	shalt  }
0x5c: {  	_ =	shalt  }
0x5d: {  	_ =	shalt  }
0x5e: {  	_ =	shalt  }
0x5f: {  	_ =	shalt  }
0x60: {  	_ =	shalt  }
0x61: {  	_ =	shalt  }
0x62: {  	_ =	shalt  }
0x63: {  	_ =	shalt  }
0x64: {  	_ =	shalt  }
0x65: {  	_ =	shalt  }
0x66: {  	_ =	shalt  }
0x67: {  	_ =	shalt  }
0x68: {  	_ =	shalt  }
0x69: {  	_ =	shalt  }
0x6a: {  	_ =	shalt  }
0x6b: {  	_ =	shalt  }
0x6c: {  	_ =	shalt  }
0x6d: {  	_ =	shalt  }
0x6e: {  	_ =	shalt  }
0x6f: {  	_ =	shalt  }
0x70: {  	_ =	shalt  }
0x71: {  	_ =	shalt  }
0x72: {  	_ =	shalt  }
0x73: {  	_ =	shalt  }
0x74: {  	_ =	shalt  }
0x75: {  	_ =	shalt  }
0x76: {  	_ =	shalt  }
0x77: {  	_ =	shalt  }
0x78: {  	_ =	shalt  }
0x79: {  	_ =	shalt  }
0x7a: {  	_ =	shalt  }
0x7b: {  	_ =	shalt  }
0x7c: {  	_ =	shalt  }
0x7d: {  	_ =	shalt  }
0x7e: {  	_ =	shalt  }
0x7f: {  	_ =	shalt  }
0x80: {  	_ =	shalt  }
0x81: {  	_ =	shalt  }
0x82: {  	_ =	shalt  }
0x83: {  	_ =	shalt  }
0x84: {  	_ =	shalt  }
0x85: {  	_ =	shalt  }
0x86: {  	_ =	shalt  }
0x87: {  	_ =	shalt  }
.Lfunc_end0:
.L_simem_size_0:
called_computation_lowered:
.L_overlay_start_0:
0x88: {  	s2 =	sld [smem:$0x3FD9]  }
0x89: {  	s3 =	sld [smem:$0x3FFE];
	_ =	sdelay $0x1  }
0x8a: {  	s1 =	srdreg.scid  }
0x8b: {  	s0 =	sand.u32 $0x1, s1  }
0x8c: {  	s17 =	sshll.u32 s0, $0xA;
	s2 =	sadd.s32 s3, s2  }
0x8d: {  	s2 =	sadd.s32 s2, s17  }
0x8e: {  	[smem:$0x3FC4] =	sst s2  }
0x8f: {  	_ = 	snop  }
0x90: {  	s2 =	sld [smem:$0x3FC9]  }
0x91: {  	s18 =	sld [smem:$0x3FC8];
	(tm) =	ssettm $0x1  }
0x92: {  	s4 =	sld [smem:$0x3FFB];
	_ =	sdelay $0x3  }
0x93: {  	_ =	strace s4  }
0x94: {  	s4 =	sld [smem:$0x3FFC];
	_ =	sdelay $0x3  }
0x95: {  	_ =	strace s4  }
0x96: {  	s4 =	sld [smem:$0x3FFD];
	_ =	sdelay $0x3  }
0x97: {  	_ =	strace s4  }
0x98: {  	_ =	strace $0x8FFFFFFF  }
0x99: {  	s19 =	sld [smem:$0x3FDB];
	_ =	sdelay $0x1  }
0x9a: {  	s5 =	simm.s32 $_scs_section_size  }
0x9b: {  	s6 =	simm.s32 $_size__tile_overlayer_lowered;
	s7 =	simm.s32 $_tile_overlayer_lowered  }
0x9c: {  	s22 =	simm.s32 $0x1BFF;
	s21 =	sshll.u32 s7, $0x1;
	s4 =	sadd.s32 s5, s19  }
0x9d: {  	s8 =	simm.s32 $0x0;
	s20 =	sshll.u32 s6, $0x1;
	s6 =	sadd.s32 s21, s4  }
0x9e: {  	[timem:s8], [sflag:s22] =	dma.local [hbm:s6], s20  }
0x9f: {  	_ =	swait.ge [sflag:s22], s20  }
0xa0: {  	s5 =	ssub.s32 $0x0, s20;
	[sflag:s22] =	ssyncset.done $0x0  }
0xa1: {  	[sflag:s22] =	ssyncadd.s32 s5;
	_ =	sdelay $0x1  }
0xa2: {  	s23 =	simm.s32 $0x1B8B  }
0xa3: {  	_ =	swait.ge [sflag:s23], $0x1  }
0xa4: {  	[sflag:s23] =	ssyncset.done $0x0  }
0xa5: {  	s25 =	simm.s32 $0x1B8E;
	s24 =	sld [smem:$0x3FFE];
	[sflag:s23] =	ssyncadd.s32 $0xFFFFFFFF  }
0xa6: {  	s26 =	simm.s32 $execute0_lowered;
	[smem:$0x3FD2] =	sst s25  }
0xa7: {  	s6 =	sshll.u32 s26, $0x1;
	_ =	strace $0x80000046;
	[dreg:$0x1] =	wrdreg $0xFFFFFFFF  }
0xa8: {  	s28 =	simm.s32 $_size_execute0_lowered;
	s4 =	sadd.s32 s4, s6;
	[dreg:$0x0] =	wrdreg $0x0  }
0xa9: {  	s6 =	sshll.u32 s28, $0x1;
	[dreg:$0x2] =	wrdreg s4  }
0xaa: {  	[dreg:$0x3] =	wrdreg s6  }
0xab: {  	[dreg:$0x4] =	wrdreg $0xC0  }
0xac: {  	_ =	task [dreg:s8], $0x5FFFF  }
0xad: {  	[dreg:$0x1] =	wrdreg $0xFFFFFFFF  }
0xae: {  	[dreg:$0x0] =	wrdreg $0x60  }
0xaf: {  	[dreg:$0x2] =	wrdreg s2  }
0xb0: {  	[dreg:$0x3] =	wrdreg s18  }
0xb1: {  	[dreg:$0x4] =	wrdreg s24  }
0xb2: {  	[dreg:$0x5] =	wrdreg $0xA2000  }
0xb3: {  	[dreg:$0x6] =	wrdreg $0x9  }
0xb4: {  	_ =	task.clear_ibuf [dreg:s8], $0x7FFFF;
	_ =	strace $0x90000046  }
0xb5: {  	s29 =	simm.s32 $0x9;
	_ =	strace $0x80000048  }
0xb6: {  	_ =	swait.ge [sflag:s29], $0x1  }
0xb7: {  	[sflag:s29] =	ssyncadd.s32 $0xFFFFFFFF  }
0xb8: {  	_ =	strace $0x90000048  }
0xb9: {  	_ =	sfence  }
0xba: {  	s30 =	sld [smem:$0x0];
	_ =	sdelay $0x2  }
0xbb: {  	s31 =	sshll.u32 s1, $0xD;
	s1 =	sshrl.u32 s1, $0x2  }
0xbc: {  	s3 =	sand.u32 $0x4000, s31;
	s1 =	sadd.s32 s1, s30  }
0xbd: {  	s0 =	sor.u32 s3, s0;
	s1 =	sshll.u32 s1, $0x11  }
0xbe: {  	s0 =	sor.u32 s1, s0  }
0xbf: {  	s0 =	sadd.s32 $0x8F2B, s0  }
0xc0: {  	[sflag:s0] =	ssyncadd.remote.s32 $0x1  }
0xc1: {  	_ =	sfence.sel $0xFFFF  }
0xc2: {  	[dreg:$0x0] =	wrdreg $0xFFFFFFFF;
	(pc) =	sbr.abs _section_cstart, $3  }
0xc3: {  	[dreg:$0x1] =	wrdreg $0xFFFFFFFF  }
0xc4: {  	_ =	task.clear_ibuf [dreg:s8], $0x2FFFF;
	_ =	strace $0x9FFFFFFF  }
0xc5: {  	(tm) =	ssettm $0x7FFFFFFF  }
tec
execute0_lowered:
.L_overlay_start_1:
0x0: {  	(tag) =	ssettag $0x1  }
0x1: {  	s1 =	rddreg [dreg:$0x0]  }
0x2: {  	s2 =	rddreg [dreg:$0x1]  }
0x3: {  	s0 =	rddreg [dreg:$0x2]  }
0x4: {  	s4 =	rddreg [dreg:$0x3]  }
0x5: {  	s3 =	srdreg.scid;
	s23 =	stileid.u32  }
0x6: {  	s5 =	simm.s32 $0x0;
	s28 =	simm.s32 $0x1;
	s29 =	simm.s32 $0xA000  }
0x7: {  	s30 =	simm.s32 $0xA080;
	s3 =	sand.u32 $0x1, s3;
	s7 =	smul.u32 $0x280, s23  }
0x8: {  	[smem:$0x7FF] =	sst s5;
	s6 =	ssub.s32 $0x2, s3;
	s9 =	smul.u32 $0x2710, s3  }
0x9: {  	s10 =	sadd.s32 $0xA00, s0;
	s15 =	smul.u32 $0x138800, s3;
	s8 =	sshrl.u32 s6, $0x1  }
0xa: {  	s13 =	sadd.s32 $0xA0, s7;
	s16 =	sadd.s32 $0x140, s7;
	s17 =	sadd.s32 $0x190, s7  }
0xb: {  	s18 =	sadd.s32 $0x1E0, s7;
	s0 =	ssub.s32 s6, s8;
	s6 =	sor.u32 $0x50, s7  }
0xc: {  	s8 =	smul.u32 $0x50000, s23;
	s11 =	sadd.s32 s7, s9;
	s21 =	sadd.s32 s9, s13  }
0xd: {  	s14 =	sadd.s32 s9, s16;
	s25 =	sadd.s32 s9, s17;
	s26 =	sadd.s32 s9, s18  }
0xe: {  	s12 =	sadd.s32 s9, s6;
	s11 =	sshll.u32 s11, $0x4;
	s14 =	sshll.u32 s14, $0x4  }
0xf: {  	s19 =	sshll.u32 s26, $0x4;
	s0 =	smax.u32 s0, $0x1;
	s12 =	sshll.u32 s12, $0x4  }
0x10: {  	s11 =	sadd.s32 s10, s11;
	s24 =	sadd.s32 s10, s14;
	s8 =	sshrl.u32 s8, $0x2  }
0x11: {  	[dreg:$0x5] =	wrdreg s11;
	s20 =	sadd.s32 s10, s12;
	s11 =	sshll.u32 s21, $0x4  }
0x12: {  	s12 =	sadd.s32 $0xF0, s7;
	[dreg:$0x9] =	wrdreg s24;
	s7 =	sadd.s32 $0x230, s7  }
0x13: {  	s14 =	sadd.s32 s8, s4;
	[dreg:$0x6] =	wrdreg s20;
	s11 =	sadd.s32 s10, s11  }
0x14: {  	s22 =	sadd.s32 s9, s12;
	s9 =	sadd.s32 s9, s7;
	s20 =	sshrl.u32 s15, $0x3  }
0x15: {  	s15 =	scvt.s32.f32 s3;
	[dreg:$0x7] =	wrdreg s11;
	s11 =	sshll.u32 s22, $0x4  }
0x16: {  	s9 =	sshll.u32 s9, $0x4;
	s22 =	smul.u32 $0x4E200, s23;
	s11 =	sadd.s32 s10, s11  }
0x17: {  	s9 =	sadd.s32 s10, s9;
	[dreg:$0x8] =	wrdreg s11;
	s11 =	sshll.u32 s25, $0x4  }
0x18: {  	[dreg:$0xc] =	wrdreg s9;
	s9 =	sadd.s32 s10, s20;
	s11 =	sadd.s32 s10, s11  }
0x19: {  	[dreg:$0xa] =	wrdreg s11;
	s11 =	sadd.s32 s10, s19;
	s10 =	smul.u32 $0x4E20, s23  }
0x1a: {  	s12 =	sshll.u32 s12, $0x7;
	s8 =	sadd.s32 s1, s22;
	[dreg:$0xb] =	wrdreg s11  }
0x1b: {  	_ =	strace $0x80000047;
	s21 =	sshrl.u32 s10, $0x3;
	s24 =	sadd.s32 $0x50, s10  }
0x1c: {  	[dreg:$0xe] =	wrdreg s8;
	s8 =	sshll.u32 s6, $0x7;
	s19 =	sadd.s32 $0xA0, s10  }
0x1d: {  	s20 =	sadd.s32 $0xF0, s10;
	s22 =	sadd.s32 $0x190, s10;
	[dreg:$0x16] =	wrdreg s0  }
0x1e: {  	s3 =	sadd.s32 s2, s21;
	s25 =	sshrl.u32 s24, $0x3;
	s11 =	sshll.u32 s24, $0x4  }
0x1f: {  	s24 =	sadd.s32 $0x25D00, s9;
	[dreg:$0xd] =	wrdreg s3;
	s3 =	sadd.s32 s2, s25  }
0x20: {  	s26 =	sadd.s32 s1, s11;
	s11 =	sshll.u32 s13, $0x7;
	[dreg:$0x12] =	wrdreg s24  }
0x21: {  	s13 =	sshll.u32 s16, $0x7;
	s16 =	sshll.u32 s17, $0x7;
	[dreg:$0xf] =	wrdreg s3  }
0x22: {  	s17 =	sshll.u32 s18, $0x7;
	s18 =	sadd.s32 $0x25800, s9;
	[dreg:$0x10] =	wrdreg s26  }
0x23: {  	s21 =	sadd.s32 $0x140, s10;
	s25 =	sadd.s32 $0x26200, s9;
	[dreg:$0x11] =	wrdreg s18  }
0x24: {  	s24 =	sadd.s32 $0x133800, s4;
	s3 =	sadd.s32 s8, s4;
	[dreg:$0x13] =	wrdreg s25  }
0x25: {  	s6 =	sadd.s32 s11, s4;
	s26 =	sadd.s32 $0x26700, s9;
	[smem:$0x7FC] =	sst s24  }
0x26: {  	s8 =	sadd.s32 s12, s4;
	s9 =	sadd.s32 $0x26C00, s9;
	[dreg:$0x14] =	wrdreg s26  }
0x27: {  	s10 =	sadd.s32 s13, s4;
	s13 =	sadd.s32 $0xF000, s14;
	[dreg:$0x15] =	wrdreg s9  }
0x28: {  	s11 =	sadd.s32 s16, s4;
	s16 =	sadd.s32 $0x11800, s14;
	[smem:$0x7F9] =	sst s13  }
0x29: {  	s12 =	sadd.s32 s17, s4;
	s17 =	sadd.s32 $0x131000, s4;
	[smem:$0x7FA] =	sst s16  }
0x2a: {  	s31 =	simm.s32 $0x2800;
	s25 =	sadd.s32 $0x136000, s4;
	[smem:$0x7FB] =	sst s17  }
0x2b: {  	p0 =	seq.s32 s23, $0xF;
	s7 =	sshll.u32 s7, $0x7;
	[smem:$0x7FD] =	sst s25  }
0x2c: {  	s7 =	sadd.s32 s7, s4;
	s0 =	sshrl.u32 @!p0 s3, $0x3;
	s26 =	ssub.f32 $1.000000000e+00, s15  }
0x2d: {  	s23 =	sadd.s32 $0x12E800, s4;
	s9 =	sadd.s32 $0x5000, s14;
	[dreg:$0x17] =	wrdreg s0  }
0x2e: {  	s18 =	sadd.s32 $0x12C000, s4;
	s0 =	sshrl.u32 @!p0 s6, $0x3;
	[dreg:$0x1f] =	wrdreg s9  }
0x2f: {  	s3 =	simm.s32 $0xA100;
	[dreg:$0x18] =	wrdreg s0;
	s0 =	sshrl.u32 @!p0 s8, $0x3  }
0x30: {  	s13 =	simm.s32 $0x6;
	s8 =	sadd.s32 $0x2800, s14;
	[dreg:$0x19] =	wrdreg s0  }
0x31: {  	s6 =	simm.s32 $0x5000;
	s0 =	sshrl.u32 @!p0 s10, $0x3;
	[dreg:$0x1e] =	wrdreg s8  }
0x32: {  	s9 =	simm.s32 $0x7800;
	s10 =	sadd.s32 $0x7800, s14;
	[dreg:$0x1a] =	wrdreg s0  }
0x33: {  	v1 =	vmov s26;
	s26 =	simm.s32 $0x0;
	s0 =	sshrl.u32 @!p0 s11, $0x3;
	[smem:$0x7F6] =	sst s10  }
0x34: {  	s8 =	simm.s32 $0xA180;
	s11 =	sadd.s32 $0xA000, s14;
	[dreg:$0x1b] =	wrdreg s0  }
0x35: {  	s10 =	simm.s32 $0x3;
	s0 =	sshrl.u32 @!p0 s12, $0x3;
	[smem:$0x7F7] =	sst s11  }
0x36: {  	s12 =	sadd.s32 $0xC800, s14;
	s11 =	simm.s32 $0x5;
	[dreg:$0x1c] =	wrdreg s0  }
0x37: {  	s0 =	sshrl.u32 @!p0 s7, $0x3;
	[smem:$0x7F8] =	sst s12;
	s7 =	simm.s32 $0x2  }
0x38: {  	v0 =	vmov s15;
	s12 =	simm.s32 $0x4;
	[dreg:$0x1d] =	wrdreg s0;
	s0 =	simm.s32 $0x50  }
.LBB2_1:
0x39: {  	[tilespmem:s5], [sflag:$0x9] =	stream.linear.gather [hbm4b:s1+s5], $0x2800, $0x38;
	[tilespmem:$0x1DA80] =	vst v63  }
0x3a: {  	s15 =	simm.s32 $0x9  }
0x3b: {  	_ =	swait.ge [sflag:s15], $0x2800  }
0x3c: {  	[sflag:s15] =	ssyncset.done $0x0  }
0x3d: {  	[sflag:s15] =	ssyncadd.s32 $0xFFFFD800;
	s15 =	simm.s32 $0x0  }
0x3e: {  	v5 =	vld [tilespmem:s15+$0x0]  }
0x3f: {  	v7 =	vld [tilespmem:s15+$0x10]  }
0x40: {  	v6 =	vld [tilespmem:s15+$0x20]  }
0x41: {  	v4 =	vld [tilespmem:s15+$0x30]  }
0x42: {  	v2 =	vld [tilespmem:s15+$0x40]  }
0x43: {  	v3 =	vld [tilespmem:s15+$0x50];
	v8 =	vmul.f32 $0.0e+00, v5  }
0x44: {  	s16 =	simm.s32 $0x200;
	v7 =	vmul.f32 $0.0e+00, v7;
	v5 =	vld [tilespmem:s15+$0x60]  }
.LBB2_2:
0x45: {  	s17 =	sshra.s32 s16, $0x2;
	p1 =	sne.s32 s16, $0x9E00;
	[tilespmem:s15+$0x0] =	vst v8;
	v6 =	vmul.f32 $0.0e+00, v6;
	v8 =	vld [tilespmem:s15+$0x70]  }
0x46: {  	v9 =	vld [tilespmem:s17+$0x0];
	[tilespmem:s15+$0x10] =	vst v7;
	v4 =	vmul.f32 $0.0e+00, v4  }
0x47: {  	v7 =	vld [tilespmem:s17+$0x10];
	[tilespmem:s15+$0x20] =	vst v6;
	v2 =	vmul.f32 $0.0e+00, v2  }
.Ltmp0:
0x48: {  	v6 =	vld [tilespmem:s17+$0x20];
	[tilespmem:s15+$0x30] =	vst v4;
	v3 =	vmul.f32 $0.0e+00, v3;
	(pc) =	sbr.rel @p1 .LBB2_2-.Ltmp0, $4  }
0x49: {  	v4 =	vld [tilespmem:s17+$0x30];
	[tilespmem:s15+$0x40] =	vst v2;
	v5 =	vmul.f32 $0.0e+00, v5  }
0x4a: {  	v2 =	vld [tilespmem:s17+$0x40];
	[tilespmem:s15+$0x50] =	vst v3;
	v10 =	vmul.f32 $0.0e+00, v8  }
0x4b: {  	v8 =	vmul.f32 $0.0e+00, v9;
	v3 =	vld [tilespmem:s17+$0x50];
	[tilespmem:s15+$0x60] =	vst v5  }
0x4c: {  	s16 =	sadd.s32 $0x200, s16;
	v7 =	vmul.f32 $0.0e+00, v7;
	v5 =	vld [tilespmem:s17+$0x60];
	[tilespmem:s15+$0x70] =	vst v10;
	s15 =	smov.u32 s17  }
0x4d: {  	[tilespmem:s15+$0x0] =	vst v8;
	v6 =	vmul.f32 $0.0e+00, v6;
	v63 =	vld [tilespmem:s15+$0x70]  }
0x4e: {  	[tilespmem:s15+$0x10] =	vst v7;
	v4 =	vmul.f32 $0.0e+00, v4  }
0x4f: {  	[tilespmem:s15+$0x20] =	vst v6;
	v2 =	vmul.f32 $0.0e+00, v2  }
0x50: {  	[tilespmem:s15+$0x30] =	vst v4;
	v3 =	vmul.f32 $0.0e+00, v3  }
0x51: {  	[tilespmem:s15+$0x40] =	vst v2;
	v2 =	vmul.f32 $0.0e+00, v5  }
0x52: {  	[tilespmem:s15+$0x50] =	vst v3;
	v3 =	vmul.f32 $0.0e+00, v63  }
0x53: {  	[tilespmem:s15+$0x60] =	vst v2  }
0x54: {  	[tilespmem:s15+$0x70] =	vst v3;
	s15 =	simm.s32 @p0 $0x0  }
0x55: {  	[spmem:s18] =	stream.linear.scatter @p0 [tilespmem:s15], [sflag:$0x1], $0x2800, $0x38;
	[tilespmem:$0x1DA80] =	vst v63  }
0x56: {  	s16 =	sld [smem:$0x7FB]  }
0x57: {  	[spmem:s23] =	stream.linear.scatter @p0 [tilespmem:s15], [sflag:$0x1], $0x2800, $0x38;
	[tilespmem:$0x1DA80] =	vst v63  }
0x58: {  	_ = 	snop  }
0x59: {  	[spmem:s16] =	stream.linear.scatter @p0 [tilespmem:s15], [sflag:$0x1], $0x2800, $0x38;
	[tilespmem:$0x1DA80] =	vst v63  }
0x5a: {  	s16 =	sld [smem:$0x7FC];
	_ =	sdelay $0x2  }
0x5b: {  	[spmem:s16] =	stream.linear.scatter @p0 [tilespmem:s15], [sflag:$0x1], $0x2800, $0x38;
	[tilespmem:$0x1DA80] =	vst v63  }
0x5c: {  	s16 =	sld [smem:$0x7FD];
	_ =	sdelay $0x2  }
0x5d: {  	[spmem:s16] =	stream.linear.scatter @p0 [tilespmem:s15], [sflag:$0x1], $0x2800, $0x38;
	[tilespmem:$0x1DA80] =	vst v63  }
0x5e: {  	s15 =	simm.s32 @!p0 $0x0  }
0x5f: {  	[spmem:s14] =	stream.linear.scatter @!p0 [tilespmem:s15], [sflag:$0x1], $0x2800, $0x38;
	[tilespmem:$0x1DA80] =	vst v63  }
0x60: {  	s16 =	rddreg [dreg:$0x1e]  }
0x61: {  	[spmem:s16] =	stream.linear.scatter @!p0 [tilespmem:s15], [sflag:$0x1], $0x2800, $0x38;
	[tilespmem:$0x1DA80] =	vst v63  }
0x62: {  	s16 =	rddreg [dreg:$0x1f]  }
0x63: {  	[spmem:s16] =	stream.linear.scatter @!p0 [tilespmem:s15], [sflag:$0x1], $0x2800, $0x38;
	[tilespmem:$0x1DA80] =	vst v63  }
0x64: {  	s16 =	sld [smem:$0x7F6];
	_ =	sdelay $0x2  }
0x65: {  	[spmem:s16] =	stream.linear.scatter @!p0 [tilespmem:s15], [sflag:$0x1], $0x2800, $0x38;
	[tilespmem:$0x1DA80] =	vst v63  }
0x66: {  	s16 =	sld [smem:$0x7F7];
	_ =	sdelay $0x2  }
0x67: {  	[spmem:s16] =	stream.linear.scatter @!p0 [tilespmem:s15], [sflag:$0x1], $0x2800, $0x38;
	[tilespmem:$0x1DA80] =	vst v63  }
0x68: {  	s16 =	sld [smem:$0x7F8];
	_ =	sdelay $0x2  }
0x69: {  	[spmem:s16] =	stream.linear.scatter @!p0 [tilespmem:s15], [sflag:$0x1], $0x2800, $0x38;
	[tilespmem:$0x1DA80] =	vst v63  }
0x6a: {  	s16 =	sld [smem:$0x7F9];
	_ =	sdelay $0x2  }
0x6b: {  	[spmem:s16] =	stream.linear.scatter @!p0 [tilespmem:s15], [sflag:$0x1], $0x2800, $0x38;
	[tilespmem:$0x1DA80] =	vst v63  }
0x6c: {  	s16 =	sld [smem:$0x7FA];
	_ =	sdelay $0x2  }
0x6d: {  	[spmem:s16] =	stream.linear.scatter @!p0 [tilespmem:s15], [sflag:$0x1], $0x2800, $0x38;
	[tilespmem:$0x1DA80] =	vst v63  }
0x6e: {  	s15 =	simm.s32 @!p0 $0x1  }
0x6f: {  	_ =	swait.ge @!p0 [sflag:s15], $0x2800  }
0x70: {  	[sflag:s15] =	ssyncset.done @!p0 $0x0  }
0x71: {  	[sflag:s15] =	ssyncadd.s32 @!p0 $0xFFFFD800  }
0x72: {  	_ =	swait.ge @!p0 [sflag:s15], $0x2800  }
0x73: {  	[sflag:s15] =	ssyncset.done @!p0 $0x0  }
0x74: {  	[sflag:s15] =	ssyncadd.s32 @!p0 $0xFFFFD800  }
0x75: {  	_ =	swait.ge @!p0 [sflag:s15], $0x2800  }
0x76: {  	[sflag:s15] =	ssyncset.done @!p0 $0x0  }
0x77: {  	[sflag:s15] =	ssyncadd.s32 @!p0 $0xFFFFD800  }
0x78: {  	_ =	swait.ge [sflag:s28], $0x2800  }
0x79: {  	[sflag:s28] =	ssyncset.done $0x0  }
0x7a: {  	[sflag:s28] =	ssyncadd.s32 $0xFFFFD800  }
0x7b: {  	_ =	swait.ge [sflag:s28], $0x2800  }
0x7c: {  	[sflag:s28] =	ssyncset.done $0x0  }
0x7d: {  	[sflag:s28] =	ssyncadd.s32 $0xFFFFD800  }
0x7e: {  	_ =	swait.ge [sflag:s28], $0x2800  }
0x7f: {  	[sflag:s28] =	ssyncset.done $0x0  }
0x80: {  	[sflag:s28] =	ssyncadd.s32 $0xFFFFD800  }
0x81: {  	_ =	swait.ge [sflag:s28], $0x2800  }
0x82: {  	[sflag:s28] =	ssyncset.done $0x0  }
0x83: {  	[sflag:s28] =	ssyncadd.s32 $0xFFFFD800  }
0x84: {  	_ =	swait.ge [sflag:s28], $0x2800  }
0x85: {  	[sflag:s28] =	ssyncset.done $0x0  }
0x86: {  	[sflag:s28] =	ssyncadd.s32 $0xFFFFD800  }
0x87: {  	[bflag:$0x0] =	sbarrier.arrive $0xFFFF  }
0x88: {  	s25 =	smov.u32 s23;
	s15 =	simm.s32 $0x0;
	s23 =	rddreg [dreg:$0xd]  }
0x89: {  	[tilespmem:s29], [sflag:$0x1] =	stream.linear.gather [hbm4b:s23+s15], $0x50, $0x38;
	[tilespmem:$0x1DA80] =	vst v63  }
0x8a: {  	s17 =	rddreg [dreg:$0xe]  }
0x8b: {  	[tilespmem:s15], [sflag:$0x1] =	stream.linear.gather [hbm4b:s17+s15], $0x2800, $0x38;
	[tilespmem:$0x1DA80] =	vst v63  }
0x8c: {  	s24 =	smov.u32 s18;
	s18 =	rddreg [dreg:$0xf]  }
0x8d: {  	[tilespmem:s30], [sflag:$0x2] =	stream.linear.gather [hbm4b:s18+s15], $0x50, $0x38;
	[tilespmem:$0x1DA80] =	vst v63  }
0x8e: {  	s23 =	rddreg [dreg:$0x10]  }
0x8f: {  	[tilespmem:s31], [sflag:$0x2] =	stream.linear.gather [hbm4b:s23+s15], $0x2800, $0x38;
	[tilespmem:$0x1DA80] =	vst v63  }
.LBB2_4:
0x90: {  	_ =	swait.ge [sflag:s28], $0x50  }
0x91: {  	[sflag:s28] =	ssyncset.done $0x0  }
0x92: {  	[sflag:s28] =	ssyncadd.s32 $0xFFFFFFB0  }
0x93: {  	_ =	swait.ge [sflag:s28], $0x2800  }
0x94: {  	[sflag:s28] =	ssyncset.done $0x0  }
0x95: {  	s16 =	simm.s32 $0x0;
	[sflag:s28] =	ssyncadd.s32 $0xFFFFD800  }
0x96: {  	v7 =	vld [tilespmem:s16+$0x0]  }
0x97: {  	v8 =	vld [tilespmem:s16+$0x10]  }
0x98: {  	v6 =	vld [tilespmem:s16+$0x20]  }
0x99: {  	v5 =	vld [tilespmem:s16+$0x30]  }
0x9a: {  	v4 =	vld [tilespmem:s16+$0x40]  }
0x9b: {  	v3 =	vld [tilespmem:s16+$0x50];
	v10 =	vmul.f32 v7, v0  }
0x9c: {  	s17 =	simm.s32 $0x200;
	v2 =	vld [tilespmem:s16+$0x60];
	v9 =	vmul.f32 v8, v0  }
.LBB2_5:
0x9d: {  	p1 =	sne.s32 s17, $0x9E00;
	v10 =	vadd.f32 v10, v1;
	v11 =	vmul.f32 v6, v0;
	v12 =	vld [tilespmem:s16+$0x70]  }
0x9e: {  	v9 =	vadd.f32 v9, v1;
	v13 =	vmul.f32 v5, v0  }
0x9f: {  	v7 =	vmul.f32 v10, v7;
	v10 =	vadd.f32 v11, v1;
	v11 =	vmul.f32 v4, v0  }
0xa0: {  	v8 =	vmul.f32 v9, v8;
	v9 =	vadd.f32 v13, v1;
	v13 =	vmul.f32 v3, v0  }
0xa1: {  	s18 =	sshra.s32 s17, $0x2;
	[tilespmem:s16+$0x0] =	vst v7;
	v6 =	vmul.f32 v10, v6;
	v10 =	vadd.f32 v11, v1;
	v11 =	vmul.f32 v2, v0  }
0xa2: {  	v7 =	vld [tilespmem:s18+$0x0];
	[tilespmem:s16+$0x10] =	vst v8;
	v5 =	vmul.f32 v9, v5;
	v9 =	vadd.f32 v13, v1;
	v13 =	vmul.f32 v12, v0  }
0xa3: {  	v8 =	vld [tilespmem:s18+$0x10];
	[tilespmem:s16+$0x20] =	vst v6;
	v4 =	vmul.f32 v10, v4;
	v10 =	vadd.f32 v11, v1  }
.Ltmp1:
0xa4: {  	v6 =	vld [tilespmem:s18+$0x20];
	[tilespmem:s16+$0x30] =	vst v5;
	v3 =	vmul.f32 v9, v3;
	v9 =	vadd.f32 v13, v1;
	(pc) =	sbr.rel @p1 .LBB2_5-.Ltmp1, $4  }
0xa5: {  	v5 =	vld [tilespmem:s18+$0x30];
	[tilespmem:s16+$0x40] =	vst v4;
	v2 =	vmul.f32 v10, v2  }
0xa6: {  	v4 =	vld [tilespmem:s18+$0x40];
	[tilespmem:s16+$0x50] =	vst v3;
	v11 =	vmul.f32 v9, v12  }
0xa7: {  	v10 =	vmul.f32 v7, v0;
	v3 =	vld [tilespmem:s18+$0x50];
	[tilespmem:s16+$0x60] =	vst v2  }
0xa8: {  	s17 =	sadd.s32 $0x200, s17;
	v9 =	vmul.f32 v8, v0;
	v2 =	vld [tilespmem:s18+$0x60];
	[tilespmem:s16+$0x70] =	vst v11;
	s16 =	smov.u32 s18  }
0xa9: {  	v10 =	vadd.f32 v10, v1;
	v11 =	vmul.f32 v6, v0;
	v12 =	vld [tilespmem:s16+$0x70]  }
0xaa: {  	v9 =	vadd.f32 v9, v1;
	v13 =	vmul.f32 v5, v0  }
0xab: {  	v7 =	vmul.f32 v10, v7;
	v10 =	vadd.f32 v11, v1;
	v11 =	vmul.f32 v4, v0  }
0xac: {  	v8 =	vmul.f32 v9, v8;
	v9 =	vadd.f32 v13, v1;
	v63 =	vmul.f32 v3, v0  }
0xad: {  	[tilespmem:s16+$0x0] =	vst v7;
	v6 =	vmul.f32 v10, v6;
	v7 =	vadd.f32 v11, v1;
	v10 =	vmul.f32 v2, v0  }
0xae: {  	[tilespmem:s16+$0x10] =	vst v8;
	v5 =	vmul.f32 v9, v5;
	v8 =	vadd.f32 v63, v1;
	v9 =	vmul.f32 v12, v0  }
0xaf: {  	[tilespmem:s16+$0x20] =	vst v6;
	v4 =	vmul.f32 v7, v4;
	v6 =	vadd.f32 v10, v1  }
0xb0: {  	[tilespmem:s16+$0x30] =	vst v5;
	v3 =	vmul.f32 v8, v3;
	v5 =	vadd.f32 v9, v1  }
0xb1: {  	[tilespmem:s16+$0x40] =	vst v4;
	v2 =	vmul.f32 v6, v2  }
0xb2: {  	[tilespmem:s16+$0x50] =	vst v3;
	v3 =	vmul.f32 v5, v12  }
0xb3: {  	p1 =	seq.s32 s15, $0x0;
	[tilespmem:s16+$0x60] =	vst v2  }
0xb4: {  	s17 =	simm.s32 @!p1 $0x7;
	[tilespmem:s16+$0x70] =	vst v3;
	s16 =	smul.u32 $0x140, s15  }
0xb5: {  	[spmem:s4] =	stream.indirect.scatter.add.f32 [tilespmem:s5], [sflag:$0x5], $0x80, s29, s0, $0xb8;
	[tilespmem:$0x1DA80] =	vst v63  }
0xb6: {  	_ =	swait.ge @!p1 [sflag:s17], $0x2800;
	s18 =	sadd.s32 s16, s19  }
0xb7: {  	[sflag:s17] =	ssyncset.done @!p1 $0x0;
	s23 =	sshrl.u32 s18, $0x3;
	s18 =	sshll.u32 s18, $0x4  }
0xb8: {  	[sflag:s17] =	ssyncadd.s32 @!p1 $0xFFFFD800;
	s17 =	sadd.s32 s2, s23;
	s23 =	simm.s32 $0x0  }
0xb9: {  	[tilespmem:s3], [sflag:$0x3] =	stream.linear.gather [hbm4b:s17+s23], $0x50, $0x38;
	[tilespmem:$0x1DA80] =	vst v63  }
0xba: {  	s17 =	sadd.s32 s1, s18  }
0xbb: {  	[tilespmem:s6], [sflag:$0x3] =	stream.linear.gather [hbm4b:s17+s23], $0x2800, $0x38;
	[tilespmem:$0x1DA80] =	vst v63  }
0xbc: {  	_ =	swait.ge [sflag:s7], $0x50  }
0xbd: {  	[sflag:s7] =	ssyncset.done $0x0  }
0xbe: {  	[sflag:s7] =	ssyncadd.s32 $0xFFFFFFB0  }
0xbf: {  	_ =	swait.ge [sflag:s7], $0x2800  }
0xc0: {  	[sflag:s7] =	ssyncset.done $0x0  }
0xc1: {  	s17 =	simm.s32 $0x0;
	[sflag:s7] =	ssyncadd.s32 $0xFFFFD800  }
0xc2: {  	v7 =	vld [tilespmem:s17+$0x2800]  }
0xc3: {  	v8 =	vld [tilespmem:s17+$0x2810]  }
0xc4: {  	v6 =	vld [tilespmem:s17+$0x2820]  }
0xc5: {  	v5 =	vld [tilespmem:s17+$0x2830]  }
0xc6: {  	v4 =	vld [tilespmem:s17+$0x2840]  }
0xc7: {  	v3 =	vld [tilespmem:s17+$0x2850];
	v10 =	vmul.f32 v7, v0  }
0xc8: {  	s18 =	simm.s32 $0x200;
	v2 =	vld [tilespmem:s17+$0x2860];
	v9 =	vmul.f32 v8, v0  }
.LBB2_7:
0xc9: {  	p2 =	sne.s32 s18, $0x9E00;
	v10 =	vadd.f32 v10, v1;
	v11 =	vmul.f32 v6, v0;
	v12 =	vld [tilespmem:s17+$0x2870]  }
0xca: {  	v9 =	vadd.f32 v9, v1;
	v13 =	vmul.f32 v5, v0  }
0xcb: {  	v7 =	vmul.f32 v10, v7;
	v10 =	vadd.f32 v11, v1;
	v11 =	vmul.f32 v4, v0  }
0xcc: {  	v8 =	vmul.f32 v9, v8;
	v9 =	vadd.f32 v13, v1;
	v13 =	vmul.f32 v3, v0  }
0xcd: {  	s23 =	sshra.s32 s18, $0x2;
	[tilespmem:s17+$0x2800] =	vst v7;
	v6 =	vmul.f32 v10, v6;
	v10 =	vadd.f32 v11, v1;
	v11 =	vmul.f32 v2, v0  }
0xce: {  	v7 =	vld [tilespmem:s23+$0x2800];
	[tilespmem:s17+$0x2810] =	vst v8;
	v5 =	vmul.f32 v9, v5;
	v9 =	vadd.f32 v13, v1;
	v13 =	vmul.f32 v12, v0  }
0xcf: {  	v8 =	vld [tilespmem:s23+$0x2810];
	[tilespmem:s17+$0x2820] =	vst v6;
	v4 =	vmul.f32 v10, v4;
	v10 =	vadd.f32 v11, v1  }
.Ltmp2:
0xd0: {  	v6 =	vld [tilespmem:s23+$0x2820];
	[tilespmem:s17+$0x2830] =	vst v5;
	v3 =	vmul.f32 v9, v3;
	v9 =	vadd.f32 v13, v1;
	(pc) =	sbr.rel @p2 .LBB2_7-.Ltmp2, $4  }
0xd1: {  	v5 =	vld [tilespmem:s23+$0x2830];
	[tilespmem:s17+$0x2840] =	vst v4;
	v2 =	vmul.f32 v10, v2  }
0xd2: {  	v4 =	vld [tilespmem:s23+$0x2840];
	[tilespmem:s17+$0x2850] =	vst v3;
	v11 =	vmul.f32 v9, v12  }
0xd3: {  	v10 =	vmul.f32 v7, v0;
	v3 =	vld [tilespmem:s23+$0x2850];
	[tilespmem:s17+$0x2860] =	vst v2  }
0xd4: {  	s18 =	sadd.s32 $0x200, s18;
	v9 =	vmul.f32 v8, v0;
	v2 =	vld [tilespmem:s23+$0x2860];
	[tilespmem:s17+$0x2870] =	vst v11;
	s17 =	smov.u32 s23  }
0xd5: {  	v10 =	vadd.f32 v10, v1;
	v11 =	vmul.f32 v6, v0;
	v12 =	vld [tilespmem:s17+$0x2870]  }
0xd6: {  	v9 =	vadd.f32 v9, v1;
	v13 =	vmul.f32 v5, v0  }
0xd7: {  	v7 =	vmul.f32 v10, v7;
	v10 =	vadd.f32 v11, v1;
	v11 =	vmul.f32 v4, v0  }
0xd8: {  	v8 =	vmul.f32 v9, v8;
	v9 =	vadd.f32 v13, v1;
	v63 =	vmul.f32 v3, v0  }
0xd9: {  	[tilespmem:s17+$0x2800] =	vst v7;
	v6 =	vmul.f32 v10, v6;
	v7 =	vadd.f32 v11, v1;
	v10 =	vmul.f32 v2, v0  }
0xda: {  	[tilespmem:s17+$0x2810] =	vst v8;
	v5 =	vmul.f32 v9, v5;
	v8 =	vadd.f32 v63, v1;
	v9 =	vmul.f32 v12, v0  }
0xdb: {  	[tilespmem:s17+$0x2820] =	vst v6;
	v4 =	vmul.f32 v7, v4;
	v6 =	vadd.f32 v10, v1  }
0xdc: {  	[tilespmem:s17+$0x2830] =	vst v5;
	v3 =	vmul.f32 v8, v3;
	v5 =	vadd.f32 v9, v1  }
0xdd: {  	[tilespmem:s17+$0x2840] =	vst v4;
	v2 =	vmul.f32 v6, v2  }
0xde: {  	[tilespmem:s17+$0x2850] =	vst v3;
	v3 =	vmul.f32 v5, v12  }
0xdf: {  	[tilespmem:s17+$0x2860] =	vst v2  }
0xe0: {  	[tilespmem:s17+$0x2870] =	vst v3;
	s17 =	simm.s32 @!p1 $0x8  }
0xe1: {  	[spmem:s4] =	stream.indirect.scatter.add.f32 [tilespmem:s31], [sflag:$0x6], $0x80, s30, s0, $0xb8;
	[tilespmem:$0x1DA80] =	vst v63  }
0xe2: {  	s18 =	sadd.s32 s16, s20;
	_ =	swait.ge @!p1 [sflag:s17], $0x2800  }
0xe3: {  	s23 =	sshrl.u32 s18, $0x3;
	s18 =	sshll.u32 s18, $0x4;
	[sflag:s17] =	ssyncset.done @!p1 $0x0  }
0xe4: {  	[sflag:s17] =	ssyncadd.s32 @!p1 $0xFFFFD800;
	s17 =	sadd.s32 s2, s23;
	s23 =	simm.s32 $0x0  }
0xe5: {  	[tilespmem:s8], [sflag:$0x4] =	stream.linear.gather [hbm4b:s17+s23], $0x50, $0x38;
	[tilespmem:$0x1DA80] =	vst v63  }
0xe6: {  	s17 =	sadd.s32 s1, s18  }
0xe7: {  	[tilespmem:s9], [sflag:$0x4] =	stream.linear.gather [hbm4b:s17+s23], $0x2800, $0x38;
	[tilespmem:$0x1DA80] =	vst v63  }
0xe8: {  	_ =	swait.ge [sflag:s10], $0x50  }
0xe9: {  	[sflag:s10] =	ssyncset.done $0x0  }
0xea: {  	[sflag:s10] =	ssyncadd.s32 $0xFFFFFFB0  }
0xeb: {  	_ =	swait.ge [sflag:s10], $0x2800  }
0xec: {  	[sflag:s10] =	ssyncset.done $0x0  }
0xed: {  	s17 =	simm.s32 $0x0;
	[sflag:s10] =	ssyncadd.s32 $0xFFFFD800  }
0xee: {  	v7 =	vld [tilespmem:s17+$0x5000]  }
0xef: {  	v8 =	vld [tilespmem:s17+$0x5010]  }
0xf0: {  	v6 =	vld [tilespmem:s17+$0x5020]  }
0xf1: {  	v5 =	vld [tilespmem:s17+$0x5030]  }
0xf2: {  	v4 =	vld [tilespmem:s17+$0x5040]  }
0xf3: {  	v3 =	vld [tilespmem:s17+$0x5050];
	v10 =	vmul.f32 v7, v0  }
0xf4: {  	s18 =	simm.s32 $0x200;
	v2 =	vld [tilespmem:s17+$0x5060];
	v9 =	vmul.f32 v8, v0  }
.LBB2_9:
0xf5: {  	p1 =	sne.s32 s18, $0x9E00;
	v10 =	vadd.f32 v10, v1;
	v11 =	vmul.f32 v6, v0;
	v12 =	vld [tilespmem:s17+$0x5070]  }
0xf6: {  	v9 =	vadd.f32 v9, v1;
	v13 =	vmul.f32 v5, v0  }
0xf7: {  	v7 =	vmul.f32 v10, v7;
	v10 =	vadd.f32 v11, v1;
	v11 =	vmul.f32 v4, v0  }
0xf8: {  	v8 =	vmul.f32 v9, v8;
	v9 =	vadd.f32 v13, v1;
	v13 =	vmul.f32 v3, v0  }
0xf9: {  	s23 =	sshra.s32 s18, $0x2;
	[tilespmem:s17+$0x5000] =	vst v7;
	v6 =	vmul.f32 v10, v6;
	v10 =	vadd.f32 v11, v1;
	v11 =	vmul.f32 v2, v0  }
0xfa: {  	v7 =	vld [tilespmem:s23+$0x5000];
	[tilespmem:s17+$0x5010] =	vst v8;
	v5 =	vmul.f32 v9, v5;
	v9 =	vadd.f32 v13, v1;
	v13 =	vmul.f32 v12, v0  }
0xfb: {  	v8 =	vld [tilespmem:s23+$0x5010];
	[tilespmem:s17+$0x5020] =	vst v6;
	v4 =	vmul.f32 v10, v4;
	v10 =	vadd.f32 v11, v1  }
.Ltmp3:
0xfc: {  	v6 =	vld [tilespmem:s23+$0x5020];
	[tilespmem:s17+$0x5030] =	vst v5;
	v3 =	vmul.f32 v9, v3;
	v9 =	vadd.f32 v13, v1;
	(pc) =	sbr.rel @p1 .LBB2_9-.Ltmp3, $4  }
0xfd: {  	v5 =	vld [tilespmem:s23+$0x5030];
	[tilespmem:s17+$0x5040] =	vst v4;
	v2 =	vmul.f32 v10, v2  }
0xfe: {  	v4 =	vld [tilespmem:s23+$0x5040];
	[tilespmem:s17+$0x5050] =	vst v3;
	v11 =	vmul.f32 v9, v12  }
0xff: {  	v10 =	vmul.f32 v7, v0;
	v3 =	vld [tilespmem:s23+$0x5050];
	[tilespmem:s17+$0x5060] =	vst v2  }
0x100: {  	s18 =	sadd.s32 $0x200, s18;
	v9 =	vmul.f32 v8, v0;
	v2 =	vld [tilespmem:s23+$0x5060];
	[tilespmem:s17+$0x5070] =	vst v11;
	s17 =	smov.u32 s23  }
0x101: {  	v10 =	vadd.f32 v10, v1;
	v11 =	vmul.f32 v6, v0;
	v12 =	vld [tilespmem:s17+$0x5070]  }
0x102: {  	v9 =	vadd.f32 v9, v1;
	v13 =	vmul.f32 v5, v0  }
0x103: {  	v7 =	vmul.f32 v10, v7;
	v10 =	vadd.f32 v11, v1;
	v11 =	vmul.f32 v4, v0  }
0x104: {  	v8 =	vmul.f32 v9, v8;
	v9 =	vadd.f32 v13, v1;
	v63 =	vmul.f32 v3, v0  }
0x105: {  	[tilespmem:s17+$0x5000] =	vst v7;
	v6 =	vmul.f32 v10, v6;
	v7 =	vadd.f32 v11, v1;
	v10 =	vmul.f32 v2, v0  }
0x106: {  	[tilespmem:s17+$0x5010] =	vst v8;
	v5 =	vmul.f32 v9, v5;
	v8 =	vadd.f32 v63, v1;
	v9 =	vmul.f32 v12, v0  }
0x107: {  	[tilespmem:s17+$0x5020] =	vst v6;
	v4 =	vmul.f32 v7, v4;
	v6 =	vadd.f32 v10, v1  }
0x108: {  	[tilespmem:s17+$0x5030] =	vst v5;
	v3 =	vmul.f32 v8, v3;
	v5 =	vadd.f32 v9, v1  }
0x109: {  	[tilespmem:s17+$0x5040] =	vst v4;
	v2 =	vmul.f32 v6, v2  }
0x10a: {  	[tilespmem:s17+$0x5050] =	vst v3;
	v3 =	vmul.f32 v5, v12  }
0x10b: {  	[tilespmem:s17+$0x5060] =	vst v2  }
0x10c: {  	[tilespmem:s17+$0x5070] =	vst v3  }
0x10d: {  	[spmem:s4] =	stream.indirect.scatter.add.f32 [tilespmem:s6], [sflag:$0x7], $0x80, s3, s0, $0xb8;
	[tilespmem:$0x1DA80] =	vst v63  }
0x10e: {  	s17 =	sadd.s32 s16, s21;
	_ =	swait.ge [sflag:s11], $0x2800  }
0x10f: {  	s23 =	simm.s32 $0x0;
	s18 =	sshrl.u32 s17, $0x3;
	[sflag:s11] =	ssyncset.done $0x0  }
0x110: {  	s17 =	sshll.u32 s17, $0x4;
	s18 =	sadd.s32 s2, s18;
	[sflag:s11] =	ssyncadd.s32 $0xFFFFD800  }
0x111: {  	[tilespmem:s29], [sflag:$0x1] =	stream.linear.gather [hbm4b:s18+s23], $0x50, $0x38;
	[tilespmem:$0x1DA80] =	vst v63  }
0x112: {  	s17 =	sadd.s32 s1, s17  }
0x113: {  	[tilespmem:s23], [sflag:$0x1] =	stream.linear.gather [hbm4b:s17+s23], $0x2800, $0x38;
	[tilespmem:$0x1DA80] =	vst v63  }
0x114: {  	_ =	swait.ge [sflag:s12], $0x50  }
0x115: {  	[sflag:s12] =	ssyncset.done $0x0  }
0x116: {  	[sflag:s12] =	ssyncadd.s32 $0xFFFFFFB0  }
0x117: {  	_ =	swait.ge [sflag:s12], $0x2800  }
0x118: {  	[sflag:s12] =	ssyncset.done $0x0  }
0x119: {  	s17 =	simm.s32 $0x0;
	[sflag:s12] =	ssyncadd.s32 $0xFFFFD800  }
0x11a: {  	v7 =	vld [tilespmem:s17+$0x7800]  }
0x11b: {  	v8 =	vld [tilespmem:s17+$0x7810]  }
0x11c: {  	v6 =	vld [tilespmem:s17+$0x7820]  }
0x11d: {  	v5 =	vld [tilespmem:s17+$0x7830]  }
0x11e: {  	v4 =	vld [tilespmem:s17+$0x7840]  }
0x11f: {  	v3 =	vld [tilespmem:s17+$0x7850];
	v10 =	vmul.f32 v7, v0  }
0x120: {  	s18 =	simm.s32 $0x200;
	v2 =	vld [tilespmem:s17+$0x7860];
	v9 =	vmul.f32 v8, v0  }
.LBB2_11:
0x121: {  	p1 =	sne.s32 s18, $0x9E00;
	v10 =	vadd.f32 v10, v1;
	v11 =	vmul.f32 v6, v0;
	v12 =	vld [tilespmem:s17+$0x7870]  }
0x122: {  	v9 =	vadd.f32 v9, v1;
	v13 =	vmul.f32 v5, v0  }
0x123: {  	v7 =	vmul.f32 v10, v7;
	v10 =	vadd.f32 v11, v1;
	v11 =	vmul.f32 v4, v0  }
0x124: {  	v8 =	vmul.f32 v9, v8;
	v9 =	vadd.f32 v13, v1;
	v13 =	vmul.f32 v3, v0  }
0x125: {  	s23 =	sshra.s32 s18, $0x2;
	[tilespmem:s17+$0x7800] =	vst v7;
	v6 =	vmul.f32 v10, v6;
	v10 =	vadd.f32 v11, v1;
	v11 =	vmul.f32 v2, v0  }
0x126: {  	v7 =	vld [tilespmem:s23+$0x7800];
	[tilespmem:s17+$0x7810] =	vst v8;
	v5 =	vmul.f32 v9, v5;
	v9 =	vadd.f32 v13, v1;
	v13 =	vmul.f32 v12, v0  }
0x127: {  	v8 =	vld [tilespmem:s23+$0x7810];
	[tilespmem:s17+$0x7820] =	vst v6;
	v4 =	vmul.f32 v10, v4;
	v10 =	vadd.f32 v11, v1  }
.Ltmp4:
0x128: {  	v6 =	vld [tilespmem:s23+$0x7820];
	[tilespmem:s17+$0x7830] =	vst v5;
	v3 =	vmul.f32 v9, v3;
	v9 =	vadd.f32 v13, v1;
	(pc) =	sbr.rel @p1 .LBB2_11-.Ltmp4, $4  }
0x129: {  	v5 =	vld [tilespmem:s23+$0x7830];
	[tilespmem:s17+$0x7840] =	vst v4;
	v2 =	vmul.f32 v10, v2  }
0x12a: {  	v4 =	vld [tilespmem:s23+$0x7840];
	[tilespmem:s17+$0x7850] =	vst v3;
	v11 =	vmul.f32 v9, v12  }
0x12b: {  	v10 =	vmul.f32 v7, v0;
	v3 =	vld [tilespmem:s23+$0x7850];
	[tilespmem:s17+$0x7860] =	vst v2  }
0x12c: {  	s18 =	sadd.s32 $0x200, s18;
	v9 =	vmul.f32 v8, v0;
	v2 =	vld [tilespmem:s23+$0x7860];
	[tilespmem:s17+$0x7870] =	vst v11;
	s17 =	smov.u32 s23  }
0x12d: {  	v10 =	vadd.f32 v10, v1;
	v11 =	vmul.f32 v6, v0;
	v12 =	vld [tilespmem:s17+$0x7870]  }
0x12e: {  	v9 =	vadd.f32 v9, v1;
	v13 =	vmul.f32 v5, v0  }
0x12f: {  	v7 =	vmul.f32 v10, v7;
	v51 =	vadd.f32 v11, v1;
	v52 =	vmul.f32 v4, v0  }
0x130: {  	v8 =	vmul.f32 v9, v8;
	v53 =	vadd.f32 v13, v1;
	v54 =	vmul.f32 v3, v0  }
0x131: {  	[tilespmem:s17+$0x7800] =	vst v7;
	v55 =	vmul.f32 v51, v6;
	v56 =	vadd.f32 v52, v1;
	v57 =	vmul.f32 v2, v0  }
0x132: {  	[tilespmem:s17+$0x7810] =	vst v8;
	v58 =	vmul.f32 v53, v5;
	v59 =	vadd.f32 v54, v1;
	v60 =	vmul.f32 v12, v0  }
0x133: {  	[tilespmem:s17+$0x7820] =	vst v55;
	v61 =	vmul.f32 v56, v4;
	v62 =	vadd.f32 v57, v1  }
0x134: {  	[tilespmem:s17+$0x7830] =	vst v58;
	v3 =	vmul.f32 v59, v3;
	v63 =	vadd.f32 v60, v1  }
0x135: {  	[tilespmem:s17+$0x7840] =	vst v61;
	v2 =	vmul.f32 v62, v2  }
0x136: {  	[tilespmem:s17+$0x7850] =	vst v3;
	v3 =	vmul.f32 v63, v12  }
0x137: {  	[tilespmem:s17+$0x7860] =	vst v2  }
0x138: {  	s15 =	sadd.s32 $0x1, s15;
	[tilespmem:s17+$0x7870] =	vst v3  }
0x139: {  	[spmem:s4] =	stream.indirect.scatter.add.f32 [tilespmem:s9], [sflag:$0x8], $0x80, s8, s0, $0xb8;
	[tilespmem:$0x1DA80] =	vst v63  }
0x13a: {  	s16 =	sadd.s32 s16, s22;
	p1 =	sne.s32 s15, $0x3E;
	_ =	swait.ge [sflag:s13], $0x2800  }
.Ltmp5:
0x13b: {  	s23 =	sshrl.u32 s16, $0x3;
	[sflag:s13] =	ssyncset.done $0x0;
	(pc) =	sbr.rel @p1 .LBB2_4-.Ltmp5, $4  }
0x13c: {  	s16 =	sshll.u32 s16, $0x4;
	s17 =	sadd.s32 s2, s23;
	[sflag:s13] =	ssyncadd.s32 $0xFFFFD800  }
0x13d: {  	[tilespmem:s30], [sflag:$0x2] =	stream.linear.gather [hbm4b:s17+s5], $0x50, $0x38;
	[tilespmem:$0x1DA80] =	vst v63  }
0x13e: {  	s16 =	sadd.s32 s1, s16  }
0x13f: {  	[tilespmem:s31], [sflag:$0x2] =	stream.linear.gather [hbm4b:s16+s5], $0x2800, $0x38;
	[tilespmem:$0x1DA80] =	vst v63  }
0x140: {  	_ =	swait.ge [sflag:s28], $0x50  }
0x141: {  	[sflag:s28] =	ssyncset.done $0x0  }
0x142: {  	[sflag:s28] =	ssyncadd.s32 $0xFFFFFFB0  }
0x143: {  	_ =	swait.ge [sflag:s28], $0x2800  }
0x144: {  	[sflag:s28] =	ssyncset.done $0x0  }
0x145: {  	s15 =	simm.s32 $0x0;
	[sflag:s28] =	ssyncadd.s32 $0xFFFFD800  }
0x146: {  	v7 =	vld [tilespmem:s15+$0x0]  }
0x147: {  	v8 =	vld [tilespmem:s15+$0x10]  }
0x148: {  	v6 =	vld [tilespmem:s15+$0x20]  }
0x149: {  	v5 =	vld [tilespmem:s15+$0x30]  }
0x14a: {  	v4 =	vld [tilespmem:s15+$0x40]  }
0x14b: {  	v3 =	vld [tilespmem:s15+$0x50];
	v10 =	vmul.f32 v7, v0  }
0x14c: {  	s16 =	simm.s32 $0x200;
	v2 =	vld [tilespmem:s15+$0x60];
	v9 =	vmul.f32 v8, v0  }
.LBB2_14:
0x14d: {  	p1 =	sne.s32 s16, $0x9E00;
	v10 =	vadd.f32 v10, v1;
	v11 =	vmul.f32 v6, v0;
	v12 =	vld [tilespmem:s15+$0x70]  }
0x14e: {  	v9 =	vadd.f32 v9, v1;
	v13 =	vmul.f32 v5, v0  }
0x14f: {  	v7 =	vmul.f32 v10, v7;
	v10 =	vadd.f32 v11, v1;
	v11 =	vmul.f32 v4, v0  }
0x150: {  	v8 =	vmul.f32 v9, v8;
	v9 =	vadd.f32 v13, v1;
	v13 =	vmul.f32 v3, v0  }
0x151: {  	s17 =	sshra.s32 s16, $0x2;
	[tilespmem:s15+$0x0] =	vst v7;
	v6 =	vmul.f32 v10, v6;
	v10 =	vadd.f32 v11, v1;
	v11 =	vmul.f32 v2, v0  }
0x152: {  	v7 =	vld [tilespmem:s17+$0x0];
	[tilespmem:s15+$0x10] =	vst v8;
	v5 =	vmul.f32 v9, v5;
	v9 =	vadd.f32 v13, v1;
	v13 =	vmul.f32 v12, v0  }
0x153: {  	v8 =	vld [tilespmem:s17+$0x10];
	[tilespmem:s15+$0x20] =	vst v6;
	v4 =	vmul.f32 v10, v4;
	v10 =	vadd.f32 v11, v1  }
.Ltmp6:
0x154: {  	v6 =	vld [tilespmem:s17+$0x20];
	[tilespmem:s15+$0x30] =	vst v5;
	v3 =	vmul.f32 v9, v3;
	v9 =	vadd.f32 v13, v1;
	(pc) =	sbr.rel @p1 .LBB2_14-.Ltmp6, $4  }
0x155: {  	v5 =	vld [tilespmem:s17+$0x30];
	[tilespmem:s15+$0x40] =	vst v4;
	v2 =	vmul.f32 v10, v2  }
0x156: {  	v4 =	vld [tilespmem:s17+$0x40];
	[tilespmem:s15+$0x50] =	vst v3;
	v11 =	vmul.f32 v9, v12  }
0x157: {  	v10 =	vmul.f32 v7, v0;
	v3 =	vld [tilespmem:s17+$0x50];
	[tilespmem:s15+$0x60] =	vst v2  }
0x158: {  	s16 =	sadd.s32 $0x200, s16;
	v9 =	vmul.f32 v8, v0;
	v2 =	vld [tilespmem:s17+$0x60];
	[tilespmem:s15+$0x70] =	vst v11;
	s15 =	smov.u32 s17  }
0x159: {  	v10 =	vadd.f32 v10, v1;
	v11 =	vmul.f32 v6, v0;
	v12 =	vld [tilespmem:s15+$0x70]  }
0x15a: {  	v9 =	vadd.f32 v9, v1;
	v13 =	vmul.f32 v5, v0  }
0x15b: {  	v7 =	vmul.f32 v10, v7;
	v10 =	vadd.f32 v11, v1;
	v11 =	vmul.f32 v4, v0  }
0x15c: {  	v8 =	vmul.f32 v9, v8;
	v9 =	vadd.f32 v13, v1;
	v63 =	vmul.f32 v3, v0  }
0x15d: {  	[tilespmem:s15+$0x0] =	vst v7;
	v6 =	vmul.f32 v10, v6;
	v7 =	vadd.f32 v11, v1;
	v10 =	vmul.f32 v2, v0  }
0x15e: {  	[tilespmem:s15+$0x10] =	vst v8;
	v5 =	vmul.f32 v9, v5;
	v8 =	vadd.f32 v63, v1;
	v9 =	vmul.f32 v12, v0  }
0x15f: {  	[tilespmem:s15+$0x20] =	vst v6;
	v4 =	vmul.f32 v7, v4;
	v6 =	vadd.f32 v10, v1  }
0x160: {  	[tilespmem:s15+$0x30] =	vst v5;
	v3 =	vmul.f32 v8, v3;
	v5 =	vadd.f32 v9, v1  }
0x161: {  	[tilespmem:s15+$0x40] =	vst v4;
	v2 =	vmul.f32 v6, v2  }
0x162: {  	[tilespmem:s15+$0x50] =	vst v3;
	v3 =	vmul.f32 v5, v12  }
0x163: {  	[tilespmem:s15+$0x60] =	vst v2  }
0x164: {  	s23 =	simm.s32 $0x0;
	[tilespmem:s15+$0x70] =	vst v3  }
0x165: {  	[spmem:s4] =	stream.indirect.scatter.add.f32 [tilespmem:s23], [sflag:$0x5], $0x80, s29, s0, $0xb8;
	[tilespmem:$0x1DA80] =	vst v63  }
0x166: {  	_ =	swait.ge [sflag:s7], $0x50  }
0x167: {  	[sflag:s7] =	ssyncset.done $0x0  }
0x168: {  	[sflag:s7] =	ssyncadd.s32 $0xFFFFFFB0  }
0x169: {  	_ =	swait.ge [sflag:s7], $0x2800  }
0x16a: {  	[sflag:s7] =	ssyncset.done $0x0  }
0x16b: {  	s15 =	simm.s32 $0x0;
	[sflag:s7] =	ssyncadd.s32 $0xFFFFD800  }
0x16c: {  	v7 =	vld [tilespmem:s15+$0x2800]  }
0x16d: {  	v8 =	vld [tilespmem:s15+$0x2810]  }
0x16e: {  	v6 =	vld [tilespmem:s15+$0x2820]  }
0x16f: {  	v5 =	vld [tilespmem:s15+$0x2830]  }
0x170: {  	v4 =	vld [tilespmem:s15+$0x2840]  }
0x171: {  	v3 =	vld [tilespmem:s15+$0x2850];
	v10 =	vmul.f32 v7, v0  }
0x172: {  	s16 =	simm.s32 $0x200;
	s18 =	smov.u32 s24;
	s23 =	smov.u32 s25;
	v2 =	vld [tilespmem:s15+$0x2860];
	v9 =	vmul.f32 v8, v0  }
.LBB2_16:
0x173: {  	p1 =	sne.s32 s16, $0x9E00;
	v10 =	vadd.f32 v10, v1;
	v11 =	vmul.f32 v6, v0;
	v12 =	vld [tilespmem:s15+$0x2870]  }
0x174: {  	v9 =	vadd.f32 v9, v1;
	v13 =	vmul.f32 v5, v0  }
0x175: {  	v7 =	vmul.f32 v10, v7;
	v10 =	vadd.f32 v11, v1;
	v11 =	vmul.f32 v4, v0  }
0x176: {  	v8 =	vmul.f32 v9, v8;
	v9 =	vadd.f32 v13, v1;
	v13 =	vmul.f32 v3, v0  }
0x177: {  	s17 =	sshra.s32 s16, $0x2;
	[tilespmem:s15+$0x2800] =	vst v7;
	v6 =	vmul.f32 v10, v6;
	v10 =	vadd.f32 v11, v1;
	v11 =	vmul.f32 v2, v0  }
0x178: {  	v7 =	vld [tilespmem:s17+$0x2800];
	[tilespmem:s15+$0x2810] =	vst v8;
	v5 =	vmul.f32 v9, v5;
	v9 =	vadd.f32 v13, v1;
	v13 =	vmul.f32 v12, v0  }
0x179: {  	v8 =	vld [tilespmem:s17+$0x2810];
	[tilespmem:s15+$0x2820] =	vst v6;
	v4 =	vmul.f32 v10, v4;
	v10 =	vadd.f32 v11, v1  }
.Ltmp7:
0x17a: {  	v6 =	vld [tilespmem:s17+$0x2820];
	[tilespmem:s15+$0x2830] =	vst v5;
	v3 =	vmul.f32 v9, v3;
	v9 =	vadd.f32 v13, v1;
	(pc) =	sbr.rel @p1 .LBB2_16-.Ltmp7, $4  }
0x17b: {  	v5 =	vld [tilespmem:s17+$0x2830];
	[tilespmem:s15+$0x2840] =	vst v4;
	v2 =	vmul.f32 v10, v2  }
0x17c: {  	v4 =	vld [tilespmem:s17+$0x2840];
	[tilespmem:s15+$0x2850] =	vst v3;
	v11 =	vmul.f32 v9, v12  }
0x17d: {  	v10 =	vmul.f32 v7, v0;
	v3 =	vld [tilespmem:s17+$0x2850];
	[tilespmem:s15+$0x2860] =	vst v2  }
0x17e: {  	s16 =	sadd.s32 $0x200, s16;
	v9 =	vmul.f32 v8, v0;
	v2 =	vld [tilespmem:s17+$0x2860];
	[tilespmem:s15+$0x2870] =	vst v11;
	s15 =	smov.u32 s17  }
0x17f: {  	v10 =	vadd.f32 v10, v1;
	v11 =	vmul.f32 v6, v0;
	v12 =	vld [tilespmem:s15+$0x2870]  }
0x180: {  	v9 =	vadd.f32 v9, v1;
	v13 =	vmul.f32 v5, v0  }
0x181: {  	v7 =	vmul.f32 v10, v7;
	v51 =	vadd.f32 v11, v1;
	v52 =	vmul.f32 v4, v0  }
0x182: {  	v8 =	vmul.f32 v9, v8;
	v53 =	vadd.f32 v13, v1;
	v54 =	vmul.f32 v3, v0  }
0x183: {  	[tilespmem:s15+$0x2800] =	vst v7;
	v55 =	vmul.f32 v51, v6;
	v56 =	vadd.f32 v52, v1;
	v57 =	vmul.f32 v2, v0  }
0x184: {  	[tilespmem:s15+$0x2810] =	vst v8;
	v58 =	vmul.f32 v53, v5;
	v59 =	vadd.f32 v54, v1;
	v60 =	vmul.f32 v12, v0  }
0x185: {  	[tilespmem:s15+$0x2820] =	vst v55;
	v61 =	vmul.f32 v56, v4;
	v62 =	vadd.f32 v57, v1  }
0x186: {  	[tilespmem:s15+$0x2830] =	vst v58;
	v3 =	vmul.f32 v59, v3;
	v63 =	vadd.f32 v60, v1  }
0x187: {  	[tilespmem:s15+$0x2840] =	vst v61;
	v2 =	vmul.f32 v62, v2  }
0x188: {  	[tilespmem:s15+$0x2850] =	vst v3;
	v3 =	vmul.f32 v63, v12  }
0x189: {  	[tilespmem:s15+$0x2860] =	vst v2  }
0x18a: {  	[tilespmem:s15+$0x2870] =	vst v3  }
0x18b: {  	[spmem:s4] =	stream.indirect.scatter.add.f32 [tilespmem:s31], [sflag:$0x6], $0x80, s30, s0, $0xb8;
	[tilespmem:$0x1DA80] =	vst v63  }
0x18c: {  	_ =	swait.ge [sflag:s11], $0x2800  }
0x18d: {  	[sflag:s11] =	ssyncset.done $0x0  }
0x18e: {  	[sflag:s11] =	ssyncadd.s32 $0xFFFFD800  }
0x18f: {  	_ =	swait.ge [sflag:s13], $0x2800  }
0x190: {  	[sflag:s13] =	ssyncset.done $0x0  }
0x191: {  	s17 =	simm.s32 $0x7;
	[sflag:s13] =	ssyncadd.s32 $0xFFFFD800  }
0x192: {  	_ =	swait.ge [sflag:s17], $0x2800  }
0x193: {  	[sflag:s17] =	ssyncset.done $0x0  }
0x194: {  	s24 =	simm.s32 $0x8;
	[sflag:s17] =	ssyncadd.s32 $0xFFFFD800  }
0x195: {  	_ =	swait.ge [sflag:s24], $0x2800  }
0x196: {  	[sflag:s24] =	ssyncset.done $0x0  }
0x197: {  	[sflag:s24] =	ssyncadd.s32 $0xFFFFD800  }
0x198: {  	[bflag:$0x0] =	sbarrier.arrive $0xFFFF  }
0x199: {  	s16 =	simm.s32 @p0 $0x1FC1;
	s15 =	sshrl.u32 @p0 s18, $0x3;
	s17 =	rddreg [dreg:$0x11]  }
0x19a: {  	[hbm:s17], [sflag:s16] =	dma.local @p0 [spmem:s15], $0x500  }
0x19b: {  	s15 =	sshrl.u32 @p0 s23, $0x3;
	s17 =	rddreg [dreg:$0x12]  }
0x19c: {  	[hbm:s17], [sflag:s16] =	dma.local @p0 [spmem:s15], $0x500  }
0x19d: {  	s15 =	sld [smem:$0x7FB];
	_ =	sdelay $0x2  }
0x19e: {  	s17 =	rddreg [dreg:$0x13];
	s15 =	sshrl.u32 @p0 s15, $0x3  }
0x19f: {  	[hbm:s17], [sflag:s16] =	dma.local @p0 [spmem:s15], $0x500  }
0x1a0: {  	s15 =	sld [smem:$0x7FC];
	_ =	sdelay $0x2  }
0x1a1: {  	s17 =	rddreg [dreg:$0x14];
	s15 =	sshrl.u32 @p0 s15, $0x3  }
0x1a2: {  	[hbm:s17], [sflag:s16] =	dma.local @p0 [spmem:s15], $0x500  }
0x1a3: {  	s15 =	sld [smem:$0x7FD];
	_ =	sdelay $0x2  }
0x1a4: {  	s17 =	rddreg [dreg:$0x15];
	s15 =	sshrl.u32 @p0 s15, $0x3  }
0x1a5: {  	[hbm:s17], [sflag:s16] =	dma.local @p0 [spmem:s15], $0x500  }
0x1a6: {  	s15 =	stileid.u32  }
0x1a7: {  	s15 =	sshll.u32 @!p0 s15, $0x6  }
0x1a8: {  	s16 =	sshrl.u32 @!p0 s14, $0x3;
	s17 =	rddreg [dreg:$0x5];
	s15 =	sor.u32 @!p0 $0x1C01, s15  }
0x1a9: {  	[hbm:s17], [sflag:s15] =	dma.local @!p0 [spmem:s16], $0x500  }
0x1aa: {  	s16 =	rddreg [dreg:$0x6]  }
0x1ab: {  	s17 =	rddreg [dreg:$0x17]  }
0x1ac: {  	[hbm:s16], [sflag:s15] =	dma.local @!p0 [spmem:s17], $0x500  }
0x1ad: {  	s16 =	rddreg [dreg:$0x7]  }
0x1ae: {  	s17 =	rddreg [dreg:$0x18]  }
0x1af: {  	[hbm:s16], [sflag:s15] =	dma.local @!p0 [spmem:s17], $0x500  }
0x1b0: {  	s16 =	rddreg [dreg:$0x8]  }
0x1b1: {  	s17 =	rddreg [dreg:$0x19]  }
0x1b2: {  	[hbm:s16], [sflag:s15] =	dma.local @!p0 [spmem:s17], $0x500  }
0x1b3: {  	s16 =	rddreg [dreg:$0x9]  }
0x1b4: {  	s17 =	rddreg [dreg:$0x1a]  }
0x1b5: {  	[hbm:s16], [sflag:s15] =	dma.local @!p0 [spmem:s17], $0x500  }
0x1b6: {  	s16 =	rddreg [dreg:$0xa]  }
0x1b7: {  	s17 =	rddreg [dreg:$0x1b]  }
0x1b8: {  	[hbm:s16], [sflag:s15] =	dma.local @!p0 [spmem:s17], $0x500  }
0x1b9: {  	s16 =	rddreg [dreg:$0xb]  }
0x1ba: {  	s17 =	rddreg [dreg:$0x1c]  }
0x1bb: {  	[hbm:s16], [sflag:s15] =	dma.local @!p0 [spmem:s17], $0x500  }
0x1bc: {  	s16 =	rddreg [dreg:$0xc]  }
0x1bd: {  	s17 =	rddreg [dreg:$0x1d]  }
0x1be: {  	[hbm:s16], [sflag:s15] =	dma.local @!p0 [spmem:s17], $0x500  }
0x1bf: {  	s15 =	simm.s32 @!p0 $0x1  }
0x1c0: {  	_ =	swait.ge @!p0 [sflag:s15], $0x500  }
0x1c1: {  	[sflag:s15] =	ssyncset.done @!p0 $0x0  }
0x1c2: {  	[sflag:s15] =	ssyncadd.s32 @!p0 $0xFFFFFB00  }
0x1c3: {  	_ =	swait.ge @!p0 [sflag:s15], $0x500  }
0x1c4: {  	[sflag:s15] =	ssyncset.done @!p0 $0x0  }
0x1c5: {  	[sflag:s15] =	ssyncadd.s32 @!p0 $0xFFFFFB00  }
0x1c6: {  	_ =	swait.ge @!p0 [sflag:s15], $0x500  }
0x1c7: {  	[sflag:s15] =	ssyncset.done @!p0 $0x0  }
0x1c8: {  	[sflag:s15] =	ssyncadd.s32 @!p0 $0xFFFFFB00  }
0x1c9: {  	_ =	swait.ge [sflag:s28], $0x500  }
0x1ca: {  	[sflag:s28] =	ssyncset.done $0x0  }
0x1cb: {  	[sflag:s28] =	ssyncadd.s32 $0xFFFFFB00  }
0x1cc: {  	_ =	swait.ge [sflag:s28], $0x500  }
0x1cd: {  	[sflag:s28] =	ssyncset.done $0x0  }
0x1ce: {  	[sflag:s28] =	ssyncadd.s32 $0xFFFFFB00  }
0x1cf: {  	_ =	swait.ge [sflag:s28], $0x500  }
0x1d0: {  	[sflag:s28] =	ssyncset.done $0x0  }
0x1d1: {  	[sflag:s28] =	ssyncadd.s32 $0xFFFFFB00  }
0x1d2: {  	_ =	swait.ge [sflag:s28], $0x500  }
0x1d3: {  	[sflag:s28] =	ssyncset.done $0x0  }
0x1d4: {  	[sflag:s28] =	ssyncadd.s32 $0xFFFFFB00  }
0x1d5: {  	_ =	swait.ge [sflag:s28], $0x500  }
0x1d6: {  	s26 =	sadd.s32 $0x1, s26;
	s25 =	rddreg [dreg:$0x16]  }
0x1d7: {  	p1 =	sne.s32 s26, s25  }
.Ltmp8:
0x1d8: {  	_ = 	snop;
	(pc) =	sbr.rel @p1 .LBB2_1-.Ltmp8, $3  }
0x1d9: {  	_ =	sdelay $0x1  }
0x1da: {  	[sflag:s28] =	ssyncset.done $0x0  }
0x1db: {  	[sflag:s28] =	ssyncadd.s32 $0xFFFFFB00  }
0x1dc: {  	_ =	sfence.sel $0x180000  }
0x1dd: {  	[bflag:$0x0] =	sbarrier.arrive $0xFFFF  }
0x1de: {  	_ =	strace $0x90000047  }
0x1df: {  	s0 =	stileid.u32;
	[bflag:$0x2] =	sbarrier.arrive $0xFFFF  }
0x1e0: {  	p0 =	sne.s32 s0, $0x0;
	s0 =	rddreg [dreg:$0x4]  }
0x1e1: {  	s0 =	sadd.s32 @!p0 $0x100000, s0  }
0x1e2: {  	[sflag:s0] =	ssyncadd.tile.s32 @!p0 $0x1;
	_ =	shalt  }
.Lfunc_end2:
_tile_overlayer_lowered:
.L_overlay_start_2:
0x1e3: {  	(tag) =	ssettag $0x2  }
0x1e4: {  	s0 =	rddreg [dreg:$0x0];
	s2 =	stileid.u32  }
0x1e5: {  	s1 =	rddreg [dreg:$0x1];
	p0 =	sne.s32 s2, $0x0  }
0x1e6: {  	s3 =	rddreg [dreg:$0x2];
	[bflag:$0x3] =	sbarrier.arrive $0xFFFF;
	s2 =	simm.s32 @!p0 $0x1C09  }
0x1e7: {  	[timem:s3], [sflag:s2] =	dma.local @!p0 [hbm:s0], s1  }
0x1e8: {  	s0 =	simm.s32 @!p0 $0x9  }
0x1e9: {  	_ =	swait.ge @!p0 [sflag:s0], s1  }
0x1ea: {  	s1 =	ssub.s32 @!p0 $0x0, s1;
	[sflag:s0] =	ssyncset.done @!p0 $0x0  }
0x1eb: {  	[sflag:s0] =	ssyncadd.s32 @!p0 s1  }
0x1ec: {  	[bflag:$0x3] =	sbarrier.arrive $0xFFFF  }
0x1ed: {  	_ =	shalt  }

// kernel: kernel.8.cloned.1.call-start
scs
__scs_entry_jumppad:
0x0: {  	(pc) =	sbr.rel $0x88, $3  }
0x1: {  	(tag) =	ssettag $0x0;
	lr =	simm.s32 $0x1  }
0x2: {  	[smem:$0x3F9D] =	sst lr;
	_ =	strace $0xD0000000  }
0x3: {  	_ = 	snop  }
0x4: {  	_ = 	snop  }
0x5: {  	_ = 	snop  }
0x6: {  	_ = 	snop  }
0x7: {  	_ = 	snop  }
__scs_overlays_trampoline_lowered:
0x8: {  	[smem:$0x3FAC] =	sst s0  }
0x9: {  	[smem:$0x3FAD] =	sst s1  }
0xa: {  	[smem:$0x3FAE] =	sst s2  }
0xb: {  	[smem:$0x3FAF] =	sst s3  }
0xc: {  	[smem:$0x3FB0] =	sst s4  }
0xd: {  	[smem:$0x3FB1] =	sst s5  }
0xe: {  	[smem:$0x3FB2] =	sst s6  }
0xf: {  	[smem:$0x3FB3] =	sst s7  }
0x10: {  	[smem:$0x3FB4] =	sst s8  }
0x11: {  	[smem:$0x3FB5] =	sst s9;
	s0 =	simm.s32 @!p0 $0x0  }
0x12: {  	s1 =	sld [smem:$0x3F9B];
	s0 =	simm.s32 @p0 $0x1  }
0x13: {  	[smem:$0x3FB6] =	sst s0;
	s0 =	simm.s32 @!p1 $0x0  }
0x14: {  	s2 =	sld [smem:$0x3F9A];
	s0 =	simm.s32 @p1 $0x1  }
0x15: {  	[smem:$0x3FB7] =	sst s0;
	s0 =	simm.s32 @!p2 $0x0  }
0x16: {  	s3 =	sld [smem:$0x3FDB];
	s0 =	simm.s32 @p2 $0x1  }
0x17: {  	s4 =	simm.s32 $0x1BF5;
	[smem:$0x3FB9] =	sst s0  }
0x18: {  	s0 =	sld [smem:$0x3F9C];
	_ =	swait.ge [sflag:s4], $0x0  }
0x19: {  	s7 =	sld [smem:$0x3F9D]  }
0x1a: {  	s8 =	sadd.s32 $0xFFFFE003, lr  }
0x1b: {  	s9 =	sadd.s32 $0xFFFFFEF7, lr;
	s5 =	simm.s32 $0xFFFFFFFF;
	p2 =	slt.u32 s8, $0xFFFFF086  }
0x1c: {  	p1 =	slt.u32 s9, $0xF7A;
	s5 =	simm.s32 @!p2 $0x0  }
0x1d: {  	s5 =	simm.s32 @p1 $0x1;
	p0 =	seq.s32 s7, s2  }
0x1e: {  	s7 =	smul.u32 @!p0 $0xF7A, s2;
	p2 =	seq.s32 @!p0 s5, $0x0  }
0x1f: {  	s9 =	smul.u32 $0xF7A, s1;
	s8 =	simm.s32 @!p0 $0x1BF5;
	p2 =	por !p2, p0  }
0x20: {  	[sflag:s8] =	ssyncset.s32 @!p0 $0xFFFFF086;
	s6 =	sadd.s32 @!p0 s3, s7;
	s7 =	simm.s32 @!p0 $0x108  }
0x21: {  	s3 =	sadd.s32 s3, s9;
	s6 =	sadd.s32 @!p0 $0x88, s6;
	s7 =	simm.s32 @p2 $0x1082  }
0x22: {  	[simem:s7], [sflag:s8] =	dma.local @!p0 [hbm:s6], $0xF7A  }
0x23: {  	s9 =	sor.u32 $0xD0000000, s2;
	s6 =	simm.s32 $0x108;
	_ =	swait.ge @!p0 [sflag:s8], $0x0  }
0x24: {  	s3 =	sadd.s32 $0x88, s3;
	s6 =	simm.s32 @!p1 $0x1082;
	[sflag:s4] =	ssyncset.s32 $0xFFFFF086  }
0x25: {  	[simem:s6], [sflag:s4] =	dma.local [hbm:s3], $0xF7A  }
0x26: {  	[smem:$0x3F9D] =	sst s1;
	(tag) =	ssettag s2;
	_ =	strace s9  }
0x27: {  	s1 =	sld [smem:$0x3FAD]  }
0x28: {  	s2 =	sld [smem:$0x3FAE]  }
0x29: {  	s4 =	sld [smem:$0x3FB0]  }
0x2a: {  	p0 =	seq.s32 s5, $0x0;
	s5 =	sld [smem:$0x3FB1]  }
0x2b: {  	s6 =	sld [smem:$0x3FB2]  }
0x2c: {  	s7 =	sld [smem:$0x3FB3]  }
0x2d: {  	s3 =	simm.s32 $0x108;
	s8 =	sld [smem:$0x3FB4]  }
0x2e: {  	s3 =	simm.s32 @!p0 $0x1082;
	s9 =	sld [smem:$0x3FB5]  }
0x2f: {  	lr =	sadd.s32 s0, s3;
	s0 =	sld [smem:$0x3FAC]  }
0x30: {  	s3 =	sld [smem:$0x3FAF]  }
0x31: {  	[smem:$0x3FB8] =	sst s10  }
0x32: {  	s10 =	sld [smem:$0x3FB6];
	_ =	sdelay $0x3  }
0x33: {  	p0 =	seq.s32 s10, $0x1;
	s10 =	sld [smem:$0x3FB8];
	_ =	sdelay $0x3  }
0x34: {  	[smem:$0x3FB8] =	sst s10  }
0x35: {  	s10 =	sld [smem:$0x3FB7];
	_ =	sdelay $0x3  }
0x36: {  	p1 =	seq.s32 s10, $0x1;
	s10 =	sld [smem:$0x3FB8];
	_ =	sdelay $0x3  }
0x37: {  	[smem:$0x3FB8] =	sst s10  }
0x38: {  	s10 =	sld [smem:$0x3FB9]  }
0x39: {  	_ = 	snop;
	(pc) =	sbr.ind lr, $3  }
0x3a: {  	_ = 	snop  }
0x3b: {  	_ = 	snop  }
0x3c: {  	p2 =	seq.s32 s10, $0x1;
	s10 =	sld [smem:$0x3FB8]  }
0x3d: {  	_ =	shalt  }
0x3e: {  	_ =	shalt  }
0x3f: {  	_ =	shalt  }
0x40: {  	_ =	shalt  }
0x41: {  	_ =	shalt  }
0x42: {  	_ =	shalt  }
0x43: {  	_ =	shalt  }
0x44: {  	_ =	shalt  }
0x45: {  	_ =	shalt  }
0x46: {  	_ =	shalt  }
0x47: {  	_ =	shalt  }
0x48: {  	_ =	shalt  }
0x49: {  	_ =	shalt  }
0x4a: {  	_ =	shalt  }
0x4b: {  	_ =	shalt  }
0x4c: {  	_ =	shalt  }
0x4d: {  	_ =	shalt  }
0x4e: {  	_ =	shalt  }
0x4f: {  	_ =	shalt  }
0x50: {  	_ =	shalt  }
0x51: {  	_ =	shalt  }
0x52: {  	_ =	shalt  }
0x53: {  	_ =	shalt  }
0x54: {  	_ =	shalt  }
0x55: {  	_ =	shalt  }
0x56: {  	_ =	shalt  }
0x57: {  	_ =	shalt  }
0x58: {  	_ =	shalt  }
0x59: {  	_ =	shalt  }
0x5a: {  	_ =	shalt  }
0x5b: {  	_ =	shalt  }
0x5c: {  	_ =	shalt  }
0x5d: {  	_ =	shalt  }
0x5e: {  	_ =	shalt  }
0x5f: {  	_ =	shalt  }
0x60: {  	_ =	shalt  }
0x61: {  	_ =	shalt  }
0x62: {  	_ =	shalt  }
0x63: {  	_ =	shalt  }
0x64: {  	_ =	shalt  }
0x65: {  	_ =	shalt  }
0x66: {  	_ =	shalt  }
0x67: {  	_ =	shalt  }
0x68: {  	_ =	shalt  }
0x69: {  	_ =	shalt  }
0x6a: {  	_ =	shalt  }
0x6b: {  	_ =	shalt  }
0x6c: {  	_ =	shalt  }
0x6d: {  	_ =	shalt  }
0x6e: {  	_ =	shalt  }
0x6f: {  	_ =	shalt  }
0x70: {  	_ =	shalt  }
0x71: {  	_ =	shalt  }
0x72: {  	_ =	shalt  }
0x73: {  	_ =	shalt  }
0x74: {  	_ =	shalt  }
0x75: {  	_ =	shalt  }
0x76: {  	_ =	shalt  }
0x77: {  	_ =	shalt  }
0x78: {  	_ =	shalt  }
0x79: {  	_ =	shalt  }
0x7a: {  	_ =	shalt  }
0x7b: {  	_ =	shalt  }
0x7c: {  	_ =	shalt  }
0x7d: {  	_ =	shalt  }
0x7e: {  	_ =	shalt  }
0x7f: {  	_ =	shalt  }
0x80: {  	_ =	shalt  }
0x81: {  	_ =	shalt  }
0x82: {  	_ =	shalt  }
0x83: {  	_ =	shalt  }
0x84: {  	_ =	shalt  }
0x85: {  	_ =	shalt  }
0x86: {  	_ =	shalt  }
0x87: {  	_ =	shalt  }
.Lfunc_end0:
.L_simem_size_0:
called_computation.1_lowered:
.L_overlay_start_0:
0x88: {  	s2 =	sld [smem:$0x3FD9]  }
0x89: {  	s3 =	sld [smem:$0x3FFE];
	_ =	sdelay $0x1  }
0x8a: {  	s1 =	srdreg.scid  }
0x8b: {  	s0 =	sand.u32 $0x1, s1  }
0x8c: {  	s17 =	sshll.u32 s0, $0xA;
	s2 =	sadd.s32 s3, s2  }
0x8d: {  	s2 =	sadd.s32 s2, s17  }
0x8e: {  	[smem:$0x3FC4] =	sst s2  }
0x8f: {  	_ = 	snop  }
0x90: {  	s18 =	sld [smem:$0x3FC9]  }
0x91: {  	s4 =	sld [smem:$0x3FC8];
	(tm) =	ssettm $0x1  }
0x92: {  	s19 =	sld [smem:$0x3FFB];
	_ =	sdelay $0x3  }
0x93: {  	_ =	strace s19  }
0x94: {  	s2 =	sld [smem:$0x3FFC];
	_ =	sdelay $0x3  }
0x95: {  	_ =	strace s2  }
0x96: {  	s2 =	sld [smem:$0x3FFD];
	_ =	sdelay $0x3  }
0x97: {  	_ =	strace s2  }
0x98: {  	_ =	strace $0x8FFFFFFF  }
0x99: {  	s20 =	sld [smem:$0x3FDB];
	_ =	sdelay $0x1  }
0x9a: {  	s5 =	simm.s32 $_scs_section_size  }
0x9b: {  	s6 =	simm.s32 $_size__tile_overlayer_lowered;
	s7 =	simm.s32 $_tile_overlayer_lowered  }
0x9c: {  	s8 =	simm.s32 $0x1BFF;
	s21 =	sshll.u32 s7, $0x1;
	s5 =	sadd.s32 s5, s20  }
0x9d: {  	s22 =	simm.s32 $0x0;
	s6 =	sshll.u32 s6, $0x1;
	s7 =	sadd.s32 s21, s5  }
0x9e: {  	[timem:s22], [sflag:s8] =	dma.local [hbm:s7], s6  }
0x9f: {  	_ =	swait.ge [sflag:s8], s6  }
0xa0: {  	s6 =	ssub.s32 $0x0, s6;
	[sflag:s8] =	ssyncset.done $0x0  }
0xa1: {  	[sflag:s8] =	ssyncadd.s32 s6;
	_ =	sdelay $0x1  }
0xa2: {  	s23 =	simm.s32 $0x1B8B  }
0xa3: {  	_ =	swait.ge [sflag:s23], $0x1  }
0xa4: {  	[sflag:s23] =	ssyncset.done $0x0  }
0xa5: {  	[sflag:s23] =	ssyncadd.s32 $0xFFFFFFFF  }
0xa6: {  	s6 =	sld [smem:$0x0]  }
0xa7: {  	s7 =	sand.u32 $0xFFFFFFFE, s1  }
0xa8: {  	p0 =	sne.s32 s1, s7  }
0xa9: {  	s7 =	sshll.u32 @p0 s7, $0xE  }
0xaa: {  	s7 =	sadd.s32 @p0 $0x11B8D, s7;
	s8 =	sshll.u32 @p0 s6, $0x11  }
0xab: {  	s7 =	sor.u32 @p0 s8, s7  }
0xac: {  	[sflag:s7] =	ssyncadd.remote.s32 @p0 $0x1;
	_ =	sdelay $0x1  }
0xad: {  	s7 =	simm.s32 @p0 $0x1B8D  }
0xae: {  	_ =	swait.eq @p0 [sflag:s7], $0x1  }
0xaf: {  	[sflag:s7] =	ssyncadd.s32 @p0 $0xFFFFFFFF  }
0xb0: {  	s8 =	sshll.u32 @!p0 s1, $0xE  }
0xb1: {  	s8 =	sor.u32 @!p0 $0x4000, s8;
	s7 =	simm.s32 @!p0 $0x1B8D  }
0xb2: {  	s6 =	sshll.u32 @!p0 s6, $0x11;
	s8 =	sadd.s32 @!p0 $0x11B8D, s8;
	_ =	swait.eq @!p0 [sflag:s7], $0x1  }
0xb3: {  	s6 =	sor.u32 @!p0 s6, s8;
	[sflag:s7] =	ssyncadd.s32 @!p0 $0xFFFFFFFF  }
0xb4: {  	s25 =	simm.s32 $0x1B8E;
	s24 =	sld [smem:$0x3FFE];
	[sflag:s6] =	ssyncadd.remote.s32 @!p0 $0x1  }
0xb5: {  	s26 =	simm.s32 $execute0_lowered;
	[smem:$0x3FD2] =	sst s25  }
0xb6: {  	s7 =	sshll.u32 s26, $0x1;
	_ =	strace $0x80000049;
	[dreg:$0x1] =	wrdreg $0xFFFFFFFF  }
0xb7: {  	s28 =	simm.s32 $_size_execute0_lowered;
	s5 =	sadd.s32 s5, s7;
	[dreg:$0x0] =	wrdreg $0x0  }
0xb8: {  	s7 =	sshll.u32 s28, $0x1;
	[dreg:$0x2] =	wrdreg s5  }
0xb9: {  	[dreg:$0x3] =	wrdreg s7  }
0xba: {  	[dreg:$0x4] =	wrdreg $0xC0  }
0xbb: {  	_ =	task [dreg:s22], $0x5FFFF  }
0xbc: {  	[dreg:$0x1] =	wrdreg $0xFFFFFFFF  }
0xbd: {  	[dreg:$0x0] =	wrdreg $0x60  }
0xbe: {  	[dreg:$0x2] =	wrdreg s18  }
0xbf: {  	[dreg:$0x3] =	wrdreg s4  }
0xc0: {  	[dreg:$0x4] =	wrdreg s24  }
0xc1: {  	[dreg:$0x5] =	wrdreg $0x2A000  }
0xc2: {  	[dreg:$0x6] =	wrdreg $0xA  }
0xc3: {  	_ =	task.clear_ibuf [dreg:s22], $0x7FFFF;
	_ =	strace $0x90000049  }
0xc4: {  	s29 =	simm.s32 $0xA;
	_ =	strace $0x8000004B  }
0xc5: {  	_ =	swait.ge [sflag:s29], $0x1  }
0xc6: {  	[sflag:s29] =	ssyncadd.s32 $0xFFFFFFFF  }
0xc7: {  	_ =	strace $0x9000004B  }
0xc8: {  	_ =	sfence  }
0xc9: {  	s30 =	sld [smem:$0x0];
	_ =	sdelay $0x2  }
0xca: {  	s31 =	sshll.u32 s1, $0xD;
	s1 =	sshrl.u32 s1, $0x2  }
0xcb: {  	s4 =	sand.u32 $0x4000, s31;
	s1 =	sadd.s32 s1, s30  }
0xcc: {  	s0 =	sor.u32 s4, s0;
	s1 =	sshll.u32 s1, $0x11  }
0xcd: {  	s0 =	sor.u32 s1, s0  }
0xce: {  	s0 =	sadd.s32 $0x8F2B, s0  }
0xcf: {  	[sflag:s0] =	ssyncadd.remote.s32 $0x1  }
0xd0: {  	_ =	sfence.sel $0xFFFF  }
0xd1: {  	[dreg:$0x0] =	wrdreg $0xFFFFFFFF;
	(pc) =	sbr.abs _section_cstart, $3  }
0xd2: {  	[dreg:$0x1] =	wrdreg $0xFFFFFFFF  }
0xd3: {  	_ =	task.clear_ibuf [dreg:s22], $0x2FFFF;
	_ =	strace $0x9FFFFFFF  }
0xd4: {  	(tm) =	ssettm $0x7FFFFFFF  }
0xd5: {  	_ =	shalt  }
tec
execute0_lowered:
.L_overlay_start_1:
0x0: {  	(tag) =	ssettag $0x1  }
0x1: {  	s0 =	srdreg.scid;
	s1 =	rddreg [dreg:$0x1]  }
0x2: {  	s19 =	stileid.u32;
	s4 =	rddreg [dreg:$0x2];
	s2 =	simm.s32 $0x0  }
0x3: {  	s28 =	simm.s32 $0x2800;
	s29 =	simm.s32 $0x2880;
	s6 =	smul.u32 $0x280, s19  }
0x4: {  	s30 =	simm.s32 $0x50;
	s3 =	sand.u32 $0x1, s0;
	s15 =	smul.u32 $0x2710, s19  }
0x5: {  	s31 =	simm.s32 $0x2900;
	[smem:$0x7FF] =	sst s2;
	s9 =	smul.u32 $0x2710, s3  }
0x6: {  	s4 =	sadd.s32 $0x4EC00, s4;
	p0 =	seq.s32 s19, $0xF;
	s25 =	smul.u32 $0x27100, s3  }
0x7: {  	s0 =	sshll.u32 s3, $0x4;
	s5 =	ssub.s32 $0x2, s3;
	s3 =	smul.u32 $0x138800, s3  }
0x8: {  	s0 =	sor.u32 s19, s0;
	s7 =	sshrl.u32 s5, $0x1;
	s10 =	sadd.s32 $0xA0, s6  }
0x9: {  	s14 =	sadd.s32 $0x190, s6;
	s0 =	smul.u32 $0x2710, s0;
	s16 =	sadd.s32 s6, s9  }
0xa: {  	s11 =	sadd.s32 s9, s10;
	s13 =	sadd.s32 s9, s14;
	s15 =	sadd.s32 s15, s25  }
0xb: {  	s3 =	sshrl.u32 s3, $0x3;
	s21 =	sshll.u32 s11, $0x4;
	s24 =	sshll.u32 s13, $0x4  }
0xc: {  	s3 =	sadd.s32 s4, s3;
	s8 =	sshrl.u32 s0, $0x3;
	s0 =	ssub.s32 s5, s7  }
0xd: {  	s5 =	sor.u32 $0x50, s6;
	s7 =	sshll.u32 s16, $0x4;
	s16 =	sadd.s32 $0x280, s15  }
0xe: {  	s20 =	sadd.s32 s1, s8;
	s17 =	sadd.s32 s9, s5;
	s7 =	sadd.s32 s4, s7  }
0xf: {  	s0 =	smax.u32 s0, $0x1;
	s8 =	sshll.u32 s17, $0x4;
	[dreg:$0x5] =	wrdreg s7  }
0x10: {  	s7 =	sadd.s32 s4, s21;
	s17 =	sshrl.u32 s16, $0x3;
	s18 =	sadd.s32 s4, s8  }
0x11: {  	[dreg:$0x7] =	wrdreg s7;
	s7 =	sadd.s32 $0xF0, s6;
	s8 =	sadd.s32 $0x140, s6  }
0x12: {  	[dreg:$0x6] =	wrdreg s18;
	s22 =	sadd.s32 s9, s7;
	s12 =	sadd.s32 s9, s8  }
0x13: {  	s18 =	sadd.s32 $0x2D0, s15;
	s11 =	sshll.u32 s22, $0x4;
	s12 =	sshll.u32 s12, $0x4  }
0x14: {  	s21 =	sshrl.u32 s18, $0x3;
	s22 =	sadd.s32 $0x230, s15;
	s11 =	sadd.s32 s4, s11  }
0x15: {  	s18 =	smul.u32 $0x50000, s19;
	s23 =	sadd.s32 s4, s12;
	[dreg:$0x8] =	wrdreg s11  }
0x16: {  	s12 =	sadd.s32 s17, s1;
	[dreg:$0x9] =	wrdreg s23;
	s11 =	sadd.s32 s4, s24  }
0x17: {  	s23 =	sshrl.u32 s22, $0x3;
	s24 =	sadd.s32 $0x1E0, s15;
	s15 =	rddreg [dreg:$0x3]  }
0x18: {  	s25 =	sshrl.u32 s18, $0x2;
	[dreg:$0xa] =	wrdreg s11;
	s11 =	sadd.s32 $0x1E0, s6  }
0x19: {  	s6 =	sadd.s32 $0x230, s6;
	s16 =	sadd.s32 s23, s1;
	s18 =	sadd.s32 s25, s15  }
0x1a: {  	s23 =	sadd.s32 $0x25800, s3;
	s25 =	sadd.s32 $0x26200, s3;
	s26 =	sadd.s32 s9, s11  }
0x1b: {  	s9 =	sadd.s32 s9, s6;
	s22 =	sshll.u32 s11, $0x7;
	s6 =	sshll.u32 s6, $0x7  }
0x1c: {  	s11 =	sadd.s32 $0xA000, s18;
	s19 =	sadd.s32 $0xF000, s18;
	s13 =	sshll.u32 s26, $0x4  }
0x1d: {  	s9 =	sshll.u32 s9, $0x4;
	s26 =	sshll.u32 s5, $0x7;
	s13 =	sadd.s32 s4, s13  }
0x1e: {  	s5 =	sshll.u32 s10, $0x7;
	s9 =	sadd.s32 s4, s9;
	[dreg:$0xb] =	wrdreg s13  }
0x1f: {  	s10 =	sshll.u32 s8, $0x7;
	[dreg:$0xc] =	wrdreg s9;
	s9 =	sshrl.u32 s24, $0x3  }
0x20: {  	s24 =	sadd.s32 $0x25D00, s3;
	_ =	strace $0x8000004A;
	[dreg:$0xd] =	wrdreg s23  }
0x21: {  	s6 =	sadd.s32 s6, s15;
	s4 =	sadd.s32 s5, s15;
	[dreg:$0xe] =	wrdreg s24  }
0x22: {  	s13 =	sadd.s32 s21, s1;
	s21 =	sshll.u32 s14, $0x7;
	[dreg:$0xf] =	wrdreg s25  }
0x23: {  	s14 =	sadd.s32 $0xC800, s18;
	s17 =	sadd.s32 s9, s1;
	[dreg:$0x12] =	wrdreg s0  }
0x24: {  	s1 =	sadd.s32 s26, s15;
	s9 =	sshll.u32 s7, $0x7;
	[dreg:$0x1d] =	wrdreg s11  }
0x25: {  	s7 =	sadd.s32 s10, s15;
	s8 =	sadd.s32 s21, s15;
	[dreg:$0x1e] =	wrdreg s14  }
0x26: {  	s26 =	sadd.s32 $0x26700, s3;
	s3 =	sadd.s32 $0x26C00, s3;
	[dreg:$0x1f] =	wrdreg s19  }
0x27: {  	s10 =	sadd.s32 $0x7800, s18;
	s21 =	sadd.s32 $0x11800, s18;
	[dreg:$0x10] =	wrdreg s26  }
0x28: {  	s11 =	sadd.s32 $0x131000, s15;
	s19 =	sadd.s32 $0x136000, s15;
	[dreg:$0x11] =	wrdreg s3  }
0x29: {  	s23 =	sadd.s32 $0x14, s20;
	s24 =	sadd.s32 $0x1E, s20;
	[dreg:$0x1c] =	wrdreg s10  }
0x2a: {  	s25 =	sadd.s32 $0x28, s20;
	s14 =	simm.s32 $0x2;
	[smem:$0x7F8] =	sst s21  }
0x2b: {  	s5 =	sadd.s32 s9, s15;
	s9 =	sadd.s32 s22, s15;
	[smem:$0x7FA] =	sst s23  }
0x2c: {  	s0 =	sshrl.u32 @!p0 s1, $0x3;
	s10 =	sadd.s32 $0x12C000, s15;
	[smem:$0x7FB] =	sst s24  }
0x2d: {  	s3 =	sadd.s32 $0x133800, s15;
	s22 =	sadd.s32 $0xA, s20;
	[smem:$0x7FC] =	sst s25  }
0x2e: {  	s24 =	smov.u32 s20;
	s26 =	sadd.s32 $0x32, s20;
	[dreg:$0x13] =	wrdreg s0  }
0x2f: {  	s25 =	simm.s32 $0x9;
	s1 =	simm.s32 $0x2980;
	[smem:$0x7F9] =	sst s22  }
0x30: {  	s20 =	simm.s32 $0x0;
	s0 =	sshrl.u32 @!p0 s4, $0x3;
	[smem:$0x7FD] =	sst s26  }
0x31: {  	s26 =	simm.s32 $0x1;
	[dreg:$0x14] =	wrdreg s0;
	s0 =	sshrl.u32 @!p0 s5, $0x3  }
0x32: {  	s4 =	simm.s32 $0x5;
	[dreg:$0x15] =	wrdreg s0;
	s0 =	sshrl.u32 @!p0 s7, $0x3  }
0x33: {  	s5 =	simm.s32 $0x4;
	[dreg:$0x16] =	wrdreg s0;
	s0 =	sshrl.u32 @!p0 s8, $0x3  }
.Ltmp0:
0x34: {  	s8 =	sadd.s32 $0x2800, s18;
	[dreg:$0x17] =	wrdreg s0;
	(pc) =	sbr.rel .LBB2_1-.Ltmp0, $4  }
0x35: {  	s7 =	simm.s32 $0x7;
	s0 =	sshrl.u32 @!p0 s9, $0x3;
	[dreg:$0x1a] =	wrdreg s8  }
0x36: {  	s9 =	sadd.s32 $0x5000, s18;
	s8 =	simm.s32 $0x8;
	[dreg:$0x18] =	wrdreg s0  }
0x37: {  	s0 =	sshrl.u32 @!p0 s6, $0x3;
	[dreg:$0x1b] =	wrdreg s9;
	s9 =	sadd.s32 $0x12E800, s15  }
0x38: {  	s6 =	simm.s32 $0x6;
	[dreg:$0x19] =	wrdreg s0;
	s0 =	simm.s32 $0x3  }
.LBB2_8:
0x39: {  	_ =	swait.ge [sflag:s26], $0x50  }
0x3a: {  	[sflag:s26] =	ssyncset.done $0x0  }
0x3b: {  	[sflag:s26] =	ssyncadd.s32 $0xFFFFFFB0  }
0x3c: {  	[spmem:s15] =	stream.indirect.scatter.add.f32 [tilespmem:s2], [sflag:$0x5], $0x80, s28, s30, $0xb8;
	[tilespmem:$0x16280] =	vst v63  }
0x3d: {  	_ =	swait.ge [sflag:s7], $0x2800  }
0x3e: {  	[sflag:s7] =	ssyncset.done $0x0  }
0x3f: {  	[sflag:s7] =	ssyncadd.s32 $0xFFFFD800  }
0x40: {  	_ =	swait.ge [sflag:s8], $0x2800  }
0x41: {  	[sflag:s8] =	ssyncset.done $0x0  }
0x42: {  	[sflag:s8] =	ssyncadd.s32 $0xFFFFD800  }
0x43: {  	_ =	swait.ge [sflag:s4], $0x2800  }
0x44: {  	[sflag:s4] =	ssyncset.done $0x0  }
0x45: {  	[sflag:s4] =	ssyncadd.s32 $0xFFFFD800  }
0x46: {  	[bflag:$0x0] =	sbarrier.arrive $0xFFFF  }
0x47: {  	s21 =	sshrl.u32 @p0 s10, $0x3;
	s22 =	simm.s32 @p0 $0x1FC1;
	s23 =	rddreg [dreg:$0xd]  }
0x48: {  	[hbm:s23], [sflag:s22] =	dma.local @p0 [spmem:s21], $0x500  }
0x49: {  	s21 =	sshrl.u32 @p0 s9, $0x3;
	s23 =	rddreg [dreg:$0xe]  }
0x4a: {  	[hbm:s23], [sflag:s22] =	dma.local @p0 [spmem:s21], $0x500  }
0x4b: {  	s21 =	sshrl.u32 @p0 s11, $0x3;
	s23 =	rddreg [dreg:$0xf]  }
0x4c: {  	[hbm:s23], [sflag:s22] =	dma.local @p0 [spmem:s21], $0x500  }
0x4d: {  	s21 =	sshrl.u32 @p0 s3, $0x3;
	s23 =	rddreg [dreg:$0x10]  }
0x4e: {  	[hbm:s23], [sflag:s22] =	dma.local @p0 [spmem:s21], $0x500  }
0x4f: {  	s21 =	sshrl.u32 @p0 s19, $0x3;
	s23 =	rddreg [dreg:$0x11]  }
0x50: {  	[hbm:s23], [sflag:s22] =	dma.local @p0 [spmem:s21], $0x500  }
0x51: {  	s21 =	stileid.u32  }
0x52: {  	s21 =	sshll.u32 @!p0 s21, $0x6  }
0x53: {  	s22 =	sshrl.u32 @!p0 s18, $0x3;
	s23 =	rddreg [dreg:$0x5];
	s21 =	sor.u32 @!p0 $0x1C01, s21  }
0x54: {  	[hbm:s23], [sflag:s21] =	dma.local @!p0 [spmem:s22], $0x500  }
0x55: {  	s22 =	rddreg [dreg:$0x6]  }
0x56: {  	s23 =	rddreg [dreg:$0x13]  }
0x57: {  	[hbm:s22], [sflag:s21] =	dma.local @!p0 [spmem:s23], $0x500  }
0x58: {  	s22 =	rddreg [dreg:$0x7]  }
0x59: {  	s23 =	rddreg [dreg:$0x14]  }
0x5a: {  	[hbm:s22], [sflag:s21] =	dma.local @!p0 [spmem:s23], $0x500  }
0x5b: {  	s22 =	rddreg [dreg:$0x8]  }
0x5c: {  	s23 =	rddreg [dreg:$0x15]  }
0x5d: {  	[hbm:s22], [sflag:s21] =	dma.local @!p0 [spmem:s23], $0x500  }
0x5e: {  	s22 =	rddreg [dreg:$0x9]  }
0x5f: {  	s23 =	rddreg [dreg:$0x16]  }
0x60: {  	[hbm:s22], [sflag:s21] =	dma.local @!p0 [spmem:s23], $0x500  }
0x61: {  	s22 =	rddreg [dreg:$0xa]  }
0x62: {  	s23 =	rddreg [dreg:$0x17]  }
0x63: {  	[hbm:s22], [sflag:s21] =	dma.local @!p0 [spmem:s23], $0x500  }
0x64: {  	s22 =	rddreg [dreg:$0xb]  }
0x65: {  	s23 =	rddreg [dreg:$0x18]  }
0x66: {  	[hbm:s22], [sflag:s21] =	dma.local @!p0 [spmem:s23], $0x500  }
0x67: {  	s22 =	rddreg [dreg:$0xc]  }
0x68: {  	s23 =	rddreg [dreg:$0x19]  }
0x69: {  	[hbm:s22], [sflag:s21] =	dma.local @!p0 [spmem:s23], $0x500  }
0x6a: {  	s21 =	simm.s32 @!p0 $0x1  }
0x6b: {  	_ =	swait.ge @!p0 [sflag:s21], $0x500  }
0x6c: {  	[sflag:s21] =	ssyncset.done @!p0 $0x0  }
0x6d: {  	[sflag:s21] =	ssyncadd.s32 @!p0 $0xFFFFFB00  }
0x6e: {  	_ =	swait.ge @!p0 [sflag:s21], $0x500  }
0x6f: {  	[sflag:s21] =	ssyncset.done @!p0 $0x0  }
0x70: {  	[sflag:s21] =	ssyncadd.s32 @!p0 $0xFFFFFB00  }
0x71: {  	_ =	swait.ge @!p0 [sflag:s21], $0x500  }
0x72: {  	[sflag:s21] =	ssyncset.done @!p0 $0x0  }
0x73: {  	[sflag:s21] =	ssyncadd.s32 @!p0 $0xFFFFFB00  }
0x74: {  	_ =	swait.ge [sflag:s26], $0x500  }
0x75: {  	[sflag:s26] =	ssyncset.done $0x0  }
0x76: {  	[sflag:s26] =	ssyncadd.s32 $0xFFFFFB00  }
0x77: {  	_ =	swait.ge [sflag:s26], $0x500  }
0x78: {  	[sflag:s26] =	ssyncset.done $0x0  }
0x79: {  	[sflag:s26] =	ssyncadd.s32 $0xFFFFFB00  }
0x7a: {  	_ =	swait.ge [sflag:s26], $0x500  }
0x7b: {  	[sflag:s26] =	ssyncset.done $0x0  }
0x7c: {  	[sflag:s26] =	ssyncadd.s32 $0xFFFFFB00  }
0x7d: {  	_ =	swait.ge [sflag:s26], $0x500  }
0x7e: {  	[sflag:s26] =	ssyncset.done $0x0  }
0x7f: {  	[sflag:s26] =	ssyncadd.s32 $0xFFFFFB00  }
0x80: {  	_ =	swait.ge [sflag:s26], $0x500  }
0x81: {  	s20 =	sadd.s32 $0x1, s20;
	s23 =	rddreg [dreg:$0x12]  }
0x82: {  	p1 =	sne.s32 s20, s23  }
.Ltmp1:
0x83: {  	_ = 	snop;
	(pc) =	sbr.rel @!p1 .LBB2_9-.Ltmp1, $3  }
0x84: {  	_ =	sdelay $0x1  }
0x85: {  	[sflag:s26] =	ssyncset.done $0x0  }
0x86: {  	[sflag:s26] =	ssyncadd.s32 $0xFFFFFB00  }
.LBB2_1:
0x87: {  	s21 =	rddreg [dreg:$0x0]  }
0x88: {  	[tilespmem:s2], [sflag:$0x9] =	stream.linear.gather [hbm4b:s21+s2], $0x2800, $0x38;
	[tilespmem:$0x16280] =	vst v63  }
0x89: {  	_ =	swait.ge [sflag:s25], $0x2800  }
0x8a: {  	[sflag:s25] =	ssyncset.done $0x0  }
0x8b: {  	s21 =	simm.s32 $0x0;
	[sflag:s25] =	ssyncadd.s32 $0xFFFFD800  }
0x8c: {  	v3 =	vld [tilespmem:s21+$0x0]  }
0x8d: {  	v5 =	vld [tilespmem:s21+$0x10]  }
0x8e: {  	v4 =	vld [tilespmem:s21+$0x20]  }
0x8f: {  	v2 =	vld [tilespmem:s21+$0x30]  }
0x90: {  	v0 =	vld [tilespmem:s21+$0x40]  }
0x91: {  	v1 =	vld [tilespmem:s21+$0x50];
	v6 =	vmul.f32 $0.0e+00, v3  }
0x92: {  	s22 =	simm.s32 $0x200;
	v5 =	vmul.f32 $0.0e+00, v5;
	v3 =	vld [tilespmem:s21+$0x60]  }
.LBB2_2:
0x93: {  	s23 =	sshra.s32 s22, $0x2;
	p1 =	sne.s32 s22, $0x9E00;
	[tilespmem:s21+$0x0] =	vst v6;
	v4 =	vmul.f32 $0.0e+00, v4;
	v6 =	vld [tilespmem:s21+$0x70]  }
0x94: {  	v7 =	vld [tilespmem:s23+$0x0];
	[tilespmem:s21+$0x10] =	vst v5;
	v2 =	vmul.f32 $0.0e+00, v2  }
0x95: {  	v5 =	vld [tilespmem:s23+$0x10];
	[tilespmem:s21+$0x20] =	vst v4;
	v0 =	vmul.f32 $0.0e+00, v0  }
.Ltmp2:
0x96: {  	v4 =	vld [tilespmem:s23+$0x20];
	[tilespmem:s21+$0x30] =	vst v2;
	v1 =	vmul.f32 $0.0e+00, v1;
	(pc) =	sbr.rel @p1 .LBB2_2-.Ltmp2, $4  }
0x97: {  	v2 =	vld [tilespmem:s23+$0x30];
	[tilespmem:s21+$0x40] =	vst v0;
	v3 =	vmul.f32 $0.0e+00, v3  }
0x98: {  	v0 =	vld [tilespmem:s23+$0x40];
	[tilespmem:s21+$0x50] =	vst v1;
	v8 =	vmul.f32 $0.0e+00, v6  }
0x99: {  	v6 =	vmul.f32 $0.0e+00, v7;
	v1 =	vld [tilespmem:s23+$0x50];
	[tilespmem:s21+$0x60] =	vst v3  }
0x9a: {  	s22 =	sadd.s32 $0x200, s22;
	v5 =	vmul.f32 $0.0e+00, v5;
	v3 =	vld [tilespmem:s23+$0x60];
	[tilespmem:s21+$0x70] =	vst v8;
	s21 =	smov.u32 s23  }
0x9b: {  	[tilespmem:s21+$0x0] =	vst v6;
	v4 =	vmul.f32 $0.0e+00, v4;
	v6 =	vld [tilespmem:s21+$0x70]  }
0x9c: {  	[tilespmem:s21+$0x10] =	vst v5;
	v2 =	vmul.f32 $0.0e+00, v2  }
0x9d: {  	[tilespmem:s21+$0x20] =	vst v4;
	v0 =	vmul.f32 $0.0e+00, v0  }
0x9e: {  	[tilespmem:s21+$0x30] =	vst v2;
	v1 =	vmul.f32 $0.0e+00, v1  }
0x9f: {  	[tilespmem:s21+$0x40] =	vst v0;
	v0 =	vmul.f32 $0.0e+00, v3  }
0xa0: {  	[tilespmem:s21+$0x50] =	vst v1;
	v1 =	vmul.f32 $0.0e+00, v6  }
0xa1: {  	[tilespmem:s21+$0x60] =	vst v0  }
0xa2: {  	[tilespmem:s21+$0x70] =	vst v1;
	s21 =	simm.s32 @p0 $0x0  }
0xa3: {  	[spmem:s10] =	stream.linear.scatter @p0 [tilespmem:s21], [sflag:$0x1], $0x2800, $0x38;
	[tilespmem:$0x16280] =	vst v63  }
0xa4: {  	_ = 	snop  }
0xa5: {  	[spmem:s9] =	stream.linear.scatter @p0 [tilespmem:s21], [sflag:$0x1], $0x2800, $0x38;
	[tilespmem:$0x16280] =	vst v63  }
0xa6: {  	_ = 	snop  }
0xa7: {  	[spmem:s11] =	stream.linear.scatter @p0 [tilespmem:s21], [sflag:$0x1], $0x2800, $0x38;
	[tilespmem:$0x16280] =	vst v63  }
0xa8: {  	_ = 	snop  }
0xa9: {  	[spmem:s3] =	stream.linear.scatter @p0 [tilespmem:s21], [sflag:$0x1], $0x2800, $0x38;
	[tilespmem:$0x16280] =	vst v63  }
0xaa: {  	_ = 	snop  }
0xab: {  	[spmem:s19] =	stream.linear.scatter @p0 [tilespmem:s21], [sflag:$0x1], $0x2800, $0x38;
	[tilespmem:$0x16280] =	vst v63  }
0xac: {  	s21 =	simm.s32 @!p0 $0x0  }
0xad: {  	[spmem:s18] =	stream.linear.scatter @!p0 [tilespmem:s21], [sflag:$0x1], $0x2800, $0x38;
	[tilespmem:$0x16280] =	vst v63  }
0xae: {  	s22 =	rddreg [dreg:$0x1a]  }
0xaf: {  	[spmem:s22] =	stream.linear.scatter @!p0 [tilespmem:s21], [sflag:$0x1], $0x2800, $0x38;
	[tilespmem:$0x16280] =	vst v63  }
0xb0: {  	s22 =	rddreg [dreg:$0x1b]  }
0xb1: {  	[spmem:s22] =	stream.linear.scatter @!p0 [tilespmem:s21], [sflag:$0x1], $0x2800, $0x38;
	[tilespmem:$0x16280] =	vst v63  }
0xb2: {  	s22 =	rddreg [dreg:$0x1c]  }
0xb3: {  	[spmem:s22] =	stream.linear.scatter @!p0 [tilespmem:s21], [sflag:$0x1], $0x2800, $0x38;
	[tilespmem:$0x16280] =	vst v63  }
0xb4: {  	s22 =	rddreg [dreg:$0x1d]  }
0xb5: {  	[spmem:s22] =	stream.linear.scatter @!p0 [tilespmem:s21], [sflag:$0x1], $0x2800, $0x38;
	[tilespmem:$0x16280] =	vst v63  }
0xb6: {  	s22 =	rddreg [dreg:$0x1e]  }
0xb7: {  	[spmem:s22] =	stream.linear.scatter @!p0 [tilespmem:s21], [sflag:$0x1], $0x2800, $0x38;
	[tilespmem:$0x16280] =	vst v63  }
0xb8: {  	s22 =	rddreg [dreg:$0x1f]  }
0xb9: {  	[spmem:s22] =	stream.linear.scatter @!p0 [tilespmem:s21], [sflag:$0x1], $0x2800, $0x38;
	[tilespmem:$0x16280] =	vst v63  }
0xba: {  	s22 =	sld [smem:$0x7F8];
	_ =	sdelay $0x2  }
0xbb: {  	[spmem:s22] =	stream.linear.scatter @!p0 [tilespmem:s21], [sflag:$0x1], $0x2800, $0x38;
	[tilespmem:$0x16280] =	vst v63  }
0xbc: {  	s21 =	simm.s32 @!p0 $0x1  }
0xbd: {  	_ =	swait.ge @!p0 [sflag:s21], $0x2800  }
0xbe: {  	[sflag:s21] =	ssyncset.done @!p0 $0x0  }
0xbf: {  	[sflag:s21] =	ssyncadd.s32 @!p0 $0xFFFFD800  }
0xc0: {  	_ =	swait.ge @!p0 [sflag:s21], $0x2800  }
0xc1: {  	[sflag:s21] =	ssyncset.done @!p0 $0x0  }
0xc2: {  	[sflag:s21] =	ssyncadd.s32 @!p0 $0xFFFFD800  }
0xc3: {  	_ =	swait.ge @!p0 [sflag:s21], $0x2800  }
0xc4: {  	[sflag:s21] =	ssyncset.done @!p0 $0x0  }
0xc5: {  	[sflag:s21] =	ssyncadd.s32 @!p0 $0xFFFFD800  }
0xc6: {  	_ =	swait.ge [sflag:s26], $0x2800  }
0xc7: {  	[sflag:s26] =	ssyncset.done $0x0  }
0xc8: {  	[sflag:s26] =	ssyncadd.s32 $0xFFFFD800  }
0xc9: {  	_ =	swait.ge [sflag:s26], $0x2800  }
0xca: {  	[sflag:s26] =	ssyncset.done $0x0  }
0xcb: {  	[sflag:s26] =	ssyncadd.s32 $0xFFFFD800  }
0xcc: {  	_ =	swait.ge [sflag:s26], $0x2800  }
0xcd: {  	[sflag:s26] =	ssyncset.done $0x0  }
0xce: {  	[sflag:s26] =	ssyncadd.s32 $0xFFFFD800  }
0xcf: {  	_ =	swait.ge [sflag:s26], $0x2800  }
0xd0: {  	[sflag:s26] =	ssyncset.done $0x0  }
0xd1: {  	[sflag:s26] =	ssyncadd.s32 $0xFFFFD800  }
0xd2: {  	_ =	swait.ge [sflag:s26], $0x2800  }
0xd3: {  	[sflag:s26] =	ssyncset.done $0x0  }
0xd4: {  	s21 =	simm.s32 $0x0;
	[sflag:s26] =	ssyncadd.s32 $0xFFFFD800  }
0xd5: {  	v3 =	vld [tilespmem:s21+$0x0]  }
0xd6: {  	v5 =	vld [tilespmem:s21+$0x10]  }
0xd7: {  	v4 =	vld [tilespmem:s21+$0x20]  }
0xd8: {  	v2 =	vld [tilespmem:s21+$0x30]  }
0xd9: {  	v0 =	vld [tilespmem:s21+$0x40]  }
0xda: {  	v1 =	vld [tilespmem:s21+$0x50];
	v6 =	vadd.f32 $1.000000000e+00, v3  }
0xdb: {  	s22 =	simm.s32 $0x200;
	v5 =	vadd.f32 $1.000000000e+00, v5;
	v3 =	vld [tilespmem:s21+$0x60]  }
.LBB2_4:
0xdc: {  	s23 =	sshra.s32 s22, $0x2;
	p1 =	sne.s32 s22, $0x9E00;
	[tilespmem:s21+$0x0] =	vst v6;
	v4 =	vadd.f32 $1.000000000e+00, v4;
	v6 =	vld [tilespmem:s21+$0x70]  }
0xdd: {  	v7 =	vld [tilespmem:s23+$0x0];
	[tilespmem:s21+$0x10] =	vst v5;
	v2 =	vadd.f32 $1.000000000e+00, v2  }
0xde: {  	v5 =	vld [tilespmem:s23+$0x10];
	[tilespmem:s21+$0x20] =	vst v4;
	v0 =	vadd.f32 $1.000000000e+00, v0  }
.Ltmp3:
0xdf: {  	v4 =	vld [tilespmem:s23+$0x20];
	[tilespmem:s21+$0x30] =	vst v2;
	v1 =	vadd.f32 $1.000000000e+00, v1;
	(pc) =	sbr.rel @p1 .LBB2_4-.Ltmp3, $4  }
0xe0: {  	v2 =	vld [tilespmem:s23+$0x30];
	[tilespmem:s21+$0x40] =	vst v0;
	v3 =	vadd.f32 $1.000000000e+00, v3  }
0xe1: {  	v0 =	vld [tilespmem:s23+$0x40];
	[tilespmem:s21+$0x50] =	vst v1;
	v8 =	vadd.f32 $1.000000000e+00, v6  }
0xe2: {  	v6 =	vadd.f32 $1.000000000e+00, v7;
	v1 =	vld [tilespmem:s23+$0x50];
	[tilespmem:s21+$0x60] =	vst v3  }
0xe3: {  	s22 =	sadd.s32 $0x200, s22;
	v5 =	vadd.f32 $1.000000000e+00, v5;
	v3 =	vld [tilespmem:s23+$0x60];
	[tilespmem:s21+$0x70] =	vst v8;
	s21 =	smov.u32 s23  }
0xe4: {  	[tilespmem:s21+$0x0] =	vst v6;
	v4 =	vadd.f32 $1.000000000e+00, v4;
	v61 =	vld [tilespmem:s21+$0x70]  }
0xe5: {  	[tilespmem:s21+$0x10] =	vst v5;
	v2 =	vadd.f32 $1.000000000e+00, v2  }
0xe6: {  	[tilespmem:s21+$0x20] =	vst v4;
	v0 =	vadd.f32 $1.000000000e+00, v0  }
0xe7: {  	[tilespmem:s21+$0x30] =	vst v2;
	v1 =	vadd.f32 $1.000000000e+00, v1  }
0xe8: {  	[tilespmem:s21+$0x40] =	vst v0;
	v62 =	vadd.f32 $1.000000000e+00, v3  }
0xe9: {  	[tilespmem:s21+$0x50] =	vst v1;
	v63 =	vadd.f32 $1.000000000e+00, v61  }
0xea: {  	[tilespmem:s21+$0x60] =	vst v62  }
0xeb: {  	[tilespmem:s21+$0x70] =	vst v63  }
0xec: {  	[bflag:$0x0] =	sbarrier.arrive $0xFFFF  }
0xed: {  	s21 =	simm.s32 $0x0;
	s22 =	sld [smem:$0x7F9]  }
0xee: {  	[tilespmem:s28], [sflag:$0x1] =	stream.linear.gather [hbm4b:s24+s21], $0x50, $0x38;
	[tilespmem:$0x16280] =	vst v63  }
0xef: {  	_ = 	snop  }
0xf0: {  	[tilespmem:s29], [sflag:$0x2] =	stream.linear.gather [hbm4b:s22+s21], $0x50, $0x38;
	[tilespmem:$0x16280] =	vst v63  }
0xf1: {  	_ =	swait.ge [sflag:s26], $0x50  }
0xf2: {  	[sflag:s26] =	ssyncset.done $0x0  }
0xf3: {  	s23 =	sld [smem:$0x7FA];
	[sflag:s26] =	ssyncadd.s32 $0xFFFFFFB0  }
0xf4: {  	[spmem:s15] =	stream.indirect.scatter.add.f32 [tilespmem:s21], [sflag:$0x5], $0x80, s28, s30, $0xb8;
	[tilespmem:$0x16280] =	vst v63  }
0xf5: {  	_ = 	snop  }
0xf6: {  	[tilespmem:s31], [sflag:$0x3] =	stream.linear.gather [hbm4b:s23+s21], $0x50, $0x38;
	[tilespmem:$0x16280] =	vst v63  }
0xf7: {  	_ =	swait.ge [sflag:s14], $0x50  }
0xf8: {  	[sflag:s14] =	ssyncset.done $0x0  }
0xf9: {  	s23 =	sld [smem:$0x7FB];
	[sflag:s14] =	ssyncadd.s32 $0xFFFFFFB0  }
0xfa: {  	[spmem:s15] =	stream.indirect.scatter.add.f32 [tilespmem:s21], [sflag:$0x6], $0x80, s29, s30, $0xb8;
	[tilespmem:$0x16280] =	vst v63  }
0xfb: {  	_ = 	snop  }
0xfc: {  	[tilespmem:s1], [sflag:$0x4] =	stream.linear.gather [hbm4b:s23+s21], $0x50, $0x38;
	[tilespmem:$0x16280] =	vst v63  }
0xfd: {  	_ =	swait.ge [sflag:s0], $0x50  }
0xfe: {  	[sflag:s0] =	ssyncset.done $0x0  }
0xff: {  	[sflag:s0] =	ssyncadd.s32 $0xFFFFFFB0  }
0x100: {  	[spmem:s15] =	stream.indirect.scatter.add.f32 [tilespmem:s21], [sflag:$0x7], $0x80, s31, s30, $0xb8;
	[tilespmem:$0x16280] =	vst v63  }
0x101: {  	_ =	swait.ge [sflag:s4], $0x2800  }
0x102: {  	s23 =	sld [smem:$0x7FC]  }
0x103: {  	[sflag:s4] =	ssyncset.done $0x0  }
0x104: {  	[sflag:s4] =	ssyncadd.s32 $0xFFFFD800  }
0x105: {  	[tilespmem:s28], [sflag:$0x1] =	stream.linear.gather [hbm4b:s23+s21], $0x50, $0x38;
	[tilespmem:$0x16280] =	vst v63  }
0x106: {  	_ =	swait.ge [sflag:s5], $0x50  }
0x107: {  	[sflag:s5] =	ssyncset.done $0x0  }
0x108: {  	[sflag:s5] =	ssyncadd.s32 $0xFFFFFFB0  }
0x109: {  	[spmem:s15] =	stream.indirect.scatter.add.f32 [tilespmem:s21], [sflag:$0x8], $0x80, s1, s30, $0xb8;
	[tilespmem:$0x16280] =	vst v63  }
0x10a: {  	_ =	swait.ge [sflag:s6], $0x2800  }
0x10b: {  	s23 =	sld [smem:$0x7FD]  }
0x10c: {  	[sflag:s6] =	ssyncset.done $0x0  }
0x10d: {  	[sflag:s6] =	ssyncadd.s32 $0xFFFFD800  }
0x10e: {  	[tilespmem:s29], [sflag:$0x2] =	stream.linear.gather [hbm4b:s23+s21], $0x50, $0x38;
	[tilespmem:$0x16280] =	vst v63  }
.LBB2_6:
0x10f: {  	_ =	swait.ge [sflag:s26], $0x50  }
0x110: {  	[sflag:s26] =	ssyncset.done $0x0  }
0x111: {  	[sflag:s26] =	ssyncadd.s32 $0xFFFFFFB0  }
0x112: {  	[spmem:s15] =	stream.indirect.scatter.add.f32 [tilespmem:s2], [sflag:$0x5], $0x80, s28, s30, $0xb8;
	[tilespmem:$0x16280] =	vst v63  }
0x113: {  	_ =	swait.ge [sflag:s7], $0x2800  }
0x114: {  	[sflag:s7] =	ssyncset.done $0x0  }
0x115: {  	s22 =	sadd.s32 s21, s17;
	[sflag:s7] =	ssyncadd.s32 $0xFFFFD800  }
0x116: {  	[tilespmem:s31], [sflag:$0x3] =	stream.linear.gather [hbm4b:s22+s2], $0x50, $0x38;
	[tilespmem:$0x16280] =	vst v63  }
0x117: {  	_ =	swait.ge [sflag:s14], $0x50  }
0x118: {  	[sflag:s14] =	ssyncset.done $0x0  }
0x119: {  	[sflag:s14] =	ssyncadd.s32 $0xFFFFFFB0  }
0x11a: {  	[spmem:s15] =	stream.indirect.scatter.add.f32 [tilespmem:s2], [sflag:$0x6], $0x80, s29, s30, $0xb8;
	[tilespmem:$0x16280] =	vst v63  }
0x11b: {  	_ =	swait.ge [sflag:s8], $0x2800  }
0x11c: {  	[sflag:s8] =	ssyncset.done $0x0  }
0x11d: {  	s23 =	sadd.s32 s21, s16;
	[sflag:s8] =	ssyncadd.s32 $0xFFFFD800  }
0x11e: {  	[tilespmem:s1], [sflag:$0x4] =	stream.linear.gather [hbm4b:s23+s2], $0x50, $0x38;
	[tilespmem:$0x16280] =	vst v63  }
0x11f: {  	_ =	swait.ge [sflag:s0], $0x50  }
0x120: {  	[sflag:s0] =	ssyncset.done $0x0  }
0x121: {  	[sflag:s0] =	ssyncadd.s32 $0xFFFFFFB0  }
0x122: {  	[spmem:s15] =	stream.indirect.scatter.add.f32 [tilespmem:s2], [sflag:$0x7], $0x80, s31, s30, $0xb8;
	[tilespmem:$0x16280] =	vst v63  }
0x123: {  	_ =	swait.ge [sflag:s4], $0x2800  }
0x124: {  	[sflag:s4] =	ssyncset.done $0x0  }
0x125: {  	s23 =	sadd.s32 s21, s12;
	[sflag:s4] =	ssyncadd.s32 $0xFFFFD800  }
0x126: {  	[tilespmem:s28], [sflag:$0x1] =	stream.linear.gather [hbm4b:s23+s2], $0x50, $0x38;
	[tilespmem:$0x16280] =	vst v63  }
0x127: {  	_ =	swait.ge [sflag:s5], $0x50  }
0x128: {  	p1 =	seq.s32 s21, $0x488;
	[sflag:s5] =	ssyncset.done $0x0  }
.Ltmp4:
0x129: {  	[sflag:s5] =	ssyncadd.s32 $0xFFFFFFB0;
	(pc) =	sbr.rel @p1 .LBB2_8-.Ltmp4, $4  }
0x12a: {  	[spmem:s15] =	stream.indirect.scatter.add.f32 [tilespmem:s2], [sflag:$0x8], $0x80, s1, s30, $0xb8;
	[tilespmem:$0x16280] =	vst v63  }
0x12b: {  	_ =	swait.ge [sflag:s6], $0x2800  }
0x12c: {  	[sflag:s6] =	ssyncset.done $0x0  }
0x12d: {  	[sflag:s6] =	ssyncadd.s32 $0xFFFFD800  }
.Ltmp5:
0x12e: {  	(pc) =	sbr.rel .LBB2_6-.Ltmp5, $3  }
0x12f: {  	_ =	sdelay $0x1  }
0x130: {  	s22 =	sadd.s32 s21, s13;
	s21 =	sadd.s32 $0x28, s21  }
0x131: {  	[tilespmem:s29], [sflag:$0x2] =	stream.linear.gather [hbm4b:s22+s2], $0x50, $0x38;
	[tilespmem:$0x16280] =	vst v63  }
.LBB2_9:
0x132: {  	_ =	sfence.sel $0x180000  }
0x133: {  	[bflag:$0x0] =	sbarrier.arrive $0xFFFF  }
0x134: {  	_ =	strace $0x9000004A  }
0x135: {  	s0 =	stileid.u32;
	[bflag:$0x2] =	sbarrier.arrive $0xFFFF  }
0x136: {  	p0 =	sne.s32 s0, $0x0;
	s0 =	rddreg [dreg:$0x4]  }
0x137: {  	s0 =	sadd.s32 @!p0 $0x100000, s0  }
0x138: {  	[sflag:s0] =	ssyncadd.tile.s32 @!p0 $0x1;
	_ =	shalt  }
.Lfunc_end2:
_tile_overlayer_lowered:
.L_overlay_start_2:
0x139: {  	(tag) =	ssettag $0x2  }
0x13a: {  	s0 =	rddreg [dreg:$0x0];
	s2 =	stileid.u32  }
0x13b: {  	s1 =	rddreg [dreg:$0x1];
	p0 =	sne.s32 s2, $0x0  }
0x13c: {  	s3 =	rddreg [dreg:$0x2];
	[bflag:$0x3] =	sbarrier.arrive $0xFFFF;
	s2 =	simm.s32 @!p0 $0x1C09  }
0x13d: {  	[timem:s3], [sflag:s2] =	dma.local @!p0 [hbm:s0], s1  }
0x13e: {  	s0 =	simm.s32 @!p0 $0x9  }
0x13f: {  	_ =	swait.ge @!p0 [sflag:s0], s1  }
0x140: {  	s1 =	ssub.s32 @!p0 $0x0, s1;
	[sflag:s0] =	ssyncset.done @!p0 $0x0  }
0x141: {  	[sflag:s0] =	ssyncadd.s32 @!p0 s1  }
0x142: {  	[bflag:$0x3] =	sbarrier.arrive $0xFFFF  }
0x143: {  	_ =	shalt  }

</sc_bundles>
